<compile_context>
chip_gen: v7x
topology: tpu7x:2x2x1
jax: 0.10.2.dev20260603
libtpu: 0.0.44.dev20260713+nightly
codegen_flags: <defaults>
</compile_context>

<pallas_src>
import functools

import jax
import jax.numpy as jnp
from jax import lax
from jax.experimental import pallas as pl
from jax.experimental.pallas import tpu as pltpu
from jax.experimental.pallas import tpu_sc as plsc

N = 10000
E = 320000
NP = 10240
RPS = NP // 16
NC = 2
NS = 16
W = NC * NS
EPW = E // W
B = 125
NB = EPW // B

_MESH = plsc.VectorSubcoreMesh(
    core_axis_name="c", subcore_axis_name="s", num_cores=NC, num_subcores=NS
)
_SC_PARAMS = pltpu.CompilerParams(use_tc_tiling_on_sc=False)


def _worker_id():
    c = lax.axis_index("c")
    s = lax.axis_index("s")
    return c * NS + s, c, s


def _zero_rows(zbuf, nrows, f):
    def body(i, _):
        for h in range(f // 16):
            zbuf[i, pl.ds(h * 16, 16)] = jnp.zeros((16,), jnp.float32)
        return 0

    lax.fori_loop(0, nrows, body, 0)


def _zero_flat(zbuf, nelem):
    def body(i, _):
        zbuf[pl.ds(i * 16, 16)] = jnp.zeros((16,), jnp.float32)
        return 0

    lax.fori_loop(0, nelem // 16, body, 0)


@functools.partial(
    pl.kernel,
    out_type=jax.ShapeDtypeStruct((NC, NP), jnp.float32),
    mesh=_MESH,
    scratch_types=[
        pltpu.VMEM((NB, B), jnp.int32),
        pltpu.VMEM((128,), jnp.float32),
        pltpu.VMEM((RPS,), jnp.float32),
        pltpu.VMEM_SHARED((NP,), jnp.float32),
        pltpu.SemaphoreType.DMA,
    ],
    compiler_params=_SC_PARAMS,
)
def _sc_degree(dst_hbm, out_hbm, dst_v, ones_v, zbuf, hist_sh, sem):
    wid, c, s = _worker_id()
    _zero_flat(zbuf, RPS)

    def setone(i, _):
        ones_v[pl.ds(i * 16, 16)] = jnp.ones((16,), jnp.float32)
        return 0

    lax.fori_loop(0, (B // 16) + 1, setone, 0)
    pltpu.sync_copy(zbuf, hist_sh.at[pl.ds(s * RPS, RPS)])
    pltpu.sync_copy(dst_hbm.at[wid], dst_v)
    plsc.subcore_barrier()

    def fire(j, _):
        pltpu.async_copy(ones_v.at[pl.ds(0, B)], hist_sh.at[dst_v.at[j]],
                         sem, add=True)
        return 0

    lax.fori_loop(0, NB, fire, 0)

    def drain(j, _):
        pltpu.make_async_copy(ones_v.at[pl.ds(0, B)], hist_sh.at[dst_v.at[0]],
                              sem).wait()
        return 0

    lax.fori_loop(0, NB, drain, 0)

    plsc.subcore_barrier()
    pltpu.sync_copy(hist_sh.at[pl.ds(s * RPS, RPS)],
                    out_hbm.at[c, pl.ds(s * RPS, RPS)])


def _make_sc_aggregate(f, chunk):
    nchunks = NB // chunk
    assert NB % chunk == 0

    @functools.partial(
        pl.kernel,
        out_type=jax.ShapeDtypeStruct((NC, NP, f), jnp.float32),
        mesh=_MESH,
        scratch_types=[
            pltpu.VMEM((NB, B), jnp.int32),
            pltpu.VMEM((NB, B), jnp.int32),
            pltpu.VMEM((2, chunk, B, f), jnp.float32),
            pltpu.VMEM((RPS // 8, f), jnp.float32),
            pltpu.VMEM_SHARED((NP, f), jnp.float32),
            pltpu.SemaphoreType.DMA,
            pltpu.SemaphoreType.DMA,
        ],
        compiler_params=_SC_PARAMS,
    )
    def agg(table_hbm, src_hbm, dst_hbm, out_hbm,
            src_v, dst_v, rows_v, zbuf, acc_sh, gsem, ssem):
        wid, c, s = _worker_id()
        _zero_rows(zbuf, RPS // 8, f)
        for z in range(8):
            pltpu.sync_copy(
                zbuf, acc_sh.at[pl.ds(s * RPS + z * (RPS // 8), RPS // 8)])
        pltpu.sync_copy(src_hbm.at[wid], src_v)
        pltpu.sync_copy(dst_hbm.at[wid], dst_v)
        plsc.subcore_barrier()

        def gfire(t, buf):
            def body(j, _):
                pltpu.async_copy(table_hbm.at[src_v.at[t * chunk + j]],
                                 rows_v.at[buf, j], gsem)
                return 0

            lax.fori_loop(0, chunk, body, 0)

        def gdrain():
            def body(j, _):
                pltpu.make_async_copy(table_hbm.at[src_v.at[0]],
                                      rows_v.at[0, 0], gsem).wait()
                return 0

            lax.fori_loop(0, chunk, body, 0)

        def sfire(t, buf):
            def body(j, _):
                pltpu.async_copy(rows_v.at[buf, j],
                                 acc_sh.at[dst_v.at[t * chunk + j]],
                                 ssem, add=True)
                return 0

            lax.fori_loop(0, chunk, body, 0)

        def sdrain():
            def body(j, _):
                pltpu.make_async_copy(rows_v.at[0, 0],
                                      acc_sh.at[dst_v.at[0]], ssem).wait()
                return 0

            lax.fori_loop(0, chunk, body, 0)

        gfire(0, 0)
        for t in range(nchunks):
            gdrain()
            if t + 1 < nchunks:
                gfire(t + 1, (t + 1) % 2)
            sfire(t, t % 2)
            sdrain()

        plsc.subcore_barrier()
        pltpu.sync_copy(acc_sh.at[pl.ds(s * RPS, RPS)],
                        out_hbm.at[c, pl.ds(s * RPS, RPS)])

    return agg


_sc_aggregate16 = _make_sc_aggregate(16, 20)
_sc_aggregate32 = _make_sc_aggregate(32, 10)


def _tc_matmul1(x, w1):
    def body(x_ref, w_ref, o_ref):
        o_ref[...] = jnp.dot(x_ref[...], w_ref[...],
                             preferred_element_type=jnp.float32)

    return pl.pallas_call(
        body,
        out_shape=jax.ShapeDtypeStruct((N, 16), jnp.float32),
    )(x, w1)


def _tc_scale(cnt, xw):
    def body(cnt_ref, xw_ref, d_ref, u_ref):
        deg = cnt_ref[0, :N] + cnt_ref[1, :N] + 1.0
        d = lax.rsqrt(deg)[:, None]
        d_ref[...] = d
        u_ref[...] = d * xw_ref[...]

    return pl.pallas_call(
        body,
        out_shape=[
            jax.ShapeDtypeStruct((N, 1), jnp.float32),
            jax.ShapeDtypeStruct((N, 16), jnp.float32),
        ],
    )(cnt, xw)


def _tc_layer2(acc1, u, d, b1, wcat):
    def body(a_ref, u_ref, d_ref, b_ref, w_ref, v_ref):
        d = d_ref[...]
        t = d * (a_ref[0, :N] + a_ref[1, :N] + u_ref[...]) + b_ref[...]
        h = jnp.maximum(t, 0.0)
        v_ref[...] = d * jnp.dot(h, w_ref[...],
                                 preferred_element_type=jnp.float32)

    return pl.pallas_call(
        body,
        out_shape=jax.ShapeDtypeStruct((N, 32), jnp.float32),
    )(acc1, u, d, b1, wcat)


def _tc_final(acc2, v, d, bmu, bls):
    def body(a_ref, v_ref, d_ref, bmu_ref, bls_ref, mu_ref, ls_ref):
        o = d_ref[...] * (a_ref[0, :N] + a_ref[1, :N] + v_ref[...])
        mu_ref[...] = o[:, :16] + bmu_ref[...]
        ls_ref[...] = o[:, 16:] + bls_ref[...]

    return pl.pallas_call(
        body,
        out_shape=[
            jax.ShapeDtypeStruct((N, 16), jnp.float32),
            jax.ShapeDtypeStruct((N, 16), jnp.float32),
        ],
    )(acc2, v, d, bmu, bls)


@jax.jit
def kernel(x, edge_index, W1, b1, W_mu, b_mu, W_ls, b_ls):
    src = edge_index[0].astype(jnp.int32).reshape(W, NB, B)
    dst = edge_index[1].astype(jnp.int32).reshape(W, NB, B)

    cnt = _sc_degree(dst)
    xw = _tc_matmul1(x, W1)
    d, u = _tc_scale(cnt, xw)

    acc1 = _sc_aggregate16(u, src, dst)
    wcat = jnp.concatenate([W_mu, W_ls], axis=1)
    v = _tc_layer2(acc1, u, d, b1.reshape(1, 16), wcat)

    acc2 = _sc_aggregate32(v, src, dst)
    return _tc_final(acc2, v, d, b_mu.reshape(1, 16), b_ls.reshape(1, 16))

# --- scband reference (transcript-rebuilt; emitter-appended) ---
"""Pipeline reference for scband-encoder-44736379355603 (READ-ONLY COPY).

The authoritative reference and input builder live on the scoring server;
editing this copy changes nothing except your own understanding.
"""

import jax, jax.numpy as jnp
import numpy as np

N = 10000
E = 320000
IN_C = 128
HID = 16
OUT = 16


def glorot(key, shape):
    lim = float(np.sqrt(6.0 / (shape[0] + shape[1])))
    return jax.random.uniform(key, shape, dtype=jnp.float32, minval=-lim, maxval=lim)


def setup_inputs(seed: int = 0) -> dict:
    key = jax.random.key(seed)
    ks = jax.random.split(key, 8)
    x = jax.random.normal(ks[0], (N, IN_C), dtype=jnp.float32)
    edge_index = jax.random.randint(ks[1], (2, E), 0, N)
    W1 = glorot(ks[2], (IN_C, HID))
    b1 = jnp.zeros((HID,), dtype=jnp.float32)
    W_mu = glorot(ks[3], (HID, OUT))
    b_mu = jnp.zeros((OUT,), dtype=jnp.float32)
    W_ls = glorot(ks[4], (HID, OUT))
    b_ls = jnp.zeros((OUT,), dtype=jnp.float32)
    return {"x": x, "edge_index": edge_index, "W1": W1, "b1": b1,
            "W_mu": W_mu, "b_mu": b_mu, "W_ls": W_ls, "b_ls": b_ls}


def gcn_conv(x, edge_index, W, b):
    # Faithful PyG GCNConv: add self-loops, symmetric normalization, scatter-add aggregation.
    n = x.shape[0]
    src = edge_index[0]
    dst = edge_index[1]
    loop = jnp.arange(n, dtype=src.dtype)
    src = jnp.concatenate([src, loop])
    dst = jnp.concatenate([dst, loop])
    xw = x @ W
    ones = jnp.ones(src.shape[0], dtype=x.dtype)
    deg = jnp.zeros((n,), dtype=x.dtype).at[dst].add(ones)
    deg_inv_sqrt = jnp.where(deg > 0, jax.lax.rsqrt(deg), 0.0)
    norm = deg_inv_sqrt[src] * deg_inv_sqrt[dst]
    msg = norm[:, None] * xw[src]
    out = jnp.zeros((n, W.shape[1]), dtype=x.dtype).at[dst].add(msg)
    return out + b


def reference(x, edge_index, W1, b1, W_mu, b_mu, W_ls, b_ls):
    # Encoder.forward (eval mode: dropout is identity)
    h = jax.nn.relu(gcn_conv(x, edge_index, W1, b1))
    mu = gcn_conv(h, edge_index, W_mu, b_mu)
    logstd = gcn_conv(h, edge_index, W_ls, b_ls)
    return (mu, logstd)

if __name__ == "__main__":
    import jax
    _d = setup_inputs()
    print(jax.jit(kernel)(*tuple(_d.values())))

</pallas_src>

<mosaic_0001>
#map = affine_map<(d0, d1) -> (0, 0)>
#map1 = affine_map<(d0, d1) -> (0, 0, 0)>
module attributes {stable_mosaic.version = 14 : i64} {
  func.func @agg(%arg0: i32, %arg1: i32, %arg2: memref<10000x16xf32, #tpu.memory_space<hbm>>, %arg3: memref<32x80x125xi32, #tpu.memory_space<hbm>>, %arg4: memref<32x80x125xi32, #tpu.memory_space<hbm>>, %arg5: memref<2x10240x16xf32, #tpu.memory_space<hbm>>, %arg6: memref<80x125xi32, #tpu.memory_space<vmem>>, %arg7: memref<80x125xi32, #tpu.memory_space<vmem>>, %arg8: memref<2x20x125x16xf32, #tpu.memory_space<vmem>>, %arg9: memref<80x16xf32, #tpu.memory_space<vmem>>, %arg10: memref<10240x16xf32, #tpu.memory_space<vmem_shared>>, %arg11: memref<!tpu.dma_semaphore, #tpu.memory_space<semaphore_mem>>, %arg12: memref<!tpu.dma_semaphore, #tpu.memory_space<semaphore_mem>>) attributes {dimension_semantics = [#tpu.dimension_semantics<core_parallel>, #tpu.dimension_semantics<subcore_parallel>], iteration_bounds = array<i64: 2, 16>, scalar_prefetch = 0 : i64, scratch_operands = 7 : i64, tpu.core_type = #tpu.core_type<sc_vector_subcore>, window_params = [{transform_indices = #map}, {transform_indices = #map1}, {transform_indices = #map1}, {transform_indices = #map1}]} {
    %mul3A = arith.constant 16 : i32
    %mul3A_0 = arith.muli %arg0, %mul3A : i32
    %add3A = arith.addi %mul3A_0, %arg1 : i32
    %scan3A = arith.constant 0 : i32
    %scan3A_1 = arith.constant 0 : i32
    %scan3A_2 = arith.constant 80 : i32
    %scan3A_3 = arith.addi %scan3A_1, %scan3A_2 : i32
    %scan3A_4 = arith.constant 1 : i32
    %scan3A_5 = scf.for %scan3A_156 = %scan3A_1 to %scan3A_3 step %scan3A_4 iter_args(%scan3A_157 = %scan3A) -> (i32)  : i32 {
      %broadcast_in_dim3A = arith.constant 0.000000e+00 : f32
      %broadcast_in_dim3A_158 = vector.broadcast %broadcast_in_dim3A : f32 to vector<16xf32>
      %swap3A = arith.index_cast %scan3A_156 : i32 to index
      %swap3A_159 = arith.constant 0 : index
      %swap3A_160 = tpu.vector_load %arg9[%swap3A, %swap3A_159] {strides = array<i32>} : memref<80x16xf32, #tpu.memory_space<vmem>>, vector<1x16xf32>,
      %swap3A_161 = vector.shape_cast %swap3A_160 : vector<1x16xf32> to vector<16xf32>
      %swap3A_162 = vector.shape_cast %broadcast_in_dim3A_158 : vector<16xf32> to vector<1x16xf32>
      tpu.vector_store %arg9[%swap3A, %swap3A_159], %swap3A_162 {strides = array<i32>} : memref<80x16xf32, #tpu.memory_space<vmem>>, vector<1x16xf32>,
      %scan3A_163 = arith.constant 0 : i32
      scf.yield %scan3A_163 : i32
    }
    %scan3A_6 = arith.constant 80 : i32
    %mul3A_7 = arith.constant 640 : i32
    %mul3A_8 = arith.muli %arg1, %mul3A_7 : i32
    %add3A_9 = arith.constant 0 : i32
    %add3A_10 = arith.addi %mul3A_8, %add3A_9 : i32
    "tpu.region"() ({
      %run_scoped3A = tpu.sem_alloc : memref<!tpu.dma_semaphore, #tpu.memory_space<semaphore_mem>>
      %dma_start3A = arith.constant 0 : i32
      %dma_start3A_156 = tpu.memref_slice %arg10[%add3A_10, %dma_start3A] : memref<10240x16xf32, #tpu.memory_space<vmem_shared>> -> memref<80x16xf32, #tpu.memory_space<vmem_shared>>
      %dma_start3A_157 = arith.constant 0 : i32
      %dma_start3A_158 = tpu.memref_slice %arg10[%add3A_10, %dma_start3A_157] : memref<10240x16xf32, #tpu.memory_space<vmem_shared>> -> memref<80x16xf32, #tpu.memory_space<vmem_shared>>
      tpu.enqueue_dma source(%arg9 : memref<80x16xf32, #tpu.memory_space<vmem>>) target(%dma_start3A_158 : memref<80x16xf32, #tpu.memory_space<vmem_shared>>) target_semaphore(%run_scoped3A : memref<!tpu.dma_semaphore, #tpu.memory_space<semaphore_mem>>)
      %dma_wait3A = arith.constant 0 : i32
      %dma_wait3A_159 = tpu.memref_slice %arg10[%add3A_10, %dma_wait3A] : memref<10240x16xf32, #tpu.memory_space<vmem_shared>> -> memref<80x16xf32, #tpu.memory_space<vmem_shared>>
      %dma_wait3A_160 = arith.constant 0 : i32
      %dma_wait3A_161 = tpu.memref_slice %arg10[%add3A_10, %dma_wait3A_160] : memref<10240x16xf32, #tpu.memory_space<vmem_shared>> -> memref<80x16xf32, #tpu.memory_space<vmem_shared>>
      tpu.wait_dma2 semaphore(%run_scoped3A : memref<!tpu.dma_semaphore, #tpu.memory_space<semaphore_mem>>) src(%arg9 : memref<80x16xf32, #tpu.memory_space<vmem>>) dst(%dma_wait3A_161 : memref<80x16xf32, #tpu.memory_space<vmem_shared>>)
      tpu.yield
    }) : () -> ()
    %mul3A_11 = arith.constant 640 : i32
    %mul3A_12 = arith.muli %arg1, %mul3A_11 : i32
    %add3A_13 = arith.constant 80 : i32
    %add3A_14 = arith.addi %mul3A_12, %add3A_13 : i32
    "tpu.region"() ({
      %run_scoped3A = tpu.sem_alloc : memref<!tpu.dma_semaphore, #tpu.memory_space<semaphore_mem>>
      %dma_start3A = arith.constant 0 : i32
      %dma_start3A_156 = tpu.memref_slice %arg10[%add3A_14, %dma_start3A] : memref<10240x16xf32, #tpu.memory_space<vmem_shared>> -> memref<80x16xf32, #tpu.memory_space<vmem_shared>>
      %dma_start3A_157 = arith.constant 0 : i32
      %dma_start3A_158 = tpu.memref_slice %arg10[%add3A_14, %dma_start3A_157] : memref<10240x16xf32, #tpu.memory_space<vmem_shared>> -> memref<80x16xf32, #tpu.memory_space<vmem_shared>>
      tpu.enqueue_dma source(%arg9 : memref<80x16xf32, #tpu.memory_space<vmem>>) target(%dma_start3A_158 : memref<80x16xf32, #tpu.memory_space<vmem_shared>>) target_semaphore(%run_scoped3A : memref<!tpu.dma_semaphore, #tpu.memory_space<semaphore_mem>>)
      %dma_wait3A = arith.constant 0 : i32
      %dma_wait3A_159 = tpu.memref_slice %arg10[%add3A_14, %dma_wait3A] : memref<10240x16xf32, #tpu.memory_space<vmem_shared>> -> memref<80x16xf32, #tpu.memory_space<vmem_shared>>
      %dma_wait3A_160 = arith.constant 0 : i32
      %dma_wait3A_161 = tpu.memref_slice %arg10[%add3A_14, %dma_wait3A_160] : memref<10240x16xf32, #tpu.memory_space<vmem_shared>> -> memref<80x16xf32, #tpu.memory_space<vmem_shared>>
      tpu.wait_dma2 semaphore(%run_scoped3A : memref<!tpu.dma_semaphore, #tpu.memory_space<semaphore_mem>>) src(%arg9 : memref<80x16xf32, #tpu.memory_space<vmem>>) dst(%dma_wait3A_161 : memref<80x16xf32, #tpu.memory_space<vmem_shared>>)
      tpu.yield
    }) : () -> ()
    %mul3A_15 = arith.constant 640 : i32
    %mul3A_16 = arith.muli %arg1, %mul3A_15 : i32
    %add3A_17 = arith.constant 160 : i32
    %add3A_18 = arith.addi %mul3A_16, %add3A_17 : i32
    "tpu.region"() ({
      %run_scoped3A = tpu.sem_alloc : memref<!tpu.dma_semaphore, #tpu.memory_space<semaphore_mem>>
      %dma_start3A = arith.constant 0 : i32
      %dma_start3A_156 = tpu.memref_slice %arg10[%add3A_18, %dma_start3A] : memref<10240x16xf32, #tpu.memory_space<vmem_shared>> -> memref<80x16xf32, #tpu.memory_space<vmem_shared>>
      %dma_start3A_157 = arith.constant 0 : i32
      %dma_start3A_158 = tpu.memref_slice %arg10[%add3A_18, %dma_start3A_157] : memref<10240x16xf32, #tpu.memory_space<vmem_shared>> -> memref<80x16xf32, #tpu.memory_space<vmem_shared>>
      tpu.enqueue_dma source(%arg9 : memref<80x16xf32, #tpu.memory_space<vmem>>) target(%dma_start3A_158 : memref<80x16xf32, #tpu.memory_space<vmem_shared>>) target_semaphore(%run_scoped3A : memref<!tpu.dma_semaphore, #tpu.memory_space<semaphore_mem>>)
      %dma_wait3A = arith.constant 0 : i32
      %dma_wait3A_159 = tpu.memref_slice %arg10[%add3A_18, %dma_wait3A] : memref<10240x16xf32, #tpu.memory_space<vmem_shared>> -> memref<80x16xf32, #tpu.memory_space<vmem_shared>>
      %dma_wait3A_160 = arith.constant 0 : i32
      %dma_wait3A_161 = tpu.memref_slice %arg10[%add3A_18, %dma_wait3A_160] : memref<10240x16xf32, #tpu.memory_space<vmem_shared>> -> memref<80x16xf32, #tpu.memory_space<vmem_shared>>
      tpu.wait_dma2 semaphore(%run_scoped3A : memref<!tpu.dma_semaphore, #tpu.memory_space<semaphore_mem>>) src(%arg9 : memref<80x16xf32, #tpu.memory_space<vmem>>) dst(%dma_wait3A_161 : memref<80x16xf32, #tpu.memory_space<vmem_shared>>)
      tpu.yield
    }) : () -> ()
    %mul3A_19 = arith.constant 640 : i32
    %mul3A_20 = arith.muli %arg1, %mul3A_19 : i32
    %add3A_21 = arith.constant 240 : i32
    %add3A_22 = arith.addi %mul3A_20, %add3A_21 : i32
    "tpu.region"() ({
      %run_scoped3A = tpu.sem_alloc : memref<!tpu.dma_semaphore, #tpu.memory_space<semaphore_mem>>
      %dma_start3A = arith.constant 0 : i32
      %dma_start3A_156 = tpu.memref_slice %arg10[%add3A_22, %dma_start3A] : memref<10240x16xf32, #tpu.memory_space<vmem_shared>> -> memref<80x16xf32, #tpu.memory_space<vmem_shared>>
      %dma_start3A_157 = arith.constant 0 : i32
      %dma_start3A_158 = tpu.memref_slice %arg10[%add3A_22, %dma_start3A_157] : memref<10240x16xf32, #tpu.memory_space<vmem_shared>> -> memref<80x16xf32, #tpu.memory_space<vmem_shared>>
      tpu.enqueue_dma source(%arg9 : memref<80x16xf32, #tpu.memory_space<vmem>>) target(%dma_start3A_158 : memref<80x16xf32, #tpu.memory_space<vmem_shared>>) target_semaphore(%run_scoped3A : memref<!tpu.dma_semaphore, #tpu.memory_space<semaphore_mem>>)
      %dma_wait3A = arith.constant 0 : i32
      %dma_wait3A_159 = tpu.memref_slice %arg10[%add3A_22, %dma_wait3A] : memref<10240x16xf32, #tpu.memory_space<vmem_shared>> -> memref<80x16xf32, #tpu.memory_space<vmem_shared>>
      %dma_wait3A_160 = arith.constant 0 : i32
      %dma_wait3A_161 = tpu.memref_slice %arg10[%add3A_22, %dma_wait3A_160] : memref<10240x16xf32, #tpu.memory_space<vmem_shared>> -> memref<80x16xf32, #tpu.memory_space<vmem_shared>>
      tpu.wait_dma2 semaphore(%run_scoped3A : memref<!tpu.dma_semaphore, #tpu.memory_space<semaphore_mem>>) src(%arg9 : memref<80x16xf32, #tpu.memory_space<vmem>>) dst(%dma_wait3A_161 : memref<80x16xf32, #tpu.memory_space<vmem_shared>>)
      tpu.yield
    }) : () -> ()
    %mul3A_23 = arith.constant 640 : i32
    %mul3A_24 = arith.muli %arg1, %mul3A_23 : i32
    %add3A_25 = arith.constant 320 : i32
    %add3A_26 = arith.addi %mul3A_24, %add3A_25 : i32
    "tpu.region"() ({
      %run_scoped3A = tpu.sem_alloc : memref<!tpu.dma_semaphore, #tpu.memory_space<semaphore_mem>>
      %dma_start3A = arith.constant 0 : i32
      %dma_start3A_156 = tpu.memref_slice %arg10[%add3A_26, %dma_start3A] : memref<10240x16xf32, #tpu.memory_space<vmem_shared>> -> memref<80x16xf32, #tpu.memory_space<vmem_shared>>
      %dma_start3A_157 = arith.constant 0 : i32
      %dma_start3A_158 = tpu.memref_slice %arg10[%add3A_26, %dma_start3A_157] : memref<10240x16xf32, #tpu.memory_space<vmem_shared>> -> memref<80x16xf32, #tpu.memory_space<vmem_shared>>
      tpu.enqueue_dma source(%arg9 : memref<80x16xf32, #tpu.memory_space<vmem>>) target(%dma_start3A_158 : memref<80x16xf32, #tpu.memory_space<vmem_shared>>) target_semaphore(%run_scoped3A : memref<!tpu.dma_semaphore, #tpu.memory_space<semaphore_mem>>)
      %dma_wait3A = arith.constant 0 : i32
      %dma_wait3A_159 = tpu.memref_slice %arg10[%add3A_26, %dma_wait3A] : memref<10240x16xf32, #tpu.memory_space<vmem_shared>> -> memref<80x16xf32, #tpu.memory_space<vmem_shared>>
      %dma_wait3A_160 = arith.constant 0 : i32
      %dma_wait3A_161 = tpu.memref_slice %arg10[%add3A_26, %dma_wait3A_160] : memref<10240x16xf32, #tpu.memory_space<vmem_shared>> -> memref<80x16xf32, #tpu.memory_space<vmem_shared>>
      tpu.wait_dma2 semaphore(%run_scoped3A : memref<!tpu.dma_semaphore, #tpu.memory_space<semaphore_mem>>) src(%arg9 : memref<80x16xf32, #tpu.memory_space<vmem>>) dst(%dma_wait3A_161 : memref<80x16xf32, #tpu.memory_space<vmem_shared>>)
      tpu.yield
    }) : () -> ()
    %mul3A_27 = arith.constant 640 : i32
    %mul3A_28 = arith.muli %arg1, %mul3A_27 : i32
    %add3A_29 = arith.constant 400 : i32
    %add3A_30 = arith.addi %mul3A_28, %add3A_29 : i32
    "tpu.region"() ({
      %run_scoped3A = tpu.sem_alloc : memref<!tpu.dma_semaphore, #tpu.memory_space<semaphore_mem>>
      %dma_start3A = arith.constant 0 : i32
      %dma_start3A_156 = tpu.memref_slice %arg10[%add3A_30, %dma_start3A] : memref<10240x16xf32, #tpu.memory_space<vmem_shared>> -> memref<80x16xf32, #tpu.memory_space<vmem_shared>>
      %dma_start3A_157 = arith.constant 0 : i32
      %dma_start3A_158 = tpu.memref_slice %arg10[%add3A_30, %dma_start3A_157] : memref<10240x16xf32, #tpu.memory_space<vmem_shared>> -> memref<80x16xf32, #tpu.memory_space<vmem_shared>>
      tpu.enqueue_dma source(%arg9 : memref<80x16xf32, #tpu.memory_space<vmem>>) target(%dma_start3A_158 : memref<80x16xf32, #tpu.memory_space<vmem_shared>>) target_semaphore(%run_scoped3A : memref<!tpu.dma_semaphore, #tpu.memory_space<semaphore_mem>>)
      %dma_wait3A = arith.constant 0 : i32
      %dma_wait3A_159 = tpu.memref_slice %arg10[%add3A_30, %dma_wait3A] : memref<10240x16xf32, #tpu.memory_space<vmem_shared>> -> memref<80x16xf32, #tpu.memory_space<vmem_shared>>
      %dma_wait3A_160 = arith.constant 0 : i32
      %dma_wait3A_161 = tpu.memref_slice %arg10[%add3A_30, %dma_wait3A_160] : memref<10240x16xf32, #tpu.memory_space<vmem_shared>> -> memref<80x16xf32, #tpu.memory_space<vmem_shared>>
      tpu.wait_dma2 semaphore(%run_scoped3A : memref<!tpu.dma_semaphore, #tpu.memory_space<semaphore_mem>>) src(%arg9 : memref<80x16xf32, #tpu.memory_space<vmem>>) dst(%dma_wait3A_161 : memref<80x16xf32, #tpu.memory_space<vmem_shared>>)
      tpu.yield
    }) : () -> ()
    %mul3A_31 = arith.constant 640 : i32
    %mul3A_32 = arith.muli %arg1, %mul3A_31 : i32
    %add3A_33 = arith.constant 480 : i32
    %add3A_34 = arith.addi %mul3A_32, %add3A_33 : i32
    "tpu.region"() ({
      %run_scoped3A = tpu.sem_alloc : memref<!tpu.dma_semaphore, #tpu.memory_space<semaphore_mem>>
      %dma_start3A = arith.constant 0 : i32
      %dma_start3A_156 = tpu.memref_slice %arg10[%add3A_34, %dma_start3A] : memref<10240x16xf32, #tpu.memory_space<vmem_shared>> -> memref<80x16xf32, #tpu.memory_space<vmem_shared>>
      %dma_start3A_157 = arith.constant 0 : i32
      %dma_start3A_158 = tpu.memref_slice %arg10[%add3A_34, %dma_start3A_157] : memref<10240x16xf32, #tpu.memory_space<vmem_shared>> -> memref<80x16xf32, #tpu.memory_space<vmem_shared>>
      tpu.enqueue_dma source(%arg9 : memref<80x16xf32, #tpu.memory_space<vmem>>) target(%dma_start3A_158 : memref<80x16xf32, #tpu.memory_space<vmem_shared>>) target_semaphore(%run_scoped3A : memref<!tpu.dma_semaphore, #tpu.memory_space<semaphore_mem>>)
      %dma_wait3A = arith.constant 0 : i32
      %dma_wait3A_159 = tpu.memref_slice %arg10[%add3A_34, %dma_wait3A] : memref<10240x16xf32, #tpu.memory_space<vmem_shared>> -> memref<80x16xf32, #tpu.memory_space<vmem_shared>>
      %dma_wait3A_160 = arith.constant 0 : i32
      %dma_wait3A_161 = tpu.memref_slice %arg10[%add3A_34, %dma_wait3A_160] : memref<10240x16xf32, #tpu.memory_space<vmem_shared>> -> memref<80x16xf32, #tpu.memory_space<vmem_shared>>
      tpu.wait_dma2 semaphore(%run_scoped3A : memref<!tpu.dma_semaphore, #tpu.memory_space<semaphore_mem>>) src(%arg9 : memref<80x16xf32, #tpu.memory_space<vmem>>) dst(%dma_wait3A_161 : memref<80x16xf32, #tpu.memory_space<vmem_shared>>)
      tpu.yield
    }) : () -> ()
    %mul3A_35 = arith.constant 640 : i32
    %mul3A_36 = arith.muli %arg1, %mul3A_35 : i32
    %add3A_37 = arith.constant 560 : i32
    %add3A_38 = arith.addi %mul3A_36, %add3A_37 : i32
    "tpu.region"() ({
      %run_scoped3A = tpu.sem_alloc : memref<!tpu.dma_semaphore, #tpu.memory_space<semaphore_mem>>
      %dma_start3A = arith.constant 0 : i32
      %dma_start3A_156 = tpu.memref_slice %arg10[%add3A_38, %dma_start3A] : memref<10240x16xf32, #tpu.memory_space<vmem_shared>> -> memref<80x16xf32, #tpu.memory_space<vmem_shared>>
      %dma_start3A_157 = arith.constant 0 : i32
      %dma_start3A_158 = tpu.memref_slice %arg10[%add3A_38, %dma_start3A_157] : memref<10240x16xf32, #tpu.memory_space<vmem_shared>> -> memref<80x16xf32, #tpu.memory_space<vmem_shared>>
      tpu.enqueue_dma source(%arg9 : memref<80x16xf32, #tpu.memory_space<vmem>>) target(%dma_start3A_158 : memref<80x16xf32, #tpu.memory_space<vmem_shared>>) target_semaphore(%run_scoped3A : memref<!tpu.dma_semaphore, #tpu.memory_space<semaphore_mem>>)
      %dma_wait3A = arith.constant 0 : i32
      %dma_wait3A_159 = tpu.memref_slice %arg10[%add3A_38, %dma_wait3A] : memref<10240x16xf32, #tpu.memory_space<vmem_shared>> -> memref<80x16xf32, #tpu.memory_space<vmem_shared>>
      %dma_wait3A_160 = arith.constant 0 : i32
      %dma_wait3A_161 = tpu.memref_slice %arg10[%add3A_38, %dma_wait3A_160] : memref<10240x16xf32, #tpu.memory_space<vmem_shared>> -> memref<80x16xf32, #tpu.memory_space<vmem_shared>>
      tpu.wait_dma2 semaphore(%run_scoped3A : memref<!tpu.dma_semaphore, #tpu.memory_space<semaphore_mem>>) src(%arg9 : memref<80x16xf32, #tpu.memory_space<vmem>>) dst(%dma_wait3A_161 : memref<80x16xf32, #tpu.memory_space<vmem_shared>>)
      tpu.yield
    }) : () -> ()
    "tpu.region"() ({
      %run_scoped3A = tpu.sem_alloc : memref<!tpu.dma_semaphore, #tpu.memory_space<semaphore_mem>>
      %dma_start3A = arith.constant 0 : i32
      %dma_start3A_156 = arith.constant 0 : i32
      %dma_start3A_157 = tpu.memref_slice %arg3[%add3A, %dma_start3A, %dma_start3A_156] : memref<32x80x125xi32, #tpu.memory_space<hbm>> -> memref<1x80x125xi32, #tpu.memory_space<hbm>>
      %dma_start3A_158 = tpu.memref_squeeze %dma_start3A_157 : memref<1x80x125xi32, #tpu.memory_space<hbm>> -> memref<80x125xi32, #tpu.memory_space<hbm>>
      %dma_start3A_159 = arith.constant 0 : i32
      %dma_start3A_160 = arith.constant 0 : i32
      %dma_start3A_161 = tpu.memref_slice %arg3[%add3A, %dma_start3A_159, %dma_start3A_160] : memref<32x80x125xi32, #tpu.memory_space<hbm>> -> memref<1x80x125xi32, #tpu.memory_space<hbm>>
      %dma_start3A_162 = tpu.memref_squeeze %dma_start3A_161 : memref<1x80x125xi32, #tpu.memory_space<hbm>> -> memref<80x125xi32, #tpu.memory_space<hbm>>
      tpu.enqueue_dma source(%dma_start3A_162 : memref<80x125xi32, #tpu.memory_space<hbm>>) target(%arg6 : memref<80x125xi32, #tpu.memory_space<vmem>>) target_semaphore(%run_scoped3A : memref<!tpu.dma_semaphore, #tpu.memory_space<semaphore_mem>>)
      %dma_wait3A = arith.constant 0 : i32
      %dma_wait3A_163 = arith.constant 0 : i32
      %dma_wait3A_164 = tpu.memref_slice %arg3[%add3A, %dma_wait3A, %dma_wait3A_163] : memref<32x80x125xi32, #tpu.memory_space<hbm>> -> memref<1x80x125xi32, #tpu.memory_space<hbm>>
      %dma_wait3A_165 = tpu.memref_squeeze %dma_wait3A_164 : memref<1x80x125xi32, #tpu.memory_space<hbm>> -> memref<80x125xi32, #tpu.memory_space<hbm>>
      %dma_wait3A_166 = arith.constant 0 : i32
      %dma_wait3A_167 = arith.constant 0 : i32
      %dma_wait3A_168 = tpu.memref_slice %arg3[%add3A, %dma_wait3A_166, %dma_wait3A_167] : memref<32x80x125xi32, #tpu.memory_space<hbm>> -> memref<1x80x125xi32, #tpu.memory_space<hbm>>
      %dma_wait3A_169 = tpu.memref_squeeze %dma_wait3A_168 : memref<1x80x125xi32, #tpu.memory_space<hbm>> -> memref<80x125xi32, #tpu.memory_space<hbm>>
      tpu.wait_dma2 semaphore(%run_scoped3A : memref<!tpu.dma_semaphore, #tpu.memory_space<semaphore_mem>>) src(%dma_wait3A_169 : memref<80x125xi32, #tpu.memory_space<hbm>>) dst(%arg6 : memref<80x125xi32, #tpu.memory_space<vmem>>)
      tpu.yield
    }) : () -> ()
    "tpu.region"() ({
      %run_scoped3A = tpu.sem_alloc : memref<!tpu.dma_semaphore, #tpu.memory_space<semaphore_mem>>
      %dma_start3A = arith.constant 0 : i32
      %dma_start3A_156 = arith.constant 0 : i32
      %dma_start3A_157 = tpu.memref_slice %arg4[%add3A, %dma_start3A, %dma_start3A_156] : memref<32x80x125xi32, #tpu.memory_space<hbm>> -> memref<1x80x125xi32, #tpu.memory_space<hbm>>
      %dma_start3A_158 = tpu.memref_squeeze %dma_start3A_157 : memref<1x80x125xi32, #tpu.memory_space<hbm>> -> memref<80x125xi32, #tpu.memory_space<hbm>>
      %dma_start3A_159 = arith.constant 0 : i32
      %dma_start3A_160 = arith.constant 0 : i32
      %dma_start3A_161 = tpu.memref_slice %arg4[%add3A, %dma_start3A_159, %dma_start3A_160] : memref<32x80x125xi32, #tpu.memory_space<hbm>> -> memref<1x80x125xi32, #tpu.memory_space<hbm>>
      %dma_start3A_162 = tpu.memref_squeeze %dma_start3A_161 : memref<1x80x125xi32, #tpu.memory_space<hbm>> -> memref<80x125xi32, #tpu.memory_space<hbm>>
      tpu.enqueue_dma source(%dma_start3A_162 : memref<80x125xi32, #tpu.memory_space<hbm>>) target(%arg7 : memref<80x125xi32, #tpu.memory_space<vmem>>) target_semaphore(%run_scoped3A : memref<!tpu.dma_semaphore, #tpu.memory_space<semaphore_mem>>)
      %dma_wait3A = arith.constant 0 : i32
      %dma_wait3A_163 = arith.constant 0 : i32
      %dma_wait3A_164 = tpu.memref_slice %arg4[%add3A, %dma_wait3A, %dma_wait3A_163] : memref<32x80x125xi32, #tpu.memory_space<hbm>> -> memref<1x80x125xi32, #tpu.memory_space<hbm>>
      %dma_wait3A_165 = tpu.memref_squeeze %dma_wait3A_164 : memref<1x80x125xi32, #tpu.memory_space<hbm>> -> memref<80x125xi32, #tpu.memory_space<hbm>>
      %dma_wait3A_166 = arith.constant 0 : i32
      %dma_wait3A_167 = arith.constant 0 : i32
      %dma_wait3A_168 = tpu.memref_slice %arg4[%add3A, %dma_wait3A_166, %dma_wait3A_167] : memref<32x80x125xi32, #tpu.memory_space<hbm>> -> memref<1x80x125xi32, #tpu.memory_space<hbm>>
      %dma_wait3A_169 = tpu.memref_squeeze %dma_wait3A_168 : memref<1x80x125xi32, #tpu.memory_space<hbm>> -> memref<80x125xi32, #tpu.memory_space<hbm>>
      tpu.wait_dma2 semaphore(%run_scoped3A : memref<!tpu.dma_semaphore, #tpu.memory_space<semaphore_mem>>) src(%dma_wait3A_169 : memref<80x125xi32, #tpu.memory_space<hbm>>) dst(%arg7 : memref<80x125xi32, #tpu.memory_space<vmem>>)
      tpu.yield
    }) : () -> ()
    %barrier3A = arith.constant 0 : index
    tpu.barrier barrier_id(%barrier3A)
    %scan3A_39 = arith.constant 0 : i32
    %scan3A_40 = arith.constant 0 : i32
    %scan3A_41 = arith.constant 20 : i32
    %scan3A_42 = arith.addi %scan3A_40, %scan3A_41 : i32
    %scan3A_43 = arith.constant 1 : i32
    %scan3A_44 = scf.for %scan3A_156 = %scan3A_40 to %scan3A_42 step %scan3A_43 iter_args(%scan3A_157 = %scan3A_39) -> (i32)  : i32 {
      %add3A_158 = arith.constant 0 : i32
      %add3A_159 = arith.addi %add3A_158, %scan3A_156 : i32
      %dma_start3A = arith.constant 0 : i32
      %dma_start3A_160 = arith.constant 0 : i32
      %dma_start3A_161 = arith.constant 0 : i32
      %dma_start3A_162 = tpu.memref_slice %arg8[%dma_start3A, %scan3A_156, %dma_start3A_160, %dma_start3A_161] : memref<2x20x125x16xf32, #tpu.memory_space<vmem>> -> memref<1x1x125x16xf32, #tpu.memory_space<vmem>>
      %dma_start3A_163 = tpu.memref_squeeze %dma_start3A_162 : memref<1x1x125x16xf32, #tpu.memory_space<vmem>> -> memref<125x16xf32, #tpu.memory_space<vmem>>
      %dma_start3A_164 = arith.constant 0 : i32
      %dma_start3A_165 = tpu.memref_slice %arg6[%add3A_159, %dma_start3A_164] : memref<80x125xi32, #tpu.memory_space<vmem>> -> memref<1x125xi32, #tpu.memory_space<vmem>>
      %dma_start3A_166 = tpu.memref_squeeze %dma_start3A_165 : memref<1x125xi32, #tpu.memory_space<vmem>> -> memref<125xi32, #tpu.memory_space<vmem>>
      %dma_start3A_167 = arith.constant 0 : i32
      %dma_start3A_168 = arith.constant 0 : i32
      %dma_start3A_169 = tpu.memref_slice %arg2[%dma_start3A_167, %dma_start3A_168] : memref<10000x16xf32, #tpu.memory_space<hbm>> -> memref<10000x16xf32, #tpu.memory_space<hbm>>
      tpu.enqueue_indirect_dma source(%dma_start3A_169 : memref<10000x16xf32, #tpu.memory_space<hbm>>) target(%dma_start3A_163 : memref<125x16xf32, #tpu.memory_space<vmem>>) offsets(%dma_start3A_166 : memref<125xi32, #tpu.memory_space<vmem>>) semaphore(%arg11 : memref<!tpu.dma_semaphore, #tpu.memory_space<semaphore_mem>>)
      %scan3A_170 = arith.constant 0 : i32
      scf.yield %scan3A_170 : i32
    }
    %scan3A_45 = arith.constant 20 : i32
    %scan3A_46 = arith.constant 0 : i32
    %scan3A_47 = arith.constant 0 : i32
    %scan3A_48 = arith.constant 20 : i32
    %scan3A_49 = arith.addi %scan3A_47, %scan3A_48 : i32
    %scan3A_50 = arith.constant 1 : i32
    %scan3A_51 = scf.for %scan3A_156 = %scan3A_47 to %scan3A_49 step %scan3A_50 iter_args(%scan3A_157 = %scan3A_46) -> (i32)  : i32 {
      %dma_wait3A = arith.constant 0 : i32
      %dma_wait3A_158 = arith.constant 0 : i32
      %dma_wait3A_159 = arith.constant 0 : i32
      %dma_wait3A_160 = arith.constant 0 : i32
      %dma_wait3A_161 = arith.constant 0 : i32
      %dma_wait3A_162 = tpu.memref_slice %arg8[%dma_wait3A_158, %dma_wait3A_159, %dma_wait3A_160, %dma_wait3A_161] : memref<2x20x125x16xf32, #tpu.memory_space<vmem>> -> memref<1x1x125x16xf32, #tpu.memory_space<vmem>>
      %dma_wait3A_163 = tpu.memref_squeeze %dma_wait3A_162 : memref<1x1x125x16xf32, #tpu.memory_space<vmem>> -> memref<125x16xf32, #tpu.memory_space<vmem>>
      %dma_wait3A_164 = arith.constant 0 : i32
      %dma_wait3A_165 = tpu.memref_slice %arg6[%dma_wait3A, %dma_wait3A_164] : memref<80x125xi32, #tpu.memory_space<vmem>> -> memref<1x125xi32, #tpu.memory_space<vmem>>
      %dma_wait3A_166 = tpu.memref_squeeze %dma_wait3A_165 : memref<1x125xi32, #tpu.memory_space<vmem>> -> memref<125xi32, #tpu.memory_space<vmem>>
      %dma_wait3A_167 = arith.constant 0 : i32
      %dma_wait3A_168 = arith.constant 0 : i32
      %dma_wait3A_169 = tpu.memref_slice %arg2[%dma_wait3A_167, %dma_wait3A_168] : memref<10000x16xf32, #tpu.memory_space<hbm>> -> memref<10000x16xf32, #tpu.memory_space<hbm>>
      tpu.wait_indirect_dma semaphore(%arg11 : memref<!tpu.dma_semaphore, #tpu.memory_space<semaphore_mem>>) src(%dma_wait3A_169 : memref<10000x16xf32, #tpu.memory_space<hbm>>) dst(%dma_wait3A_163 : memref<125x16xf32, #tpu.memory_space<vmem>>)
      %scan3A_170 = arith.constant 0 : i32
      scf.yield %scan3A_170 : i32
    }
    %scan3A_52 = arith.constant 20 : i32
    %scan3A_53 = arith.constant 0 : i32
    %scan3A_54 = arith.constant 0 : i32
    %scan3A_55 = arith.constant 20 : i32
    %scan3A_56 = arith.addi %scan3A_54, %scan3A_55 : i32
    %scan3A_57 = arith.constant 1 : i32
    %scan3A_58 = scf.for %scan3A_156 = %scan3A_54 to %scan3A_56 step %scan3A_57 iter_args(%scan3A_157 = %scan3A_53) -> (i32)  : i32 {
      %add3A_158 = arith.constant 20 : i32
      %add3A_159 = arith.addi %add3A_158, %scan3A_156 : i32
      %dma_start3A = arith.constant 1 : i32
      %dma_start3A_160 = arith.constant 0 : i32
      %dma_start3A_161 = arith.constant 0 : i32
      %dma_start3A_162 = tpu.memref_slice %arg8[%dma_start3A, %scan3A_156, %dma_start3A_160, %dma_start3A_161] : memref<2x20x125x16xf32, #tpu.memory_space<vmem>> -> memref<1x1x125x16xf32, #tpu.memory_space<vmem>>
      %dma_start3A_163 = tpu.memref_squeeze %dma_start3A_162 : memref<1x1x125x16xf32, #tpu.memory_space<vmem>> -> memref<125x16xf32, #tpu.memory_space<vmem>>
      %dma_start3A_164 = arith.constant 0 : i32
      %dma_start3A_165 = tpu.memref_slice %arg6[%add3A_159, %dma_start3A_164] : memref<80x125xi32, #tpu.memory_space<vmem>> -> memref<1x125xi32, #tpu.memory_space<vmem>>
      %dma_start3A_166 = tpu.memref_squeeze %dma_start3A_165 : memref<1x125xi32, #tpu.memory_space<vmem>> -> memref<125xi32, #tpu.memory_space<vmem>>
      %dma_start3A_167 = arith.constant 0 : i32
      %dma_start3A_168 = arith.constant 0 : i32
      %dma_start3A_169 = tpu.memref_slice %arg2[%dma_start3A_167, %dma_start3A_168] : memref<10000x16xf32, #tpu.memory_space<hbm>> -> memref<10000x16xf32, #tpu.memory_space<hbm>>
      tpu.enqueue_indirect_dma source(%dma_start3A_169 : memref<10000x16xf32, #tpu.memory_space<hbm>>) target(%dma_start3A_163 : memref<125x16xf32, #tpu.memory_space<vmem>>) offsets(%dma_start3A_166 : memref<125xi32, #tpu.memory_space<vmem>>) semaphore(%arg11 : memref<!tpu.dma_semaphore, #tpu.memory_space<semaphore_mem>>)
      %scan3A_170 = arith.constant 0 : i32
      scf.yield %scan3A_170 : i32
    }
    %scan3A_59 = arith.constant 20 : i32
    %scan3A_60 = arith.constant 0 : i32
    %scan3A_61 = arith.constant 0 : i32
    %scan3A_62 = arith.constant 20 : i32
    %scan3A_63 = arith.addi %scan3A_61, %scan3A_62 : i32
    %scan3A_64 = arith.constant 1 : i32
    %scan3A_65 = scf.for %scan3A_156 = %scan3A_61 to %scan3A_63 step %scan3A_64 iter_args(%scan3A_157 = %scan3A_60) -> (i32)  : i32 {
      %add3A_158 = arith.constant 0 : i32
      %add3A_159 = arith.addi %add3A_158, %scan3A_156 : i32
      %dma_start3A = arith.constant 0 : i32
      %dma_start3A_160 = arith.constant 0 : i32
      %dma_start3A_161 = arith.constant 0 : i32
      %dma_start3A_162 = tpu.memref_slice %arg8[%dma_start3A, %scan3A_156, %dma_start3A_160, %dma_start3A_161] : memref<2x20x125x16xf32, #tpu.memory_space<vmem>> -> memref<1x1x125x16xf32, #tpu.memory_space<vmem>>
      %dma_start3A_163 = tpu.memref_squeeze %dma_start3A_162 : memref<1x1x125x16xf32, #tpu.memory_space<vmem>> -> memref<125x16xf32, #tpu.memory_space<vmem>>
      %dma_start3A_164 = arith.constant 0 : i32
      %dma_start3A_165 = tpu.memref_slice %arg7[%add3A_159, %dma_start3A_164] : memref<80x125xi32, #tpu.memory_space<vmem>> -> memref<1x125xi32, #tpu.memory_space<vmem>>
      %dma_start3A_166 = tpu.memref_squeeze %dma_start3A_165 : memref<1x125xi32, #tpu.memory_space<vmem>> -> memref<125xi32, #tpu.memory_space<vmem>>
      %dma_start3A_167 = arith.constant 0 : i32
      %dma_start3A_168 = arith.constant 0 : i32
      %dma_start3A_169 = tpu.memref_slice %arg10[%dma_start3A_167, %dma_start3A_168] : memref<10240x16xf32, #tpu.memory_space<vmem_shared>> -> memref<10240x16xf32, #tpu.memory_space<vmem_shared>>
      tpu.enqueue_indirect_dma source(%dma_start3A_163 : memref<125x16xf32, #tpu.memory_space<vmem>>) target(%dma_start3A_169 : memref<10240x16xf32, #tpu.memory_space<vmem_shared>>) offsets(%dma_start3A_166 : memref<125xi32, #tpu.memory_space<vmem>>) semaphore(%arg12 : memref<!tpu.dma_semaphore, #tpu.memory_space<semaphore_mem>>) {add = true}
      %scan3A_170 = arith.constant 0 : i32
      scf.yield %scan3A_170 : i32
    }
    %scan3A_66 = arith.constant 20 : i32
    %scan3A_67 = arith.constant 0 : i32
    %scan3A_68 = arith.constant 0 : i32
    %scan3A_69 = arith.constant 20 : i32
    %scan3A_70 = arith.addi %scan3A_68, %scan3A_69 : i32
    %scan3A_71 = arith.constant 1 : i32
    %scan3A_72 = scf.for %scan3A_156 = %scan3A_68 to %scan3A_70 step %scan3A_71 iter_args(%scan3A_157 = %scan3A_67) -> (i32)  : i32 {
      %dma_wait3A = arith.constant 0 : i32
      %dma_wait3A_158 = arith.constant 0 : i32
      %dma_wait3A_159 = arith.constant 0 : i32
      %dma_wait3A_160 = arith.constant 0 : i32
      %dma_wait3A_161 = arith.constant 0 : i32
      %dma_wait3A_162 = tpu.memref_slice %arg8[%dma_wait3A, %dma_wait3A_158, %dma_wait3A_160, %dma_wait3A_161] : memref<2x20x125x16xf32, #tpu.memory_space<vmem>> -> memref<1x1x125x16xf32, #tpu.memory_space<vmem>>
      %dma_wait3A_163 = tpu.memref_squeeze %dma_wait3A_162 : memref<1x1x125x16xf32, #tpu.memory_space<vmem>> -> memref<125x16xf32, #tpu.memory_space<vmem>>
      %dma_wait3A_164 = arith.constant 0 : i32
      %dma_wait3A_165 = tpu.memref_slice %arg7[%dma_wait3A_159, %dma_wait3A_164] : memref<80x125xi32, #tpu.memory_space<vmem>> -> memref<1x125xi32, #tpu.memory_space<vmem>>
      %dma_wait3A_166 = tpu.memref_squeeze %dma_wait3A_165 : memref<1x125xi32, #tpu.memory_space<vmem>> -> memref<125xi32, #tpu.memory_space<vmem>>
      %dma_wait3A_167 = arith.constant 0 : i32
      %dma_wait3A_168 = arith.constant 0 : i32
      %dma_wait3A_169 = tpu.memref_slice %arg10[%dma_wait3A_167, %dma_wait3A_168] : memref<10240x16xf32, #tpu.memory_space<vmem_shared>> -> memref<10240x16xf32, #tpu.memory_space<vmem_shared>>
      tpu.wait_indirect_dma semaphore(%arg12 : memref<!tpu.dma_semaphore, #tpu.memory_space<semaphore_mem>>) src(%dma_wait3A_163 : memref<125x16xf32, #tpu.memory_space<vmem>>) dst(%dma_wait3A_169 : memref<10240x16xf32, #tpu.memory_space<vmem_shared>>)
      %scan3A_170 = arith.constant 0 : i32
      scf.yield %scan3A_170 : i32
    }
    %scan3A_73 = arith.constant 20 : i32
    %scan3A_74 = arith.constant 0 : i32
    %scan3A_75 = arith.constant 0 : i32
    %scan3A_76 = arith.constant 20 : i32
    %scan3A_77 = arith.addi %scan3A_75, %scan3A_76 : i32
    %scan3A_78 = arith.constant 1 : i32
    %scan3A_79 = scf.for %scan3A_156 = %scan3A_75 to %scan3A_77 step %scan3A_78 iter_args(%scan3A_157 = %scan3A_74) -> (i32)  : i32 {
      %dma_wait3A = arith.constant 0 : i32
      %dma_wait3A_158 = arith.constant 0 : i32
      %dma_wait3A_159 = arith.constant 0 : i32
      %dma_wait3A_160 = arith.constant 0 : i32
      %dma_wait3A_161 = arith.constant 0 : i32
      %dma_wait3A_162 = tpu.memref_slice %arg8[%dma_wait3A_158, %dma_wait3A_159, %dma_wait3A_160, %dma_wait3A_161] : memref<2x20x125x16xf32, #tpu.memory_space<vmem>> -> memref<1x1x125x16xf32, #tpu.memory_space<vmem>>
      %dma_wait3A_163 = tpu.memref_squeeze %dma_wait3A_162 : memref<1x1x125x16xf32, #tpu.memory_space<vmem>> -> memref<125x16xf32, #tpu.memory_space<vmem>>
      %dma_wait3A_164 = arith.constant 0 : i32
      %dma_wait3A_165 = tpu.memref_slice %arg6[%dma_wait3A, %dma_wait3A_164] : memref<80x125xi32, #tpu.memory_space<vmem>> -> memref<1x125xi32, #tpu.memory_space<vmem>>
      %dma_wait3A_166 = tpu.memref_squeeze %dma_wait3A_165 : memref<1x125xi32, #tpu.memory_space<vmem>> -> memref<125xi32, #tpu.memory_space<vmem>>
      %dma_wait3A_167 = arith.constant 0 : i32
      %dma_wait3A_168 = arith.constant 0 : i32
      %dma_wait3A_169 = tpu.memref_slice %arg2[%dma_wait3A_167, %dma_wait3A_168] : memref<10000x16xf32, #tpu.memory_space<hbm>> -> memref<10000x16xf32, #tpu.memory_space<hbm>>
      tpu.wait_indirect_dma semaphore(%arg11 : memref<!tpu.dma_semaphore, #tpu.memory_space<semaphore_mem>>) src(%dma_wait3A_169 : memref<10000x16xf32, #tpu.memory_space<hbm>>) dst(%dma_wait3A_163 : memref<125x16xf32, #tpu.memory_space<vmem>>)
      %scan3A_170 = arith.constant 0 : i32
      scf.yield %scan3A_170 : i32
    }
    %scan3A_80 = arith.constant 20 : i32
    %scan3A_81 = arith.constant 0 : i32
    %scan3A_82 = arith.constant 0 : i32
    %scan3A_83 = arith.constant 20 : i32
    %scan3A_84 = arith.addi %scan3A_82, %scan3A_83 : i32
    %scan3A_85 = arith.constant 1 : i32
    %scan3A_86 = scf.for %scan3A_156 = %scan3A_82 to %scan3A_84 step %scan3A_85 iter_args(%scan3A_157 = %scan3A_81) -> (i32)  : i32 {
      %add3A_158 = arith.constant 40 : i32
      %add3A_159 = arith.addi %add3A_158, %scan3A_156 : i32
      %dma_start3A = arith.constant 0 : i32
      %dma_start3A_160 = arith.constant 0 : i32
      %dma_start3A_161 = arith.constant 0 : i32
      %dma_start3A_162 = tpu.memref_slice %arg8[%dma_start3A, %scan3A_156, %dma_start3A_160, %dma_start3A_161] : memref<2x20x125x16xf32, #tpu.memory_space<vmem>> -> memref<1x1x125x16xf32, #tpu.memory_space<vmem>>
      %dma_start3A_163 = tpu.memref_squeeze %dma_start3A_162 : memref<1x1x125x16xf32, #tpu.memory_space<vmem>> -> memref<125x16xf32, #tpu.memory_space<vmem>>
      %dma_start3A_164 = arith.constant 0 : i32
      %dma_start3A_165 = tpu.memref_slice %arg6[%add3A_159, %dma_start3A_164] : memref<80x125xi32, #tpu.memory_space<vmem>> -> memref<1x125xi32, #tpu.memory_space<vmem>>
      %dma_start3A_166 = tpu.memref_squeeze %dma_start3A_165 : memref<1x125xi32, #tpu.memory_space<vmem>> -> memref<125xi32, #tpu.memory_space<vmem>>
      %dma_start3A_167 = arith.constant 0 : i32
      %dma_start3A_168 = arith.constant 0 : i32
      %dma_start3A_169 = tpu.memref_slice %arg2[%dma_start3A_167, %dma_start3A_168] : memref<10000x16xf32, #tpu.memory_space<hbm>> -> memref<10000x16xf32, #tpu.memory_space<hbm>>
      tpu.enqueue_indirect_dma source(%dma_start3A_169 : memref<10000x16xf32, #tpu.memory_space<hbm>>) target(%dma_start3A_163 : memref<125x16xf32, #tpu.memory_space<vmem>>) offsets(%dma_start3A_166 : memref<125xi32, #tpu.memory_space<vmem>>) semaphore(%arg11 : memref<!tpu.dma_semaphore, #tpu.memory_space<semaphore_mem>>)
      %scan3A_170 = arith.constant 0 : i32
      scf.yield %scan3A_170 : i32
    }
    %scan3A_87 = arith.constant 20 : i32
    %scan3A_88 = arith.constant 0 : i32
    %scan3A_89 = arith.constant 0 : i32
    %scan3A_90 = arith.constant 20 : i32
    %scan3A_91 = arith.addi %scan3A_89, %scan3A_90 : i32
    %scan3A_92 = arith.constant 1 : i32
    %scan3A_93 = scf.for %scan3A_156 = %scan3A_89 to %scan3A_91 step %scan3A_92 iter_args(%scan3A_157 = %scan3A_88) -> (i32)  : i32 {
      %add3A_158 = arith.constant 20 : i32
      %add3A_159 = arith.addi %add3A_158, %scan3A_156 : i32
      %dma_start3A = arith.constant 1 : i32
      %dma_start3A_160 = arith.constant 0 : i32
      %dma_start3A_161 = arith.constant 0 : i32
      %dma_start3A_162 = tpu.memref_slice %arg8[%dma_start3A, %scan3A_156, %dma_start3A_160, %dma_start3A_161] : memref<2x20x125x16xf32, #tpu.memory_space<vmem>> -> memref<1x1x125x16xf32, #tpu.memory_space<vmem>>
      %dma_start3A_163 = tpu.memref_squeeze %dma_start3A_162 : memref<1x1x125x16xf32, #tpu.memory_space<vmem>> -> memref<125x16xf32, #tpu.memory_space<vmem>>
      %dma_start3A_164 = arith.constant 0 : i32
      %dma_start3A_165 = tpu.memref_slice %arg7[%add3A_159, %dma_start3A_164] : memref<80x125xi32, #tpu.memory_space<vmem>> -> memref<1x125xi32, #tpu.memory_space<vmem>>
      %dma_start3A_166 = tpu.memref_squeeze %dma_start3A_165 : memref<1x125xi32, #tpu.memory_space<vmem>> -> memref<125xi32, #tpu.memory_space<vmem>>
      %dma_start3A_167 = arith.constant 0 : i32
      %dma_start3A_168 = arith.constant 0 : i32
      %dma_start3A_169 = tpu.memref_slice %arg10[%dma_start3A_167, %dma_start3A_168] : memref<10240x16xf32, #tpu.memory_space<vmem_shared>> -> memref<10240x16xf32, #tpu.memory_space<vmem_shared>>
      tpu.enqueue_indirect_dma source(%dma_start3A_163 : memref<125x16xf32, #tpu.memory_space<vmem>>) target(%dma_start3A_169 : memref<10240x16xf32, #tpu.memory_space<vmem_shared>>) offsets(%dma_start3A_166 : memref<125xi32, #tpu.memory_space<vmem>>) semaphore(%arg12 : memref<!tpu.dma_semaphore, #tpu.memory_space<semaphore_mem>>) {add = true}
      %scan3A_170 = arith.constant 0 : i32
      scf.yield %scan3A_170 : i32
    }
    %scan3A_94 = arith.constant 20 : i32
    %scan3A_95 = arith.constant 0 : i32
    %scan3A_96 = arith.constant 0 : i32
    %scan3A_97 = arith.constant 20 : i32
    %scan3A_98 = arith.addi %scan3A_96, %scan3A_97 : i32
    %scan3A_99 = arith.constant 1 : i32
    %scan3A_100 = scf.for %scan3A_156 = %scan3A_96 to %scan3A_98 step %scan3A_99 iter_args(%scan3A_157 = %scan3A_95) -> (i32)  : i32 {
      %dma_wait3A = arith.constant 0 : i32
      %dma_wait3A_158 = arith.constant 0 : i32
      %dma_wait3A_159 = arith.constant 0 : i32
      %dma_wait3A_160 = arith.constant 0 : i32
      %dma_wait3A_161 = arith.constant 0 : i32
      %dma_wait3A_162 = tpu.memref_slice %arg8[%dma_wait3A, %dma_wait3A_158, %dma_wait3A_160, %dma_wait3A_161] : memref<2x20x125x16xf32, #tpu.memory_space<vmem>> -> memref<1x1x125x16xf32, #tpu.memory_space<vmem>>
      %dma_wait3A_163 = tpu.memref_squeeze %dma_wait3A_162 : memref<1x1x125x16xf32, #tpu.memory_space<vmem>> -> memref<125x16xf32, #tpu.memory_space<vmem>>
      %dma_wait3A_164 = arith.constant 0 : i32
      %dma_wait3A_165 = tpu.memref_slice %arg7[%dma_wait3A_159, %dma_wait3A_164] : memref<80x125xi32, #tpu.memory_space<vmem>> -> memref<1x125xi32, #tpu.memory_space<vmem>>
      %dma_wait3A_166 = tpu.memref_squeeze %dma_wait3A_165 : memref<1x125xi32, #tpu.memory_space<vmem>> -> memref<125xi32, #tpu.memory_space<vmem>>
      %dma_wait3A_167 = arith.constant 0 : i32
      %dma_wait3A_168 = arith.constant 0 : i32
      %dma_wait3A_169 = tpu.memref_slice %arg10[%dma_wait3A_167, %dma_wait3A_168] : memref<10240x16xf32, #tpu.memory_space<vmem_shared>> -> memref<10240x16xf32, #tpu.memory_space<vmem_shared>>
      tpu.wait_indirect_dma semaphore(%arg12 : memref<!tpu.dma_semaphore, #tpu.memory_space<semaphore_mem>>) src(%dma_wait3A_163 : memref<125x16xf32, #tpu.memory_space<vmem>>) dst(%dma_wait3A_169 : memref<10240x16xf32, #tpu.memory_space<vmem_shared>>)
      %scan3A_170 = arith.constant 0 : i32
      scf.yield %scan3A_170 : i32
    }
    %scan3A_101 = arith.constant 20 : i32
    %scan3A_102 = arith.constant 0 : i32
    %scan3A_103 = arith.constant 0 : i32
    %scan3A_104 = arith.constant 20 : i32
    %scan3A_105 = arith.addi %scan3A_103, %scan3A_104 : i32
    %scan3A_106 = arith.constant 1 : i32
    %scan3A_107 = scf.for %scan3A_156 = %scan3A_103 to %scan3A_105 step %scan3A_106 iter_args(%scan3A_157 = %scan3A_102) -> (i32)  : i32 {
      %dma_wait3A = arith.constant 0 : i32
      %dma_wait3A_158 = arith.constant 0 : i32
      %dma_wait3A_159 = arith.constant 0 : i32
      %dma_wait3A_160 = arith.constant 0 : i32
      %dma_wait3A_161 = arith.constant 0 : i32
      %dma_wait3A_162 = tpu.memref_slice %arg8[%dma_wait3A_158, %dma_wait3A_159, %dma_wait3A_160, %dma_wait3A_161] : memref<2x20x125x16xf32, #tpu.memory_space<vmem>> -> memref<1x1x125x16xf32, #tpu.memory_space<vmem>>
      %dma_wait3A_163 = tpu.memref_squeeze %dma_wait3A_162 : memref<1x1x125x16xf32, #tpu.memory_space<vmem>> -> memref<125x16xf32, #tpu.memory_space<vmem>>
      %dma_wait3A_164 = arith.constant 0 : i32
      %dma_wait3A_165 = tpu.memref_slice %arg6[%dma_wait3A, %dma_wait3A_164] : memref<80x125xi32, #tpu.memory_space<vmem>> -> memref<1x125xi32, #tpu.memory_space<vmem>>
      %dma_wait3A_166 = tpu.memref_squeeze %dma_wait3A_165 : memref<1x125xi32, #tpu.memory_space<vmem>> -> memref<125xi32, #tpu.memory_space<vmem>>
      %dma_wait3A_167 = arith.constant 0 : i32
      %dma_wait3A_168 = arith.constant 0 : i32
      %dma_wait3A_169 = tpu.memref_slice %arg2[%dma_wait3A_167, %dma_wait3A_168] : memref<10000x16xf32, #tpu.memory_space<hbm>> -> memref<10000x16xf32, #tpu.memory_space<hbm>>
      tpu.wait_indirect_dma semaphore(%arg11 : memref<!tpu.dma_semaphore, #tpu.memory_space<semaphore_mem>>) src(%dma_wait3A_169 : memref<10000x16xf32, #tpu.memory_space<hbm>>) dst(%dma_wait3A_163 : memref<125x16xf32, #tpu.memory_space<vmem>>)
      %scan3A_170 = arith.constant 0 : i32
      scf.yield %scan3A_170 : i32
    }
    %scan3A_108 = arith.constant 20 : i32
    %scan3A_109 = arith.constant 0 : i32
    %scan3A_110 = arith.constant 0 : i32
    %scan3A_111 = arith.constant 20 : i32
    %scan3A_112 = arith.addi %scan3A_110, %scan3A_111 : i32
    %scan3A_113 = arith.constant 1 : i32
    %scan3A_114 = scf.for %scan3A_156 = %scan3A_110 to %scan3A_112 step %scan3A_113 iter_args(%scan3A_157 = %scan3A_109) -> (i32)  : i32 {
      %add3A_158 = arith.constant 60 : i32
      %add3A_159 = arith.addi %add3A_158, %scan3A_156 : i32
      %dma_start3A = arith.constant 1 : i32
      %dma_start3A_160 = arith.constant 0 : i32
      %dma_start3A_161 = arith.constant 0 : i32
      %dma_start3A_162 = tpu.memref_slice %arg8[%dma_start3A, %scan3A_156, %dma_start3A_160, %dma_start3A_161] : memref<2x20x125x16xf32, #tpu.memory_space<vmem>> -> memref<1x1x125x16xf32, #tpu.memory_space<vmem>>
      %dma_start3A_163 = tpu.memref_squeeze %dma_start3A_162 : memref<1x1x125x16xf32, #tpu.memory_space<vmem>> -> memref<125x16xf32, #tpu.memory_space<vmem>>
      %dma_start3A_164 = arith.constant 0 : i32
      %dma_start3A_165 = tpu.memref_slice %arg6[%add3A_159, %dma_start3A_164] : memref<80x125xi32, #tpu.memory_space<vmem>> -> memref<1x125xi32, #tpu.memory_space<vmem>>
      %dma_start3A_166 = tpu.memref_squeeze %dma_start3A_165 : memref<1x125xi32, #tpu.memory_space<vmem>> -> memref<125xi32, #tpu.memory_space<vmem>>
      %dma_start3A_167 = arith.constant 0 : i32
      %dma_start3A_168 = arith.constant 0 : i32
      %dma_start3A_169 = tpu.memref_slice %arg2[%dma_start3A_167, %dma_start3A_168] : memref<10000x16xf32, #tpu.memory_space<hbm>> -> memref<10000x16xf32, #tpu.memory_space<hbm>>
      tpu.enqueue_indirect_dma source(%dma_start3A_169 : memref<10000x16xf32, #tpu.memory_space<hbm>>) target(%dma_start3A_163 : memref<125x16xf32, #tpu.memory_space<vmem>>) offsets(%dma_start3A_166 : memref<125xi32, #tpu.memory_space<vmem>>) semaphore(%arg11 : memref<!tpu.dma_semaphore, #tpu.memory_space<semaphore_mem>>)
      %scan3A_170 = arith.constant 0 : i32
      scf.yield %scan3A_170 : i32
    }
    %scan3A_115 = arith.constant 20 : i32
    %scan3A_116 = arith.constant 0 : i32
    %scan3A_117 = arith.constant 0 : i32
    %scan3A_118 = arith.constant 20 : i32
    %scan3A_119 = arith.addi %scan3A_117, %scan3A_118 : i32
    %scan3A_120 = arith.constant 1 : i32
    %scan3A_121 = scf.for %scan3A_156 = %scan3A_117 to %scan3A_119 step %scan3A_120 iter_args(%scan3A_157 = %scan3A_116) -> (i32)  : i32 {
      %add3A_158 = arith.constant 40 : i32
      %add3A_159 = arith.addi %add3A_158, %scan3A_156 : i32
      %dma_start3A = arith.constant 0 : i32
      %dma_start3A_160 = arith.constant 0 : i32
      %dma_start3A_161 = arith.constant 0 : i32
      %dma_start3A_162 = tpu.memref_slice %arg8[%dma_start3A, %scan3A_156, %dma_start3A_160, %dma_start3A_161] : memref<2x20x125x16xf32, #tpu.memory_space<vmem>> -> memref<1x1x125x16xf32, #tpu.memory_space<vmem>>
      %dma_start3A_163 = tpu.memref_squeeze %dma_start3A_162 : memref<1x1x125x16xf32, #tpu.memory_space<vmem>> -> memref<125x16xf32, #tpu.memory_space<vmem>>
      %dma_start3A_164 = arith.constant 0 : i32
      %dma_start3A_165 = tpu.memref_slice %arg7[%add3A_159, %dma_start3A_164] : memref<80x125xi32, #tpu.memory_space<vmem>> -> memref<1x125xi32, #tpu.memory_space<vmem>>
      %dma_start3A_166 = tpu.memref_squeeze %dma_start3A_165 : memref<1x125xi32, #tpu.memory_space<vmem>> -> memref<125xi32, #tpu.memory_space<vmem>>
      %dma_start3A_167 = arith.constant 0 : i32
      %dma_start3A_168 = arith.constant 0 : i32
      %dma_start3A_169 = tpu.memref_slice %arg10[%dma_start3A_167, %dma_start3A_168] : memref<10240x16xf32, #tpu.memory_space<vmem_shared>> -> memref<10240x16xf32, #tpu.memory_space<vmem_shared>>
      tpu.enqueue_indirect_dma source(%dma_start3A_163 : memref<125x16xf32, #tpu.memory_space<vmem>>) target(%dma_start3A_169 : memref<10240x16xf32, #tpu.memory_space<vmem_shared>>) offsets(%dma_start3A_166 : memref<125xi32, #tpu.memory_space<vmem>>) semaphore(%arg12 : memref<!tpu.dma_semaphore, #tpu.memory_space<semaphore_mem>>) {add = true}
      %scan3A_170 = arith.constant 0 : i32
      scf.yield %scan3A_170 : i32
    }
    %scan3A_122 = arith.constant 20 : i32
    %scan3A_123 = arith.constant 0 : i32
    %scan3A_124 = arith.constant 0 : i32
    %scan3A_125 = arith.constant 20 : i32
    %scan3A_126 = arith.addi %scan3A_124, %scan3A_125 : i32
    %scan3A_127 = arith.constant 1 : i32
    %scan3A_128 = scf.for %scan3A_156 = %scan3A_124 to %scan3A_126 step %scan3A_127 iter_args(%scan3A_157 = %scan3A_123) -> (i32)  : i32 {
      %dma_wait3A = arith.constant 0 : i32
      %dma_wait3A_158 = arith.constant 0 : i32
      %dma_wait3A_159 = arith.constant 0 : i32
      %dma_wait3A_160 = arith.constant 0 : i32
      %dma_wait3A_161 = arith.constant 0 : i32
      %dma_wait3A_162 = tpu.memref_slice %arg8[%dma_wait3A, %dma_wait3A_158, %dma_wait3A_160, %dma_wait3A_161] : memref<2x20x125x16xf32, #tpu.memory_space<vmem>> -> memref<1x1x125x16xf32, #tpu.memory_space<vmem>>
      %dma_wait3A_163 = tpu.memref_squeeze %dma_wait3A_162 : memref<1x1x125x16xf32, #tpu.memory_space<vmem>> -> memref<125x16xf32, #tpu.memory_space<vmem>>
      %dma_wait3A_164 = arith.constant 0 : i32
      %dma_wait3A_165 = tpu.memref_slice %arg7[%dma_wait3A_159, %dma_wait3A_164] : memref<80x125xi32, #tpu.memory_space<vmem>> -> memref<1x125xi32, #tpu.memory_space<vmem>>
      %dma_wait3A_166 = tpu.memref_squeeze %dma_wait3A_165 : memref<1x125xi32, #tpu.memory_space<vmem>> -> memref<125xi32, #tpu.memory_space<vmem>>
      %dma_wait3A_167 = arith.constant 0 : i32
      %dma_wait3A_168 = arith.constant 0 : i32
      %dma_wait3A_169 = tpu.memref_slice %arg10[%dma_wait3A_167, %dma_wait3A_168] : memref<10240x16xf32, #tpu.memory_space<vmem_shared>> -> memref<10240x16xf32, #tpu.memory_space<vmem_shared>>
      tpu.wait_indirect_dma semaphore(%arg12 : memref<!tpu.dma_semaphore, #tpu.memory_space<semaphore_mem>>) src(%dma_wait3A_163 : memref<125x16xf32, #tpu.memory_space<vmem>>) dst(%dma_wait3A_169 : memref<10240x16xf32, #tpu.memory_space<vmem_shared>>)
      %scan3A_170 = arith.constant 0 : i32
      scf.yield %scan3A_170 : i32
    }
    %scan3A_129 = arith.constant 20 : i32
    %scan3A_130 = arith.constant 0 : i32
    %scan3A_131 = arith.constant 0 : i32
    %scan3A_132 = arith.constant 20 : i32
    %scan3A_133 = arith.addi %scan3A_131, %scan3A_132 : i32
    %scan3A_134 = arith.constant 1 : i32
    %scan3A_135 = scf.for %scan3A_156 = %scan3A_131 to %scan3A_133 step %scan3A_134 iter_args(%scan3A_157 = %scan3A_130) -> (i32)  : i32 {
      %dma_wait3A = arith.constant 0 : i32
      %dma_wait3A_158 = arith.constant 0 : i32
      %dma_wait3A_159 = arith.constant 0 : i32
      %dma_wait3A_160 = arith.constant 0 : i32
      %dma_wait3A_161 = arith.constant 0 : i32
      %dma_wait3A_162 = tpu.memref_slice %arg8[%dma_wait3A_158, %dma_wait3A_159, %dma_wait3A_160, %dma_wait3A_161] : memref<2x20x125x16xf32, #tpu.memory_space<vmem>> -> memref<1x1x125x16xf32, #tpu.memory_space<vmem>>
      %dma_wait3A_163 = tpu.memref_squeeze %dma_wait3A_162 : memref<1x1x125x16xf32, #tpu.memory_space<vmem>> -> memref<125x16xf32, #tpu.memory_space<vmem>>
      %dma_wait3A_164 = arith.constant 0 : i32
      %dma_wait3A_165 = tpu.memref_slice %arg6[%dma_wait3A, %dma_wait3A_164] : memref<80x125xi32, #tpu.memory_space<vmem>> -> memref<1x125xi32, #tpu.memory_space<vmem>>
      %dma_wait3A_166 = tpu.memref_squeeze %dma_wait3A_165 : memref<1x125xi32, #tpu.memory_space<vmem>> -> memref<125xi32, #tpu.memory_space<vmem>>
      %dma_wait3A_167 = arith.constant 0 : i32
      %dma_wait3A_168 = arith.constant 0 : i32
      %dma_wait3A_169 = tpu.memref_slice %arg2[%dma_wait3A_167, %dma_wait3A_168] : memref<10000x16xf32, #tpu.memory_space<hbm>> -> memref<10000x16xf32, #tpu.memory_space<hbm>>
      tpu.wait_indirect_dma semaphore(%arg11 : memref<!tpu.dma_semaphore, #tpu.memory_space<semaphore_mem>>) src(%dma_wait3A_169 : memref<10000x16xf32, #tpu.memory_space<hbm>>) dst(%dma_wait3A_163 : memref<125x16xf32, #tpu.memory_space<vmem>>)
      %scan3A_170 = arith.constant 0 : i32
      scf.yield %scan3A_170 : i32
    }
    %scan3A_136 = arith.constant 20 : i32
    %scan3A_137 = arith.constant 0 : i32
    %scan3A_138 = arith.constant 0 : i32
    %scan3A_139 = arith.constant 20 : i32
    %scan3A_140 = arith.addi %scan3A_138, %scan3A_139 : i32
    %scan3A_141 = arith.constant 1 : i32
    %scan3A_142 = scf.for %scan3A_156 = %scan3A_138 to %scan3A_140 step %scan3A_141 iter_args(%scan3A_157 = %scan3A_137) -> (i32)  : i32 {
      %add3A_158 = arith.constant 60 : i32
      %add3A_159 = arith.addi %add3A_158, %scan3A_156 : i32
      %dma_start3A = arith.constant 1 : i32
      %dma_start3A_160 = arith.constant 0 : i32
      %dma_start3A_161 = arith.constant 0 : i32
      %dma_start3A_162 = tpu.memref_slice %arg8[%dma_start3A, %scan3A_156, %dma_start3A_160, %dma_start3A_161] : memref<2x20x125x16xf32, #tpu.memory_space<vmem>> -> memref<1x1x125x16xf32, #tpu.memory_space<vmem>>
      %dma_start3A_163 = tpu.memref_squeeze %dma_start3A_162 : memref<1x1x125x16xf32, #tpu.memory_space<vmem>> -> memref<125x16xf32, #tpu.memory_space<vmem>>
      %dma_start3A_164 = arith.constant 0 : i32
      %dma_start3A_165 = tpu.memref_slice %arg7[%add3A_159, %dma_start3A_164] : memref<80x125xi32, #tpu.memory_space<vmem>> -> memref<1x125xi32, #tpu.memory_space<vmem>>
      %dma_start3A_166 = tpu.memref_squeeze %dma_start3A_165 : memref<1x125xi32, #tpu.memory_space<vmem>> -> memref<125xi32, #tpu.memory_space<vmem>>
      %dma_start3A_167 = arith.constant 0 : i32
      %dma_start3A_168 = arith.constant 0 : i32
      %dma_start3A_169 = tpu.memref_slice %arg10[%dma_start3A_167, %dma_start3A_168] : memref<10240x16xf32, #tpu.memory_space<vmem_shared>> -> memref<10240x16xf32, #tpu.memory_space<vmem_shared>>
      tpu.enqueue_indirect_dma source(%dma_start3A_163 : memref<125x16xf32, #tpu.memory_space<vmem>>) target(%dma_start3A_169 : memref<10240x16xf32, #tpu.memory_space<vmem_shared>>) offsets(%dma_start3A_166 : memref<125xi32, #tpu.memory_space<vmem>>) semaphore(%arg12 : memref<!tpu.dma_semaphore, #tpu.memory_space<semaphore_mem>>) {add = true}
      %scan3A_170 = arith.constant 0 : i32
      scf.yield %scan3A_170 : i32
    }
    %scan3A_143 = arith.constant 20 : i32
    %scan3A_144 = arith.constant 0 : i32
    %scan3A_145 = arith.constant 0 : i32
    %scan3A_146 = arith.constant 20 : i32
    %scan3A_147 = arith.addi %scan3A_145, %scan3A_146 : i32
    %scan3A_148 = arith.constant 1 : i32
    %scan3A_149 = scf.for %scan3A_156 = %scan3A_145 to %scan3A_147 step %scan3A_148 iter_args(%scan3A_157 = %scan3A_144) -> (i32)  : i32 {
      %dma_wait3A = arith.constant 0 : i32
      %dma_wait3A_158 = arith.constant 0 : i32
      %dma_wait3A_159 = arith.constant 0 : i32
      %dma_wait3A_160 = arith.constant 0 : i32
      %dma_wait3A_161 = arith.constant 0 : i32
      %dma_wait3A_162 = tpu.memref_slice %arg8[%dma_wait3A, %dma_wait3A_158, %dma_wait3A_160, %dma_wait3A_161] : memref<2x20x125x16xf32, #tpu.memory_space<vmem>> -> memref<1x1x125x16xf32, #tpu.memory_space<vmem>>
      %dma_wait3A_163 = tpu.memref_squeeze %dma_wait3A_162 : memref<1x1x125x16xf32, #tpu.memory_space<vmem>> -> memref<125x16xf32, #tpu.memory_space<vmem>>
      %dma_wait3A_164 = arith.constant 0 : i32
      %dma_wait3A_165 = tpu.memref_slice %arg7[%dma_wait3A_159, %dma_wait3A_164] : memref<80x125xi32, #tpu.memory_space<vmem>> -> memref<1x125xi32, #tpu.memory_space<vmem>>
      %dma_wait3A_166 = tpu.memref_squeeze %dma_wait3A_165 : memref<1x125xi32, #tpu.memory_space<vmem>> -> memref<125xi32, #tpu.memory_space<vmem>>
      %dma_wait3A_167 = arith.constant 0 : i32
      %dma_wait3A_168 = arith.constant 0 : i32
      %dma_wait3A_169 = tpu.memref_slice %arg10[%dma_wait3A_167, %dma_wait3A_168] : memref<10240x16xf32, #tpu.memory_space<vmem_shared>> -> memref<10240x16xf32, #tpu.memory_space<vmem_shared>>
      tpu.wait_indirect_dma semaphore(%arg12 : memref<!tpu.dma_semaphore, #tpu.memory_space<semaphore_mem>>) src(%dma_wait3A_163 : memref<125x16xf32, #tpu.memory_space<vmem>>) dst(%dma_wait3A_169 : memref<10240x16xf32, #tpu.memory_space<vmem_shared>>)
      %scan3A_170 = arith.constant 0 : i32
      scf.yield %scan3A_170 : i32
    }
    %scan3A_150 = arith.constant 20 : i32
    %barrier3A_151 = arith.constant 0 : index
    tpu.barrier barrier_id(%barrier3A_151)
    %mul3A_152 = arith.constant 640 : i32
    %mul3A_153 = arith.muli %arg1, %mul3A_152 : i32
    %mul3A_154 = arith.constant 640 : i32
    %mul3A_155 = arith.muli %arg1, %mul3A_154 : i32
    "tpu.region"() ({
      %run_scoped3A = tpu.sem_alloc : memref<!tpu.dma_semaphore, #tpu.memory_space<semaphore_mem>>
      %dma_start3A = arith.constant 0 : i32
      %dma_start3A_156 = tpu.memref_slice %arg5[%arg0, %mul3A_155, %dma_start3A] : memref<2x10240x16xf32, #tpu.memory_space<hbm>> -> memref<1x640x16xf32, #tpu.memory_space<hbm>>
      %dma_start3A_157 = tpu.memref_squeeze %dma_start3A_156 : memref<1x640x16xf32, #tpu.memory_space<hbm>> -> memref<640x16xf32, #tpu.memory_space<hbm>>
      %dma_start3A_158 = arith.constant 0 : i32
      %dma_start3A_159 = tpu.memref_slice %arg10[%mul3A_153, %dma_start3A_158] : memref<10240x16xf32, #tpu.memory_space<vmem_shared>> -> memref<640x16xf32, #tpu.memory_space<vmem_shared>>
      tpu.enqueue_dma source(%dma_start3A_159 : memref<640x16xf32, #tpu.memory_space<vmem_shared>>) target(%dma_start3A_157 : memref<640x16xf32, #tpu.memory_space<hbm>>) target_semaphore(%run_scoped3A : memref<!tpu.dma_semaphore, #tpu.memory_space<semaphore_mem>>)
      %dma_wait3A = arith.constant 0 : i32
      %dma_wait3A_160 = tpu.memref_slice %arg5[%arg0, %mul3A_155, %dma_wait3A] : memref<2x10240x16xf32, #tpu.memory_space<hbm>> -> memref<1x640x16xf32, #tpu.memory_space<hbm>>
      %dma_wait3A_161 = tpu.memref_squeeze %dma_wait3A_160 : memref<1x640x16xf32, #tpu.memory_space<hbm>> -> memref<640x16xf32, #tpu.memory_space<hbm>>
      %dma_wait3A_162 = arith.constant 0 : i32
      %dma_wait3A_163 = tpu.memref_slice %arg10[%mul3A_153, %dma_wait3A_162] : memref<10240x16xf32, #tpu.memory_space<vmem_shared>> -> memref<640x16xf32, #tpu.memory_space<vmem_shared>>
      tpu.wait_dma2 semaphore(%run_scoped3A : memref<!tpu.dma_semaphore, #tpu.memory_space<semaphore_mem>>) src(%dma_wait3A_163 : memref<640x16xf32, #tpu.memory_space<vmem_shared>>) dst(%dma_wait3A_161 : memref<640x16xf32, #tpu.memory_space<hbm>>)
      tpu.yield
    }) : () -> ()
    return
  }
}

#map = affine_map<(d0, d1) -> (0, 0, 0)>
#map1 = affine_map<(d0, d1) -> (0, 0)>
module attributes {stable_mosaic.version = 14 : i64} {
  func.func @_sc_degree(%arg0: i32, %arg1: i32, %arg2: memref<32x80x125xi32, #tpu.memory_space<hbm>>, %arg3: memref<2x10240xf32, #tpu.memory_space<hbm>>, %arg4: memref<80x125xi32, #tpu.memory_space<vmem>>, %arg5: memref<128xf32, #tpu.memory_space<vmem>>, %arg6: memref<640xf32, #tpu.memory_space<vmem>>, %arg7: memref<10240xf32, #tpu.memory_space<vmem_shared>>, %arg8: memref<!tpu.dma_semaphore, #tpu.memory_space<semaphore_mem>>) attributes {dimension_semantics = [#tpu.dimension_semantics<core_parallel>, #tpu.dimension_semantics<subcore_parallel>], iteration_bounds = array<i64: 2, 16>, scalar_prefetch = 0 : i64, scratch_operands = 5 : i64, tpu.core_type = #tpu.core_type<sc_vector_subcore>, window_params = [{transform_indices = #map}, {transform_indices = #map1}]} {
    %mul3A = arith.constant 16 : i32
    %mul3A_0 = arith.muli %arg0, %mul3A : i32
    %add3A = arith.addi %mul3A_0, %arg1 : i32
    %scan3A = arith.constant 0 : i32
    %scan3A_1 = arith.constant 0 : i32
    %scan3A_2 = arith.constant 40 : i32
    %scan3A_3 = arith.addi %scan3A_1, %scan3A_2 : i32
    %scan3A_4 = arith.constant 1 : i32
    %scan3A_5 = scf.for %scan3A_35 = %scan3A_1 to %scan3A_3 step %scan3A_4 iter_args(%scan3A_36 = %scan3A) -> (i32)  : i32 {
      %broadcast_in_dim3A = arith.constant 0.000000e+00 : f32
      %broadcast_in_dim3A_37 = vector.broadcast %broadcast_in_dim3A : f32 to vector<16xf32>
      %mul3A_38 = arith.constant 16 : i32
      %mul3A_39 = arith.muli %scan3A_35, %mul3A_38 : i32
      %swap3A = arith.index_cast %mul3A_39 : i32 to index
      %swap3A_40 = tpu.vector_load %arg6[%swap3A] {strides = array<i32>} : memref<640xf32, #tpu.memory_space<vmem>>, vector<16xf32>,
      %swap3A_41 = vector.shape_cast %swap3A_40 : vector<16xf32> to vector<16xf32>
      %swap3A_42 = vector.shape_cast %broadcast_in_dim3A_37 : vector<16xf32> to vector<16xf32>
      tpu.vector_store %arg6[%swap3A], %swap3A_42 {strides = array<i32>} : memref<640xf32, #tpu.memory_space<vmem>>, vector<16xf32>,
      %scan3A_43 = arith.constant 0 : i32
      scf.yield %scan3A_43 : i32
    }
    %scan3A_6 = arith.constant 40 : i32
    %scan3A_7 = arith.constant 0 : i32
    %scan3A_8 = arith.constant 0 : i32
    %scan3A_9 = arith.constant 8 : i32
    %scan3A_10 = arith.addi %scan3A_8, %scan3A_9 : i32
    %scan3A_11 = arith.constant 1 : i32
    %scan3A_12 = scf.for %scan3A_35 = %scan3A_8 to %scan3A_10 step %scan3A_11 iter_args(%scan3A_36 = %scan3A_7) -> (i32)  : i32 {
      %broadcast_in_dim3A = arith.constant 1.000000e+00 : f32
      %broadcast_in_dim3A_37 = vector.broadcast %broadcast_in_dim3A : f32 to vector<16xf32>
      %mul3A_38 = arith.constant 16 : i32
      %mul3A_39 = arith.muli %scan3A_35, %mul3A_38 : i32
      %swap3A = arith.index_cast %mul3A_39 : i32 to index
      %swap3A_40 = tpu.vector_load %arg5[%swap3A] {strides = array<i32>} : memref<128xf32, #tpu.memory_space<vmem>>, vector<16xf32>,
      %swap3A_41 = vector.shape_cast %swap3A_40 : vector<16xf32> to vector<16xf32>
      %swap3A_42 = vector.shape_cast %broadcast_in_dim3A_37 : vector<16xf32> to vector<16xf32>
      tpu.vector_store %arg5[%swap3A], %swap3A_42 {strides = array<i32>} : memref<128xf32, #tpu.memory_space<vmem>>, vector<16xf32>,
      %scan3A_43 = arith.constant 0 : i32
      scf.yield %scan3A_43 : i32
    }
    %scan3A_13 = arith.constant 8 : i32
    %mul3A_14 = arith.constant 640 : i32
    %mul3A_15 = arith.muli %arg1, %mul3A_14 : i32
    "tpu.region"() ({
      %run_scoped3A = tpu.sem_alloc : memref<!tpu.dma_semaphore, #tpu.memory_space<semaphore_mem>>
      %dma_start3A = tpu.memref_slice %arg7[%mul3A_15] : memref<10240xf32, #tpu.memory_space<vmem_shared>> -> memref<640xf32, #tpu.memory_space<vmem_shared>>
      %dma_start3A_35 = tpu.memref_slice %arg7[%mul3A_15] : memref<10240xf32, #tpu.memory_space<vmem_shared>> -> memref<640xf32, #tpu.memory_space<vmem_shared>>
      tpu.enqueue_dma source(%arg6 : memref<640xf32, #tpu.memory_space<vmem>>) target(%dma_start3A_35 : memref<640xf32, #tpu.memory_space<vmem_shared>>) target_semaphore(%run_scoped3A : memref<!tpu.dma_semaphore, #tpu.memory_space<semaphore_mem>>)
      %dma_wait3A = tpu.memref_slice %arg7[%mul3A_15] : memref<10240xf32, #tpu.memory_space<vmem_shared>> -> memref<640xf32, #tpu.memory_space<vmem_shared>>
      %dma_wait3A_36 = tpu.memref_slice %arg7[%mul3A_15] : memref<10240xf32, #tpu.memory_space<vmem_shared>> -> memref<640xf32, #tpu.memory_space<vmem_shared>>
      tpu.wait_dma2 semaphore(%run_scoped3A : memref<!tpu.dma_semaphore, #tpu.memory_space<semaphore_mem>>) src(%arg6 : memref<640xf32, #tpu.memory_space<vmem>>) dst(%dma_wait3A_36 : memref<640xf32, #tpu.memory_space<vmem_shared>>)
      tpu.yield
    }) : () -> ()
    "tpu.region"() ({
      %run_scoped3A = tpu.sem_alloc : memref<!tpu.dma_semaphore, #tpu.memory_space<semaphore_mem>>
      %dma_start3A = arith.constant 0 : i32
      %dma_start3A_35 = arith.constant 0 : i32
      %dma_start3A_36 = tpu.memref_slice %arg2[%add3A, %dma_start3A, %dma_start3A_35] : memref<32x80x125xi32, #tpu.memory_space<hbm>> -> memref<1x80x125xi32, #tpu.memory_space<hbm>>
      %dma_start3A_37 = tpu.memref_squeeze %dma_start3A_36 : memref<1x80x125xi32, #tpu.memory_space<hbm>> -> memref<80x125xi32, #tpu.memory_space<hbm>>
      %dma_start3A_38 = arith.constant 0 : i32
      %dma_start3A_39 = arith.constant 0 : i32
      %dma_start3A_40 = tpu.memref_slice %arg2[%add3A, %dma_start3A_38, %dma_start3A_39] : memref<32x80x125xi32, #tpu.memory_space<hbm>> -> memref<1x80x125xi32, #tpu.memory_space<hbm>>
      %dma_start3A_41 = tpu.memref_squeeze %dma_start3A_40 : memref<1x80x125xi32, #tpu.memory_space<hbm>> -> memref<80x125xi32, #tpu.memory_space<hbm>>
      tpu.enqueue_dma source(%dma_start3A_41 : memref<80x125xi32, #tpu.memory_space<hbm>>) target(%arg4 : memref<80x125xi32, #tpu.memory_space<vmem>>) target_semaphore(%run_scoped3A : memref<!tpu.dma_semaphore, #tpu.memory_space<semaphore_mem>>)
      %dma_wait3A = arith.constant 0 : i32
      %dma_wait3A_42 = arith.constant 0 : i32
      %dma_wait3A_43 = tpu.memref_slice %arg2[%add3A, %dma_wait3A, %dma_wait3A_42] : memref<32x80x125xi32, #tpu.memory_space<hbm>> -> memref<1x80x125xi32, #tpu.memory_space<hbm>>
      %dma_wait3A_44 = tpu.memref_squeeze %dma_wait3A_43 : memref<1x80x125xi32, #tpu.memory_space<hbm>> -> memref<80x125xi32, #tpu.memory_space<hbm>>
      %dma_wait3A_45 = arith.constant 0 : i32
      %dma_wait3A_46 = arith.constant 0 : i32
      %dma_wait3A_47 = tpu.memref_slice %arg2[%add3A, %dma_wait3A_45, %dma_wait3A_46] : memref<32x80x125xi32, #tpu.memory_space<hbm>> -> memref<1x80x125xi32, #tpu.memory_space<hbm>>
      %dma_wait3A_48 = tpu.memref_squeeze %dma_wait3A_47 : memref<1x80x125xi32, #tpu.memory_space<hbm>> -> memref<80x125xi32, #tpu.memory_space<hbm>>
      tpu.wait_dma2 semaphore(%run_scoped3A : memref<!tpu.dma_semaphore, #tpu.memory_space<semaphore_mem>>) src(%dma_wait3A_48 : memref<80x125xi32, #tpu.memory_space<hbm>>) dst(%arg4 : memref<80x125xi32, #tpu.memory_space<vmem>>)
      tpu.yield
    }) : () -> ()
    %barrier3A = arith.constant 0 : index
    tpu.barrier barrier_id(%barrier3A)
    %scan3A_16 = arith.constant 0 : i32
    %scan3A_17 = arith.constant 0 : i32
    %scan3A_18 = arith.constant 80 : i32
    %scan3A_19 = arith.addi %scan3A_17, %scan3A_18 : i32
    %scan3A_20 = arith.constant 1 : i32
    %scan3A_21 = scf.for %scan3A_35 = %scan3A_17 to %scan3A_19 step %scan3A_20 iter_args(%scan3A_36 = %scan3A_16) -> (i32)  : i32 {
      %dma_start3A = arith.constant 0 : i32
      %dma_start3A_37 = tpu.memref_slice %arg5[%dma_start3A] : memref<128xf32, #tpu.memory_space<vmem>> -> memref<125xf32, #tpu.memory_space<vmem>>
      %dma_start3A_38 = arith.constant 0 : i32
      %dma_start3A_39 = tpu.memref_slice %arg4[%scan3A_35, %dma_start3A_38] : memref<80x125xi32, #tpu.memory_space<vmem>> -> memref<1x125xi32, #tpu.memory_space<vmem>>
      %dma_start3A_40 = tpu.memref_squeeze %dma_start3A_39 : memref<1x125xi32, #tpu.memory_space<vmem>> -> memref<125xi32, #tpu.memory_space<vmem>>
      %dma_start3A_41 = arith.constant 0 : i32
      %dma_start3A_42 = tpu.memref_slice %arg7[%dma_start3A_41] : memref<10240xf32, #tpu.memory_space<vmem_shared>> -> memref<10240xf32, #tpu.memory_space<vmem_shared>>
      tpu.enqueue_indirect_dma source(%dma_start3A_37 : memref<125xf32, #tpu.memory_space<vmem>>) target(%dma_start3A_42 : memref<10240xf32, #tpu.memory_space<vmem_shared>>) offsets(%dma_start3A_40 : memref<125xi32, #tpu.memory_space<vmem>>) semaphore(%arg8 : memref<!tpu.dma_semaphore, #tpu.memory_space<semaphore_mem>>) {add = true}
      %scan3A_43 = arith.constant 0 : i32
      scf.yield %scan3A_43 : i32
    }
    %scan3A_22 = arith.constant 80 : i32
    %scan3A_23 = arith.constant 0 : i32
    %scan3A_24 = arith.constant 0 : i32
    %scan3A_25 = arith.constant 80 : i32
    %scan3A_26 = arith.addi %scan3A_24, %scan3A_25 : i32
    %scan3A_27 = arith.constant 1 : i32
    %scan3A_28 = scf.for %scan3A_35 = %scan3A_24 to %scan3A_26 step %scan3A_27 iter_args(%scan3A_36 = %scan3A_23) -> (i32)  : i32 {
      %dma_wait3A = arith.constant 0 : i32
      %dma_wait3A_37 = arith.constant 0 : i32
      %dma_wait3A_38 = tpu.memref_slice %arg5[%dma_wait3A_37] : memref<128xf32, #tpu.memory_space<vmem>> -> memref<125xf32, #tpu.memory_space<vmem>>
      %dma_wait3A_39 = arith.constant 0 : i32
      %dma_wait3A_40 = tpu.memref_slice %arg4[%dma_wait3A, %dma_wait3A_39] : memref<80x125xi32, #tpu.memory_space<vmem>> -> memref<1x125xi32, #tpu.memory_space<vmem>>
      %dma_wait3A_41 = tpu.memref_squeeze %dma_wait3A_40 : memref<1x125xi32, #tpu.memory_space<vmem>> -> memref<125xi32, #tpu.memory_space<vmem>>
      %dma_wait3A_42 = arith.constant 0 : i32
      %dma_wait3A_43 = tpu.memref_slice %arg7[%dma_wait3A_42] : memref<10240xf32, #tpu.memory_space<vmem_shared>> -> memref<10240xf32, #tpu.memory_space<vmem_shared>>
      tpu.wait_indirect_dma semaphore(%arg8 : memref<!tpu.dma_semaphore, #tpu.memory_space<semaphore_mem>>) src(%dma_wait3A_38 : memref<125xf32, #tpu.memory_space<vmem>>) dst(%dma_wait3A_43 : memref<10240xf32, #tpu.memory_space<vmem_shared>>)
      %scan3A_44 = arith.constant 0 : i32
      scf.yield %scan3A_44 : i32
    }
    %scan3A_29 = arith.constant 80 : i32
    %barrier3A_30 = arith.constant 0 : index
    tpu.barrier barrier_id(%barrier3A_30)
    %mul3A_31 = arith.constant 640 : i32
    %mul3A_32 = arith.muli %arg1, %mul3A_31 : i32
    %mul3A_33 = arith.constant 640 : i32
    %mul3A_34 = arith.muli %arg1, %mul3A_33 : i32
    "tpu.region"() ({
      %run_scoped3A = tpu.sem_alloc : memref<!tpu.dma_semaphore, #tpu.memory_space<semaphore_mem>>
      %dma_start3A = tpu.memref_slice %arg3[%arg0, %mul3A_34] : memref<2x10240xf32, #tpu.memory_space<hbm>> -> memref<1x640xf32, #tpu.memory_space<hbm>>
      %dma_start3A_35 = tpu.memref_squeeze %dma_start3A : memref<1x640xf32, #tpu.memory_space<hbm>> -> memref<640xf32, #tpu.memory_space<hbm>>
      %dma_start3A_36 = tpu.memref_slice %arg7[%mul3A_32] : memref<10240xf32, #tpu.memory_space<vmem_shared>> -> memref<640xf32, #tpu.memory_space<vmem_shared>>
      tpu.enqueue_dma source(%dma_start3A_36 : memref<640xf32, #tpu.memory_space<vmem_shared>>) target(%dma_start3A_35 : memref<640xf32, #tpu.memory_space<hbm>>) target_semaphore(%run_scoped3A : memref<!tpu.dma_semaphore, #tpu.memory_space<semaphore_mem>>)
      %dma_wait3A = tpu.memref_slice %arg3[%arg0, %mul3A_34] : memref<2x10240xf32, #tpu.memory_space<hbm>> -> memref<1x640xf32, #tpu.memory_space<hbm>>
      %dma_wait3A_37 = tpu.memref_squeeze %dma_wait3A : memref<1x640xf32, #tpu.memory_space<hbm>> -> memref<640xf32, #tpu.memory_space<hbm>>
      %dma_wait3A_38 = tpu.memref_slice %arg7[%mul3A_32] : memref<10240xf32, #tpu.memory_space<vmem_shared>> -> memref<640xf32, #tpu.memory_space<vmem_shared>>
      tpu.wait_dma2 semaphore(%run_scoped3A : memref<!tpu.dma_semaphore, #tpu.memory_space<semaphore_mem>>) src(%dma_wait3A_38 : memref<640xf32, #tpu.memory_space<vmem_shared>>) dst(%dma_wait3A_37 : memref<640xf32, #tpu.memory_space<hbm>>)
      tpu.yield
    }) : () -> ()
    return
  }
}

#map = affine_map<(d0, d1) -> (0, 0)>
#map1 = affine_map<(d0, d1) -> (0, 0, 0)>
module attributes {stable_mosaic.version = 14 : i64} {
  func.func @agg(%arg0: i32, %arg1: i32, %arg2: memref<10000x32xf32, #tpu.memory_space<hbm>>, %arg3: memref<32x80x125xi32, #tpu.memory_space<hbm>>, %arg4: memref<32x80x125xi32, #tpu.memory_space<hbm>>, %arg5: memref<2x10240x32xf32, #tpu.memory_space<hbm>>, %arg6: memref<80x125xi32, #tpu.memory_space<vmem>>, %arg7: memref<80x125xi32, #tpu.memory_space<vmem>>, %arg8: memref<2x10x125x32xf32, #tpu.memory_space<vmem>>, %arg9: memref<80x32xf32, #tpu.memory_space<vmem>>, %arg10: memref<10240x32xf32, #tpu.memory_space<vmem_shared>>, %arg11: memref<!tpu.dma_semaphore, #tpu.memory_space<semaphore_mem>>, %arg12: memref<!tpu.dma_semaphore, #tpu.memory_space<semaphore_mem>>) attributes {dimension_semantics = [#tpu.dimension_semantics<core_parallel>, #tpu.dimension_semantics<subcore_parallel>], iteration_bounds = array<i64: 2, 16>, scalar_prefetch = 0 : i64, scratch_operands = 7 : i64, tpu.core_type = #tpu.core_type<sc_vector_subcore>, window_params = [{transform_indices = #map}, {transform_indices = #map1}, {transform_indices = #map1}, {transform_indices = #map1}]} {
    %mul3A = arith.constant 16 : i32
    %mul3A_0 = arith.muli %arg0, %mul3A : i32
    %add3A = arith.addi %mul3A_0, %arg1 : i32
    %scan3A = arith.constant 0 : i32
    %scan3A_1 = arith.constant 0 : i32
    %scan3A_2 = arith.constant 80 : i32
    %scan3A_3 = arith.addi %scan3A_1, %scan3A_2 : i32
    %scan3A_4 = arith.constant 1 : i32
    %scan3A_5 = scf.for %scan3A_268 = %scan3A_1 to %scan3A_3 step %scan3A_4 iter_args(%scan3A_269 = %scan3A) -> (i32)  : i32 {
      %broadcast_in_dim3A = arith.constant 0.000000e+00 : f32
      %broadcast_in_dim3A_270 = vector.broadcast %broadcast_in_dim3A : f32 to vector<16xf32>
      %swap3A = arith.index_cast %scan3A_268 : i32 to index
      %swap3A_271 = arith.constant 0 : index
      %swap3A_272 = tpu.vector_load %arg9[%swap3A, %swap3A_271] {strides = array<i32>} : memref<80x32xf32, #tpu.memory_space<vmem>>, vector<1x16xf32>,
      %swap3A_273 = vector.shape_cast %swap3A_272 : vector<1x16xf32> to vector<16xf32>
      %swap3A_274 = vector.shape_cast %broadcast_in_dim3A_270 : vector<16xf32> to vector<1x16xf32>
      tpu.vector_store %arg9[%swap3A, %swap3A_271], %swap3A_274 {strides = array<i32>} : memref<80x32xf32, #tpu.memory_space<vmem>>, vector<1x16xf32>,
      %broadcast_in_dim3A_275 = arith.constant 0.000000e+00 : f32
      %broadcast_in_dim3A_276 = vector.broadcast %broadcast_in_dim3A_275 : f32 to vector<16xf32>
      %swap3A_277 = arith.index_cast %scan3A_268 : i32 to index
      %swap3A_278 = arith.constant 16 : index
      %swap3A_279 = tpu.vector_load %arg9[%swap3A_277, %swap3A_278] {strides = array<i32>} : memref<80x32xf32, #tpu.memory_space<vmem>>, vector<1x16xf32>,
      %swap3A_280 = vector.shape_cast %swap3A_279 : vector<1x16xf32> to vector<16xf32>
      %swap3A_281 = vector.shape_cast %broadcast_in_dim3A_276 : vector<16xf32> to vector<1x16xf32>
      tpu.vector_store %arg9[%swap3A_277, %swap3A_278], %swap3A_281 {strides = array<i32>} : memref<80x32xf32, #tpu.memory_space<vmem>>, vector<1x16xf32>,
      %scan3A_282 = arith.constant 0 : i32
      scf.yield %scan3A_282 : i32
    }
    %scan3A_6 = arith.constant 80 : i32
    %mul3A_7 = arith.constant 640 : i32
    %mul3A_8 = arith.muli %arg1, %mul3A_7 : i32
    %add3A_9 = arith.constant 0 : i32
    %add3A_10 = arith.addi %mul3A_8, %add3A_9 : i32
    "tpu.region"() ({
      %run_scoped3A = tpu.sem_alloc : memref<!tpu.dma_semaphore, #tpu.memory_space<semaphore_mem>>
      %dma_start3A = arith.constant 0 : i32
      %dma_start3A_268 = tpu.memref_slice %arg10[%add3A_10, %dma_start3A] : memref<10240x32xf32, #tpu.memory_space<vmem_shared>> -> memref<80x32xf32, #tpu.memory_space<vmem_shared>>
      %dma_start3A_269 = arith.constant 0 : i32
      %dma_start3A_270 = tpu.memref_slice %arg10[%add3A_10, %dma_start3A_269] : memref<10240x32xf32, #tpu.memory_space<vmem_shared>> -> memref<80x32xf32, #tpu.memory_space<vmem_shared>>
      tpu.enqueue_dma source(%arg9 : memref<80x32xf32, #tpu.memory_space<vmem>>) target(%dma_start3A_270 : memref<80x32xf32, #tpu.memory_space<vmem_shared>>) target_semaphore(%run_scoped3A : memref<!tpu.dma_semaphore, #tpu.memory_space<semaphore_mem>>)
      %dma_wait3A = arith.constant 0 : i32
      %dma_wait3A_271 = tpu.memref_slice %arg10[%add3A_10, %dma_wait3A] : memref<10240x32xf32, #tpu.memory_space<vmem_shared>> -> memref<80x32xf32, #tpu.memory_space<vmem_shared>>
      %dma_wait3A_272 = arith.constant 0 : i32
      %dma_wait3A_273 = tpu.memref_slice %arg10[%add3A_10, %dma_wait3A_272] : memref<10240x32xf32, #tpu.memory_space<vmem_shared>> -> memref<80x32xf32, #tpu.memory_space<vmem_shared>>
      tpu.wait_dma2 semaphore(%run_scoped3A : memref<!tpu.dma_semaphore, #tpu.memory_space<semaphore_mem>>) src(%arg9 : memref<80x32xf32, #tpu.memory_space<vmem>>) dst(%dma_wait3A_273 : memref<80x32xf32, #tpu.memory_space<vmem_shared>>)
      tpu.yield
    }) : () -> ()
    %mul3A_11 = arith.constant 640 : i32
    %mul3A_12 = arith.muli %arg1, %mul3A_11 : i32
    %add3A_13 = arith.constant 80 : i32
    %add3A_14 = arith.addi %mul3A_12, %add3A_13 : i32
    "tpu.region"() ({
      %run_scoped3A = tpu.sem_alloc : memref<!tpu.dma_semaphore, #tpu.memory_space<semaphore_mem>>
      %dma_start3A = arith.constant 0 : i32
      %dma_start3A_268 = tpu.memref_slice %arg10[%add3A_14, %dma_start3A] : memref<10240x32xf32, #tpu.memory_space<vmem_shared>> -> memref<80x32xf32, #tpu.memory_space<vmem_shared>>
      %dma_start3A_269 = arith.constant 0 : i32
      %dma_start3A_270 = tpu.memref_slice %arg10[%add3A_14, %dma_start3A_269] : memref<10240x32xf32, #tpu.memory_space<vmem_shared>> -> memref<80x32xf32, #tpu.memory_space<vmem_shared>>
      tpu.enqueue_dma source(%arg9 : memref<80x32xf32, #tpu.memory_space<vmem>>) target(%dma_start3A_270 : memref<80x32xf32, #tpu.memory_space<vmem_shared>>) target_semaphore(%run_scoped3A : memref<!tpu.dma_semaphore, #tpu.memory_space<semaphore_mem>>)
      %dma_wait3A = arith.constant 0 : i32
      %dma_wait3A_271 = tpu.memref_slice %arg10[%add3A_14, %dma_wait3A] : memref<10240x32xf32, #tpu.memory_space<vmem_shared>> -> memref<80x32xf32, #tpu.memory_space<vmem_shared>>
      %dma_wait3A_272 = arith.constant 0 : i32
      %dma_wait3A_273 = tpu.memref_slice %arg10[%add3A_14, %dma_wait3A_272] : memref<10240x32xf32, #tpu.memory_space<vmem_shared>> -> memref<80x32xf32, #tpu.memory_space<vmem_shared>>
      tpu.wait_dma2 semaphore(%run_scoped3A : memref<!tpu.dma_semaphore, #tpu.memory_space<semaphore_mem>>) src(%arg9 : memref<80x32xf32, #tpu.memory_space<vmem>>) dst(%dma_wait3A_273 : memref<80x32xf32, #tpu.memory_space<vmem_shared>>)
      tpu.yield
    }) : () -> ()
    %mul3A_15 = arith.constant 640 : i32
    %mul3A_16 = arith.muli %arg1, %mul3A_15 : i32
    %add3A_17 = arith.constant 160 : i32
    %add3A_18 = arith.addi %mul3A_16, %add3A_17 : i32
    "tpu.region"() ({
      %run_scoped3A = tpu.sem_alloc : memref<!tpu.dma_semaphore, #tpu.memory_space<semaphore_mem>>
      %dma_start3A = arith.constant 0 : i32
      %dma_start3A_268 = tpu.memref_slice %arg10[%add3A_18, %dma_start3A] : memref<10240x32xf32, #tpu.memory_space<vmem_shared>> -> memref<80x32xf32, #tpu.memory_space<vmem_shared>>
      %dma_start3A_269 = arith.constant 0 : i32
      %dma_start3A_270 = tpu.memref_slice %arg10[%add3A_18, %dma_start3A_269] : memref<10240x32xf32, #tpu.memory_space<vmem_shared>> -> memref<80x32xf32, #tpu.memory_space<vmem_shared>>
      tpu.enqueue_dma source(%arg9 : memref<80x32xf32, #tpu.memory_space<vmem>>) target(%dma_start3A_270 : memref<80x32xf32, #tpu.memory_space<vmem_shared>>) target_semaphore(%run_scoped3A : memref<!tpu.dma_semaphore, #tpu.memory_space<semaphore_mem>>)
      %dma_wait3A = arith.constant 0 : i32
      %dma_wait3A_271 = tpu.memref_slice %arg10[%add3A_18, %dma_wait3A] : memref<10240x32xf32, #tpu.memory_space<vmem_shared>> -> memref<80x32xf32, #tpu.memory_space<vmem_shared>>
      %dma_wait3A_272 = arith.constant 0 : i32
      %dma_wait3A_273 = tpu.memref_slice %arg10[%add3A_18, %dma_wait3A_272] : memref<10240x32xf32, #tpu.memory_space<vmem_shared>> -> memref<80x32xf32, #tpu.memory_space<vmem_shared>>
      tpu.wait_dma2 semaphore(%run_scoped3A : memref<!tpu.dma_semaphore, #tpu.memory_space<semaphore_mem>>) src(%arg9 : memref<80x32xf32, #tpu.memory_space<vmem>>) dst(%dma_wait3A_273 : memref<80x32xf32, #tpu.memory_space<vmem_shared>>)
      tpu.yield
    }) : () -> ()
    %mul3A_19 = arith.constant 640 : i32
    %mul3A_20 = arith.muli %arg1, %mul3A_19 : i32
    %add3A_21 = arith.constant 240 : i32
    %add3A_22 = arith.addi %mul3A_20, %add3A_21 : i32
    "tpu.region"() ({
      %run_scoped3A = tpu.sem_alloc : memref<!tpu.dma_semaphore, #tpu.memory_space<semaphore_mem>>
      %dma_start3A = arith.constant 0 : i32
      %dma_start3A_268 = tpu.memref_slice %arg10[%add3A_22, %dma_start3A] : memref<10240x32xf32, #tpu.memory_space<vmem_shared>> -> memref<80x32xf32, #tpu.memory_space<vmem_shared>>
      %dma_start3A_269 = arith.constant 0 : i32
      %dma_start3A_270 = tpu.memref_slice %arg10[%add3A_22, %dma_start3A_269] : memref<10240x32xf32, #tpu.memory_space<vmem_shared>> -> memref<80x32xf32, #tpu.memory_space<vmem_shared>>
      tpu.enqueue_dma source(%arg9 : memref<80x32xf32, #tpu.memory_space<vmem>>) target(%dma_start3A_270 : memref<80x32xf32, #tpu.memory_space<vmem_shared>>) target_semaphore(%run_scoped3A : memref<!tpu.dma_semaphore, #tpu.memory_space<semaphore_mem>>)
      %dma_wait3A = arith.constant 0 : i32
      %dma_wait3A_271 = tpu.memref_slice %arg10[%add3A_22, %dma_wait3A] : memref<10240x32xf32, #tpu.memory_space<vmem_shared>> -> memref<80x32xf32, #tpu.memory_space<vmem_shared>>
      %dma_wait3A_272 = arith.constant 0 : i32
      %dma_wait3A_273 = tpu.memref_slice %arg10[%add3A_22, %dma_wait3A_272] : memref<10240x32xf32, #tpu.memory_space<vmem_shared>> -> memref<80x32xf32, #tpu.memory_space<vmem_shared>>
      tpu.wait_dma2 semaphore(%run_scoped3A : memref<!tpu.dma_semaphore, #tpu.memory_space<semaphore_mem>>) src(%arg9 : memref<80x32xf32, #tpu.memory_space<vmem>>) dst(%dma_wait3A_273 : memref<80x32xf32, #tpu.memory_space<vmem_shared>>)
      tpu.yield
    }) : () -> ()
    %mul3A_23 = arith.constant 640 : i32
    %mul3A_24 = arith.muli %arg1, %mul3A_23 : i32
    %add3A_25 = arith.constant 320 : i32
    %add3A_26 = arith.addi %mul3A_24, %add3A_25 : i32
    "tpu.region"() ({
      %run_scoped3A = tpu.sem_alloc : memref<!tpu.dma_semaphore, #tpu.memory_space<semaphore_mem>>
      %dma_start3A = arith.constant 0 : i32
      %dma_start3A_268 = tpu.memref_slice %arg10[%add3A_26, %dma_start3A] : memref<10240x32xf32, #tpu.memory_space<vmem_shared>> -> memref<80x32xf32, #tpu.memory_space<vmem_shared>>
      %dma_start3A_269 = arith.constant 0 : i32
      %dma_start3A_270 = tpu.memref_slice %arg10[%add3A_26, %dma_start3A_269] : memref<10240x32xf32, #tpu.memory_space<vmem_shared>> -> memref<80x32xf32, #tpu.memory_space<vmem_shared>>
      tpu.enqueue_dma source(%arg9 : memref<80x32xf32, #tpu.memory_space<vmem>>) target(%dma_start3A_270 : memref<80x32xf32, #tpu.memory_space<vmem_shared>>) target_semaphore(%run_scoped3A : memref<!tpu.dma_semaphore, #tpu.memory_space<semaphore_mem>>)
      %dma_wait3A = arith.constant 0 : i32
      %dma_wait3A_271 = tpu.memref_slice %arg10[%add3A_26, %dma_wait3A] : memref<10240x32xf32, #tpu.memory_space<vmem_shared>> -> memref<80x32xf32, #tpu.memory_space<vmem_shared>>
      %dma_wait3A_272 = arith.constant 0 : i32
      %dma_wait3A_273 = tpu.memref_slice %arg10[%add3A_26, %dma_wait3A_272] : memref<10240x32xf32, #tpu.memory_space<vmem_shared>> -> memref<80x32xf32, #tpu.memory_space<vmem_shared>>
      tpu.wait_dma2 semaphore(%run_scoped3A : memref<!tpu.dma_semaphore, #tpu.memory_space<semaphore_mem>>) src(%arg9 : memref<80x32xf32, #tpu.memory_space<vmem>>) dst(%dma_wait3A_273 : memref<80x32xf32, #tpu.memory_space<vmem_shared>>)
      tpu.yield
    }) : () -> ()
    %mul3A_27 = arith.constant 640 : i32
    %mul3A_28 = arith.muli %arg1, %mul3A_27 : i32
    %add3A_29 = arith.constant 400 : i32
    %add3A_30 = arith.addi %mul3A_28, %add3A_29 : i32
    "tpu.region"() ({
      %run_scoped3A = tpu.sem_alloc : memref<!tpu.dma_semaphore, #tpu.memory_space<semaphore_mem>>
      %dma_start3A = arith.constant 0 : i32
      %dma_start3A_268 = tpu.memref_slice %arg10[%add3A_30, %dma_start3A] : memref<10240x32xf32, #tpu.memory_space<vmem_shared>> -> memref<80x32xf32, #tpu.memory_space<vmem_shared>>
      %dma_start3A_269 = arith.constant 0 : i32
      %dma_start3A_270 = tpu.memref_slice %arg10[%add3A_30, %dma_start3A_269] : memref<10240x32xf32, #tpu.memory_space<vmem_shared>> -> memref<80x32xf32, #tpu.memory_space<vmem_shared>>
      tpu.enqueue_dma source(%arg9 : memref<80x32xf32, #tpu.memory_space<vmem>>) target(%dma_start3A_270 : memref<80x32xf32, #tpu.memory_space<vmem_shared>>) target_semaphore(%run_scoped3A : memref<!tpu.dma_semaphore, #tpu.memory_space<semaphore_mem>>)
      %dma_wait3A = arith.constant 0 : i32
      %dma_wait3A_271 = tpu.memref_slice %arg10[%add3A_30, %dma_wait3A] : memref<10240x32xf32, #tpu.memory_space<vmem_shared>> -> memref<80x32xf32, #tpu.memory_space<vmem_shared>>
      %dma_wait3A_272 = arith.constant 0 : i32
      %dma_wait3A_273 = tpu.memref_slice %arg10[%add3A_30, %dma_wait3A_272] : memref<10240x32xf32, #tpu.memory_space<vmem_shared>> -> memref<80x32xf32, #tpu.memory_space<vmem_shared>>
      tpu.wait_dma2 semaphore(%run_scoped3A : memref<!tpu.dma_semaphore, #tpu.memory_space<semaphore_mem>>) src(%arg9 : memref<80x32xf32, #tpu.memory_space<vmem>>) dst(%dma_wait3A_273 : memref<80x32xf32, #tpu.memory_space<vmem_shared>>)
      tpu.yield
    }) : () -> ()
    %mul3A_31 = arith.constant 640 : i32
    %mul3A_32 = arith.muli %arg1, %mul3A_31 : i32
    %add3A_33 = arith.constant 480 : i32
    %add3A_34 = arith.addi %mul3A_32, %add3A_33 : i32
    "tpu.region"() ({
      %run_scoped3A = tpu.sem_alloc : memref<!tpu.dma_semaphore, #tpu.memory_space<semaphore_mem>>
      %dma_start3A = arith.constant 0 : i32
      %dma_start3A_268 = tpu.memref_slice %arg10[%add3A_34, %dma_start3A] : memref<10240x32xf32, #tpu.memory_space<vmem_shared>> -> memref<80x32xf32, #tpu.memory_space<vmem_shared>>
      %dma_start3A_269 = arith.constant 0 : i32
      %dma_start3A_270 = tpu.memref_slice %arg10[%add3A_34, %dma_start3A_269] : memref<10240x32xf32, #tpu.memory_space<vmem_shared>> -> memref<80x32xf32, #tpu.memory_space<vmem_shared>>
      tpu.enqueue_dma source(%arg9 : memref<80x32xf32, #tpu.memory_space<vmem>>) target(%dma_start3A_270 : memref<80x32xf32, #tpu.memory_space<vmem_shared>>) target_semaphore(%run_scoped3A : memref<!tpu.dma_semaphore, #tpu.memory_space<semaphore_mem>>)
      %dma_wait3A = arith.constant 0 : i32
      %dma_wait3A_271 = tpu.memref_slice %arg10[%add3A_34, %dma_wait3A] : memref<10240x32xf32, #tpu.memory_space<vmem_shared>> -> memref<80x32xf32, #tpu.memory_space<vmem_shared>>
      %dma_wait3A_272 = arith.constant 0 : i32
      %dma_wait3A_273 = tpu.memref_slice %arg10[%add3A_34, %dma_wait3A_272] : memref<10240x32xf32, #tpu.memory_space<vmem_shared>> -> memref<80x32xf32, #tpu.memory_space<vmem_shared>>
      tpu.wait_dma2 semaphore(%run_scoped3A : memref<!tpu.dma_semaphore, #tpu.memory_space<semaphore_mem>>) src(%arg9 : memref<80x32xf32, #tpu.memory_space<vmem>>) dst(%dma_wait3A_273 : memref<80x32xf32, #tpu.memory_space<vmem_shared>>)
      tpu.yield
    }) : () -> ()
    %mul3A_35 = arith.constant 640 : i32
    %mul3A_36 = arith.muli %arg1, %mul3A_35 : i32
    %add3A_37 = arith.constant 560 : i32
    %add3A_38 = arith.addi %mul3A_36, %add3A_37 : i32
    "tpu.region"() ({
      %run_scoped3A = tpu.sem_alloc : memref<!tpu.dma_semaphore, #tpu.memory_space<semaphore_mem>>
      %dma_start3A = arith.constant 0 : i32
      %dma_start3A_268 = tpu.memref_slice %arg10[%add3A_38, %dma_start3A] : memref<10240x32xf32, #tpu.memory_space<vmem_shared>> -> memref<80x32xf32, #tpu.memory_space<vmem_shared>>
      %dma_start3A_269 = arith.constant 0 : i32
      %dma_start3A_270 = tpu.memref_slice %arg10[%add3A_38, %dma_start3A_269] : memref<10240x32xf32, #tpu.memory_space<vmem_shared>> -> memref<80x32xf32, #tpu.memory_space<vmem_shared>>
      tpu.enqueue_dma source(%arg9 : memref<80x32xf32, #tpu.memory_space<vmem>>) target(%dma_start3A_270 : memref<80x32xf32, #tpu.memory_space<vmem_shared>>) target_semaphore(%run_scoped3A : memref<!tpu.dma_semaphore, #tpu.memory_space<semaphore_mem>>)
      %dma_wait3A = arith.constant 0 : i32
      %dma_wait3A_271 = tpu.memref_slice %arg10[%add3A_38, %dma_wait3A] : memref<10240x32xf32, #tpu.memory_space<vmem_shared>> -> memref<80x32xf32, #tpu.memory_space<vmem_shared>>
      %dma_wait3A_272 = arith.constant 0 : i32
      %dma_wait3A_273 = tpu.memref_slice %arg10[%add3A_38, %dma_wait3A_272] : memref<10240x32xf32, #tpu.memory_space<vmem_shared>> -> memref<80x32xf32, #tpu.memory_space<vmem_shared>>
      tpu.wait_dma2 semaphore(%run_scoped3A : memref<!tpu.dma_semaphore, #tpu.memory_space<semaphore_mem>>) src(%arg9 : memref<80x32xf32, #tpu.memory_space<vmem>>) dst(%dma_wait3A_273 : memref<80x32xf32, #tpu.memory_space<vmem_shared>>)
      tpu.yield
    }) : () -> ()
    "tpu.region"() ({
      %run_scoped3A = tpu.sem_alloc : memref<!tpu.dma_semaphore, #tpu.memory_space<semaphore_mem>>
      %dma_start3A = arith.constant 0 : i32
      %dma_start3A_268 = arith.constant 0 : i32
      %dma_start3A_269 = tpu.memref_slice %arg3[%add3A, %dma_start3A, %dma_start3A_268] : memref<32x80x125xi32, #tpu.memory_space<hbm>> -> memref<1x80x125xi32, #tpu.memory_space<hbm>>
      %dma_start3A_270 = tpu.memref_squeeze %dma_start3A_269 : memref<1x80x125xi32, #tpu.memory_space<hbm>> -> memref<80x125xi32, #tpu.memory_space<hbm>>
      %dma_start3A_271 = arith.constant 0 : i32
      %dma_start3A_272 = arith.constant 0 : i32
      %dma_start3A_273 = tpu.memref_slice %arg3[%add3A, %dma_start3A_271, %dma_start3A_272] : memref<32x80x125xi32, #tpu.memory_space<hbm>> -> memref<1x80x125xi32, #tpu.memory_space<hbm>>
      %dma_start3A_274 = tpu.memref_squeeze %dma_start3A_273 : memref<1x80x125xi32, #tpu.memory_space<hbm>> -> memref<80x125xi32, #tpu.memory_space<hbm>>
      tpu.enqueue_dma source(%dma_start3A_274 : memref<80x125xi32, #tpu.memory_space<hbm>>) target(%arg6 : memref<80x125xi32, #tpu.memory_space<vmem>>) target_semaphore(%run_scoped3A : memref<!tpu.dma_semaphore, #tpu.memory_space<semaphore_mem>>)
      %dma_wait3A = arith.constant 0 : i32
      %dma_wait3A_275 = arith.constant 0 : i32
      %dma_wait3A_276 = tpu.memref_slice %arg3[%add3A, %dma_wait3A, %dma_wait3A_275] : memref<32x80x125xi32, #tpu.memory_space<hbm>> -> memref<1x80x125xi32, #tpu.memory_space<hbm>>
      %dma_wait3A_277 = tpu.memref_squeeze %dma_wait3A_276 : memref<1x80x125xi32, #tpu.memory_space<hbm>> -> memref<80x125xi32, #tpu.memory_space<hbm>>
      %dma_wait3A_278 = arith.constant 0 : i32
      %dma_wait3A_279 = arith.constant 0 : i32
      %dma_wait3A_280 = tpu.memref_slice %arg3[%add3A, %dma_wait3A_278, %dma_wait3A_279] : memref<32x80x125xi32, #tpu.memory_space<hbm>> -> memref<1x80x125xi32, #tpu.memory_space<hbm>>
      %dma_wait3A_281 = tpu.memref_squeeze %dma_wait3A_280 : memref<1x80x125xi32, #tpu.memory_space<hbm>> -> memref<80x125xi32, #tpu.memory_space<hbm>>
      tpu.wait_dma2 semaphore(%run_scoped3A : memref<!tpu.dma_semaphore, #tpu.memory_space<semaphore_mem>>) src(%dma_wait3A_281 : memref<80x125xi32, #tpu.memory_space<hbm>>) dst(%arg6 : memref<80x125xi32, #tpu.memory_space<vmem>>)
      tpu.yield
    }) : () -> ()
    "tpu.region"() ({
      %run_scoped3A = tpu.sem_alloc : memref<!tpu.dma_semaphore, #tpu.memory_space<semaphore_mem>>
      %dma_start3A = arith.constant 0 : i32
      %dma_start3A_268 = arith.constant 0 : i32
      %dma_start3A_269 = tpu.memref_slice %arg4[%add3A, %dma_start3A, %dma_start3A_268] : memref<32x80x125xi32, #tpu.memory_space<hbm>> -> memref<1x80x125xi32, #tpu.memory_space<hbm>>
      %dma_start3A_270 = tpu.memref_squeeze %dma_start3A_269 : memref<1x80x125xi32, #tpu.memory_space<hbm>> -> memref<80x125xi32, #tpu.memory_space<hbm>>
      %dma_start3A_271 = arith.constant 0 : i32
      %dma_start3A_272 = arith.constant 0 : i32
      %dma_start3A_273 = tpu.memref_slice %arg4[%add3A, %dma_start3A_271, %dma_start3A_272] : memref<32x80x125xi32, #tpu.memory_space<hbm>> -> memref<1x80x125xi32, #tpu.memory_space<hbm>>
      %dma_start3A_274 = tpu.memref_squeeze %dma_start3A_273 : memref<1x80x125xi32, #tpu.memory_space<hbm>> -> memref<80x125xi32, #tpu.memory_space<hbm>>
      tpu.enqueue_dma source(%dma_start3A_274 : memref<80x125xi32, #tpu.memory_space<hbm>>) target(%arg7 : memref<80x125xi32, #tpu.memory_space<vmem>>) target_semaphore(%run_scoped3A : memref<!tpu.dma_semaphore, #tpu.memory_space<semaphore_mem>>)
      %dma_wait3A = arith.constant 0 : i32
      %dma_wait3A_275 = arith.constant 0 : i32
      %dma_wait3A_276 = tpu.memref_slice %arg4[%add3A, %dma_wait3A, %dma_wait3A_275] : memref<32x80x125xi32, #tpu.memory_space<hbm>> -> memref<1x80x125xi32, #tpu.memory_space<hbm>>
      %dma_wait3A_277 = tpu.memref_squeeze %dma_wait3A_276 : memref<1x80x125xi32, #tpu.memory_space<hbm>> -> memref<80x125xi32, #tpu.memory_space<hbm>>
      %dma_wait3A_278 = arith.constant 0 : i32
      %dma_wait3A_279 = arith.constant 0 : i32
      %dma_wait3A_280 = tpu.memref_slice %arg4[%add3A, %dma_wait3A_278, %dma_wait3A_279] : memref<32x80x125xi32, #tpu.memory_space<hbm>> -> memref<1x80x125xi32, #tpu.memory_space<hbm>>
      %dma_wait3A_281 = tpu.memref_squeeze %dma_wait3A_280 : memref<1x80x125xi32, #tpu.memory_space<hbm>> -> memref<80x125xi32, #tpu.memory_space<hbm>>
      tpu.wait_dma2 semaphore(%run_scoped3A : memref<!tpu.dma_semaphore, #tpu.memory_space<semaphore_mem>>) src(%dma_wait3A_281 : memref<80x125xi32, #tpu.memory_space<hbm>>) dst(%arg7 : memref<80x125xi32, #tpu.memory_space<vmem>>)
      tpu.yield
    }) : () -> ()
    %barrier3A = arith.constant 0 : index
    tpu.barrier barrier_id(%barrier3A)
    %scan3A_39 = arith.constant 0 : i32
    %scan3A_40 = arith.constant 0 : i32
    %scan3A_41 = arith.constant 10 : i32
    %scan3A_42 = arith.addi %scan3A_40, %scan3A_41 : i32
    %scan3A_43 = arith.constant 1 : i32
    %scan3A_44 = scf.for %scan3A_268 = %scan3A_40 to %scan3A_42 step %scan3A_43 iter_args(%scan3A_269 = %scan3A_39) -> (i32)  : i32 {
      %add3A_270 = arith.constant 0 : i32
      %add3A_271 = arith.addi %add3A_270, %scan3A_268 : i32
      %dma_start3A = arith.constant 0 : i32
      %dma_start3A_272 = arith.constant 0 : i32
      %dma_start3A_273 = arith.constant 0 : i32
      %dma_start3A_274 = tpu.memref_slice %arg8[%dma_start3A, %scan3A_268, %dma_start3A_272, %dma_start3A_273] : memref<2x10x125x32xf32, #tpu.memory_space<vmem>> -> memref<1x1x125x32xf32, #tpu.memory_space<vmem>>
      %dma_start3A_275 = tpu.memref_squeeze %dma_start3A_274 : memref<1x1x125x32xf32, #tpu.memory_space<vmem>> -> memref<125x32xf32, #tpu.memory_space<vmem>>
      %dma_start3A_276 = arith.constant 0 : i32
      %dma_start3A_277 = tpu.memref_slice %arg6[%add3A_271, %dma_start3A_276] : memref<80x125xi32, #tpu.memory_space<vmem>> -> memref<1x125xi32, #tpu.memory_space<vmem>>
      %dma_start3A_278 = tpu.memref_squeeze %dma_start3A_277 : memref<1x125xi32, #tpu.memory_space<vmem>> -> memref<125xi32, #tpu.memory_space<vmem>>
      %dma_start3A_279 = arith.constant 0 : i32
      %dma_start3A_280 = arith.constant 0 : i32
      %dma_start3A_281 = tpu.memref_slice %arg2[%dma_start3A_279, %dma_start3A_280] : memref<10000x32xf32, #tpu.memory_space<hbm>> -> memref<10000x32xf32, #tpu.memory_space<hbm>>
      tpu.enqueue_indirect_dma source(%dma_start3A_281 : memref<10000x32xf32, #tpu.memory_space<hbm>>) target(%dma_start3A_275 : memref<125x32xf32, #tpu.memory_space<vmem>>) offsets(%dma_start3A_278 : memref<125xi32, #tpu.memory_space<vmem>>) semaphore(%arg11 : memref<!tpu.dma_semaphore, #tpu.memory_space<semaphore_mem>>)
      %scan3A_282 = arith.constant 0 : i32
      scf.yield %scan3A_282 : i32
    }
    %scan3A_45 = arith.constant 10 : i32
    %scan3A_46 = arith.constant 0 : i32
    %scan3A_47 = arith.constant 0 : i32
    %scan3A_48 = arith.constant 10 : i32
    %scan3A_49 = arith.addi %scan3A_47, %scan3A_48 : i32
    %scan3A_50 = arith.constant 1 : i32
    %scan3A_51 = scf.for %scan3A_268 = %scan3A_47 to %scan3A_49 step %scan3A_50 iter_args(%scan3A_269 = %scan3A_46) -> (i32)  : i32 {
      %dma_wait3A = arith.constant 0 : i32
      %dma_wait3A_270 = arith.constant 0 : i32
      %dma_wait3A_271 = arith.constant 0 : i32
      %dma_wait3A_272 = arith.constant 0 : i32
      %dma_wait3A_273 = arith.constant 0 : i32
      %dma_wait3A_274 = tpu.memref_slice %arg8[%dma_wait3A_270, %dma_wait3A_271, %dma_wait3A_272, %dma_wait3A_273] : memref<2x10x125x32xf32, #tpu.memory_space<vmem>> -> memref<1x1x125x32xf32, #tpu.memory_space<vmem>>
      %dma_wait3A_275 = tpu.memref_squeeze %dma_wait3A_274 : memref<1x1x125x32xf32, #tpu.memory_space<vmem>> -> memref<125x32xf32, #tpu.memory_space<vmem>>
      %dma_wait3A_276 = arith.constant 0 : i32
      %dma_wait3A_277 = tpu.memref_slice %arg6[%dma_wait3A, %dma_wait3A_276] : memref<80x125xi32, #tpu.memory_space<vmem>> -> memref<1x125xi32, #tpu.memory_space<vmem>>
      %dma_wait3A_278 = tpu.memref_squeeze %dma_wait3A_277 : memref<1x125xi32, #tpu.memory_space<vmem>> -> memref<125xi32, #tpu.memory_space<vmem>>
      %dma_wait3A_279 = arith.constant 0 : i32
      %dma_wait3A_280 = arith.constant 0 : i32
      %dma_wait3A_281 = tpu.memref_slice %arg2[%dma_wait3A_279, %dma_wait3A_280] : memref<10000x32xf32, #tpu.memory_space<hbm>> -> memref<10000x32xf32, #tpu.memory_space<hbm>>
      tpu.wait_indirect_dma semaphore(%arg11 : memref<!tpu.dma_semaphore, #tpu.memory_space<semaphore_mem>>) src(%dma_wait3A_281 : memref<10000x32xf32, #tpu.memory_space<hbm>>) dst(%dma_wait3A_275 : memref<125x32xf32, #tpu.memory_space<vmem>>)
      %scan3A_282 = arith.constant 0 : i32
      scf.yield %scan3A_282 : i32
    }
    %scan3A_52 = arith.constant 10 : i32
    %scan3A_53 = arith.constant 0 : i32
    %scan3A_54 = arith.constant 0 : i32
    %scan3A_55 = arith.constant 10 : i32
    %scan3A_56 = arith.addi %scan3A_54, %scan3A_55 : i32
    %scan3A_57 = arith.constant 1 : i32
    %scan3A_58 = scf.for %scan3A_268 = %scan3A_54 to %scan3A_56 step %scan3A_57 iter_args(%scan3A_269 = %scan3A_53) -> (i32)  : i32 {
      %add3A_270 = arith.constant 10 : i32
      %add3A_271 = arith.addi %add3A_270, %scan3A_268 : i32
      %dma_start3A = arith.constant 1 : i32
      %dma_start3A_272 = arith.constant 0 : i32
      %dma_start3A_273 = arith.constant 0 : i32
      %dma_start3A_274 = tpu.memref_slice %arg8[%dma_start3A, %scan3A_268, %dma_start3A_272, %dma_start3A_273] : memref<2x10x125x32xf32, #tpu.memory_space<vmem>> -> memref<1x1x125x32xf32, #tpu.memory_space<vmem>>
      %dma_start3A_275 = tpu.memref_squeeze %dma_start3A_274 : memref<1x1x125x32xf32, #tpu.memory_space<vmem>> -> memref<125x32xf32, #tpu.memory_space<vmem>>
      %dma_start3A_276 = arith.constant 0 : i32
      %dma_start3A_277 = tpu.memref_slice %arg6[%add3A_271, %dma_start3A_276] : memref<80x125xi32, #tpu.memory_space<vmem>> -> memref<1x125xi32, #tpu.memory_space<vmem>>
      %dma_start3A_278 = tpu.memref_squeeze %dma_start3A_277 : memref<1x125xi32, #tpu.memory_space<vmem>> -> memref<125xi32, #tpu.memory_space<vmem>>
      %dma_start3A_279 = arith.constant 0 : i32
      %dma_start3A_280 = arith.constant 0 : i32
      %dma_start3A_281 = tpu.memref_slice %arg2[%dma_start3A_279, %dma_start3A_280] : memref<10000x32xf32, #tpu.memory_space<hbm>> -> memref<10000x32xf32, #tpu.memory_space<hbm>>
      tpu.enqueue_indirect_dma source(%dma_start3A_281 : memref<10000x32xf32, #tpu.memory_space<hbm>>) target(%dma_start3A_275 : memref<125x32xf32, #tpu.memory_space<vmem>>) offsets(%dma_start3A_278 : memref<125xi32, #tpu.memory_space<vmem>>) semaphore(%arg11 : memref<!tpu.dma_semaphore, #tpu.memory_space<semaphore_mem>>)
      %scan3A_282 = arith.constant 0 : i32
      scf.yield %scan3A_282 : i32
    }
    %scan3A_59 = arith.constant 10 : i32
    %scan3A_60 = arith.constant 0 : i32
    %scan3A_61 = arith.constant 0 : i32
    %scan3A_62 = arith.constant 10 : i32
    %scan3A_63 = arith.addi %scan3A_61, %scan3A_62 : i32
    %scan3A_64 = arith.constant 1 : i32
    %scan3A_65 = scf.for %scan3A_268 = %scan3A_61 to %scan3A_63 step %scan3A_64 iter_args(%scan3A_269 = %scan3A_60) -> (i32)  : i32 {
      %add3A_270 = arith.constant 0 : i32
      %add3A_271 = arith.addi %add3A_270, %scan3A_268 : i32
      %dma_start3A = arith.constant 0 : i32
      %dma_start3A_272 = arith.constant 0 : i32
      %dma_start3A_273 = arith.constant 0 : i32
      %dma_start3A_274 = tpu.memref_slice %arg8[%dma_start3A, %scan3A_268, %dma_start3A_272, %dma_start3A_273] : memref<2x10x125x32xf32, #tpu.memory_space<vmem>> -> memref<1x1x125x32xf32, #tpu.memory_space<vmem>>
      %dma_start3A_275 = tpu.memref_squeeze %dma_start3A_274 : memref<1x1x125x32xf32, #tpu.memory_space<vmem>> -> memref<125x32xf32, #tpu.memory_space<vmem>>
      %dma_start3A_276 = arith.constant 0 : i32
      %dma_start3A_277 = tpu.memref_slice %arg7[%add3A_271, %dma_start3A_276] : memref<80x125xi32, #tpu.memory_space<vmem>> -> memref<1x125xi32, #tpu.memory_space<vmem>>
      %dma_start3A_278 = tpu.memref_squeeze %dma_start3A_277 : memref<1x125xi32, #tpu.memory_space<vmem>> -> memref<125xi32, #tpu.memory_space<vmem>>
      %dma_start3A_279 = arith.constant 0 : i32
      %dma_start3A_280 = arith.constant 0 : i32
      %dma_start3A_281 = tpu.memref_slice %arg10[%dma_start3A_279, %dma_start3A_280] : memref<10240x32xf32, #tpu.memory_space<vmem_shared>> -> memref<10240x32xf32, #tpu.memory_space<vmem_shared>>
      tpu.enqueue_indirect_dma source(%dma_start3A_275 : memref<125x32xf32, #tpu.memory_space<vmem>>) target(%dma_start3A_281 : memref<10240x32xf32, #tpu.memory_space<vmem_shared>>) offsets(%dma_start3A_278 : memref<125xi32, #tpu.memory_space<vmem>>) semaphore(%arg12 : memref<!tpu.dma_semaphore, #tpu.memory_space<semaphore_mem>>) {add = true}
      %scan3A_282 = arith.constant 0 : i32
      scf.yield %scan3A_282 : i32
    }
    %scan3A_66 = arith.constant 10 : i32
    %scan3A_67 = arith.constant 0 : i32
    %scan3A_68 = arith.constant 0 : i32
    %scan3A_69 = arith.constant 10 : i32
    %scan3A_70 = arith.addi %scan3A_68, %scan3A_69 : i32
    %scan3A_71 = arith.constant 1 : i32
    %scan3A_72 = scf.for %scan3A_268 = %scan3A_68 to %scan3A_70 step %scan3A_71 iter_args(%scan3A_269 = %scan3A_67) -> (i32)  : i32 {
      %dma_wait3A = arith.constant 0 : i32
      %dma_wait3A_270 = arith.constant 0 : i32
      %dma_wait3A_271 = arith.constant 0 : i32
      %dma_wait3A_272 = arith.constant 0 : i32
      %dma_wait3A_273 = arith.constant 0 : i32
      %dma_wait3A_274 = tpu.memref_slice %arg8[%dma_wait3A, %dma_wait3A_270, %dma_wait3A_272, %dma_wait3A_273] : memref<2x10x125x32xf32, #tpu.memory_space<vmem>> -> memref<1x1x125x32xf32, #tpu.memory_space<vmem>>
      %dma_wait3A_275 = tpu.memref_squeeze %dma_wait3A_274 : memref<1x1x125x32xf32, #tpu.memory_space<vmem>> -> memref<125x32xf32, #tpu.memory_space<vmem>>
      %dma_wait3A_276 = arith.constant 0 : i32
      %dma_wait3A_277 = tpu.memref_slice %arg7[%dma_wait3A_271, %dma_wait3A_276] : memref<80x125xi32, #tpu.memory_space<vmem>> -> memref<1x125xi32, #tpu.memory_space<vmem>>
      %dma_wait3A_278 = tpu.memref_squeeze %dma_wait3A_277 : memref<1x125xi32, #tpu.memory_space<vmem>> -> memref<125xi32, #tpu.memory_space<vmem>>
      %dma_wait3A_279 = arith.constant 0 : i32
      %dma_wait3A_280 = arith.constant 0 : i32
      %dma_wait3A_281 = tpu.memref_slice %arg10[%dma_wait3A_279, %dma_wait3A_280] : memref<10240x32xf32, #tpu.memory_space<vmem_shared>> -> memref<10240x32xf32, #tpu.memory_space<vmem_shared>>
      tpu.wait_indirect_dma semaphore(%arg12 : memref<!tpu.dma_semaphore, #tpu.memory_space<semaphore_mem>>) src(%dma_wait3A_275 : memref<125x32xf32, #tpu.memory_space<vmem>>) dst(%dma_wait3A_281 : memref<10240x32xf32, #tpu.memory_space<vmem_shared>>)
      %scan3A_282 = arith.constant 0 : i32
      scf.yield %scan3A_282 : i32
    }
    %scan3A_73 = arith.constant 10 : i32
    %scan3A_74 = arith.constant 0 : i32
    %scan3A_75 = arith.constant 0 : i32
    %scan3A_76 = arith.constant 10 : i32
    %scan3A_77 = arith.addi %scan3A_75, %scan3A_76 : i32
    %scan3A_78 = arith.constant 1 : i32
    %scan3A_79 = scf.for %scan3A_268 = %scan3A_75 to %scan3A_77 step %scan3A_78 iter_args(%scan3A_269 = %scan3A_74) -> (i32)  : i32 {
      %dma_wait3A = arith.constant 0 : i32
      %dma_wait3A_270 = arith.constant 0 : i32
      %dma_wait3A_271 = arith.constant 0 : i32
      %dma_wait3A_272 = arith.constant 0 : i32
      %dma_wait3A_273 = arith.constant 0 : i32
      %dma_wait3A_274 = tpu.memref_slice %arg8[%dma_wait3A_270, %dma_wait3A_271, %dma_wait3A_272, %dma_wait3A_273] : memref<2x10x125x32xf32, #tpu.memory_space<vmem>> -> memref<1x1x125x32xf32, #tpu.memory_space<vmem>>
      %dma_wait3A_275 = tpu.memref_squeeze %dma_wait3A_274 : memref<1x1x125x32xf32, #tpu.memory_space<vmem>> -> memref<125x32xf32, #tpu.memory_space<vmem>>
      %dma_wait3A_276 = arith.constant 0 : i32
      %dma_wait3A_277 = tpu.memref_slice %arg6[%dma_wait3A, %dma_wait3A_276] : memref<80x125xi32, #tpu.memory_space<vmem>> -> memref<1x125xi32, #tpu.memory_space<vmem>>
      %dma_wait3A_278 = tpu.memref_squeeze %dma_wait3A_277 : memref<1x125xi32, #tpu.memory_space<vmem>> -> memref<125xi32, #tpu.memory_space<vmem>>
      %dma_wait3A_279 = arith.constant 0 : i32
      %dma_wait3A_280 = arith.constant 0 : i32
      %dma_wait3A_281 = tpu.memref_slice %arg2[%dma_wait3A_279, %dma_wait3A_280] : memref<10000x32xf32, #tpu.memory_space<hbm>> -> memref<10000x32xf32, #tpu.memory_space<hbm>>
      tpu.wait_indirect_dma semaphore(%arg11 : memref<!tpu.dma_semaphore, #tpu.memory_space<semaphore_mem>>) src(%dma_wait3A_281 : memref<10000x32xf32, #tpu.memory_space<hbm>>) dst(%dma_wait3A_275 : memref<125x32xf32, #tpu.memory_space<vmem>>)
      %scan3A_282 = arith.constant 0 : i32
      scf.yield %scan3A_282 : i32
    }
    %scan3A_80 = arith.constant 10 : i32
    %scan3A_81 = arith.constant 0 : i32
    %scan3A_82 = arith.constant 0 : i32
    %scan3A_83 = arith.constant 10 : i32
    %scan3A_84 = arith.addi %scan3A_82, %scan3A_83 : i32
    %scan3A_85 = arith.constant 1 : i32
    %scan3A_86 = scf.for %scan3A_268 = %scan3A_82 to %scan3A_84 step %scan3A_85 iter_args(%scan3A_269 = %scan3A_81) -> (i32)  : i32 {
      %add3A_270 = arith.constant 20 : i32
      %add3A_271 = arith.addi %add3A_270, %scan3A_268 : i32
      %dma_start3A = arith.constant 0 : i32
      %dma_start3A_272 = arith.constant 0 : i32
      %dma_start3A_273 = arith.constant 0 : i32
      %dma_start3A_274 = tpu.memref_slice %arg8[%dma_start3A, %scan3A_268, %dma_start3A_272, %dma_start3A_273] : memref<2x10x125x32xf32, #tpu.memory_space<vmem>> -> memref<1x1x125x32xf32, #tpu.memory_space<vmem>>
      %dma_start3A_275 = tpu.memref_squeeze %dma_start3A_274 : memref<1x1x125x32xf32, #tpu.memory_space<vmem>> -> memref<125x32xf32, #tpu.memory_space<vmem>>
      %dma_start3A_276 = arith.constant 0 : i32
      %dma_start3A_277 = tpu.memref_slice %arg6[%add3A_271, %dma_start3A_276] : memref<80x125xi32, #tpu.memory_space<vmem>> -> memref<1x125xi32, #tpu.memory_space<vmem>>
      %dma_start3A_278 = tpu.memref_squeeze %dma_start3A_277 : memref<1x125xi32, #tpu.memory_space<vmem>> -> memref<125xi32, #tpu.memory_space<vmem>>
      %dma_start3A_279 = arith.constant 0 : i32
      %dma_start3A_280 = arith.constant 0 : i32
      %dma_start3A_281 = tpu.memref_slice %arg2[%dma_start3A_279, %dma_start3A_280] : memref<10000x32xf32, #tpu.memory_space<hbm>> -> memref<10000x32xf32, #tpu.memory_space<hbm>>
      tpu.enqueue_indirect_dma source(%dma_start3A_281 : memref<10000x32xf32, #tpu.memory_space<hbm>>) target(%dma_start3A_275 : memref<125x32xf32, #tpu.memory_space<vmem>>) offsets(%dma_start3A_278 : memref<125xi32, #tpu.memory_space<vmem>>) semaphore(%arg11 : memref<!tpu.dma_semaphore, #tpu.memory_space<semaphore_mem>>)
      %scan3A_282 = arith.constant 0 : i32
      scf.yield %scan3A_282 : i32
    }
    %scan3A_87 = arith.constant 10 : i32
    %scan3A_88 = arith.constant 0 : i32
    %scan3A_89 = arith.constant 0 : i32
    %scan3A_90 = arith.constant 10 : i32
    %scan3A_91 = arith.addi %scan3A_89, %scan3A_90 : i32
    %scan3A_92 = arith.constant 1 : i32
    %scan3A_93 = scf.for %scan3A_268 = %scan3A_89 to %scan3A_91 step %scan3A_92 iter_args(%scan3A_269 = %scan3A_88) -> (i32)  : i32 {
      %add3A_270 = arith.constant 10 : i32
      %add3A_271 = arith.addi %add3A_270, %scan3A_268 : i32
      %dma_start3A = arith.constant 1 : i32
      %dma_start3A_272 = arith.constant 0 : i32
      %dma_start3A_273 = arith.constant 0 : i32
      %dma_start3A_274 = tpu.memref_slice %arg8[%dma_start3A, %scan3A_268, %dma_start3A_272, %dma_start3A_273] : memref<2x10x125x32xf32, #tpu.memory_space<vmem>> -> memref<1x1x125x32xf32, #tpu.memory_space<vmem>>
      %dma_start3A_275 = tpu.memref_squeeze %dma_start3A_274 : memref<1x1x125x32xf32, #tpu.memory_space<vmem>> -> memref<125x32xf32, #tpu.memory_space<vmem>>
      %dma_start3A_276 = arith.constant 0 : i32
      %dma_start3A_277 = tpu.memref_slice %arg7[%add3A_271, %dma_start3A_276] : memref<80x125xi32, #tpu.memory_space<vmem>> -> memref<1x125xi32, #tpu.memory_space<vmem>>
      %dma_start3A_278 = tpu.memref_squeeze %dma_start3A_277 : memref<1x125xi32, #tpu.memory_space<vmem>> -> memref<125xi32, #tpu.memory_space<vmem>>
      %dma_start3A_279 = arith.constant 0 : i32
      %dma_start3A_280 = arith.constant 0 : i32
      %dma_start3A_281 = tpu.memref_slice %arg10[%dma_start3A_279, %dma_start3A_280] : memref<10240x32xf32, #tpu.memory_space<vmem_shared>> -> memref<10240x32xf32, #tpu.memory_space<vmem_shared>>
      tpu.enqueue_indirect_dma source(%dma_start3A_275 : memref<125x32xf32, #tpu.memory_space<vmem>>) target(%dma_start3A_281 : memref<10240x32xf32, #tpu.memory_space<vmem_shared>>) offsets(%dma_start3A_278 : memref<125xi32, #tpu.memory_space<vmem>>) semaphore(%arg12 : memref<!tpu.dma_semaphore, #tpu.memory_space<semaphore_mem>>) {add = true}
      %scan3A_282 = arith.constant 0 : i32
      scf.yield %scan3A_282 : i32
    }
    %scan3A_94 = arith.constant 10 : i32
    %scan3A_95 = arith.constant 0 : i32
    %scan3A_96 = arith.constant 0 : i32
    %scan3A_97 = arith.constant 10 : i32
    %scan3A_98 = arith.addi %scan3A_96, %scan3A_97 : i32
    %scan3A_99 = arith.constant 1 : i32
    %scan3A_100 = scf.for %scan3A_268 = %scan3A_96 to %scan3A_98 step %scan3A_99 iter_args(%scan3A_269 = %scan3A_95) -> (i32)  : i32 {
      %dma_wait3A = arith.constant 0 : i32
      %dma_wait3A_270 = arith.constant 0 : i32
      %dma_wait3A_271 = arith.constant 0 : i32
      %dma_wait3A_272 = arith.constant 0 : i32
      %dma_wait3A_273 = arith.constant 0 : i32
      %dma_wait3A_274 = tpu.memref_slice %arg8[%dma_wait3A, %dma_wait3A_270, %dma_wait3A_272, %dma_wait3A_273] : memref<2x10x125x32xf32, #tpu.memory_space<vmem>> -> memref<1x1x125x32xf32, #tpu.memory_space<vmem>>
      %dma_wait3A_275 = tpu.memref_squeeze %dma_wait3A_274 : memref<1x1x125x32xf32, #tpu.memory_space<vmem>> -> memref<125x32xf32, #tpu.memory_space<vmem>>
      %dma_wait3A_276 = arith.constant 0 : i32
      %dma_wait3A_277 = tpu.memref_slice %arg7[%dma_wait3A_271, %dma_wait3A_276] : memref<80x125xi32, #tpu.memory_space<vmem>> -> memref<1x125xi32, #tpu.memory_space<vmem>>
      %dma_wait3A_278 = tpu.memref_squeeze %dma_wait3A_277 : memref<1x125xi32, #tpu.memory_space<vmem>> -> memref<125xi32, #tpu.memory_space<vmem>>
      %dma_wait3A_279 = arith.constant 0 : i32
      %dma_wait3A_280 = arith.constant 0 : i32
      %dma_wait3A_281 = tpu.memref_slice %arg10[%dma_wait3A_279, %dma_wait3A_280] : memref<10240x32xf32, #tpu.memory_space<vmem_shared>> -> memref<10240x32xf32, #tpu.memory_space<vmem_shared>>
      tpu.wait_indirect_dma semaphore(%arg12 : memref<!tpu.dma_semaphore, #tpu.memory_space<semaphore_mem>>) src(%dma_wait3A_275 : memref<125x32xf32, #tpu.memory_space<vmem>>) dst(%dma_wait3A_281 : memref<10240x32xf32, #tpu.memory_space<vmem_shared>>)
      %scan3A_282 = arith.constant 0 : i32
      scf.yield %scan3A_282 : i32
    }
    %scan3A_101 = arith.constant 10 : i32
    %scan3A_102 = arith.constant 0 : i32
    %scan3A_103 = arith.constant 0 : i32
    %scan3A_104 = arith.constant 10 : i32
    %scan3A_105 = arith.addi %scan3A_103, %scan3A_104 : i32
    %scan3A_106 = arith.constant 1 : i32
    %scan3A_107 = scf.for %scan3A_268 = %scan3A_103 to %scan3A_105 step %scan3A_106 iter_args(%scan3A_269 = %scan3A_102) -> (i32)  : i32 {
      %dma_wait3A = arith.constant 0 : i32
      %dma_wait3A_270 = arith.constant 0 : i32
      %dma_wait3A_271 = arith.constant 0 : i32
      %dma_wait3A_272 = arith.constant 0 : i32
      %dma_wait3A_273 = arith.constant 0 : i32
      %dma_wait3A_274 = tpu.memref_slice %arg8[%dma_wait3A_270, %dma_wait3A_271, %dma_wait3A_272, %dma_wait3A_273] : memref<2x10x125x32xf32, #tpu.memory_space<vmem>> -> memref<1x1x125x32xf32, #tpu.memory_space<vmem>>
      %dma_wait3A_275 = tpu.memref_squeeze %dma_wait3A_274 : memref<1x1x125x32xf32, #tpu.memory_space<vmem>> -> memref<125x32xf32, #tpu.memory_space<vmem>>
      %dma_wait3A_276 = arith.constant 0 : i32
      %dma_wait3A_277 = tpu.memref_slice %arg6[%dma_wait3A, %dma_wait3A_276] : memref<80x125xi32, #tpu.memory_space<vmem>> -> memref<1x125xi32, #tpu.memory_space<vmem>>
      %dma_wait3A_278 = tpu.memref_squeeze %dma_wait3A_277 : memref<1x125xi32, #tpu.memory_space<vmem>> -> memref<125xi32, #tpu.memory_space<vmem>>
      %dma_wait3A_279 = arith.constant 0 : i32
      %dma_wait3A_280 = arith.constant 0 : i32
      %dma_wait3A_281 = tpu.memref_slice %arg2[%dma_wait3A_279, %dma_wait3A_280] : memref<10000x32xf32, #tpu.memory_space<hbm>> -> memref<10000x32xf32, #tpu.memory_space<hbm>>
      tpu.wait_indirect_dma semaphore(%arg11 : memref<!tpu.dma_semaphore, #tpu.memory_space<semaphore_mem>>) src(%dma_wait3A_281 : memref<10000x32xf32, #tpu.memory_space<hbm>>) dst(%dma_wait3A_275 : memref<125x32xf32, #tpu.memory_space<vmem>>)
      %scan3A_282 = arith.constant 0 : i32
      scf.yield %scan3A_282 : i32
    }
    %scan3A_108 = arith.constant 10 : i32
    %scan3A_109 = arith.constant 0 : i32
    %scan3A_110 = arith.constant 0 : i32
    %scan3A_111 = arith.constant 10 : i32
    %scan3A_112 = arith.addi %scan3A_110, %scan3A_111 : i32
    %scan3A_113 = arith.constant 1 : i32
    %scan3A_114 = scf.for %scan3A_268 = %scan3A_110 to %scan3A_112 step %scan3A_113 iter_args(%scan3A_269 = %scan3A_109) -> (i32)  : i32 {
      %add3A_270 = arith.constant 30 : i32
      %add3A_271 = arith.addi %add3A_270, %scan3A_268 : i32
      %dma_start3A = arith.constant 1 : i32
      %dma_start3A_272 = arith.constant 0 : i32
      %dma_start3A_273 = arith.constant 0 : i32
      %dma_start3A_274 = tpu.memref_slice %arg8[%dma_start3A, %scan3A_268, %dma_start3A_272, %dma_start3A_273] : memref<2x10x125x32xf32, #tpu.memory_space<vmem>> -> memref<1x1x125x32xf32, #tpu.memory_space<vmem>>
      %dma_start3A_275 = tpu.memref_squeeze %dma_start3A_274 : memref<1x1x125x32xf32, #tpu.memory_space<vmem>> -> memref<125x32xf32, #tpu.memory_space<vmem>>
      %dma_start3A_276 = arith.constant 0 : i32
      %dma_start3A_277 = tpu.memref_slice %arg6[%add3A_271, %dma_start3A_276] : memref<80x125xi32, #tpu.memory_space<vmem>> -> memref<1x125xi32, #tpu.memory_space<vmem>>
      %dma_start3A_278 = tpu.memref_squeeze %dma_start3A_277 : memref<1x125xi32, #tpu.memory_space<vmem>> -> memref<125xi32, #tpu.memory_space<vmem>>
      %dma_start3A_279 = arith.constant 0 : i32
      %dma_start3A_280 = arith.constant 0 : i32
      %dma_start3A_281 = tpu.memref_slice %arg2[%dma_start3A_279, %dma_start3A_280] : memref<10000x32xf32, #tpu.memory_space<hbm>> -> memref<10000x32xf32, #tpu.memory_space<hbm>>
      tpu.enqueue_indirect_dma source(%dma_start3A_281 : memref<10000x32xf32, #tpu.memory_space<hbm>>) target(%dma_start3A_275 : memref<125x32xf32, #tpu.memory_space<vmem>>) offsets(%dma_start3A_278 : memref<125xi32, #tpu.memory_space<vmem>>) semaphore(%arg11 : memref<!tpu.dma_semaphore, #tpu.memory_space<semaphore_mem>>)
      %scan3A_282 = arith.constant 0 : i32
      scf.yield %scan3A_282 : i32
    }
    %scan3A_115 = arith.constant 10 : i32
    %scan3A_116 = arith.constant 0 : i32
    %scan3A_117 = arith.constant 0 : i32
    %scan3A_118 = arith.constant 10 : i32
    %scan3A_119 = arith.addi %scan3A_117, %scan3A_118 : i32
    %scan3A_120 = arith.constant 1 : i32
    %scan3A_121 = scf.for %scan3A_268 = %scan3A_117 to %scan3A_119 step %scan3A_120 iter_args(%scan3A_269 = %scan3A_116) -> (i32)  : i32 {
      %add3A_270 = arith.constant 20 : i32
      %add3A_271 = arith.addi %add3A_270, %scan3A_268 : i32
      %dma_start3A = arith.constant 0 : i32
      %dma_start3A_272 = arith.constant 0 : i32
      %dma_start3A_273 = arith.constant 0 : i32
      %dma_start3A_274 = tpu.memref_slice %arg8[%dma_start3A, %scan3A_268, %dma_start3A_272, %dma_start3A_273] : memref<2x10x125x32xf32, #tpu.memory_space<vmem>> -> memref<1x1x125x32xf32, #tpu.memory_space<vmem>>
      %dma_start3A_275 = tpu.memref_squeeze %dma_start3A_274 : memref<1x1x125x32xf32, #tpu.memory_space<vmem>> -> memref<125x32xf32, #tpu.memory_space<vmem>>
      %dma_start3A_276 = arith.constant 0 : i32
      %dma_start3A_277 = tpu.memref_slice %arg7[%add3A_271, %dma_start3A_276] : memref<80x125xi32, #tpu.memory_space<vmem>> -> memref<1x125xi32, #tpu.memory_space<vmem>>
      %dma_start3A_278 = tpu.memref_squeeze %dma_start3A_277 : memref<1x125xi32, #tpu.memory_space<vmem>> -> memref<125xi32, #tpu.memory_space<vmem>>
      %dma_start3A_279 = arith.constant 0 : i32
      %dma_start3A_280 = arith.constant 0 : i32
      %dma_start3A_281 = tpu.memref_slice %arg10[%dma_start3A_279, %dma_start3A_280] : memref<10240x32xf32, #tpu.memory_space<vmem_shared>> -> memref<10240x32xf32, #tpu.memory_space<vmem_shared>>
      tpu.enqueue_indirect_dma source(%dma_start3A_275 : memref<125x32xf32, #tpu.memory_space<vmem>>) target(%dma_start3A_281 : memref<10240x32xf32, #tpu.memory_space<vmem_shared>>) offsets(%dma_start3A_278 : memref<125xi32, #tpu.memory_space<vmem>>) semaphore(%arg12 : memref<!tpu.dma_semaphore, #tpu.memory_space<semaphore_mem>>) {add = true}
      %scan3A_282 = arith.constant 0 : i32
      scf.yield %scan3A_282 : i32
    }
    %scan3A_122 = arith.constant 10 : i32
    %scan3A_123 = arith.constant 0 : i32
    %scan3A_124 = arith.constant 0 : i32
    %scan3A_125 = arith.constant 10 : i32
    %scan3A_126 = arith.addi %scan3A_124, %scan3A_125 : i32
    %scan3A_127 = arith.constant 1 : i32
    %scan3A_128 = scf.for %scan3A_268 = %scan3A_124 to %scan3A_126 step %scan3A_127 iter_args(%scan3A_269 = %scan3A_123) -> (i32)  : i32 {
      %dma_wait3A = arith.constant 0 : i32
      %dma_wait3A_270 = arith.constant 0 : i32
      %dma_wait3A_271 = arith.constant 0 : i32
      %dma_wait3A_272 = arith.constant 0 : i32
      %dma_wait3A_273 = arith.constant 0 : i32
      %dma_wait3A_274 = tpu.memref_slice %arg8[%dma_wait3A, %dma_wait3A_270, %dma_wait3A_272, %dma_wait3A_273] : memref<2x10x125x32xf32, #tpu.memory_space<vmem>> -> memref<1x1x125x32xf32, #tpu.memory_space<vmem>>
      %dma_wait3A_275 = tpu.memref_squeeze %dma_wait3A_274 : memref<1x1x125x32xf32, #tpu.memory_space<vmem>> -> memref<125x32xf32, #tpu.memory_space<vmem>>
      %dma_wait3A_276 = arith.constant 0 : i32
      %dma_wait3A_277 = tpu.memref_slice %arg7[%dma_wait3A_271, %dma_wait3A_276] : memref<80x125xi32, #tpu.memory_space<vmem>> -> memref<1x125xi32, #tpu.memory_space<vmem>>
      %dma_wait3A_278 = tpu.memref_squeeze %dma_wait3A_277 : memref<1x125xi32, #tpu.memory_space<vmem>> -> memref<125xi32, #tpu.memory_space<vmem>>
      %dma_wait3A_279 = arith.constant 0 : i32
      %dma_wait3A_280 = arith.constant 0 : i32
      %dma_wait3A_281 = tpu.memref_slice %arg10[%dma_wait3A_279, %dma_wait3A_280] : memref<10240x32xf32, #tpu.memory_space<vmem_shared>> -> memref<10240x32xf32, #tpu.memory_space<vmem_shared>>
      tpu.wait_indirect_dma semaphore(%arg12 : memref<!tpu.dma_semaphore, #tpu.memory_space<semaphore_mem>>) src(%dma_wait3A_275 : memref<125x32xf32, #tpu.memory_space<vmem>>) dst(%dma_wait3A_281 : memref<10240x32xf32, #tpu.memory_space<vmem_shared>>)
      %scan3A_282 = arith.constant 0 : i32
      scf.yield %scan3A_282 : i32
    }
    %scan3A_129 = arith.constant 10 : i32
    %scan3A_130 = arith.constant 0 : i32
    %scan3A_131 = arith.constant 0 : i32
    %scan3A_132 = arith.constant 10 : i32
    %scan3A_133 = arith.addi %scan3A_131, %scan3A_132 : i32
    %scan3A_134 = arith.constant 1 : i32
    %scan3A_135 = scf.for %scan3A_268 = %scan3A_131 to %scan3A_133 step %scan3A_134 iter_args(%scan3A_269 = %scan3A_130) -> (i32)  : i32 {
      %dma_wait3A = arith.constant 0 : i32
      %dma_wait3A_270 = arith.constant 0 : i32
      %dma_wait3A_271 = arith.constant 0 : i32
      %dma_wait3A_272 = arith.constant 0 : i32
      %dma_wait3A_273 = arith.constant 0 : i32
      %dma_wait3A_274 = tpu.memref_slice %arg8[%dma_wait3A_270, %dma_wait3A_271, %dma_wait3A_272, %dma_wait3A_273] : memref<2x10x125x32xf32, #tpu.memory_space<vmem>> -> memref<1x1x125x32xf32, #tpu.memory_space<vmem>>
      %dma_wait3A_275 = tpu.memref_squeeze %dma_wait3A_274 : memref<1x1x125x32xf32, #tpu.memory_space<vmem>> -> memref<125x32xf32, #tpu.memory_space<vmem>>
      %dma_wait3A_276 = arith.constant 0 : i32
      %dma_wait3A_277 = tpu.memref_slice %arg6[%dma_wait3A, %dma_wait3A_276] : memref<80x125xi32, #tpu.memory_space<vmem>> -> memref<1x125xi32, #tpu.memory_space<vmem>>
      %dma_wait3A_278 = tpu.memref_squeeze %dma_wait3A_277 : memref<1x125xi32, #tpu.memory_space<vmem>> -> memref<125xi32, #tpu.memory_space<vmem>>
      %dma_wait3A_279 = arith.constant 0 : i32
      %dma_wait3A_280 = arith.constant 0 : i32
      %dma_wait3A_281 = tpu.memref_slice %arg2[%dma_wait3A_279, %dma_wait3A_280] : memref<10000x32xf32, #tpu.memory_space<hbm>> -> memref<10000x32xf32, #tpu.memory_space<hbm>>
      tpu.wait_indirect_dma semaphore(%arg11 : memref<!tpu.dma_semaphore, #tpu.memory_space<semaphore_mem>>) src(%dma_wait3A_281 : memref<10000x32xf32, #tpu.memory_space<hbm>>) dst(%dma_wait3A_275 : memref<125x32xf32, #tpu.memory_space<vmem>>)
      %scan3A_282 = arith.constant 0 : i32
      scf.yield %scan3A_282 : i32
    }
    %scan3A_136 = arith.constant 10 : i32
    %scan3A_137 = arith.constant 0 : i32
    %scan3A_138 = arith.constant 0 : i32
    %scan3A_139 = arith.constant 10 : i32
    %scan3A_140 = arith.addi %scan3A_138, %scan3A_139 : i32
    %scan3A_141 = arith.constant 1 : i32
    %scan3A_142 = scf.for %scan3A_268 = %scan3A_138 to %scan3A_140 step %scan3A_141 iter_args(%scan3A_269 = %scan3A_137) -> (i32)  : i32 {
      %add3A_270 = arith.constant 40 : i32
      %add3A_271 = arith.addi %add3A_270, %scan3A_268 : i32
      %dma_start3A = arith.constant 0 : i32
      %dma_start3A_272 = arith.constant 0 : i32
      %dma_start3A_273 = arith.constant 0 : i32
      %dma_start3A_274 = tpu.memref_slice %arg8[%dma_start3A, %scan3A_268, %dma_start3A_272, %dma_start3A_273] : memref<2x10x125x32xf32, #tpu.memory_space<vmem>> -> memref<1x1x125x32xf32, #tpu.memory_space<vmem>>
      %dma_start3A_275 = tpu.memref_squeeze %dma_start3A_274 : memref<1x1x125x32xf32, #tpu.memory_space<vmem>> -> memref<125x32xf32, #tpu.memory_space<vmem>>
      %dma_start3A_276 = arith.constant 0 : i32
      %dma_start3A_277 = tpu.memref_slice %arg6[%add3A_271, %dma_start3A_276] : memref<80x125xi32, #tpu.memory_space<vmem>> -> memref<1x125xi32, #tpu.memory_space<vmem>>
      %dma_start3A_278 = tpu.memref_squeeze %dma_start3A_277 : memref<1x125xi32, #tpu.memory_space<vmem>> -> memref<125xi32, #tpu.memory_space<vmem>>
      %dma_start3A_279 = arith.constant 0 : i32
      %dma_start3A_280 = arith.constant 0 : i32
      %dma_start3A_281 = tpu.memref_slice %arg2[%dma_start3A_279, %dma_start3A_280] : memref<10000x32xf32, #tpu.memory_space<hbm>> -> memref<10000x32xf32, #tpu.memory_space<hbm>>
      tpu.enqueue_indirect_dma source(%dma_start3A_281 : memref<10000x32xf32, #tpu.memory_space<hbm>>) target(%dma_start3A_275 : memref<125x32xf32, #tpu.memory_space<vmem>>) offsets(%dma_start3A_278 : memref<125xi32, #tpu.memory_space<vmem>>) semaphore(%arg11 : memref<!tpu.dma_semaphore, #tpu.memory_space<semaphore_mem>>)
      %scan3A_282 = arith.constant 0 : i32
      scf.yield %scan3A_282 : i32
    }
    %scan3A_143 = arith.constant 10 : i32
    %scan3A_144 = arith.constant 0 : i32
    %scan3A_145 = arith.constant 0 : i32
    %scan3A_146 = arith.constant 10 : i32
    %scan3A_147 = arith.addi %scan3A_145, %scan3A_146 : i32
    %scan3A_148 = arith.constant 1 : i32
    %scan3A_149 = scf.for %scan3A_268 = %scan3A_145 to %scan3A_147 step %scan3A_148 iter_args(%scan3A_269 = %scan3A_144) -> (i32)  : i32 {
      %add3A_270 = arith.constant 30 : i32
      %add3A_271 = arith.addi %add3A_270, %scan3A_268 : i32
      %dma_start3A = arith.constant 1 : i32
      %dma_start3A_272 = arith.constant 0 : i32
      %dma_start3A_273 = arith.constant 0 : i32
      %dma_start3A_274 = tpu.memref_slice %arg8[%dma_start3A, %scan3A_268, %dma_start3A_272, %dma_start3A_273] : memref<2x10x125x32xf32, #tpu.memory_space<vmem>> -> memref<1x1x125x32xf32, #tpu.memory_space<vmem>>
      %dma_start3A_275 = tpu.memref_squeeze %dma_start3A_274 : memref<1x1x125x32xf32, #tpu.memory_space<vmem>> -> memref<125x32xf32, #tpu.memory_space<vmem>>
      %dma_start3A_276 = arith.constant 0 : i32
      %dma_start3A_277 = tpu.memref_slice %arg7[%add3A_271, %dma_start3A_276] : memref<80x125xi32, #tpu.memory_space<vmem>> -> memref<1x125xi32, #tpu.memory_space<vmem>>
      %dma_start3A_278 = tpu.memref_squeeze %dma_start3A_277 : memref<1x125xi32, #tpu.memory_space<vmem>> -> memref<125xi32, #tpu.memory_space<vmem>>
      %dma_start3A_279 = arith.constant 0 : i32
      %dma_start3A_280 = arith.constant 0 : i32
      %dma_start3A_281 = tpu.memref_slice %arg10[%dma_start3A_279, %dma_start3A_280] : memref<10240x32xf32, #tpu.memory_space<vmem_shared>> -> memref<10240x32xf32, #tpu.memory_space<vmem_shared>>
      tpu.enqueue_indirect_dma source(%dma_start3A_275 : memref<125x32xf32, #tpu.memory_space<vmem>>) target(%dma_start3A_281 : memref<10240x32xf32, #tpu.memory_space<vmem_shared>>) offsets(%dma_start3A_278 : memref<125xi32, #tpu.memory_space<vmem>>) semaphore(%arg12 : memref<!tpu.dma_semaphore, #tpu.memory_space<semaphore_mem>>) {add = true}
      %scan3A_282 = arith.constant 0 : i32
      scf.yield %scan3A_282 : i32
    }
    %scan3A_150 = arith.constant 10 : i32
    %scan3A_151 = arith.constant 0 : i32
    %scan3A_152 = arith.constant 0 : i32
    %scan3A_153 = arith.constant 10 : i32
    %scan3A_154 = arith.addi %scan3A_152, %scan3A_153 : i32
    %scan3A_155 = arith.constant 1 : i32
    %scan3A_156 = scf.for %scan3A_268 = %scan3A_152 to %scan3A_154 step %scan3A_155 iter_args(%scan3A_269 = %scan3A_151) -> (i32)  : i32 {
      %dma_wait3A = arith.constant 0 : i32
      %dma_wait3A_270 = arith.constant 0 : i32
      %dma_wait3A_271 = arith.constant 0 : i32
      %dma_wait3A_272 = arith.constant 0 : i32
      %dma_wait3A_273 = arith.constant 0 : i32
      %dma_wait3A_274 = tpu.memref_slice %arg8[%dma_wait3A, %dma_wait3A_270, %dma_wait3A_272, %dma_wait3A_273] : memref<2x10x125x32xf32, #tpu.memory_space<vmem>> -> memref<1x1x125x32xf32, #tpu.memory_space<vmem>>
      %dma_wait3A_275 = tpu.memref_squeeze %dma_wait3A_274 : memref<1x1x125x32xf32, #tpu.memory_space<vmem>> -> memref<125x32xf32, #tpu.memory_space<vmem>>
      %dma_wait3A_276 = arith.constant 0 : i32
      %dma_wait3A_277 = tpu.memref_slice %arg7[%dma_wait3A_271, %dma_wait3A_276] : memref<80x125xi32, #tpu.memory_space<vmem>> -> memref<1x125xi32, #tpu.memory_space<vmem>>
      %dma_wait3A_278 = tpu.memref_squeeze %dma_wait3A_277 : memref<1x125xi32, #tpu.memory_space<vmem>> -> memref<125xi32, #tpu.memory_space<vmem>>
      %dma_wait3A_279 = arith.constant 0 : i32
      %dma_wait3A_280 = arith.constant 0 : i32
      %dma_wait3A_281 = tpu.memref_slice %arg10[%dma_wait3A_279, %dma_wait3A_280] : memref<10240x32xf32, #tpu.memory_space<vmem_shared>> -> memref<10240x32xf32, #tpu.memory_space<vmem_shared>>
      tpu.wait_indirect_dma semaphore(%arg12 : memref<!tpu.dma_semaphore, #tpu.memory_space<semaphore_mem>>) src(%dma_wait3A_275 : memref<125x32xf32, #tpu.memory_space<vmem>>) dst(%dma_wait3A_281 : memref<10240x32xf32, #tpu.memory_space<vmem_shared>>)
      %scan3A_282 = arith.constant 0 : i32
      scf.yield %scan3A_282 : i32
    }
    %scan3A_157 = arith.constant 10 : i32
    %scan3A_158 = arith.constant 0 : i32
    %scan3A_159 = arith.constant 0 : i32
    %scan3A_160 = arith.constant 10 : i32
    %scan3A_161 = arith.addi %scan3A_159, %scan3A_160 : i32
    %scan3A_162 = arith.constant 1 : i32
    %scan3A_163 = scf.for %scan3A_268 = %scan3A_159 to %scan3A_161 step %scan3A_162 iter_args(%scan3A_269 = %scan3A_158) -> (i32)  : i32 {
      %dma_wait3A = arith.constant 0 : i32
      %dma_wait3A_270 = arith.constant 0 : i32
      %dma_wait3A_271 = arith.constant 0 : i32
      %dma_wait3A_272 = arith.constant 0 : i32
      %dma_wait3A_273 = arith.constant 0 : i32
      %dma_wait3A_274 = tpu.memref_slice %arg8[%dma_wait3A_270, %dma_wait3A_271, %dma_wait3A_272, %dma_wait3A_273] : memref<2x10x125x32xf32, #tpu.memory_space<vmem>> -> memref<1x1x125x32xf32, #tpu.memory_space<vmem>>
      %dma_wait3A_275 = tpu.memref_squeeze %dma_wait3A_274 : memref<1x1x125x32xf32, #tpu.memory_space<vmem>> -> memref<125x32xf32, #tpu.memory_space<vmem>>
      %dma_wait3A_276 = arith.constant 0 : i32
      %dma_wait3A_277 = tpu.memref_slice %arg6[%dma_wait3A, %dma_wait3A_276] : memref<80x125xi32, #tpu.memory_space<vmem>> -> memref<1x125xi32, #tpu.memory_space<vmem>>
      %dma_wait3A_278 = tpu.memref_squeeze %dma_wait3A_277 : memref<1x125xi32, #tpu.memory_space<vmem>> -> memref<125xi32, #tpu.memory_space<vmem>>
      %dma_wait3A_279 = arith.constant 0 : i32
      %dma_wait3A_280 = arith.constant 0 : i32
      %dma_wait3A_281 = tpu.memref_slice %arg2[%dma_wait3A_279, %dma_wait3A_280] : memref<10000x32xf32, #tpu.memory_space<hbm>> -> memref<10000x32xf32, #tpu.memory_space<hbm>>
      tpu.wait_indirect_dma semaphore(%arg11 : memref<!tpu.dma_semaphore, #tpu.memory_space<semaphore_mem>>) src(%dma_wait3A_281 : memref<10000x32xf32, #tpu.memory_space<hbm>>) dst(%dma_wait3A_275 : memref<125x32xf32, #tpu.memory_space<vmem>>)
      %scan3A_282 = arith.constant 0 : i32
      scf.yield %scan3A_282 : i32
    }
    %scan3A_164 = arith.constant 10 : i32
    %scan3A_165 = arith.constant 0 : i32
    %scan3A_166 = arith.constant 0 : i32
    %scan3A_167 = arith.constant 10 : i32
    %scan3A_168 = arith.addi %scan3A_166, %scan3A_167 : i32
    %scan3A_169 = arith.constant 1 : i32
    %scan3A_170 = scf.for %scan3A_268 = %scan3A_166 to %scan3A_168 step %scan3A_169 iter_args(%scan3A_269 = %scan3A_165) -> (i32)  : i32 {
      %add3A_270 = arith.constant 50 : i32
      %add3A_271 = arith.addi %add3A_270, %scan3A_268 : i32
      %dma_start3A = arith.constant 1 : i32
      %dma_start3A_272 = arith.constant 0 : i32
      %dma_start3A_273 = arith.constant 0 : i32
      %dma_start3A_274 = tpu.memref_slice %arg8[%dma_start3A, %scan3A_268, %dma_start3A_272, %dma_start3A_273] : memref<2x10x125x32xf32, #tpu.memory_space<vmem>> -> memref<1x1x125x32xf32, #tpu.memory_space<vmem>>
      %dma_start3A_275 = tpu.memref_squeeze %dma_start3A_274 : memref<1x1x125x32xf32, #tpu.memory_space<vmem>> -> memref<125x32xf32, #tpu.memory_space<vmem>>
      %dma_start3A_276 = arith.constant 0 : i32
      %dma_start3A_277 = tpu.memref_slice %arg6[%add3A_271, %dma_start3A_276] : memref<80x125xi32, #tpu.memory_space<vmem>> -> memref<1x125xi32, #tpu.memory_space<vmem>>
      %dma_start3A_278 = tpu.memref_squeeze %dma_start3A_277 : memref<1x125xi32, #tpu.memory_space<vmem>> -> memref<125xi32, #tpu.memory_space<vmem>>
      %dma_start3A_279 = arith.constant 0 : i32
      %dma_start3A_280 = arith.constant 0 : i32
      %dma_start3A_281 = tpu.memref_slice %arg2[%dma_start3A_279, %dma_start3A_280] : memref<10000x32xf32, #tpu.memory_space<hbm>> -> memref<10000x32xf32, #tpu.memory_space<hbm>>
      tpu.enqueue_indirect_dma source(%dma_start3A_281 : memref<10000x32xf32, #tpu.memory_space<hbm>>) target(%dma_start3A_275 : memref<125x32xf32, #tpu.memory_space<vmem>>) offsets(%dma_start3A_278 : memref<125xi32, #tpu.memory_space<vmem>>) semaphore(%arg11 : memref<!tpu.dma_semaphore, #tpu.memory_space<semaphore_mem>>)
      %scan3A_282 = arith.constant 0 : i32
      scf.yield %scan3A_282 : i32
    }
    %scan3A_171 = arith.constant 10 : i32
    %scan3A_172 = arith.constant 0 : i32
    %scan3A_173 = arith.constant 0 : i32
    %scan3A_174 = arith.constant 10 : i32
    %scan3A_175 = arith.addi %scan3A_173, %scan3A_174 : i32
    %scan3A_176 = arith.constant 1 : i32
    %scan3A_177 = scf.for %scan3A_268 = %scan3A_173 to %scan3A_175 step %scan3A_176 iter_args(%scan3A_269 = %scan3A_172) -> (i32)  : i32 {
      %add3A_270 = arith.constant 40 : i32
      %add3A_271 = arith.addi %add3A_270, %scan3A_268 : i32
      %dma_start3A = arith.constant 0 : i32
      %dma_start3A_272 = arith.constant 0 : i32
      %dma_start3A_273 = arith.constant 0 : i32
      %dma_start3A_274 = tpu.memref_slice %arg8[%dma_start3A, %scan3A_268, %dma_start3A_272, %dma_start3A_273] : memref<2x10x125x32xf32, #tpu.memory_space<vmem>> -> memref<1x1x125x32xf32, #tpu.memory_space<vmem>>
      %dma_start3A_275 = tpu.memref_squeeze %dma_start3A_274 : memref<1x1x125x32xf32, #tpu.memory_space<vmem>> -> memref<125x32xf32, #tpu.memory_space<vmem>>
      %dma_start3A_276 = arith.constant 0 : i32
      %dma_start3A_277 = tpu.memref_slice %arg7[%add3A_271, %dma_start3A_276] : memref<80x125xi32, #tpu.memory_space<vmem>> -> memref<1x125xi32, #tpu.memory_space<vmem>>
      %dma_start3A_278 = tpu.memref_squeeze %dma_start3A_277 : memref<1x125xi32, #tpu.memory_space<vmem>> -> memref<125xi32, #tpu.memory_space<vmem>>
      %dma_start3A_279 = arith.constant 0 : i32
      %dma_start3A_280 = arith.constant 0 : i32
      %dma_start3A_281 = tpu.memref_slice %arg10[%dma_start3A_279, %dma_start3A_280] : memref<10240x32xf32, #tpu.memory_space<vmem_shared>> -> memref<10240x32xf32, #tpu.memory_space<vmem_shared>>
      tpu.enqueue_indirect_dma source(%dma_start3A_275 : memref<125x32xf32, #tpu.memory_space<vmem>>) target(%dma_start3A_281 : memref<10240x32xf32, #tpu.memory_space<vmem_shared>>) offsets(%dma_start3A_278 : memref<125xi32, #tpu.memory_space<vmem>>) semaphore(%arg12 : memref<!tpu.dma_semaphore, #tpu.memory_space<semaphore_mem>>) {add = true}
      %scan3A_282 = arith.constant 0 : i32
      scf.yield %scan3A_282 : i32
    }
    %scan3A_178 = arith.constant 10 : i32
    %scan3A_179 = arith.constant 0 : i32
    %scan3A_180 = arith.constant 0 : i32
    %scan3A_181 = arith.constant 10 : i32
    %scan3A_182 = arith.addi %scan3A_180, %scan3A_181 : i32
    %scan3A_183 = arith.constant 1 : i32
    %scan3A_184 = scf.for %scan3A_268 = %scan3A_180 to %scan3A_182 step %scan3A_183 iter_args(%scan3A_269 = %scan3A_179) -> (i32)  : i32 {
      %dma_wait3A = arith.constant 0 : i32
      %dma_wait3A_270 = arith.constant 0 : i32
      %dma_wait3A_271 = arith.constant 0 : i32
      %dma_wait3A_272 = arith.constant 0 : i32
      %dma_wait3A_273 = arith.constant 0 : i32
      %dma_wait3A_274 = tpu.memref_slice %arg8[%dma_wait3A, %dma_wait3A_270, %dma_wait3A_272, %dma_wait3A_273] : memref<2x10x125x32xf32, #tpu.memory_space<vmem>> -> memref<1x1x125x32xf32, #tpu.memory_space<vmem>>
      %dma_wait3A_275 = tpu.memref_squeeze %dma_wait3A_274 : memref<1x1x125x32xf32, #tpu.memory_space<vmem>> -> memref<125x32xf32, #tpu.memory_space<vmem>>
      %dma_wait3A_276 = arith.constant 0 : i32
      %dma_wait3A_277 = tpu.memref_slice %arg7[%dma_wait3A_271, %dma_wait3A_276] : memref<80x125xi32, #tpu.memory_space<vmem>> -> memref<1x125xi32, #tpu.memory_space<vmem>>
      %dma_wait3A_278 = tpu.memref_squeeze %dma_wait3A_277 : memref<1x125xi32, #tpu.memory_space<vmem>> -> memref<125xi32, #tpu.memory_space<vmem>>
      %dma_wait3A_279 = arith.constant 0 : i32
      %dma_wait3A_280 = arith.constant 0 : i32
      %dma_wait3A_281 = tpu.memref_slice %arg10[%dma_wait3A_279, %dma_wait3A_280] : memref<10240x32xf32, #tpu.memory_space<vmem_shared>> -> memref<10240x32xf32, #tpu.memory_space<vmem_shared>>
      tpu.wait_indirect_dma semaphore(%arg12 : memref<!tpu.dma_semaphore, #tpu.memory_space<semaphore_mem>>) src(%dma_wait3A_275 : memref<125x32xf32, #tpu.memory_space<vmem>>) dst(%dma_wait3A_281 : memref<10240x32xf32, #tpu.memory_space<vmem_shared>>)
      %scan3A_282 = arith.constant 0 : i32
      scf.yield %scan3A_282 : i32
    }
    %scan3A_185 = arith.constant 10 : i32
    %scan3A_186 = arith.constant 0 : i32
    %scan3A_187 = arith.constant 0 : i32
    %scan3A_188 = arith.constant 10 : i32
    %scan3A_189 = arith.addi %scan3A_187, %scan3A_188 : i32
    %scan3A_190 = arith.constant 1 : i32
    %scan3A_191 = scf.for %scan3A_268 = %scan3A_187 to %scan3A_189 step %scan3A_190 iter_args(%scan3A_269 = %scan3A_186) -> (i32)  : i32 {
      %dma_wait3A = arith.constant 0 : i32
      %dma_wait3A_270 = arith.constant 0 : i32
      %dma_wait3A_271 = arith.constant 0 : i32
      %dma_wait3A_272 = arith.constant 0 : i32
      %dma_wait3A_273 = arith.constant 0 : i32
      %dma_wait3A_274 = tpu.memref_slice %arg8[%dma_wait3A_270, %dma_wait3A_271, %dma_wait3A_272, %dma_wait3A_273] : memref<2x10x125x32xf32, #tpu.memory_space<vmem>> -> memref<1x1x125x32xf32, #tpu.memory_space<vmem>>
      %dma_wait3A_275 = tpu.memref_squeeze %dma_wait3A_274 : memref<1x1x125x32xf32, #tpu.memory_space<vmem>> -> memref<125x32xf32, #tpu.memory_space<vmem>>
      %dma_wait3A_276 = arith.constant 0 : i32
      %dma_wait3A_277 = tpu.memref_slice %arg6[%dma_wait3A, %dma_wait3A_276] : memref<80x125xi32, #tpu.memory_space<vmem>> -> memref<1x125xi32, #tpu.memory_space<vmem>>
      %dma_wait3A_278 = tpu.memref_squeeze %dma_wait3A_277 : memref<1x125xi32, #tpu.memory_space<vmem>> -> memref<125xi32, #tpu.memory_space<vmem>>
      %dma_wait3A_279 = arith.constant 0 : i32
      %dma_wait3A_280 = arith.constant 0 : i32
      %dma_wait3A_281 = tpu.memref_slice %arg2[%dma_wait3A_279, %dma_wait3A_280] : memref<10000x32xf32, #tpu.memory_space<hbm>> -> memref<10000x32xf32, #tpu.memory_space<hbm>>
      tpu.wait_indirect_dma semaphore(%arg11 : memref<!tpu.dma_semaphore, #tpu.memory_space<semaphore_mem>>) src(%dma_wait3A_281 : memref<10000x32xf32, #tpu.memory_space<hbm>>) dst(%dma_wait3A_275 : memref<125x32xf32, #tpu.memory_space<vmem>>)
      %scan3A_282 = arith.constant 0 : i32
      scf.yield %scan3A_282 : i32
    }
    %scan3A_192 = arith.constant 10 : i32
    %scan3A_193 = arith.constant 0 : i32
    %scan3A_194 = arith.constant 0 : i32
    %scan3A_195 = arith.constant 10 : i32
    %scan3A_196 = arith.addi %scan3A_194, %scan3A_195 : i32
    %scan3A_197 = arith.constant 1 : i32
    %scan3A_198 = scf.for %scan3A_268 = %scan3A_194 to %scan3A_196 step %scan3A_197 iter_args(%scan3A_269 = %scan3A_193) -> (i32)  : i32 {
      %add3A_270 = arith.constant 60 : i32
      %add3A_271 = arith.addi %add3A_270, %scan3A_268 : i32
      %dma_start3A = arith.constant 0 : i32
      %dma_start3A_272 = arith.constant 0 : i32
      %dma_start3A_273 = arith.constant 0 : i32
      %dma_start3A_274 = tpu.memref_slice %arg8[%dma_start3A, %scan3A_268, %dma_start3A_272, %dma_start3A_273] : memref<2x10x125x32xf32, #tpu.memory_space<vmem>> -> memref<1x1x125x32xf32, #tpu.memory_space<vmem>>
      %dma_start3A_275 = tpu.memref_squeeze %dma_start3A_274 : memref<1x1x125x32xf32, #tpu.memory_space<vmem>> -> memref<125x32xf32, #tpu.memory_space<vmem>>
      %dma_start3A_276 = arith.constant 0 : i32
      %dma_start3A_277 = tpu.memref_slice %arg6[%add3A_271, %dma_start3A_276] : memref<80x125xi32, #tpu.memory_space<vmem>> -> memref<1x125xi32, #tpu.memory_space<vmem>>
      %dma_start3A_278 = tpu.memref_squeeze %dma_start3A_277 : memref<1x125xi32, #tpu.memory_space<vmem>> -> memref<125xi32, #tpu.memory_space<vmem>>
      %dma_start3A_279 = arith.constant 0 : i32
      %dma_start3A_280 = arith.constant 0 : i32
      %dma_start3A_281 = tpu.memref_slice %arg2[%dma_start3A_279, %dma_start3A_280] : memref<10000x32xf32, #tpu.memory_space<hbm>> -> memref<10000x32xf32, #tpu.memory_space<hbm>>
      tpu.enqueue_indirect_dma source(%dma_start3A_281 : memref<10000x32xf32, #tpu.memory_space<hbm>>) target(%dma_start3A_275 : memref<125x32xf32, #tpu.memory_space<vmem>>) offsets(%dma_start3A_278 : memref<125xi32, #tpu.memory_space<vmem>>) semaphore(%arg11 : memref<!tpu.dma_semaphore, #tpu.memory_space<semaphore_mem>>)
      %scan3A_282 = arith.constant 0 : i32
      scf.yield %scan3A_282 : i32
    }
    %scan3A_199 = arith.constant 10 : i32
    %scan3A_200 = arith.constant 0 : i32
    %scan3A_201 = arith.constant 0 : i32
    %scan3A_202 = arith.constant 10 : i32
    %scan3A_203 = arith.addi %scan3A_201, %scan3A_202 : i32
    %scan3A_204 = arith.constant 1 : i32
    %scan3A_205 = scf.for %scan3A_268 = %scan3A_201 to %scan3A_203 step %scan3A_204 iter_args(%scan3A_269 = %scan3A_200) -> (i32)  : i32 {
      %add3A_270 = arith.constant 50 : i32
      %add3A_271 = arith.addi %add3A_270, %scan3A_268 : i32
      %dma_start3A = arith.constant 1 : i32
      %dma_start3A_272 = arith.constant 0 : i32
      %dma_start3A_273 = arith.constant 0 : i32
      %dma_start3A_274 = tpu.memref_slice %arg8[%dma_start3A, %scan3A_268, %dma_start3A_272, %dma_start3A_273] : memref<2x10x125x32xf32, #tpu.memory_space<vmem>> -> memref<1x1x125x32xf32, #tpu.memory_space<vmem>>
      %dma_start3A_275 = tpu.memref_squeeze %dma_start3A_274 : memref<1x1x125x32xf32, #tpu.memory_space<vmem>> -> memref<125x32xf32, #tpu.memory_space<vmem>>
      %dma_start3A_276 = arith.constant 0 : i32
      %dma_start3A_277 = tpu.memref_slice %arg7[%add3A_271, %dma_start3A_276] : memref<80x125xi32, #tpu.memory_space<vmem>> -> memref<1x125xi32, #tpu.memory_space<vmem>>
      %dma_start3A_278 = tpu.memref_squeeze %dma_start3A_277 : memref<1x125xi32, #tpu.memory_space<vmem>> -> memref<125xi32, #tpu.memory_space<vmem>>
      %dma_start3A_279 = arith.constant 0 : i32
      %dma_start3A_280 = arith.constant 0 : i32
      %dma_start3A_281 = tpu.memref_slice %arg10[%dma_start3A_279, %dma_start3A_280] : memref<10240x32xf32, #tpu.memory_space<vmem_shared>> -> memref<10240x32xf32, #tpu.memory_space<vmem_shared>>
      tpu.enqueue_indirect_dma source(%dma_start3A_275 : memref<125x32xf32, #tpu.memory_space<vmem>>) target(%dma_start3A_281 : memref<10240x32xf32, #tpu.memory_space<vmem_shared>>) offsets(%dma_start3A_278 : memref<125xi32, #tpu.memory_space<vmem>>) semaphore(%arg12 : memref<!tpu.dma_semaphore, #tpu.memory_space<semaphore_mem>>) {add = true}
      %scan3A_282 = arith.constant 0 : i32
      scf.yield %scan3A_282 : i32
    }
    %scan3A_206 = arith.constant 10 : i32
    %scan3A_207 = arith.constant 0 : i32
    %scan3A_208 = arith.constant 0 : i32
    %scan3A_209 = arith.constant 10 : i32
    %scan3A_210 = arith.addi %scan3A_208, %scan3A_209 : i32
    %scan3A_211 = arith.constant 1 : i32
    %scan3A_212 = scf.for %scan3A_268 = %scan3A_208 to %scan3A_210 step %scan3A_211 iter_args(%scan3A_269 = %scan3A_207) -> (i32)  : i32 {
      %dma_wait3A = arith.constant 0 : i32
      %dma_wait3A_270 = arith.constant 0 : i32
      %dma_wait3A_271 = arith.constant 0 : i32
      %dma_wait3A_272 = arith.constant 0 : i32
      %dma_wait3A_273 = arith.constant 0 : i32
      %dma_wait3A_274 = tpu.memref_slice %arg8[%dma_wait3A, %dma_wait3A_270, %dma_wait3A_272, %dma_wait3A_273] : memref<2x10x125x32xf32, #tpu.memory_space<vmem>> -> memref<1x1x125x32xf32, #tpu.memory_space<vmem>>
      %dma_wait3A_275 = tpu.memref_squeeze %dma_wait3A_274 : memref<1x1x125x32xf32, #tpu.memory_space<vmem>> -> memref<125x32xf32, #tpu.memory_space<vmem>>
      %dma_wait3A_276 = arith.constant 0 : i32
      %dma_wait3A_277 = tpu.memref_slice %arg7[%dma_wait3A_271, %dma_wait3A_276] : memref<80x125xi32, #tpu.memory_space<vmem>> -> memref<1x125xi32, #tpu.memory_space<vmem>>
      %dma_wait3A_278 = tpu.memref_squeeze %dma_wait3A_277 : memref<1x125xi32, #tpu.memory_space<vmem>> -> memref<125xi32, #tpu.memory_space<vmem>>
      %dma_wait3A_279 = arith.constant 0 : i32
      %dma_wait3A_280 = arith.constant 0 : i32
      %dma_wait3A_281 = tpu.memref_slice %arg10[%dma_wait3A_279, %dma_wait3A_280] : memref<10240x32xf32, #tpu.memory_space<vmem_shared>> -> memref<10240x32xf32, #tpu.memory_space<vmem_shared>>
      tpu.wait_indirect_dma semaphore(%arg12 : memref<!tpu.dma_semaphore, #tpu.memory_space<semaphore_mem>>) src(%dma_wait3A_275 : memref<125x32xf32, #tpu.memory_space<vmem>>) dst(%dma_wait3A_281 : memref<10240x32xf32, #tpu.memory_space<vmem_shared>>)
      %scan3A_282 = arith.constant 0 : i32
      scf.yield %scan3A_282 : i32
    }
    %scan3A_213 = arith.constant 10 : i32
    %scan3A_214 = arith.constant 0 : i32
    %scan3A_215 = arith.constant 0 : i32
    %scan3A_216 = arith.constant 10 : i32
    %scan3A_217 = arith.addi %scan3A_215, %scan3A_216 : i32
    %scan3A_218 = arith.constant 1 : i32
    %scan3A_219 = scf.for %scan3A_268 = %scan3A_215 to %scan3A_217 step %scan3A_218 iter_args(%scan3A_269 = %scan3A_214) -> (i32)  : i32 {
      %dma_wait3A = arith.constant 0 : i32
      %dma_wait3A_270 = arith.constant 0 : i32
      %dma_wait3A_271 = arith.constant 0 : i32
      %dma_wait3A_272 = arith.constant 0 : i32
      %dma_wait3A_273 = arith.constant 0 : i32
      %dma_wait3A_274 = tpu.memref_slice %arg8[%dma_wait3A_270, %dma_wait3A_271, %dma_wait3A_272, %dma_wait3A_273] : memref<2x10x125x32xf32, #tpu.memory_space<vmem>> -> memref<1x1x125x32xf32, #tpu.memory_space<vmem>>
      %dma_wait3A_275 = tpu.memref_squeeze %dma_wait3A_274 : memref<1x1x125x32xf32, #tpu.memory_space<vmem>> -> memref<125x32xf32, #tpu.memory_space<vmem>>
      %dma_wait3A_276 = arith.constant 0 : i32
      %dma_wait3A_277 = tpu.memref_slice %arg6[%dma_wait3A, %dma_wait3A_276] : memref<80x125xi32, #tpu.memory_space<vmem>> -> memref<1x125xi32, #tpu.memory_space<vmem>>
      %dma_wait3A_278 = tpu.memref_squeeze %dma_wait3A_277 : memref<1x125xi32, #tpu.memory_space<vmem>> -> memref<125xi32, #tpu.memory_space<vmem>>
      %dma_wait3A_279 = arith.constant 0 : i32
      %dma_wait3A_280 = arith.constant 0 : i32
      %dma_wait3A_281 = tpu.memref_slice %arg2[%dma_wait3A_279, %dma_wait3A_280] : memref<10000x32xf32, #tpu.memory_space<hbm>> -> memref<10000x32xf32, #tpu.memory_space<hbm>>
      tpu.wait_indirect_dma semaphore(%arg11 : memref<!tpu.dma_semaphore, #tpu.memory_space<semaphore_mem>>) src(%dma_wait3A_281 : memref<10000x32xf32, #tpu.memory_space<hbm>>) dst(%dma_wait3A_275 : memref<125x32xf32, #tpu.memory_space<vmem>>)
      %scan3A_282 = arith.constant 0 : i32
      scf.yield %scan3A_282 : i32
    }
    %scan3A_220 = arith.constant 10 : i32
    %scan3A_221 = arith.constant 0 : i32
    %scan3A_222 = arith.constant 0 : i32
    %scan3A_223 = arith.constant 10 : i32
    %scan3A_224 = arith.addi %scan3A_222, %scan3A_223 : i32
    %scan3A_225 = arith.constant 1 : i32
    %scan3A_226 = scf.for %scan3A_268 = %scan3A_222 to %scan3A_224 step %scan3A_225 iter_args(%scan3A_269 = %scan3A_221) -> (i32)  : i32 {
      %add3A_270 = arith.constant 70 : i32
      %add3A_271 = arith.addi %add3A_270, %scan3A_268 : i32
      %dma_start3A = arith.constant 1 : i32
      %dma_start3A_272 = arith.constant 0 : i32
      %dma_start3A_273 = arith.constant 0 : i32
      %dma_start3A_274 = tpu.memref_slice %arg8[%dma_start3A, %scan3A_268, %dma_start3A_272, %dma_start3A_273] : memref<2x10x125x32xf32, #tpu.memory_space<vmem>> -> memref<1x1x125x32xf32, #tpu.memory_space<vmem>>
      %dma_start3A_275 = tpu.memref_squeeze %dma_start3A_274 : memref<1x1x125x32xf32, #tpu.memory_space<vmem>> -> memref<125x32xf32, #tpu.memory_space<vmem>>
      %dma_start3A_276 = arith.constant 0 : i32
      %dma_start3A_277 = tpu.memref_slice %arg6[%add3A_271, %dma_start3A_276] : memref<80x125xi32, #tpu.memory_space<vmem>> -> memref<1x125xi32, #tpu.memory_space<vmem>>
      %dma_start3A_278 = tpu.memref_squeeze %dma_start3A_277 : memref<1x125xi32, #tpu.memory_space<vmem>> -> memref<125xi32, #tpu.memory_space<vmem>>
      %dma_start3A_279 = arith.constant 0 : i32
      %dma_start3A_280 = arith.constant 0 : i32
      %dma_start3A_281 = tpu.memref_slice %arg2[%dma_start3A_279, %dma_start3A_280] : memref<10000x32xf32, #tpu.memory_space<hbm>> -> memref<10000x32xf32, #tpu.memory_space<hbm>>
      tpu.enqueue_indirect_dma source(%dma_start3A_281 : memref<10000x32xf32, #tpu.memory_space<hbm>>) target(%dma_start3A_275 : memref<125x32xf32, #tpu.memory_space<vmem>>) offsets(%dma_start3A_278 : memref<125xi32, #tpu.memory_space<vmem>>) semaphore(%arg11 : memref<!tpu.dma_semaphore, #tpu.memory_space<semaphore_mem>>)
      %scan3A_282 = arith.constant 0 : i32
      scf.yield %scan3A_282 : i32
    }
    %scan3A_227 = arith.constant 10 : i32
    %scan3A_228 = arith.constant 0 : i32
    %scan3A_229 = arith.constant 0 : i32
    %scan3A_230 = arith.constant 10 : i32
    %scan3A_231 = arith.addi %scan3A_229, %scan3A_230 : i32
    %scan3A_232 = arith.constant 1 : i32
    %scan3A_233 = scf.for %scan3A_268 = %scan3A_229 to %scan3A_231 step %scan3A_232 iter_args(%scan3A_269 = %scan3A_228) -> (i32)  : i32 {
      %add3A_270 = arith.constant 60 : i32
      %add3A_271 = arith.addi %add3A_270, %scan3A_268 : i32
      %dma_start3A = arith.constant 0 : i32
      %dma_start3A_272 = arith.constant 0 : i32
      %dma_start3A_273 = arith.constant 0 : i32
      %dma_start3A_274 = tpu.memref_slice %arg8[%dma_start3A, %scan3A_268, %dma_start3A_272, %dma_start3A_273] : memref<2x10x125x32xf32, #tpu.memory_space<vmem>> -> memref<1x1x125x32xf32, #tpu.memory_space<vmem>>
      %dma_start3A_275 = tpu.memref_squeeze %dma_start3A_274 : memref<1x1x125x32xf32, #tpu.memory_space<vmem>> -> memref<125x32xf32, #tpu.memory_space<vmem>>
      %dma_start3A_276 = arith.constant 0 : i32
      %dma_start3A_277 = tpu.memref_slice %arg7[%add3A_271, %dma_start3A_276] : memref<80x125xi32, #tpu.memory_space<vmem>> -> memref<1x125xi32, #tpu.memory_space<vmem>>
      %dma_start3A_278 = tpu.memref_squeeze %dma_start3A_277 : memref<1x125xi32, #tpu.memory_space<vmem>> -> memref<125xi32, #tpu.memory_space<vmem>>
      %dma_start3A_279 = arith.constant 0 : i32
      %dma_start3A_280 = arith.constant 0 : i32
      %dma_start3A_281 = tpu.memref_slice %arg10[%dma_start3A_279, %dma_start3A_280] : memref<10240x32xf32, #tpu.memory_space<vmem_shared>> -> memref<10240x32xf32, #tpu.memory_space<vmem_shared>>
      tpu.enqueue_indirect_dma source(%dma_start3A_275 : memref<125x32xf32, #tpu.memory_space<vmem>>) target(%dma_start3A_281 : memref<10240x32xf32, #tpu.memory_space<vmem_shared>>) offsets(%dma_start3A_278 : memref<125xi32, #tpu.memory_space<vmem>>) semaphore(%arg12 : memref<!tpu.dma_semaphore, #tpu.memory_space<semaphore_mem>>) {add = true}
      %scan3A_282 = arith.constant 0 : i32
      scf.yield %scan3A_282 : i32
    }
    %scan3A_234 = arith.constant 10 : i32
    %scan3A_235 = arith.constant 0 : i32
    %scan3A_236 = arith.constant 0 : i32
    %scan3A_237 = arith.constant 10 : i32
    %scan3A_238 = arith.addi %scan3A_236, %scan3A_237 : i32
    %scan3A_239 = arith.constant 1 : i32
    %scan3A_240 = scf.for %scan3A_268 = %scan3A_236 to %scan3A_238 step %scan3A_239 iter_args(%scan3A_269 = %scan3A_235) -> (i32)  : i32 {
      %dma_wait3A = arith.constant 0 : i32
      %dma_wait3A_270 = arith.constant 0 : i32
      %dma_wait3A_271 = arith.constant 0 : i32
      %dma_wait3A_272 = arith.constant 0 : i32
      %dma_wait3A_273 = arith.constant 0 : i32
      %dma_wait3A_274 = tpu.memref_slice %arg8[%dma_wait3A, %dma_wait3A_270, %dma_wait3A_272, %dma_wait3A_273] : memref<2x10x125x32xf32, #tpu.memory_space<vmem>> -> memref<1x1x125x32xf32, #tpu.memory_space<vmem>>
      %dma_wait3A_275 = tpu.memref_squeeze %dma_wait3A_274 : memref<1x1x125x32xf32, #tpu.memory_space<vmem>> -> memref<125x32xf32, #tpu.memory_space<vmem>>
      %dma_wait3A_276 = arith.constant 0 : i32
      %dma_wait3A_277 = tpu.memref_slice %arg7[%dma_wait3A_271, %dma_wait3A_276] : memref<80x125xi32, #tpu.memory_space<vmem>> -> memref<1x125xi32, #tpu.memory_space<vmem>>
      %dma_wait3A_278 = tpu.memref_squeeze %dma_wait3A_277 : memref<1x125xi32, #tpu.memory_space<vmem>> -> memref<125xi32, #tpu.memory_space<vmem>>
      %dma_wait3A_279 = arith.constant 0 : i32
      %dma_wait3A_280 = arith.constant 0 : i32
      %dma_wait3A_281 = tpu.memref_slice %arg10[%dma_wait3A_279, %dma_wait3A_280] : memref<10240x32xf32, #tpu.memory_space<vmem_shared>> -> memref<10240x32xf32, #tpu.memory_space<vmem_shared>>
      tpu.wait_indirect_dma semaphore(%arg12 : memref<!tpu.dma_semaphore, #tpu.memory_space<semaphore_mem>>) src(%dma_wait3A_275 : memref<125x32xf32, #tpu.memory_space<vmem>>) dst(%dma_wait3A_281 : memref<10240x32xf32, #tpu.memory_space<vmem_shared>>)
      %scan3A_282 = arith.constant 0 : i32
      scf.yield %scan3A_282 : i32
    }
    %scan3A_241 = arith.constant 10 : i32
    %scan3A_242 = arith.constant 0 : i32
    %scan3A_243 = arith.constant 0 : i32
    %scan3A_244 = arith.constant 10 : i32
    %scan3A_245 = arith.addi %scan3A_243, %scan3A_244 : i32
    %scan3A_246 = arith.constant 1 : i32
    %scan3A_247 = scf.for %scan3A_268 = %scan3A_243 to %scan3A_245 step %scan3A_246 iter_args(%scan3A_269 = %scan3A_242) -> (i32)  : i32 {
      %dma_wait3A = arith.constant 0 : i32
      %dma_wait3A_270 = arith.constant 0 : i32
      %dma_wait3A_271 = arith.constant 0 : i32
      %dma_wait3A_272 = arith.constant 0 : i32
      %dma_wait3A_273 = arith.constant 0 : i32
      %dma_wait3A_274 = tpu.memref_slice %arg8[%dma_wait3A_270, %dma_wait3A_271, %dma_wait3A_272, %dma_wait3A_273] : memref<2x10x125x32xf32, #tpu.memory_space<vmem>> -> memref<1x1x125x32xf32, #tpu.memory_space<vmem>>
      %dma_wait3A_275 = tpu.memref_squeeze %dma_wait3A_274 : memref<1x1x125x32xf32, #tpu.memory_space<vmem>> -> memref<125x32xf32, #tpu.memory_space<vmem>>
      %dma_wait3A_276 = arith.constant 0 : i32
      %dma_wait3A_277 = tpu.memref_slice %arg6[%dma_wait3A, %dma_wait3A_276] : memref<80x125xi32, #tpu.memory_space<vmem>> -> memref<1x125xi32, #tpu.memory_space<vmem>>
      %dma_wait3A_278 = tpu.memref_squeeze %dma_wait3A_277 : memref<1x125xi32, #tpu.memory_space<vmem>> -> memref<125xi32, #tpu.memory_space<vmem>>
      %dma_wait3A_279 = arith.constant 0 : i32
      %dma_wait3A_280 = arith.constant 0 : i32
      %dma_wait3A_281 = tpu.memref_slice %arg2[%dma_wait3A_279, %dma_wait3A_280] : memref<10000x32xf32, #tpu.memory_space<hbm>> -> memref<10000x32xf32, #tpu.memory_space<hbm>>
      tpu.wait_indirect_dma semaphore(%arg11 : memref<!tpu.dma_semaphore, #tpu.memory_space<semaphore_mem>>) src(%dma_wait3A_281 : memref<10000x32xf32, #tpu.memory_space<hbm>>) dst(%dma_wait3A_275 : memref<125x32xf32, #tpu.memory_space<vmem>>)
      %scan3A_282 = arith.constant 0 : i32
      scf.yield %scan3A_282 : i32
    }
    %scan3A_248 = arith.constant 10 : i32
    %scan3A_249 = arith.constant 0 : i32
    %scan3A_250 = arith.constant 0 : i32
    %scan3A_251 = arith.constant 10 : i32
    %scan3A_252 = arith.addi %scan3A_250, %scan3A_251 : i32
    %scan3A_253 = arith.constant 1 : i32
    %scan3A_254 = scf.for %scan3A_268 = %scan3A_250 to %scan3A_252 step %scan3A_253 iter_args(%scan3A_269 = %scan3A_249) -> (i32)  : i32 {
      %add3A_270 = arith.constant 70 : i32
      %add3A_271 = arith.addi %add3A_270, %scan3A_268 : i32
      %dma_start3A = arith.constant 1 : i32
      %dma_start3A_272 = arith.constant 0 : i32
      %dma_start3A_273 = arith.constant 0 : i32
      %dma_start3A_274 = tpu.memref_slice %arg8[%dma_start3A, %scan3A_268, %dma_start3A_272, %dma_start3A_273] : memref<2x10x125x32xf32, #tpu.memory_space<vmem>> -> memref<1x1x125x32xf32, #tpu.memory_space<vmem>>
      %dma_start3A_275 = tpu.memref_squeeze %dma_start3A_274 : memref<1x1x125x32xf32, #tpu.memory_space<vmem>> -> memref<125x32xf32, #tpu.memory_space<vmem>>
      %dma_start3A_276 = arith.constant 0 : i32
      %dma_start3A_277 = tpu.memref_slice %arg7[%add3A_271, %dma_start3A_276] : memref<80x125xi32, #tpu.memory_space<vmem>> -> memref<1x125xi32, #tpu.memory_space<vmem>>
      %dma_start3A_278 = tpu.memref_squeeze %dma_start3A_277 : memref<1x125xi32, #tpu.memory_space<vmem>> -> memref<125xi32, #tpu.memory_space<vmem>>
      %dma_start3A_279 = arith.constant 0 : i32
      %dma_start3A_280 = arith.constant 0 : i32
      %dma_start3A_281 = tpu.memref_slice %arg10[%dma_start3A_279, %dma_start3A_280] : memref<10240x32xf32, #tpu.memory_space<vmem_shared>> -> memref<10240x32xf32, #tpu.memory_space<vmem_shared>>
      tpu.enqueue_indirect_dma source(%dma_start3A_275 : memref<125x32xf32, #tpu.memory_space<vmem>>) target(%dma_start3A_281 : memref<10240x32xf32, #tpu.memory_space<vmem_shared>>) offsets(%dma_start3A_278 : memref<125xi32, #tpu.memory_space<vmem>>) semaphore(%arg12 : memref<!tpu.dma_semaphore, #tpu.memory_space<semaphore_mem>>) {add = true}
      %scan3A_282 = arith.constant 0 : i32
      scf.yield %scan3A_282 : i32
    }
    %scan3A_255 = arith.constant 10 : i32
    %scan3A_256 = arith.constant 0 : i32
    %scan3A_257 = arith.constant 0 : i32
    %scan3A_258 = arith.constant 10 : i32
    %scan3A_259 = arith.addi %scan3A_257, %scan3A_258 : i32
    %scan3A_260 = arith.constant 1 : i32
    %scan3A_261 = scf.for %scan3A_268 = %scan3A_257 to %scan3A_259 step %scan3A_260 iter_args(%scan3A_269 = %scan3A_256) -> (i32)  : i32 {
      %dma_wait3A = arith.constant 0 : i32
      %dma_wait3A_270 = arith.constant 0 : i32
      %dma_wait3A_271 = arith.constant 0 : i32
      %dma_wait3A_272 = arith.constant 0 : i32
      %dma_wait3A_273 = arith.constant 0 : i32
      %dma_wait3A_274 = tpu.memref_slice %arg8[%dma_wait3A, %dma_wait3A_270, %dma_wait3A_272, %dma_wait3A_273] : memref<2x10x125x32xf32, #tpu.memory_space<vmem>> -> memref<1x1x125x32xf32, #tpu.memory_space<vmem>>
      %dma_wait3A_275 = tpu.memref_squeeze %dma_wait3A_274 : memref<1x1x125x32xf32, #tpu.memory_space<vmem>> -> memref<125x32xf32, #tpu.memory_space<vmem>>
      %dma_wait3A_276 = arith.constant 0 : i32
      %dma_wait3A_277 = tpu.memref_slice %arg7[%dma_wait3A_271, %dma_wait3A_276] : memref<80x125xi32, #tpu.memory_space<vmem>> -> memref<1x125xi32, #tpu.memory_space<vmem>>
      %dma_wait3A_278 = tpu.memref_squeeze %dma_wait3A_277 : memref<1x125xi32, #tpu.memory_space<vmem>> -> memref<125xi32, #tpu.memory_space<vmem>>
      %dma_wait3A_279 = arith.constant 0 : i32
      %dma_wait3A_280 = arith.constant 0 : i32
      %dma_wait3A_281 = tpu.memref_slice %arg10[%dma_wait3A_279, %dma_wait3A_280] : memref<10240x32xf32, #tpu.memory_space<vmem_shared>> -> memref<10240x32xf32, #tpu.memory_space<vmem_shared>>
      tpu.wait_indirect_dma semaphore(%arg12 : memref<!tpu.dma_semaphore, #tpu.memory_space<semaphore_mem>>) src(%dma_wait3A_275 : memref<125x32xf32, #tpu.memory_space<vmem>>) dst(%dma_wait3A_281 : memref<10240x32xf32, #tpu.memory_space<vmem_shared>>)
      %scan3A_282 = arith.constant 0 : i32
      scf.yield %scan3A_282 : i32
    }
    %scan3A_262 = arith.constant 10 : i32
    %barrier3A_263 = arith.constant 0 : index
    tpu.barrier barrier_id(%barrier3A_263)
    %mul3A_264 = arith.constant 640 : i32
    %mul3A_265 = arith.muli %arg1, %mul3A_264 : i32
    %mul3A_266 = arith.constant 640 : i32
    %mul3A_267 = arith.muli %arg1, %mul3A_266 : i32
    "tpu.region"() ({
      %run_scoped3A = tpu.sem_alloc : memref<!tpu.dma_semaphore, #tpu.memory_space<semaphore_mem>>
      %dma_start3A = arith.constant 0 : i32
      %dma_start3A_268 = tpu.memref_slice %arg5[%arg0, %mul3A_267, %dma_start3A] : memref<2x10240x32xf32, #tpu.memory_space<hbm>> -> memref<1x640x32xf32, #tpu.memory_space<hbm>>
      %dma_start3A_269 = tpu.memref_squeeze %dma_start3A_268 : memref<1x640x32xf32, #tpu.memory_space<hbm>> -> memref<640x32xf32, #tpu.memory_space<hbm>>
      %dma_start3A_270 = arith.constant 0 : i32
      %dma_start3A_271 = tpu.memref_slice %arg10[%mul3A_265, %dma_start3A_270] : memref<10240x32xf32, #tpu.memory_space<vmem_shared>> -> memref<640x32xf32, #tpu.memory_space<vmem_shared>>
      tpu.enqueue_dma source(%dma_start3A_271 : memref<640x32xf32, #tpu.memory_space<vmem_shared>>) target(%dma_start3A_269 : memref<640x32xf32, #tpu.memory_space<hbm>>) target_semaphore(%run_scoped3A : memref<!tpu.dma_semaphore, #tpu.memory_space<semaphore_mem>>)
      %dma_wait3A = arith.constant 0 : i32
      %dma_wait3A_272 = tpu.memref_slice %arg5[%arg0, %mul3A_267, %dma_wait3A] : memref<2x10240x32xf32, #tpu.memory_space<hbm>> -> memref<1x640x32xf32, #tpu.memory_space<hbm>>
      %dma_wait3A_273 = tpu.memref_squeeze %dma_wait3A_272 : memref<1x640x32xf32, #tpu.memory_space<hbm>> -> memref<640x32xf32, #tpu.memory_space<hbm>>
      %dma_wait3A_274 = arith.constant 0 : i32
      %dma_wait3A_275 = tpu.memref_slice %arg10[%mul3A_265, %dma_wait3A_274] : memref<10240x32xf32, #tpu.memory_space<vmem_shared>> -> memref<640x32xf32, #tpu.memory_space<vmem_shared>>
      tpu.wait_dma2 semaphore(%run_scoped3A : memref<!tpu.dma_semaphore, #tpu.memory_space<semaphore_mem>>) src(%dma_wait3A_275 : memref<640x32xf32, #tpu.memory_space<vmem_shared>>) dst(%dma_wait3A_273 : memref<640x32xf32, #tpu.memory_space<hbm>>)
      tpu.yield
    }) : () -> ()
    return
  }
}

module attributes {stable_mosaic.version = 14 : i64} {
  func.func @body(%arg0: memref<10000x128xf32, #tpu.memory_space<vmem>>, %arg1: memref<128x16xf32, #tpu.memory_space<vmem>>, %arg2: memref<10000x16xf32, #tpu.memory_space<vmem>>) attributes {dimension_semantics = [], scalar_prefetch = 0 : i64, scratch_operands = 0 : i64, tpu.core_type = #tpu.core_type<tc>} {
    %get3A = arith.constant 0 : index
    %get3A_0 = arith.constant 0 : index
    %get3A_1 = vector.load %arg0[%get3A, %get3A_0] : memref<10000x128xf32, #tpu.memory_space<vmem>>, vector<10000x128xf32>
    %get3A_2 = arith.constant 0 : index
    %get3A_3 = arith.constant 0 : index
    %get3A_4 = vector.load %arg1[%get3A_2, %get3A_3] : memref<128x16xf32, #tpu.memory_space<vmem>>, vector<128x16xf32>
    %dot_general3A = arith.constant dense<0.000000e+00> : vector<10000x16xf32>
    %dot_general3A_5 = tpu.matmul %get3A_1, %get3A_4, %dot_general3A {dimension_numbers = #tpu.dot_dimension_numbers<[1], [0], [0], [1], [0, 0, 1, 1], [], []>, transpose_lhs_hint = false} : vector<10000x128xf32>, vector<128x16xf32>, vector<10000x16xf32> -> vector<10000x16xf32>
    %swap3A = arith.constant 0 : index
    %swap3A_6 = arith.constant 0 : index
    %swap3A_7 = vector.load %arg2[%swap3A, %swap3A_6] : memref<10000x16xf32, #tpu.memory_space<vmem>>, vector<10000x16xf32>
    tpu.vector_store %arg2[%swap3A, %swap3A_6], %dot_general3A_5 {strides = array<i32>} : memref<10000x16xf32, #tpu.memory_space<vmem>>, vector<10000x16xf32>,
    return
  }
}

module attributes {stable_mosaic.version = 14 : i64} {
  func.func @body(%arg0: memref<2x10240xf32, #tpu.memory_space<vmem>>, %arg1: memref<10000x16xf32, #tpu.memory_space<vmem>>, %arg2: memref<10000x1xf32, #tpu.memory_space<vmem>>, %arg3: memref<10000x16xf32, #tpu.memory_space<vmem>>) attributes {dimension_semantics = [], scalar_prefetch = 0 : i64, scratch_operands = 0 : i64, tpu.core_type = #tpu.core_type<tc>} {
    %get3A = arith.constant 0 : index
    %get3A_0 = arith.constant 0 : index
    %get3A_1 = vector.load %arg0[%get3A, %get3A_0] : memref<2x10240xf32, #tpu.memory_space<vmem>>, vector<1x10000xf32>
    %get3A_2 = vector.shape_cast %get3A_1 : vector<1x10000xf32> to vector<10000xf32>
    %get3A_3 = arith.constant 1 : index
    %get3A_4 = arith.constant 0 : index
    %get3A_5 = vector.load %arg0[%get3A_3, %get3A_4] : memref<2x10240xf32, #tpu.memory_space<vmem>>, vector<1x10000xf32>
    %get3A_6 = vector.shape_cast %get3A_5 : vector<1x10000xf32> to vector<10000xf32>
    %add3A = arith.addf %get3A_2, %get3A_6 : vector<10000xf32>
    %add3A_7 = arith.constant 1.000000e+00 : f32
    %add3A_8 = vector.broadcast %add3A_7 : f32 to vector<10000xf32>
    %add3A_9 = arith.addf %add3A, %add3A_8 : vector<10000xf32>
    %rsqrt3A = math.rsqrt %add3A_9 : vector<10000xf32>
    %broadcast_in_dim3A = vector.shape_cast %rsqrt3A : vector<10000xf32> to vector<10000x1xf32>
    %swap3A = arith.constant 0 : index
    %swap3A_10 = arith.constant 0 : index
    %swap3A_11 = vector.load %arg2[%swap3A, %swap3A_10] : memref<10000x1xf32, #tpu.memory_space<vmem>>, vector<10000x1xf32>
    tpu.vector_store %arg2[%swap3A, %swap3A_10], %broadcast_in_dim3A {strides = array<i32>} : memref<10000x1xf32, #tpu.memory_space<vmem>>, vector<10000x1xf32>,
    %get3A_12 = arith.constant 0 : index
    %get3A_13 = arith.constant 0 : index
    %get3A_14 = vector.load %arg1[%get3A_12, %get3A_13] : memref<10000x16xf32, #tpu.memory_space<vmem>>, vector<10000x16xf32>
    %mul3A = vector.broadcast %broadcast_in_dim3A : vector<10000x1xf32> to vector<10000x16xf32>
    %mul3A_15 = arith.mulf %mul3A, %get3A_14 : vector<10000x16xf32>
    %swap3A_16 = arith.constant 0 : index
    %swap3A_17 = arith.constant 0 : index
    %swap3A_18 = vector.load %arg3[%swap3A_16, %swap3A_17] : memref<10000x16xf32, #tpu.memory_space<vmem>>, vector<10000x16xf32>
    tpu.vector_store %arg3[%swap3A_16, %swap3A_17], %mul3A_15 {strides = array<i32>} : memref<10000x16xf32, #tpu.memory_space<vmem>>, vector<10000x16xf32>,
    return
  }
}

module attributes {stable_mosaic.version = 14 : i64} {
  func.func @body(%arg0: memref<2x10240x16xf32, #tpu.memory_space<vmem>>, %arg1: memref<10000x16xf32, #tpu.memory_space<vmem>>, %arg2: memref<10000x1xf32, #tpu.memory_space<vmem>>, %arg3: memref<1x16xf32, #tpu.memory_space<vmem>>, %arg4: memref<16x32xf32, #tpu.memory_space<vmem>>, %arg5: memref<10000x32xf32, #tpu.memory_space<vmem>>) attributes {dimension_semantics = [], scalar_prefetch = 0 : i64, scratch_operands = 0 : i64, tpu.core_type = #tpu.core_type<tc>} {
    %get3A = arith.constant 0 : index
    %get3A_0 = arith.constant 0 : index
    %get3A_1 = vector.load %arg2[%get3A, %get3A_0] : memref<10000x1xf32, #tpu.memory_space<vmem>>, vector<10000x1xf32>
    %get3A_2 = arith.constant 0 : index
    %get3A_3 = arith.constant 0 : index
    %get3A_4 = arith.constant 0 : index
    %get3A_5 = vector.load %arg0[%get3A_2, %get3A_3, %get3A_4] : memref<2x10240x16xf32, #tpu.memory_space<vmem>>, vector<1x10000x16xf32>
    %get3A_6 = vector.shape_cast %get3A_5 : vector<1x10000x16xf32> to vector<10000x16xf32>
    %get3A_7 = arith.constant 1 : index
    %get3A_8 = arith.constant 0 : index
    %get3A_9 = arith.constant 0 : index
    %get3A_10 = vector.load %arg0[%get3A_7, %get3A_8, %get3A_9] : memref<2x10240x16xf32, #tpu.memory_space<vmem>>, vector<1x10000x16xf32>
    %get3A_11 = vector.shape_cast %get3A_10 : vector<1x10000x16xf32> to vector<10000x16xf32>
    %add3A = arith.addf %get3A_6, %get3A_11 : vector<10000x16xf32>
    %get3A_12 = arith.constant 0 : index
    %get3A_13 = arith.constant 0 : index
    %get3A_14 = vector.load %arg1[%get3A_12, %get3A_13] : memref<10000x16xf32, #tpu.memory_space<vmem>>, vector<10000x16xf32>
    %add3A_15 = arith.addf %add3A, %get3A_14 : vector<10000x16xf32>
    %mul3A = vector.broadcast %get3A_1 : vector<10000x1xf32> to vector<10000x16xf32>
    %mul3A_16 = arith.mulf %mul3A, %add3A_15 : vector<10000x16xf32>
    %get3A_17 = arith.constant 0 : index
    %get3A_18 = arith.constant 0 : index
    %get3A_19 = vector.load %arg3[%get3A_17, %get3A_18] : memref<1x16xf32, #tpu.memory_space<vmem>>, vector<1x16xf32>
    %add3A_20 = vector.broadcast %get3A_19 : vector<1x16xf32> to vector<10000x16xf32>
    %add3A_21 = arith.addf %mul3A_16, %add3A_20 : vector<10000x16xf32>
    %max3A = arith.constant 0.000000e+00 : f32
    %max3A_22 = vector.broadcast %max3A : f32 to vector<10000x16xf32>
    %max3A_23 = arith.maximumf %add3A_21, %max3A_22 : vector<10000x16xf32>
    %get3A_24 = arith.constant 0 : index
    %get3A_25 = arith.constant 0 : index
    %get3A_26 = vector.load %arg4[%get3A_24, %get3A_25] : memref<16x32xf32, #tpu.memory_space<vmem>>, vector<16x32xf32>
    %dot_general3A = arith.constant dense<0.000000e+00> : vector<10000x32xf32>
    %dot_general3A_27 = tpu.matmul %max3A_23, %get3A_26, %dot_general3A {dimension_numbers = #tpu.dot_dimension_numbers<[1], [0], [0], [1], [0, 0, 1, 1], [], []>, transpose_lhs_hint = false} : vector<10000x16xf32>, vector<16x32xf32>, vector<10000x32xf32> -> vector<10000x32xf32>
    %mul3A_28 = vector.broadcast %get3A_1 : vector<10000x1xf32> to vector<10000x32xf32>
    %mul3A_29 = arith.mulf %mul3A_28, %dot_general3A_27 : vector<10000x32xf32>
    %swap3A = arith.constant 0 : index
    %swap3A_30 = arith.constant 0 : index
    %swap3A_31 = vector.load %arg5[%swap3A, %swap3A_30] : memref<10000x32xf32, #tpu.memory_space<vmem>>, vector<10000x32xf32>
    tpu.vector_store %arg5[%swap3A, %swap3A_30], %mul3A_29 {strides = array<i32>} : memref<10000x32xf32, #tpu.memory_space<vmem>>, vector<10000x32xf32>,
    return
  }
}

module attributes {stable_mosaic.version = 14 : i64} {
  func.func @body(%arg0: memref<2x10240x32xf32, #tpu.memory_space<vmem>>, %arg1: memref<10000x32xf32, #tpu.memory_space<vmem>>, %arg2: memref<10000x1xf32, #tpu.memory_space<vmem>>, %arg3: memref<1x16xf32, #tpu.memory_space<vmem>>, %arg4: memref<1x16xf32, #tpu.memory_space<vmem>>, %arg5: memref<10000x16xf32, #tpu.memory_space<vmem>>, %arg6: memref<10000x16xf32, #tpu.memory_space<vmem>>) attributes {dimension_semantics = [], scalar_prefetch = 0 : i64, scratch_operands = 0 : i64, tpu.core_type = #tpu.core_type<tc>} {
    %get3A = arith.constant 0 : index
    %get3A_0 = arith.constant 0 : index
    %get3A_1 = vector.load %arg2[%get3A, %get3A_0] : memref<10000x1xf32, #tpu.memory_space<vmem>>, vector<10000x1xf32>
    %get3A_2 = arith.constant 0 : index
    %get3A_3 = arith.constant 0 : index
    %get3A_4 = arith.constant 0 : index
    %get3A_5 = vector.load %arg0[%get3A_2, %get3A_3, %get3A_4] : memref<2x10240x32xf32, #tpu.memory_space<vmem>>, vector<1x10000x32xf32>
    %get3A_6 = vector.shape_cast %get3A_5 : vector<1x10000x32xf32> to vector<10000x32xf32>
    %get3A_7 = arith.constant 1 : index
    %get3A_8 = arith.constant 0 : index
    %get3A_9 = arith.constant 0 : index
    %get3A_10 = vector.load %arg0[%get3A_7, %get3A_8, %get3A_9] : memref<2x10240x32xf32, #tpu.memory_space<vmem>>, vector<1x10000x32xf32>
    %get3A_11 = vector.shape_cast %get3A_10 : vector<1x10000x32xf32> to vector<10000x32xf32>
    %add3A = arith.addf %get3A_6, %get3A_11 : vector<10000x32xf32>
    %get3A_12 = arith.constant 0 : index
    %get3A_13 = arith.constant 0 : index
    %get3A_14 = vector.load %arg1[%get3A_12, %get3A_13] : memref<10000x32xf32, #tpu.memory_space<vmem>>, vector<10000x32xf32>
    %add3A_15 = arith.addf %add3A, %get3A_14 : vector<10000x32xf32>
    %mul3A = vector.broadcast %get3A_1 : vector<10000x1xf32> to vector<10000x32xf32>
    %mul3A_16 = arith.mulf %mul3A, %add3A_15 : vector<10000x32xf32>
    %slice3A = vector.extract_strided_slice %mul3A_16 {offsets = [0, 0], sizes = [10000, 16], strides = [1, 1]} : vector<10000x32xf32> to vector<10000x16xf32>
    %get3A_17 = arith.constant 0 : index
    %get3A_18 = arith.constant 0 : index
    %get3A_19 = vector.load %arg3[%get3A_17, %get3A_18] : memref<1x16xf32, #tpu.memory_space<vmem>>, vector<1x16xf32>
    %add3A_20 = vector.broadcast %get3A_19 : vector<1x16xf32> to vector<10000x16xf32>
    %add3A_21 = arith.addf %slice3A, %add3A_20 : vector<10000x16xf32>
    %swap3A = arith.constant 0 : index
    %swap3A_22 = arith.constant 0 : index
    %swap3A_23 = vector.load %arg5[%swap3A, %swap3A_22] : memref<10000x16xf32, #tpu.memory_space<vmem>>, vector<10000x16xf32>
    tpu.vector_store %arg5[%swap3A, %swap3A_22], %add3A_21 {strides = array<i32>} : memref<10000x16xf32, #tpu.memory_space<vmem>>, vector<10000x16xf32>,
    %slice3A_24 = vector.extract_strided_slice %mul3A_16 {offsets = [0, 16], sizes = [10000, 16], strides = [1, 1]} : vector<10000x32xf32> to vector<10000x16xf32>
    %get3A_25 = arith.constant 0 : index
    %get3A_26 = arith.constant 0 : index
    %get3A_27 = vector.load %arg4[%get3A_25, %get3A_26] : memref<1x16xf32, #tpu.memory_space<vmem>>, vector<1x16xf32>
    %add3A_28 = vector.broadcast %get3A_27 : vector<1x16xf32> to vector<10000x16xf32>
    %add3A_29 = arith.addf %slice3A_24, %add3A_28 : vector<10000x16xf32>
    %swap3A_30 = arith.constant 0 : index
    %swap3A_31 = arith.constant 0 : index
    %swap3A_32 = vector.load %arg6[%swap3A_30, %swap3A_31] : memref<10000x16xf32, #tpu.memory_space<vmem>>, vector<10000x16xf32>
    tpu.vector_store %arg6[%swap3A_30, %swap3A_31], %add3A_29 {strides = array<i32>} : memref<10000x16xf32, #tpu.memory_space<vmem>>, vector<10000x16xf32>,
    return
  }
}

</mosaic_0001>

<sc_bundles>
// kernel: kernel.12.cloned.1.call-start
scs
__scs_entry_jumppad:
0x0: {  	(pc) =	sbr.rel $0x88, $3  }
0x1: {  	(tag) =	ssettag $0x0;
	lr =	simm.s32 $0x1  }
0x2: {  	[smem:$0x3F99] =	sst lr;
	_ =	strace $0xD0000000  }
0x3: {  	_ = 	snop  }
0x4: {  	_ = 	snop  }
0x5: {  	_ = 	snop  }
0x6: {  	_ = 	snop  }
0x7: {  	_ = 	snop  }
__scs_overlays_trampoline_lowered:
0x8: {  	[smem:$0x3FA8] =	sst s0  }
0x9: {  	[smem:$0x3FA9] =	sst s1  }
0xa: {  	[smem:$0x3FAA] =	sst s2  }
0xb: {  	[smem:$0x3FAB] =	sst s3  }
0xc: {  	[smem:$0x3FAC] =	sst s4  }
0xd: {  	[smem:$0x3FAD] =	sst s5  }
0xe: {  	[smem:$0x3FAE] =	sst s6  }
0xf: {  	[smem:$0x3FAF] =	sst s7  }
0x10: {  	[smem:$0x3FB0] =	sst s8  }
0x11: {  	[smem:$0x3FB1] =	sst s9;
	s0 =	simm.s32 @!p0 $0x0  }
0x12: {  	s1 =	sld [smem:$0x3F97];
	s0 =	simm.s32 @p0 $0x1  }
0x13: {  	[smem:$0x3FB2] =	sst s0;
	s0 =	simm.s32 @!p1 $0x0  }
0x14: {  	s2 =	sld [smem:$0x3F96];
	s0 =	simm.s32 @p1 $0x1  }
0x15: {  	[smem:$0x3FB3] =	sst s0;
	s0 =	simm.s32 @!p2 $0x0  }
0x16: {  	s3 =	sld [smem:$0x3FDB];
	s0 =	simm.s32 @p2 $0x1  }
0x17: {  	s4 =	simm.s32 $0x1BF5;
	[smem:$0x3FB5] =	sst s0  }
0x18: {  	s0 =	sld [smem:$0x3F98];
	_ =	swait.ge [sflag:s4], $0x0  }
0x19: {  	s7 =	sld [smem:$0x3F99]  }
0x1a: {  	s8 =	sadd.s32 $0xFFFFE003, lr  }
0x1b: {  	s9 =	sadd.s32 $0xFFFFFEF7, lr;
	s5 =	simm.s32 $0xFFFFFFFF;
	p2 =	slt.u32 s8, $0xFFFFF086  }
0x1c: {  	p1 =	slt.u32 s9, $0xF7A;
	s5 =	simm.s32 @!p2 $0x0  }
0x1d: {  	s5 =	simm.s32 @p1 $0x1;
	p0 =	seq.s32 s7, s2  }
0x1e: {  	s7 =	smul.u32 @!p0 $0xF7A, s2;
	p2 =	seq.s32 @!p0 s5, $0x0  }
0x1f: {  	s9 =	smul.u32 $0xF7A, s1;
	s8 =	simm.s32 @!p0 $0x1BF5;
	p2 =	por !p2, p0  }
0x20: {  	[sflag:s8] =	ssyncset.s32 @!p0 $0xFFFFF086;
	s6 =	sadd.s32 @!p0 s3, s7;
	s7 =	simm.s32 @!p0 $0x108  }
0x21: {  	s3 =	sadd.s32 s3, s9;
	s6 =	sadd.s32 @!p0 $0x88, s6;
	s7 =	simm.s32 @p2 $0x1082  }
0x22: {  	[simem:s7], [sflag:s8] =	dma.local @!p0 [hbm:s6], $0xF7A  }
0x23: {  	s9 =	sor.u32 $0xD0000000, s2;
	s6 =	simm.s32 $0x108;
	_ =	swait.ge @!p0 [sflag:s8], $0x0  }
0x24: {  	s3 =	sadd.s32 $0x88, s3;
	s6 =	simm.s32 @!p1 $0x1082;
	[sflag:s4] =	ssyncset.s32 $0xFFFFF086  }
0x25: {  	[simem:s6], [sflag:s4] =	dma.local [hbm:s3], $0xF7A  }
0x26: {  	[smem:$0x3F99] =	sst s1;
	(tag) =	ssettag s2;
	_ =	strace s9  }
0x27: {  	s1 =	sld [smem:$0x3FA9]  }
0x28: {  	s2 =	sld [smem:$0x3FAA]  }
0x29: {  	s4 =	sld [smem:$0x3FAC]  }
0x2a: {  	p0 =	seq.s32 s5, $0x0;
	s5 =	sld [smem:$0x3FAD]  }
0x2b: {  	s6 =	sld [smem:$0x3FAE]  }
0x2c: {  	s7 =	sld [smem:$0x3FAF]  }
0x2d: {  	s3 =	simm.s32 $0x108;
	s8 =	sld [smem:$0x3FB0]  }
0x2e: {  	s3 =	simm.s32 @!p0 $0x1082;
	s9 =	sld [smem:$0x3FB1]  }
0x2f: {  	lr =	sadd.s32 s0, s3;
	s0 =	sld [smem:$0x3FA8]  }
0x30: {  	s3 =	sld [smem:$0x3FAB]  }
0x31: {  	[smem:$0x3FB4] =	sst s10  }
0x32: {  	s10 =	sld [smem:$0x3FB2];
	_ =	sdelay $0x3  }
0x33: {  	p0 =	seq.s32 s10, $0x1;
	s10 =	sld [smem:$0x3FB4];
	_ =	sdelay $0x3  }
0x34: {  	[smem:$0x3FB4] =	sst s10  }
0x35: {  	s10 =	sld [smem:$0x3FB3];
	_ =	sdelay $0x3  }
0x36: {  	p1 =	seq.s32 s10, $0x1;
	s10 =	sld [smem:$0x3FB4];
	_ =	sdelay $0x3  }
0x37: {  	[smem:$0x3FB4] =	sst s10  }
0x38: {  	s10 =	sld [smem:$0x3FB5]  }
0x39: {  	_ = 	snop;
	(pc) =	sbr.ind lr, $3  }
0x3a: {  	_ = 	snop  }
0x3b: {  	_ = 	snop  }
0x3c: {  	p2 =	seq.s32 s10, $0x1;
	s10 =	sld [smem:$0x3FB4]  }
0x3d: {  	_ =	shalt  }
0x3e: {  	_ =	shalt  }
0x3f: {  	_ =	shalt  }
0x40: {  	_ =	shalt  }
0x41: {  	_ =	shalt  }
0x42: {  	_ =	shalt  }
0x43: {  	_ =	shalt  }
0x44: {  	_ =	shalt  }
0x45: {  	_ =	shalt  }
0x46: {  	_ =	shalt  }
0x47: {  	_ =	shalt  }
0x48: {  	_ =	shalt  }
0x49: {  	_ =	shalt  }
0x4a: {  	_ =	shalt  }
0x4b: {  	_ =	shalt  }
0x4c: {  	_ =	shalt  }
0x4d: {  	_ =	shalt  }
0x4e: {  	_ =	shalt  }
0x4f: {  	_ =	shalt  }
0x50: {  	_ =	shalt  }
0x51: {  	_ =	shalt  }
0x52: {  	_ =	shalt  }
0x53: {  	_ =	shalt  }
0x54: {  	_ =	shalt  }
0x55: {  	_ =	shalt  }
0x56: {  	_ =	shalt  }
0x57: {  	_ =	shalt  }
0x58: {  	_ =	shalt  }
0x59: {  	_ =	shalt  }
0x5a: {  	_ =	shalt  }
0x5b: {  	_ =	shalt  }
0x5c: {  	_ =	shalt  }
0x5d: {  	_ =	shalt  }
0x5e: {  	_ =	shalt  }
0x5f: {  	_ =	shalt  }
0x60: {  	_ =	shalt  }
0x61: {  	_ =	shalt  }
0x62: {  	_ =	shalt  }
0x63: {  	_ =	shalt  }
0x64: {  	_ =	shalt  }
0x65: {  	_ =	shalt  }
0x66: {  	_ =	shalt  }
0x67: {  	_ =	shalt  }
0x68: {  	_ =	shalt  }
0x69: {  	_ =	shalt  }
0x6a: {  	_ =	shalt  }
0x6b: {  	_ =	shalt  }
0x6c: {  	_ =	shalt  }
0x6d: {  	_ =	shalt  }
0x6e: {  	_ =	shalt  }
0x6f: {  	_ =	shalt  }
0x70: {  	_ =	shalt  }
0x71: {  	_ =	shalt  }
0x72: {  	_ =	shalt  }
0x73: {  	_ =	shalt  }
0x74: {  	_ =	shalt  }
0x75: {  	_ =	shalt  }
0x76: {  	_ =	shalt  }
0x77: {  	_ =	shalt  }
0x78: {  	_ =	shalt  }
0x79: {  	_ =	shalt  }
0x7a: {  	_ =	shalt  }
0x7b: {  	_ =	shalt  }
0x7c: {  	_ =	shalt  }
0x7d: {  	_ =	shalt  }
0x7e: {  	_ =	shalt  }
0x7f: {  	_ =	shalt  }
0x80: {  	_ =	shalt  }
0x81: {  	_ =	shalt  }
0x82: {  	_ =	shalt  }
0x83: {  	_ =	shalt  }
0x84: {  	_ =	shalt  }
0x85: {  	_ =	shalt  }
0x86: {  	_ =	shalt  }
0x87: {  	_ =	shalt  }
.Lfunc_end0:
.L_simem_size_0:
called_computation.1_lowered:
.L_overlay_start_0:
0x88: {  	s2 =	sld [smem:$0x3FD9]  }
0x89: {  	s3 =	sld [smem:$0x3FFE];
	_ =	sdelay $0x1  }
0x8a: {  	s1 =	srdreg.scid  }
0x8b: {  	s0 =	sand.u32 $0x1, s1  }
0x8c: {  	s14 =	sshll.u32 s0, $0xA;
	s2 =	sadd.s32 s3, s2  }
0x8d: {  	s2 =	sadd.s32 s2, s14  }
0x8e: {  	[smem:$0x3FC0] =	sst s2  }
0x8f: {  	_ = 	snop  }
0x90: {  	s2 =	sld [smem:$0x3FD0];
	_ =	sdelay $0x2  }
0x91: {  	s15 =	simm.s32 $0xA;
	s4 =	simm.s32 $0x10  }
0x92: {  	[smem:s4], [sflag:s15] =	dma.local [hbm:s2], $0x1  }
0x93: {  	_ =	swait.eq [sflag:s15], $0x1  }
0x94: {  	[sflag:s15] =	ssyncset.done $0x0  }
0x95: {  	[sflag:s15] =	ssyncadd.s32 $0xFFFFFFFF  }
0x96: {  	s16 =	sld [smem:$0x11];
	(tm) =	ssettm $0x1  }
0x97: {  	s17 =	sld [smem:$0x3FFB];
	_ =	sdelay $0x3  }
0x98: {  	_ =	strace s17  }
0x99: {  	s3 =	sld [smem:$0x3FFC];
	_ =	sdelay $0x3  }
0x9a: {  	_ =	strace s3  }
0x9b: {  	s3 =	sld [smem:$0x3FFD];
	_ =	sdelay $0x3  }
0x9c: {  	_ =	strace s3  }
0x9d: {  	_ =	strace $0x8FFFFFFF  }
0x9e: {  	s18 =	sld [smem:$0x3FDB];
	_ =	sdelay $0x1  }
0x9f: {  	s19 =	simm.s32 $_scs_section_size  }
0xa0: {  	s5 =	simm.s32 $_size__tile_overlayer_lowered;
	s6 =	simm.s32 $_tile_overlayer_lowered  }
0xa1: {  	s22 =	simm.s32 $0x1BFF;
	s21 =	sshll.u32 s6, $0x1;
	s3 =	sadd.s32 s19, s18  }
0xa2: {  	s7 =	simm.s32 $0x0;
	s20 =	sshll.u32 s5, $0x1;
	s5 =	sadd.s32 s21, s3  }
0xa3: {  	[timem:s7], [sflag:s22] =	dma.local [hbm:s5], s20  }
0xa4: {  	_ =	swait.ge [sflag:s22], s20  }
0xa5: {  	s4 =	ssub.s32 $0x0, s20;
	[sflag:s22] =	ssyncset.done $0x0  }
0xa6: {  	[sflag:s22] =	ssyncadd.s32 s4;
	_ =	sdelay $0x1  }
0xa7: {  	s23 =	simm.s32 $0x1B8B  }
0xa8: {  	_ =	swait.ge [sflag:s23], $0x1  }
0xa9: {  	[sflag:s23] =	ssyncset.done $0x0  }
0xaa: {  	s25 =	simm.s32 $0x1B8E;
	s24 =	sld [smem:$0x3FFE];
	[sflag:s23] =	ssyncadd.s32 $0xFFFFFFFF  }
0xab: {  	s26 =	simm.s32 $execute0_lowered;
	[smem:$0x3FD2] =	sst s25  }
0xac: {  	s5 =	sshll.u32 s26, $0x1;
	_ =	strace $0x80000049;
	[dreg:$0x1] =	wrdreg $0xFFFFFFFF  }
0xad: {  	s28 =	simm.s32 $_size_execute0_lowered;
	s3 =	sadd.s32 s3, s5;
	[dreg:$0x0] =	wrdreg $0x0  }
0xae: {  	s5 =	sshll.u32 s28, $0x1;
	[dreg:$0x2] =	wrdreg s3  }
0xaf: {  	[dreg:$0x3] =	wrdreg s5  }
0xb0: {  	[dreg:$0x4] =	wrdreg $0xC0  }
0xb1: {  	_ =	task [dreg:s7], $0x5FFFF  }
0xb2: {  	[dreg:$0x1] =	wrdreg $0xFFFFFFFF  }
0xb3: {  	[dreg:$0x0] =	wrdreg $0x60  }
0xb4: {  	[dreg:$0x2] =	wrdreg s16  }
0xb5: {  	[dreg:$0x3] =	wrdreg s24  }
0xb6: {  	[dreg:$0x4] =	wrdreg $0x18D800  }
0xb7: {  	[dreg:$0x5] =	wrdreg $0x9  }
0xb8: {  	_ =	task.clear_ibuf [dreg:s7], $0x6FFFF;
	_ =	strace $0x90000049  }
0xb9: {  	s29 =	simm.s32 $0x9;
	_ =	strace $0x8000004B  }
0xba: {  	_ =	swait.ge [sflag:s29], $0x1  }
0xbb: {  	[sflag:s29] =	ssyncadd.s32 $0xFFFFFFFF  }
0xbc: {  	_ =	strace $0x9000004B  }
0xbd: {  	_ =	sfence  }
0xbe: {  	s30 =	sld [smem:$0x0];
	_ =	sdelay $0x2  }
0xbf: {  	s31 =	sshll.u32 s1, $0xD;
	s1 =	sshrl.u32 s1, $0x2  }
0xc0: {  	s3 =	sand.u32 $0x4000, s31;
	s1 =	sadd.s32 s1, s30  }
0xc1: {  	s0 =	sor.u32 s3, s0;
	s1 =	sshll.u32 s1, $0x11  }
0xc2: {  	s0 =	sor.u32 s1, s0  }
0xc3: {  	s0 =	sadd.s32 $0x8F2B, s0  }
0xc4: {  	[sflag:s0] =	ssyncadd.remote.s32 $0x1  }
0xc5: {  	_ =	sfence.sel $0xFFFF  }
0xc6: {  	[dreg:$0x0] =	wrdreg $0xFFFFFFFF;
	(pc) =	sbr.abs _section_cstart, $3  }
0xc7: {  	[dreg:$0x1] =	wrdreg $0xFFFFFFFF  }
0xc8: {  	_ =	task.clear_ibuf [dreg:s7], $0x2FFFF;
	_ =	strace $0x9FFFFFFF  }
0xc9: {  	(tm) =	ssettm $0x7FFFFFFF  }
tec
execute0_lowered:
.L_overlay_start_1:
0x0: {  	(tag) =	ssettag $0x1  }
0x1: {  	s2 =	rddreg [dreg:$0x0]  }
0x2: {  	s0 =	rddreg [dreg:$0x1];
	s1 =	srdreg.scid  }
0x3: {  	s3 =	rddreg [dreg:$0x2];
	s7 =	stileid.u32  }
0x4: {  	s8 =	simm.s32 $0x0;
	s1 =	sand.u32 $0x1, s1;
	s5 =	smul.u32 $0x2800, s7  }
0x5: {  	[smem:$0x7FF] =	sst s8;
	s4 =	sshll.u32 s1, $0x4;
	s6 =	smul.u32 $0x28000, s1  }
0x6: {  	s1 =	ssub.s32 $0x2, s1;
	s4 =	sor.u32 s7, s4;
	s7 =	smul.u32 $0xA000, s7  }
0x7: {  	_ =	strace $0x8000004A;
	s18 =	sshrl.u32 s1, $0x1;
	s6 =	sadd.s32 s5, s6  }
0x8: {  	s1 =	ssub.s32 s1, s18;
	s5 =	sadd.s32 s5, s3;
	s7 =	sshrl.u32 s7, $0x2  }
0x9: {  	[dreg:$0x4] =	wrdreg s5;
	s28 =	smax.u32 s1, $0x1;
	s19 =	sadd.s32 s7, s3  }
0xa: {  	s13 =	simm.s32 $0x1;
	[dreg:$0xf] =	wrdreg s28;
	s20 =	sadd.s32 $0x500, s19  }
0xb: {  	s9 =	simm.s32 $0x0;
	s21 =	sadd.s32 $0xA00, s19;
	[dreg:$0x5] =	wrdreg s20  }
0xc: {  	s30 =	simm.s32 $0x9650;
	s22 =	sadd.s32 $0xF00, s19;
	[dreg:$0x6] =	wrdreg s21  }
0xd: {  	s29 =	simm.s32 $0xADC0;
	s23 =	sadd.s32 $0x1400, s19;
	[dreg:$0x7] =	wrdreg s22  }
0xe: {  	s4 =	smul.u32 $0x500, s4;
	s24 =	sadd.s32 $0x1900, s19;
	[dreg:$0x8] =	wrdreg s23  }
0xf: {  	s31 =	simm.s32 $0xBD60;
	s25 =	sadd.s32 $0x1E00, s19;
	[dreg:$0x9] =	wrdreg s24  }
0x10: {  	s4 =	sadd.s32 s4, s0;
	s5 =	sadd.s32 $0x2300, s19;
	[dreg:$0xa] =	wrdreg s25  }
0x11: {  	s6 =	sshrl.u32 s6, $0x3;
	s26 =	sadd.s32 $0xBC00, s4;
	[dreg:$0xb] =	wrdreg s5  }
0x12: {  	s0 =	sadd.s32 s6, s0;
	s4 =	sadd.s32 $0x1C00, s4;
	[dreg:$0xc] =	wrdreg s26  }
0x13: {  	s8 =	simm.s32 $0x2;
	s0 =	sadd.s32 $0x15C00, s0;
	[dreg:$0xd] =	wrdreg s4  }
0x14: {  	v0 =	vimm.f32 $0.0e+00;
	s18 =	simm.s32 $0x3;
	[dreg:$0xe] =	wrdreg s0;
	s20 =	simm.s32 $0x7D  }
.LBB2_1:
0x15: {  	s10 =	simm.s32 $0x40;
	s11 =	simm.s32 $0x0  }
.LBB2_2:
0x16: {  	p0 =	sne.s32 s10, $0x13C0;
	[tilespmem:s11+$0x18880] =	vst v0;
	s11 =	smov.u32 s10;
	s10 =	sadd.s32 $0x40, s10  }
.Ltmp0:
0x17: {  	(pc) =	sbr.rel @p0 .LBB2_2-.Ltmp0, $2  }
0x18: {  	_ =	sdelay $0x2  }
0x19: {  	s11 =	sshra.s32 s11, $0x2  }
0x1a: {  	[tilespmem:s11+$0x18880] =	vst v0;
	s1 =	rddreg [dreg:$0x4];
	s0 =	simm.s32 $0x18880  }
0x1b: {  	[spmem:s1] =	stream.linear.scatter [tilespmem:s0], [sflag:$0x3], $0x500, $0x38;
	[tilespmem:$0x1B580] =	vst v63  }
0x1c: {  	_ =	swait.ge [sflag:s18], $0x500  }
0x1d: {  	[sflag:s18] =	ssyncset.done $0x0  }
0x1e: {  	s10 =	rddreg [dreg:$0x5];
	[sflag:s18] =	ssyncadd.s32 $0xFFFFFB00  }
0x1f: {  	[spmem:s10] =	stream.linear.scatter [tilespmem:s0], [sflag:$0x3], $0x500, $0x38;
	[tilespmem:$0x1B580] =	vst v63  }
0x20: {  	_ =	swait.ge [sflag:s18], $0x500  }
0x21: {  	[sflag:s18] =	ssyncset.done $0x0  }
0x22: {  	s23 =	rddreg [dreg:$0x6];
	[sflag:s18] =	ssyncadd.s32 $0xFFFFFB00  }
0x23: {  	[spmem:s23] =	stream.linear.scatter [tilespmem:s0], [sflag:$0x3], $0x500, $0x38;
	[tilespmem:$0x1B580] =	vst v63  }
0x24: {  	_ =	swait.ge [sflag:s18], $0x500  }
0x25: {  	[sflag:s18] =	ssyncset.done $0x0  }
0x26: {  	s24 =	rddreg [dreg:$0x7];
	[sflag:s18] =	ssyncadd.s32 $0xFFFFFB00  }
0x27: {  	[spmem:s24] =	stream.linear.scatter [tilespmem:s0], [sflag:$0x3], $0x500, $0x38;
	[tilespmem:$0x1B580] =	vst v63  }
0x28: {  	_ =	swait.ge [sflag:s18], $0x500  }
0x29: {  	[sflag:s18] =	ssyncset.done $0x0  }
0x2a: {  	s25 =	rddreg [dreg:$0x8];
	[sflag:s18] =	ssyncadd.s32 $0xFFFFFB00  }
0x2b: {  	[spmem:s25] =	stream.linear.scatter [tilespmem:s0], [sflag:$0x3], $0x500, $0x38;
	[tilespmem:$0x1B580] =	vst v63  }
0x2c: {  	_ =	swait.ge [sflag:s18], $0x500  }
0x2d: {  	[sflag:s18] =	ssyncset.done $0x0  }
0x2e: {  	s26 =	rddreg [dreg:$0x9];
	[sflag:s18] =	ssyncadd.s32 $0xFFFFFB00  }
0x2f: {  	[spmem:s26] =	stream.linear.scatter [tilespmem:s0], [sflag:$0x3], $0x500, $0x38;
	[tilespmem:$0x1B580] =	vst v63  }
0x30: {  	_ =	swait.ge [sflag:s18], $0x500  }
0x31: {  	[sflag:s18] =	ssyncset.done $0x0  }
0x32: {  	s28 =	rddreg [dreg:$0xa];
	[sflag:s18] =	ssyncadd.s32 $0xFFFFFB00  }
0x33: {  	[spmem:s28] =	stream.linear.scatter [tilespmem:s0], [sflag:$0x3], $0x500, $0x38;
	[tilespmem:$0x1B580] =	vst v63  }
0x34: {  	_ =	swait.ge [sflag:s18], $0x500  }
0x35: {  	[sflag:s18] =	ssyncset.done $0x0  }
0x36: {  	s1 =	rddreg [dreg:$0xb];
	[sflag:s18] =	ssyncadd.s32 $0xFFFFFB00  }
0x37: {  	[spmem:s1] =	stream.linear.scatter [tilespmem:s0], [sflag:$0x3], $0x500, $0x38;
	[tilespmem:$0x1B580] =	vst v63  }
0x38: {  	_ =	swait.ge [sflag:s18], $0x500  }
0x39: {  	[sflag:s18] =	ssyncset.done $0x0  }
0x3a: {  	s4 =	simm.s32 $0x0;
	s12 =	rddreg [dreg:$0xc];
	[sflag:s18] =	ssyncadd.s32 $0xFFFFFB00  }
0x3b: {  	[tilespmem:s4], [sflag:$0x3] =	stream.linear.gather [hbm4b:s12+s4], $0x2800, $0x38;
	[tilespmem:$0x1B580] =	vst v63  }
0x3c: {  	_ =	swait.ge [sflag:s18], $0x2800  }
0x3d: {  	[sflag:s18] =	ssyncset.done $0x0  }
0x3e: {  	s14 =	simm.s32 $0x2800;
	s5 =	rddreg [dreg:$0xd];
	[sflag:s18] =	ssyncadd.s32 $0xFFFFD800  }
0x3f: {  	[tilespmem:s14], [sflag:$0x3] =	stream.linear.gather [hbm4b:s5+s4], $0x2800, $0x38;
	[tilespmem:$0x1B580] =	vst v63  }
0x40: {  	_ =	swait.ge [sflag:s18], $0x2800  }
0x41: {  	[sflag:s18] =	ssyncset.done $0x0  }
0x42: {  	[sflag:s18] =	ssyncadd.s32 $0xFFFFD800  }
0x43: {  	s6 =	simm.s32 $0x5000;
	[bflag:$0x0] =	sbarrier.arrive $0xFFFF  }
0x44: {  	[tilespmem:s6], [sflag:$0x1] =	stream.indirect.gather [hbm4b:s2+s20], $0x10, s4, s20, $0xb8;
	[tilespmem:$0x1B580] =	vst v63  }
0x45: {  	s7 =	simm.s32 $0x80;
	s11 =	simm.s32 $0x57D0  }
0x46: {  	[tilespmem:s11], [sflag:$0x1] =	stream.indirect.gather [hbm4b:s2+s20], $0x10, s7, s20, $0xb8;
	[tilespmem:$0x1B580] =	vst v63  }
0x47: {  	s15 =	simm.s32 $0x5FA0;
	s12 =	simm.s32 $0x100  }
0x48: {  	[tilespmem:s15], [sflag:$0x1] =	stream.indirect.gather [hbm4b:s2+s20], $0x10, s12, s20, $0xb8;
	[tilespmem:$0x1B580] =	vst v63  }
0x49: {  	s16 =	simm.s32 $0x180;
	s17 =	simm.s32 $0x6770  }
0x4a: {  	[tilespmem:s17], [sflag:$0x1] =	stream.indirect.gather [hbm4b:s2+s20], $0x10, s16, s20, $0xb8;
	[tilespmem:$0x1B580] =	vst v63  }
0x4b: {  	s19 =	simm.s32 $0x200;
	s21 =	simm.s32 $0x6F40  }
0x4c: {  	[tilespmem:s21], [sflag:$0x1] =	stream.indirect.gather [hbm4b:s2+s20], $0x10, s19, s20, $0xb8;
	[tilespmem:$0x1B580] =	vst v63  }
0x4d: {  	s22 =	simm.s32 $0x280;
	s23 =	simm.s32 $0x7710  }
0x4e: {  	[tilespmem:s23], [sflag:$0x1] =	stream.indirect.gather [hbm4b:s2+s20], $0x10, s22, s20, $0xb8;
	[tilespmem:$0x1B580] =	vst v63  }
0x4f: {  	s24 =	simm.s32 $0x300;
	s25 =	simm.s32 $0x7EE0  }
0x50: {  	[tilespmem:s25], [sflag:$0x1] =	stream.indirect.gather [hbm4b:s2+s20], $0x10, s24, s20, $0xb8;
	[tilespmem:$0x1B580] =	vst v63  }
0x51: {  	s26 =	simm.s32 $0x380;
	s28 =	simm.s32 $0x86B0  }
0x52: {  	[tilespmem:s28], [sflag:$0x1] =	stream.indirect.gather [hbm4b:s2+s20], $0x10, s26, s20, $0xb8;
	[tilespmem:$0x1B580] =	vst v63  }
0x53: {  	s1 =	simm.s32 $0x400;
	s11 =	simm.s32 $0x8E80  }
0x54: {  	[tilespmem:s11], [sflag:$0x1] =	stream.indirect.gather [hbm4b:s2+s20], $0x10, s1, s20, $0xb8;
	[tilespmem:$0x1B580] =	vst v63  }
0x55: {  	s16 =	simm.s32 $0x480  }
0x56: {  	[tilespmem:s30], [sflag:$0x1] =	stream.indirect.gather [hbm4b:s2+s20], $0x10, s16, s20, $0xb8;
	[tilespmem:$0x1B580] =	vst v63  }
0x57: {  	s17 =	simm.s32 $0x500;
	s19 =	simm.s32 $0x9E20  }
0x58: {  	[tilespmem:s19], [sflag:$0x1] =	stream.indirect.gather [hbm4b:s2+s20], $0x10, s17, s20, $0xb8;
	[tilespmem:$0x1B580] =	vst v63  }
0x59: {  	s21 =	simm.s32 $0x580;
	s24 =	simm.s32 $0xA5F0  }
0x5a: {  	[tilespmem:s24], [sflag:$0x1] =	stream.indirect.gather [hbm4b:s2+s20], $0x10, s21, s20, $0xb8;
	[tilespmem:$0x1B580] =	vst v63  }
0x5b: {  	s26 =	simm.s32 $0x600  }
0x5c: {  	[tilespmem:s29], [sflag:$0x1] =	stream.indirect.gather [hbm4b:s2+s20], $0x10, s26, s20, $0xb8;
	[tilespmem:$0x1B580] =	vst v63  }
0x5d: {  	s0 =	simm.s32 $0x680;
	s1 =	simm.s32 $0xB590  }
0x5e: {  	[tilespmem:s1], [sflag:$0x1] =	stream.indirect.gather [hbm4b:s2+s20], $0x10, s0, s20, $0xb8;
	[tilespmem:$0x1B580] =	vst v63  }
0x5f: {  	s11 =	simm.s32 $0x700  }
0x60: {  	[tilespmem:s31], [sflag:$0x1] =	stream.indirect.gather [hbm4b:s2+s20], $0x10, s11, s20, $0xb8;
	[tilespmem:$0x1B580] =	vst v63  }
0x61: {  	s16 =	simm.s32 $0x780;
	s17 =	simm.s32 $0xC530  }
0x62: {  	[tilespmem:s17], [sflag:$0x1] =	stream.indirect.gather [hbm4b:s2+s20], $0x10, s16, s20, $0xb8;
	[tilespmem:$0x1B580] =	vst v63  }
0x63: {  	s19 =	simm.s32 $0x800;
	s21 =	simm.s32 $0xCD00  }
0x64: {  	[tilespmem:s21], [sflag:$0x1] =	stream.indirect.gather [hbm4b:s2+s20], $0x10, s19, s20, $0xb8;
	[tilespmem:$0x1B580] =	vst v63  }
0x65: {  	s0 =	simm.s32 $0x880;
	s11 =	simm.s32 $0xD4D0  }
0x66: {  	[tilespmem:s11], [sflag:$0x1] =	stream.indirect.gather [hbm4b:s2+s20], $0x10, s0, s20, $0xb8;
	[tilespmem:$0x1B580] =	vst v63  }
0x67: {  	s16 =	simm.s32 $0x900;
	s17 =	simm.s32 $0xDCA0  }
0x68: {  	[tilespmem:s17], [sflag:$0x1] =	stream.indirect.gather [hbm4b:s2+s20], $0x10, s16, s20, $0xb8;
	[tilespmem:$0x1B580] =	vst v63  }
0x69: {  	s19 =	simm.s32 $0x980;
	s21 =	simm.s32 $0xE470  }
0x6a: {  	[tilespmem:s21], [sflag:$0x1] =	stream.indirect.gather [hbm4b:s2+s20], $0x10, s19, s20, $0xb8;
	[tilespmem:$0x1B580] =	vst v63  }
0x6b: {  	_ =	swait.ge [sflag:s13], $0x7D0  }
0x6c: {  	[sflag:s13] =	ssyncset.done $0x0  }
0x6d: {  	[sflag:s13] =	ssyncadd.s32 $0xFFFFF830  }
0x6e: {  	_ =	swait.ge [sflag:s13], $0x7D0  }
0x6f: {  	[sflag:s13] =	ssyncset.done $0x0  }
0x70: {  	[sflag:s13] =	ssyncadd.s32 $0xFFFFF830  }
0x71: {  	_ =	swait.ge [sflag:s13], $0x7D0  }
0x72: {  	[sflag:s13] =	ssyncset.done $0x0  }
0x73: {  	[sflag:s13] =	ssyncadd.s32 $0xFFFFF830  }
0x74: {  	_ =	swait.ge [sflag:s13], $0x7D0  }
0x75: {  	[sflag:s13] =	ssyncset.done $0x0  }
0x76: {  	[sflag:s13] =	ssyncadd.s32 $0xFFFFF830  }
0x77: {  	_ =	swait.ge [sflag:s13], $0x7D0  }
0x78: {  	[sflag:s13] =	ssyncset.done $0x0  }
0x79: {  	[sflag:s13] =	ssyncadd.s32 $0xFFFFF830  }
0x7a: {  	_ =	swait.ge [sflag:s13], $0x7D0  }
0x7b: {  	[sflag:s13] =	ssyncset.done $0x0  }
0x7c: {  	[sflag:s13] =	ssyncadd.s32 $0xFFFFF830  }
0x7d: {  	_ =	swait.ge [sflag:s13], $0x7D0  }
0x7e: {  	[sflag:s13] =	ssyncset.done $0x0  }
0x7f: {  	[sflag:s13] =	ssyncadd.s32 $0xFFFFF830  }
0x80: {  	_ =	swait.ge [sflag:s13], $0x7D0  }
0x81: {  	[sflag:s13] =	ssyncset.done $0x0  }
0x82: {  	[sflag:s13] =	ssyncadd.s32 $0xFFFFF830  }
0x83: {  	_ =	swait.ge [sflag:s13], $0x7D0  }
0x84: {  	[sflag:s13] =	ssyncset.done $0x0  }
0x85: {  	[sflag:s13] =	ssyncadd.s32 $0xFFFFF830  }
0x86: {  	_ =	swait.ge [sflag:s13], $0x7D0  }
0x87: {  	[sflag:s13] =	ssyncset.done $0x0  }
0x88: {  	[sflag:s13] =	ssyncadd.s32 $0xFFFFF830  }
0x89: {  	_ =	swait.ge [sflag:s13], $0x7D0  }
0x8a: {  	[sflag:s13] =	ssyncset.done $0x0  }
0x8b: {  	[sflag:s13] =	ssyncadd.s32 $0xFFFFF830  }
0x8c: {  	_ =	swait.ge [sflag:s13], $0x7D0  }
0x8d: {  	[sflag:s13] =	ssyncset.done $0x0  }
0x8e: {  	[sflag:s13] =	ssyncadd.s32 $0xFFFFF830  }
0x8f: {  	_ =	swait.ge [sflag:s13], $0x7D0  }
0x90: {  	[sflag:s13] =	ssyncset.done $0x0  }
0x91: {  	[sflag:s13] =	ssyncadd.s32 $0xFFFFF830  }
0x92: {  	_ =	swait.ge [sflag:s13], $0x7D0  }
0x93: {  	[sflag:s13] =	ssyncset.done $0x0  }
0x94: {  	[sflag:s13] =	ssyncadd.s32 $0xFFFFF830  }
0x95: {  	_ =	swait.ge [sflag:s13], $0x7D0  }
0x96: {  	[sflag:s13] =	ssyncset.done $0x0  }
0x97: {  	[sflag:s13] =	ssyncadd.s32 $0xFFFFF830  }
0x98: {  	_ =	swait.ge [sflag:s13], $0x7D0  }
0x99: {  	[sflag:s13] =	ssyncset.done $0x0  }
0x9a: {  	[sflag:s13] =	ssyncadd.s32 $0xFFFFF830  }
0x9b: {  	_ =	swait.ge [sflag:s13], $0x7D0  }
0x9c: {  	[sflag:s13] =	ssyncset.done $0x0  }
0x9d: {  	[sflag:s13] =	ssyncadd.s32 $0xFFFFF830  }
0x9e: {  	_ =	swait.ge [sflag:s13], $0x7D0  }
0x9f: {  	[sflag:s13] =	ssyncset.done $0x0  }
0xa0: {  	[sflag:s13] =	ssyncadd.s32 $0xFFFFF830  }
0xa1: {  	_ =	swait.ge [sflag:s13], $0x7D0  }
0xa2: {  	[sflag:s13] =	ssyncset.done $0x0  }
0xa3: {  	[sflag:s13] =	ssyncadd.s32 $0xFFFFF830  }
0xa4: {  	_ =	swait.ge [sflag:s13], $0x7D0  }
0xa5: {  	[sflag:s13] =	ssyncset.done $0x0  }
0xa6: {  	s11 =	simm.s32 $0xA00;
	s16 =	simm.s32 $0xEC40;
	[sflag:s13] =	ssyncadd.s32 $0xFFFFF830  }
0xa7: {  	[tilespmem:s16], [sflag:$0x1] =	stream.indirect.gather [hbm4b:s2+s20], $0x10, s11, s20, $0xb8;
	[tilespmem:$0x1B580] =	vst v63  }
0xa8: {  	s17 =	simm.s32 $0xA80;
	s19 =	simm.s32 $0xF410  }
0xa9: {  	[tilespmem:s19], [sflag:$0x1] =	stream.indirect.gather [hbm4b:s2+s20], $0x10, s17, s20, $0xb8;
	[tilespmem:$0x1B580] =	vst v63  }
0xaa: {  	s0 =	simm.s32 $0xFBE0;
	s21 =	simm.s32 $0xB00  }
0xab: {  	[tilespmem:s0], [sflag:$0x1] =	stream.indirect.gather [hbm4b:s2+s20], $0x10, s21, s20, $0xb8;
	[tilespmem:$0x1B580] =	vst v63  }
0xac: {  	s11 =	simm.s32 $0xB80;
	s16 =	simm.s32 $0x103B0  }
0xad: {  	[tilespmem:s16], [sflag:$0x1] =	stream.indirect.gather [hbm4b:s2+s20], $0x10, s11, s20, $0xb8;
	[tilespmem:$0x1B580] =	vst v63  }
0xae: {  	s17 =	simm.s32 $0xC00;
	s19 =	simm.s32 $0x10B80  }
0xaf: {  	[tilespmem:s19], [sflag:$0x1] =	stream.indirect.gather [hbm4b:s2+s20], $0x10, s17, s20, $0xb8;
	[tilespmem:$0x1B580] =	vst v63  }
0xb0: {  	s21 =	simm.s32 $0xC80;
	s0 =	simm.s32 $0x11350  }
0xb1: {  	[tilespmem:s0], [sflag:$0x1] =	stream.indirect.gather [hbm4b:s2+s20], $0x10, s21, s20, $0xb8;
	[tilespmem:$0x1B580] =	vst v63  }
0xb2: {  	s11 =	simm.s32 $0xD00;
	s16 =	simm.s32 $0x11B20  }
0xb3: {  	[tilespmem:s16], [sflag:$0x1] =	stream.indirect.gather [hbm4b:s2+s20], $0x10, s11, s20, $0xb8;
	[tilespmem:$0x1B580] =	vst v63  }
0xb4: {  	s17 =	simm.s32 $0xD80;
	s19 =	simm.s32 $0x122F0  }
0xb5: {  	[tilespmem:s19], [sflag:$0x1] =	stream.indirect.gather [hbm4b:s2+s20], $0x10, s17, s20, $0xb8;
	[tilespmem:$0x1B580] =	vst v63  }
0xb6: {  	s21 =	simm.s32 $0xE00;
	s0 =	simm.s32 $0x12AC0  }
0xb7: {  	[tilespmem:s0], [sflag:$0x1] =	stream.indirect.gather [hbm4b:s2+s20], $0x10, s21, s20, $0xb8;
	[tilespmem:$0x1B580] =	vst v63  }
0xb8: {  	s11 =	simm.s32 $0xE80;
	s16 =	simm.s32 $0x13290  }
0xb9: {  	[tilespmem:s16], [sflag:$0x1] =	stream.indirect.gather [hbm4b:s2+s20], $0x10, s11, s20, $0xb8;
	[tilespmem:$0x1B580] =	vst v63  }
0xba: {  	s17 =	simm.s32 $0xF00;
	s19 =	simm.s32 $0x13A60  }
0xbb: {  	[tilespmem:s19], [sflag:$0x1] =	stream.indirect.gather [hbm4b:s2+s20], $0x10, s17, s20, $0xb8;
	[tilespmem:$0x1B580] =	vst v63  }
0xbc: {  	s21 =	simm.s32 $0xF80;
	s0 =	simm.s32 $0x14230  }
0xbd: {  	[tilespmem:s0], [sflag:$0x1] =	stream.indirect.gather [hbm4b:s2+s20], $0x10, s21, s20, $0xb8;
	[tilespmem:$0x1B580] =	vst v63  }
0xbe: {  	s11 =	simm.s32 $0x1000;
	s16 =	simm.s32 $0x14A00  }
0xbf: {  	[tilespmem:s16], [sflag:$0x1] =	stream.indirect.gather [hbm4b:s2+s20], $0x10, s11, s20, $0xb8;
	[tilespmem:$0x1B580] =	vst v63  }
0xc0: {  	s17 =	simm.s32 $0x1080;
	s19 =	simm.s32 $0x151D0  }
0xc1: {  	[tilespmem:s19], [sflag:$0x1] =	stream.indirect.gather [hbm4b:s2+s20], $0x10, s17, s20, $0xb8;
	[tilespmem:$0x1B580] =	vst v63  }
0xc2: {  	s21 =	simm.s32 $0x1100;
	s0 =	simm.s32 $0x159A0  }
0xc3: {  	[tilespmem:s0], [sflag:$0x1] =	stream.indirect.gather [hbm4b:s2+s20], $0x10, s21, s20, $0xb8;
	[tilespmem:$0x1B580] =	vst v63  }
0xc4: {  	s11 =	simm.s32 $0x1180;
	s16 =	simm.s32 $0x16170  }
0xc5: {  	[tilespmem:s16], [sflag:$0x1] =	stream.indirect.gather [hbm4b:s2+s20], $0x10, s11, s20, $0xb8;
	[tilespmem:$0x1B580] =	vst v63  }
0xc6: {  	s17 =	simm.s32 $0x1200;
	s19 =	simm.s32 $0x16940  }
0xc7: {  	[tilespmem:s19], [sflag:$0x1] =	stream.indirect.gather [hbm4b:s2+s20], $0x10, s17, s20, $0xb8;
	[tilespmem:$0x1B580] =	vst v63  }
0xc8: {  	s21 =	simm.s32 $0x1280;
	s0 =	simm.s32 $0x17110  }
0xc9: {  	[tilespmem:s0], [sflag:$0x1] =	stream.indirect.gather [hbm4b:s2+s20], $0x10, s21, s20, $0xb8;
	[tilespmem:$0x1B580] =	vst v63  }
0xca: {  	s16 =	simm.s32 $0x1300;
	s17 =	simm.s32 $0x178E0  }
0xcb: {  	[tilespmem:s17], [sflag:$0x1] =	stream.indirect.gather [hbm4b:s2+s20], $0x10, s16, s20, $0xb8;
	[tilespmem:$0x1B580] =	vst v63  }
0xcc: {  	s19 =	simm.s32 $0x1380;
	s0 =	simm.s32 $0x180B0  }
0xcd: {  	[tilespmem:s0], [sflag:$0x1] =	stream.indirect.gather [hbm4b:s2+s20], $0x10, s19, s20, $0xb8;
	[tilespmem:$0x1B580] =	vst v63  }
0xce: {  	s4 =	simm.s32 $0x5000  }
0xcf: {  	[spmem:s3] =	stream.indirect.scatter.add.f32 [tilespmem:s4], [sflag:$0x2], $0x10, s14, s20, $0xb8;
	[tilespmem:$0x1B580] =	vst v63  }
0xd0: {  	s5 =	simm.s32 $0x57D0;
	s4 =	simm.s32 $0x2880  }
0xd1: {  	[spmem:s3] =	stream.indirect.scatter.add.f32 [tilespmem:s5], [sflag:$0x2], $0x10, s4, s20, $0xb8;
	[tilespmem:$0x1B580] =	vst v63  }
0xd2: {  	s6 =	simm.s32 $0x5FA0;
	s5 =	simm.s32 $0x2900  }
0xd3: {  	[spmem:s3] =	stream.indirect.scatter.add.f32 [tilespmem:s6], [sflag:$0x2], $0x10, s5, s20, $0xb8;
	[tilespmem:$0x1B580] =	vst v63  }
0xd4: {  	s7 =	simm.s32 $0x6770;
	s6 =	simm.s32 $0x2980  }
0xd5: {  	[spmem:s3] =	stream.indirect.scatter.add.f32 [tilespmem:s7], [sflag:$0x2], $0x10, s6, s20, $0xb8;
	[tilespmem:$0x1B580] =	vst v63  }
0xd6: {  	s12 =	simm.s32 $0x6F40;
	s11 =	simm.s32 $0x2A00  }
0xd7: {  	[spmem:s3] =	stream.indirect.scatter.add.f32 [tilespmem:s12], [sflag:$0x2], $0x10, s11, s20, $0xb8;
	[tilespmem:$0x1B580] =	vst v63  }
0xd8: {  	s15 =	simm.s32 $0x7710;
	s12 =	simm.s32 $0x2A80  }
0xd9: {  	[spmem:s3] =	stream.indirect.scatter.add.f32 [tilespmem:s15], [sflag:$0x2], $0x10, s12, s20, $0xb8;
	[tilespmem:$0x1B580] =	vst v63  }
0xda: {  	s23 =	simm.s32 $0x7EE0;
	s15 =	simm.s32 $0x2B00  }
0xdb: {  	[spmem:s3] =	stream.indirect.scatter.add.f32 [tilespmem:s23], [sflag:$0x2], $0x10, s15, s20, $0xb8;
	[tilespmem:$0x1B580] =	vst v63  }
0xdc: {  	s25 =	simm.s32 $0x86B0;
	s23 =	simm.s32 $0x2B80  }
0xdd: {  	[spmem:s3] =	stream.indirect.scatter.add.f32 [tilespmem:s25], [sflag:$0x2], $0x10, s23, s20, $0xb8;
	[tilespmem:$0x1B580] =	vst v63  }
0xde: {  	s28 =	simm.s32 $0x8E80;
	s25 =	simm.s32 $0x2C00  }
0xdf: {  	[spmem:s3] =	stream.indirect.scatter.add.f32 [tilespmem:s28], [sflag:$0x2], $0x10, s25, s20, $0xb8;
	[tilespmem:$0x1B580] =	vst v63  }
0xe0: {  	s4 =	simm.s32 $0x2C80  }
0xe1: {  	[spmem:s3] =	stream.indirect.scatter.add.f32 [tilespmem:s30], [sflag:$0x2], $0x10, s4, s20, $0xb8;
	[tilespmem:$0x1B580] =	vst v63  }
0xe2: {  	s22 =	simm.s32 $0x9E20;
	s5 =	simm.s32 $0x2D00  }
0xe3: {  	[spmem:s3] =	stream.indirect.scatter.add.f32 [tilespmem:s22], [sflag:$0x2], $0x10, s5, s20, $0xb8;
	[tilespmem:$0x1B580] =	vst v63  }
0xe4: {  	s24 =	simm.s32 $0xA5F0;
	s6 =	simm.s32 $0x2D80  }
0xe5: {  	[spmem:s3] =	stream.indirect.scatter.add.f32 [tilespmem:s24], [sflag:$0x2], $0x10, s6, s20, $0xb8;
	[tilespmem:$0x1B580] =	vst v63  }
0xe6: {  	s7 =	simm.s32 $0x2E00  }
0xe7: {  	[spmem:s3] =	stream.indirect.scatter.add.f32 [tilespmem:s29], [sflag:$0x2], $0x10, s7, s20, $0xb8;
	[tilespmem:$0x1B580] =	vst v63  }
0xe8: {  	s1 =	simm.s32 $0xB590;
	s24 =	simm.s32 $0x2E80  }
0xe9: {  	[spmem:s3] =	stream.indirect.scatter.add.f32 [tilespmem:s1], [sflag:$0x2], $0x10, s24, s20, $0xb8;
	[tilespmem:$0x1B580] =	vst v63  }
0xea: {  	s28 =	simm.s32 $0x2F00  }
0xeb: {  	[spmem:s3] =	stream.indirect.scatter.add.f32 [tilespmem:s31], [sflag:$0x2], $0x10, s28, s20, $0xb8;
	[tilespmem:$0x1B580] =	vst v63  }
0xec: {  	s26 =	simm.s32 $0xC530;
	s1 =	simm.s32 $0x2F80  }
0xed: {  	[spmem:s3] =	stream.indirect.scatter.add.f32 [tilespmem:s26], [sflag:$0x2], $0x10, s1, s20, $0xb8;
	[tilespmem:$0x1B580] =	vst v63  }
0xee: {  	s4 =	simm.s32 $0x3000;
	s1 =	simm.s32 $0xCD00  }
0xef: {  	[spmem:s3] =	stream.indirect.scatter.add.f32 [tilespmem:s1], [sflag:$0x2], $0x10, s4, s20, $0xb8;
	[tilespmem:$0x1B580] =	vst v63  }
0xf0: {  	s5 =	simm.s32 $0x3080;
	s4 =	simm.s32 $0xD4D0  }
0xf1: {  	[spmem:s3] =	stream.indirect.scatter.add.f32 [tilespmem:s4], [sflag:$0x2], $0x10, s5, s20, $0xb8;
	[tilespmem:$0x1B580] =	vst v63  }
0xf2: {  	s6 =	simm.s32 $0x3100;
	s5 =	simm.s32 $0xDCA0  }
0xf3: {  	[spmem:s3] =	stream.indirect.scatter.add.f32 [tilespmem:s5], [sflag:$0x2], $0x10, s6, s20, $0xb8;
	[tilespmem:$0x1B580] =	vst v63  }
0xf4: {  	s26 =	simm.s32 $0x3180;
	s6 =	simm.s32 $0xE470  }
0xf5: {  	[spmem:s3] =	stream.indirect.scatter.add.f32 [tilespmem:s6], [sflag:$0x2], $0x10, s26, s20, $0xb8;
	[tilespmem:$0x1B580] =	vst v63  }
0xf6: {  	_ =	swait.ge [sflag:s8], $0x7D0  }
0xf7: {  	[sflag:s8] =	ssyncset.done $0x0  }
0xf8: {  	[sflag:s8] =	ssyncadd.s32 $0xFFFFF830  }
0xf9: {  	_ =	swait.ge [sflag:s8], $0x7D0  }
0xfa: {  	[sflag:s8] =	ssyncset.done $0x0  }
0xfb: {  	[sflag:s8] =	ssyncadd.s32 $0xFFFFF830  }
0xfc: {  	_ =	swait.ge [sflag:s8], $0x7D0  }
0xfd: {  	[sflag:s8] =	ssyncset.done $0x0  }
0xfe: {  	[sflag:s8] =	ssyncadd.s32 $0xFFFFF830  }
0xff: {  	_ =	swait.ge [sflag:s8], $0x7D0  }
0x100: {  	[sflag:s8] =	ssyncset.done $0x0  }
0x101: {  	[sflag:s8] =	ssyncadd.s32 $0xFFFFF830  }
0x102: {  	_ =	swait.ge [sflag:s8], $0x7D0  }
0x103: {  	[sflag:s8] =	ssyncset.done $0x0  }
0x104: {  	[sflag:s8] =	ssyncadd.s32 $0xFFFFF830  }
0x105: {  	_ =	swait.ge [sflag:s8], $0x7D0  }
0x106: {  	[sflag:s8] =	ssyncset.done $0x0  }
0x107: {  	[sflag:s8] =	ssyncadd.s32 $0xFFFFF830  }
0x108: {  	_ =	swait.ge [sflag:s8], $0x7D0  }
0x109: {  	[sflag:s8] =	ssyncset.done $0x0  }
0x10a: {  	[sflag:s8] =	ssyncadd.s32 $0xFFFFF830  }
0x10b: {  	_ =	swait.ge [sflag:s8], $0x7D0  }
0x10c: {  	[sflag:s8] =	ssyncset.done $0x0  }
0x10d: {  	[sflag:s8] =	ssyncadd.s32 $0xFFFFF830  }
0x10e: {  	_ =	swait.ge [sflag:s8], $0x7D0  }
0x10f: {  	[sflag:s8] =	ssyncset.done $0x0  }
0x110: {  	[sflag:s8] =	ssyncadd.s32 $0xFFFFF830  }
0x111: {  	_ =	swait.ge [sflag:s8], $0x7D0  }
0x112: {  	[sflag:s8] =	ssyncset.done $0x0  }
0x113: {  	[sflag:s8] =	ssyncadd.s32 $0xFFFFF830  }
0x114: {  	_ =	swait.ge [sflag:s8], $0x7D0  }
0x115: {  	[sflag:s8] =	ssyncset.done $0x0  }
0x116: {  	[sflag:s8] =	ssyncadd.s32 $0xFFFFF830  }
0x117: {  	_ =	swait.ge [sflag:s8], $0x7D0  }
0x118: {  	[sflag:s8] =	ssyncset.done $0x0  }
0x119: {  	[sflag:s8] =	ssyncadd.s32 $0xFFFFF830  }
0x11a: {  	_ =	swait.ge [sflag:s8], $0x7D0  }
0x11b: {  	[sflag:s8] =	ssyncset.done $0x0  }
0x11c: {  	[sflag:s8] =	ssyncadd.s32 $0xFFFFF830  }
0x11d: {  	_ =	swait.ge [sflag:s8], $0x7D0  }
0x11e: {  	[sflag:s8] =	ssyncset.done $0x0  }
0x11f: {  	[sflag:s8] =	ssyncadd.s32 $0xFFFFF830  }
0x120: {  	_ =	swait.ge [sflag:s8], $0x7D0  }
0x121: {  	[sflag:s8] =	ssyncset.done $0x0  }
0x122: {  	[sflag:s8] =	ssyncadd.s32 $0xFFFFF830  }
0x123: {  	_ =	swait.ge [sflag:s8], $0x7D0  }
0x124: {  	[sflag:s8] =	ssyncset.done $0x0  }
0x125: {  	[sflag:s8] =	ssyncadd.s32 $0xFFFFF830  }
0x126: {  	_ =	swait.ge [sflag:s8], $0x7D0  }
0x127: {  	[sflag:s8] =	ssyncset.done $0x0  }
0x128: {  	[sflag:s8] =	ssyncadd.s32 $0xFFFFF830  }
0x129: {  	_ =	swait.ge [sflag:s8], $0x7D0  }
0x12a: {  	[sflag:s8] =	ssyncset.done $0x0  }
0x12b: {  	[sflag:s8] =	ssyncadd.s32 $0xFFFFF830  }
0x12c: {  	_ =	swait.ge [sflag:s8], $0x7D0  }
0x12d: {  	[sflag:s8] =	ssyncset.done $0x0  }
0x12e: {  	[sflag:s8] =	ssyncadd.s32 $0xFFFFF830  }
0x12f: {  	_ =	swait.ge [sflag:s8], $0x7D0  }
0x130: {  	[sflag:s8] =	ssyncset.done $0x0  }
0x131: {  	[sflag:s8] =	ssyncadd.s32 $0xFFFFF830  }
0x132: {  	_ =	swait.ge [sflag:s13], $0x7D0  }
0x133: {  	[sflag:s13] =	ssyncset.done $0x0  }
0x134: {  	[sflag:s13] =	ssyncadd.s32 $0xFFFFF830  }
0x135: {  	_ =	swait.ge [sflag:s13], $0x7D0  }
0x136: {  	[sflag:s13] =	ssyncset.done $0x0  }
0x137: {  	[sflag:s13] =	ssyncadd.s32 $0xFFFFF830  }
0x138: {  	_ =	swait.ge [sflag:s13], $0x7D0  }
0x139: {  	[sflag:s13] =	ssyncset.done $0x0  }
0x13a: {  	[sflag:s13] =	ssyncadd.s32 $0xFFFFF830  }
0x13b: {  	_ =	swait.ge [sflag:s13], $0x7D0  }
0x13c: {  	[sflag:s13] =	ssyncset.done $0x0  }
0x13d: {  	[sflag:s13] =	ssyncadd.s32 $0xFFFFF830  }
0x13e: {  	_ =	swait.ge [sflag:s13], $0x7D0  }
0x13f: {  	[sflag:s13] =	ssyncset.done $0x0  }
0x140: {  	[sflag:s13] =	ssyncadd.s32 $0xFFFFF830  }
0x141: {  	_ =	swait.ge [sflag:s13], $0x7D0  }
0x142: {  	[sflag:s13] =	ssyncset.done $0x0  }
0x143: {  	[sflag:s13] =	ssyncadd.s32 $0xFFFFF830  }
0x144: {  	_ =	swait.ge [sflag:s13], $0x7D0  }
0x145: {  	[sflag:s13] =	ssyncset.done $0x0  }
0x146: {  	[sflag:s13] =	ssyncadd.s32 $0xFFFFF830  }
0x147: {  	_ =	swait.ge [sflag:s13], $0x7D0  }
0x148: {  	[sflag:s13] =	ssyncset.done $0x0  }
0x149: {  	[sflag:s13] =	ssyncadd.s32 $0xFFFFF830  }
0x14a: {  	_ =	swait.ge [sflag:s13], $0x7D0  }
0x14b: {  	[sflag:s13] =	ssyncset.done $0x0  }
0x14c: {  	[sflag:s13] =	ssyncadd.s32 $0xFFFFF830  }
0x14d: {  	_ =	swait.ge [sflag:s13], $0x7D0  }
0x14e: {  	[sflag:s13] =	ssyncset.done $0x0  }
0x14f: {  	[sflag:s13] =	ssyncadd.s32 $0xFFFFF830  }
0x150: {  	_ =	swait.ge [sflag:s13], $0x7D0  }
0x151: {  	[sflag:s13] =	ssyncset.done $0x0  }
0x152: {  	[sflag:s13] =	ssyncadd.s32 $0xFFFFF830  }
0x153: {  	_ =	swait.ge [sflag:s13], $0x7D0  }
0x154: {  	[sflag:s13] =	ssyncset.done $0x0  }
0x155: {  	[sflag:s13] =	ssyncadd.s32 $0xFFFFF830  }
0x156: {  	_ =	swait.ge [sflag:s13], $0x7D0  }
0x157: {  	[sflag:s13] =	ssyncset.done $0x0  }
0x158: {  	[sflag:s13] =	ssyncadd.s32 $0xFFFFF830  }
0x159: {  	_ =	swait.ge [sflag:s13], $0x7D0  }
0x15a: {  	[sflag:s13] =	ssyncset.done $0x0  }
0x15b: {  	[sflag:s13] =	ssyncadd.s32 $0xFFFFF830  }
0x15c: {  	_ =	swait.ge [sflag:s13], $0x7D0  }
0x15d: {  	[sflag:s13] =	ssyncset.done $0x0  }
0x15e: {  	[sflag:s13] =	ssyncadd.s32 $0xFFFFF830  }
0x15f: {  	_ =	swait.ge [sflag:s13], $0x7D0  }
0x160: {  	[sflag:s13] =	ssyncset.done $0x0  }
0x161: {  	[sflag:s13] =	ssyncadd.s32 $0xFFFFF830  }
0x162: {  	_ =	swait.ge [sflag:s13], $0x7D0  }
0x163: {  	[sflag:s13] =	ssyncset.done $0x0  }
0x164: {  	[sflag:s13] =	ssyncadd.s32 $0xFFFFF830  }
0x165: {  	_ =	swait.ge [sflag:s13], $0x7D0  }
0x166: {  	[sflag:s13] =	ssyncset.done $0x0  }
0x167: {  	[sflag:s13] =	ssyncadd.s32 $0xFFFFF830  }
0x168: {  	_ =	swait.ge [sflag:s13], $0x7D0  }
0x169: {  	[sflag:s13] =	ssyncset.done $0x0  }
0x16a: {  	[sflag:s13] =	ssyncadd.s32 $0xFFFFF830  }
0x16b: {  	_ =	swait.ge [sflag:s13], $0x7D0  }
0x16c: {  	[sflag:s13] =	ssyncset.done $0x0  }
0x16d: {  	s19 =	simm.s32 $0x5000;
	s28 =	simm.s32 $0x1400;
	[sflag:s13] =	ssyncadd.s32 $0xFFFFF830  }
0x16e: {  	[tilespmem:s19], [sflag:$0x1] =	stream.indirect.gather [hbm4b:s2+s20], $0x10, s28, s20, $0xb8;
	[tilespmem:$0x1B580] =	vst v63  }
0x16f: {  	s17 =	simm.s32 $0x57D0;
	s19 =	simm.s32 $0x1480  }
0x170: {  	[tilespmem:s17], [sflag:$0x1] =	stream.indirect.gather [hbm4b:s2+s20], $0x10, s19, s20, $0xb8;
	[tilespmem:$0x1B580] =	vst v63  }
0x171: {  	s16 =	simm.s32 $0x5FA0;
	s26 =	simm.s32 $0x1500  }
0x172: {  	[tilespmem:s16], [sflag:$0x1] =	stream.indirect.gather [hbm4b:s2+s20], $0x10, s26, s20, $0xb8;
	[tilespmem:$0x1B580] =	vst v63  }
0x173: {  	s0 =	simm.s32 $0x6770;
	s28 =	simm.s32 $0x1580  }
0x174: {  	[tilespmem:s0], [sflag:$0x1] =	stream.indirect.gather [hbm4b:s2+s20], $0x10, s28, s20, $0xb8;
	[tilespmem:$0x1B580] =	vst v63  }
0x175: {  	s14 =	simm.s32 $0x6F40;
	s16 =	simm.s32 $0x1600  }
0x176: {  	[tilespmem:s14], [sflag:$0x1] =	stream.indirect.gather [hbm4b:s2+s20], $0x10, s16, s20, $0xb8;
	[tilespmem:$0x1B580] =	vst v63  }
0x177: {  	s12 =	simm.s32 $0x7710;
	s17 =	simm.s32 $0x1680  }
0x178: {  	[tilespmem:s12], [sflag:$0x1] =	stream.indirect.gather [hbm4b:s2+s20], $0x10, s17, s20, $0xb8;
	[tilespmem:$0x1B580] =	vst v63  }
0x179: {  	s15 =	simm.s32 $0x7EE0;
	s19 =	simm.s32 $0x1700  }
0x17a: {  	[tilespmem:s15], [sflag:$0x1] =	stream.indirect.gather [hbm4b:s2+s20], $0x10, s19, s20, $0xb8;
	[tilespmem:$0x1B580] =	vst v63  }
0x17b: {  	s23 =	simm.s32 $0x86B0;
	s26 =	simm.s32 $0x1780  }
0x17c: {  	[tilespmem:s23], [sflag:$0x1] =	stream.indirect.gather [hbm4b:s2+s20], $0x10, s26, s20, $0xb8;
	[tilespmem:$0x1B580] =	vst v63  }
0x17d: {  	s25 =	simm.s32 $0x8E80;
	s28 =	simm.s32 $0x1800  }
0x17e: {  	[tilespmem:s25], [sflag:$0x1] =	stream.indirect.gather [hbm4b:s2+s20], $0x10, s28, s20, $0xb8;
	[tilespmem:$0x1B580] =	vst v63  }
0x17f: {  	s0 =	simm.s32 $0x1880  }
0x180: {  	[tilespmem:s30], [sflag:$0x1] =	stream.indirect.gather [hbm4b:s2+s20], $0x10, s0, s20, $0xb8;
	[tilespmem:$0x1B580] =	vst v63  }
0x181: {  	s11 =	simm.s32 $0x9E20;
	s12 =	simm.s32 $0x1900  }
0x182: {  	[tilespmem:s11], [sflag:$0x1] =	stream.indirect.gather [hbm4b:s2+s20], $0x10, s12, s20, $0xb8;
	[tilespmem:$0x1B580] =	vst v63  }
0x183: {  	s22 =	simm.s32 $0xA5F0;
	s14 =	simm.s32 $0x1980  }
0x184: {  	[tilespmem:s22], [sflag:$0x1] =	stream.indirect.gather [hbm4b:s2+s20], $0x10, s14, s20, $0xb8;
	[tilespmem:$0x1B580] =	vst v63  }
0x185: {  	s15 =	simm.s32 $0x1A00  }
0x186: {  	[tilespmem:s29], [sflag:$0x1] =	stream.indirect.gather [hbm4b:s2+s20], $0x10, s15, s20, $0xb8;
	[tilespmem:$0x1B580] =	vst v63  }
0x187: {  	s7 =	simm.s32 $0xB590;
	s16 =	simm.s32 $0x1A80  }
0x188: {  	[tilespmem:s7], [sflag:$0x1] =	stream.indirect.gather [hbm4b:s2+s20], $0x10, s16, s20, $0xb8;
	[tilespmem:$0x1B580] =	vst v63  }
0x189: {  	s17 =	simm.s32 $0x1B00  }
0x18a: {  	[tilespmem:s31], [sflag:$0x1] =	stream.indirect.gather [hbm4b:s2+s20], $0x10, s17, s20, $0xb8;
	[tilespmem:$0x1B580] =	vst v63  }
0x18b: {  	s24 =	simm.s32 $0xC530;
	s19 =	simm.s32 $0x1B80  }
0x18c: {  	[tilespmem:s24], [sflag:$0x1] =	stream.indirect.gather [hbm4b:s2+s20], $0x10, s19, s20, $0xb8;
	[tilespmem:$0x1B580] =	vst v63  }
0x18d: {  	s22 =	simm.s32 $0x1C00  }
0x18e: {  	[tilespmem:s1], [sflag:$0x1] =	stream.indirect.gather [hbm4b:s2+s20], $0x10, s22, s20, $0xb8;
	[tilespmem:$0x1B580] =	vst v63  }
0x18f: {  	s23 =	simm.s32 $0x1C80  }
0x190: {  	[tilespmem:s4], [sflag:$0x1] =	stream.indirect.gather [hbm4b:s2+s20], $0x10, s23, s20, $0xb8;
	[tilespmem:$0x1B580] =	vst v63  }
0x191: {  	s24 =	simm.s32 $0x1D00  }
0x192: {  	[tilespmem:s5], [sflag:$0x1] =	stream.indirect.gather [hbm4b:s2+s20], $0x10, s24, s20, $0xb8;
	[tilespmem:$0x1B580] =	vst v63  }
0x193: {  	s25 =	simm.s32 $0x1D80  }
0x194: {  	[tilespmem:s6], [sflag:$0x1] =	stream.indirect.gather [hbm4b:s2+s20], $0x10, s25, s20, $0xb8;
	[tilespmem:$0x1B580] =	vst v63  }
0x195: {  	s26 =	simm.s32 $0x3200;
	s28 =	simm.s32 $0xEC40  }
0x196: {  	[spmem:s3] =	stream.indirect.scatter.add.f32 [tilespmem:s28], [sflag:$0x2], $0x10, s26, s20, $0xb8;
	[tilespmem:$0x1B580] =	vst v63  }
0x197: {  	s11 =	simm.s32 $0xF410;
	s1 =	simm.s32 $0x3280  }
0x198: {  	[spmem:s3] =	stream.indirect.scatter.add.f32 [tilespmem:s11], [sflag:$0x2], $0x10, s1, s20, $0xb8;
	[tilespmem:$0x1B580] =	vst v63  }
0x199: {  	s14 =	simm.s32 $0xFBE0;
	s4 =	simm.s32 $0x3300  }
0x19a: {  	[spmem:s3] =	stream.indirect.scatter.add.f32 [tilespmem:s14], [sflag:$0x2], $0x10, s4, s20, $0xb8;
	[tilespmem:$0x1B580] =	vst v63  }
0x19b: {  	s5 =	simm.s32 $0x3380;
	s6 =	simm.s32 $0x103B0  }
0x19c: {  	[spmem:s3] =	stream.indirect.scatter.add.f32 [tilespmem:s6], [sflag:$0x2], $0x10, s5, s20, $0xb8;
	[tilespmem:$0x1B580] =	vst v63  }
0x19d: {  	s7 =	simm.s32 $0x3400;
	s17 =	simm.s32 $0x10B80  }
0x19e: {  	[spmem:s3] =	stream.indirect.scatter.add.f32 [tilespmem:s17], [sflag:$0x2], $0x10, s7, s20, $0xb8;
	[tilespmem:$0x1B580] =	vst v63  }
0x19f: {  	s12 =	simm.s32 $0x3480;
	s1 =	simm.s32 $0x11350  }
0x1a0: {  	[spmem:s3] =	stream.indirect.scatter.add.f32 [tilespmem:s1], [sflag:$0x2], $0x10, s12, s20, $0xb8;
	[tilespmem:$0x1B580] =	vst v63  }
0x1a1: {  	s0 =	simm.s32 $0x11B20;
	s15 =	simm.s32 $0x3500  }
0x1a2: {  	[spmem:s3] =	stream.indirect.scatter.add.f32 [tilespmem:s0], [sflag:$0x2], $0x10, s15, s20, $0xb8;
	[tilespmem:$0x1B580] =	vst v63  }
0x1a3: {  	s16 =	simm.s32 $0x3580;
	s5 =	simm.s32 $0x122F0  }
0x1a4: {  	[spmem:s3] =	stream.indirect.scatter.add.f32 [tilespmem:s5], [sflag:$0x2], $0x10, s16, s20, $0xb8;
	[tilespmem:$0x1B580] =	vst v63  }
0x1a5: {  	s19 =	simm.s32 $0x3600;
	s4 =	simm.s32 $0x12AC0  }
0x1a6: {  	[spmem:s3] =	stream.indirect.scatter.add.f32 [tilespmem:s4], [sflag:$0x2], $0x10, s19, s20, $0xb8;
	[tilespmem:$0x1B580] =	vst v63  }
0x1a7: {  	s22 =	simm.s32 $0x3680;
	s7 =	simm.s32 $0x13290  }
0x1a8: {  	[spmem:s3] =	stream.indirect.scatter.add.f32 [tilespmem:s7], [sflag:$0x2], $0x10, s22, s20, $0xb8;
	[tilespmem:$0x1B580] =	vst v63  }
0x1a9: {  	s24 =	simm.s32 $0x3700;
	s6 =	simm.s32 $0x13A60  }
0x1aa: {  	[spmem:s3] =	stream.indirect.scatter.add.f32 [tilespmem:s6], [sflag:$0x2], $0x10, s24, s20, $0xb8;
	[tilespmem:$0x1B580] =	vst v63  }
0x1ab: {  	s25 =	simm.s32 $0x3780;
	s15 =	simm.s32 $0x14230  }
0x1ac: {  	[spmem:s3] =	stream.indirect.scatter.add.f32 [tilespmem:s15], [sflag:$0x2], $0x10, s25, s20, $0xb8;
	[tilespmem:$0x1B580] =	vst v63  }
0x1ad: {  	s26 =	simm.s32 $0x3800;
	s12 =	simm.s32 $0x14A00  }
0x1ae: {  	[spmem:s3] =	stream.indirect.scatter.add.f32 [tilespmem:s12], [sflag:$0x2], $0x10, s26, s20, $0xb8;
	[tilespmem:$0x1B580] =	vst v63  }
0x1af: {  	s16 =	simm.s32 $0x3880;
	s19 =	simm.s32 $0x151D0  }
0x1b0: {  	[spmem:s3] =	stream.indirect.scatter.add.f32 [tilespmem:s19], [sflag:$0x2], $0x10, s16, s20, $0xb8;
	[tilespmem:$0x1B580] =	vst v63  }
0x1b1: {  	s22 =	simm.s32 $0x3900;
	s16 =	simm.s32 $0x159A0  }
0x1b2: {  	[spmem:s3] =	stream.indirect.scatter.add.f32 [tilespmem:s16], [sflag:$0x2], $0x10, s22, s20, $0xb8;
	[tilespmem:$0x1B580] =	vst v63  }
0x1b3: {  	s25 =	simm.s32 $0x3980;
	s26 =	simm.s32 $0x16170  }
0x1b4: {  	[spmem:s3] =	stream.indirect.scatter.add.f32 [tilespmem:s26], [sflag:$0x2], $0x10, s25, s20, $0xb8;
	[tilespmem:$0x1B580] =	vst v63  }
0x1b5: {  	s19 =	simm.s32 $0x16940;
	s22 =	simm.s32 $0x3A00  }
0x1b6: {  	[spmem:s3] =	stream.indirect.scatter.add.f32 [tilespmem:s19], [sflag:$0x2], $0x10, s22, s20, $0xb8;
	[tilespmem:$0x1B580] =	vst v63  }
0x1b7: {  	s21 =	simm.s32 $0x17110;
	s26 =	simm.s32 $0x3A80  }
0x1b8: {  	[spmem:s3] =	stream.indirect.scatter.add.f32 [tilespmem:s21], [sflag:$0x2], $0x10, s26, s20, $0xb8;
	[tilespmem:$0x1B580] =	vst v63  }
0x1b9: {  	s22 =	simm.s32 $0x3B00;
	s21 =	simm.s32 $0x178E0  }
0x1ba: {  	[spmem:s3] =	stream.indirect.scatter.add.f32 [tilespmem:s21], [sflag:$0x2], $0x10, s22, s20, $0xb8;
	[tilespmem:$0x1B580] =	vst v63  }
0x1bb: {  	s10 =	simm.s32 $0x3B80;
	s22 =	simm.s32 $0x180B0  }
0x1bc: {  	[spmem:s3] =	stream.indirect.scatter.add.f32 [tilespmem:s22], [sflag:$0x2], $0x10, s10, s20, $0xb8;
	[tilespmem:$0x1B580] =	vst v63  }
0x1bd: {  	_ =	swait.ge [sflag:s8], $0x7D0  }
0x1be: {  	[sflag:s8] =	ssyncset.done $0x0  }
0x1bf: {  	[sflag:s8] =	ssyncadd.s32 $0xFFFFF830  }
0x1c0: {  	_ =	swait.ge [sflag:s8], $0x7D0  }
0x1c1: {  	[sflag:s8] =	ssyncset.done $0x0  }
0x1c2: {  	[sflag:s8] =	ssyncadd.s32 $0xFFFFF830  }
0x1c3: {  	_ =	swait.ge [sflag:s8], $0x7D0  }
0x1c4: {  	[sflag:s8] =	ssyncset.done $0x0  }
0x1c5: {  	[sflag:s8] =	ssyncadd.s32 $0xFFFFF830  }
0x1c6: {  	_ =	swait.ge [sflag:s8], $0x7D0  }
0x1c7: {  	[sflag:s8] =	ssyncset.done $0x0  }
0x1c8: {  	[sflag:s8] =	ssyncadd.s32 $0xFFFFF830  }
0x1c9: {  	_ =	swait.ge [sflag:s8], $0x7D0  }
0x1ca: {  	[sflag:s8] =	ssyncset.done $0x0  }
0x1cb: {  	[sflag:s8] =	ssyncadd.s32 $0xFFFFF830  }
0x1cc: {  	_ =	swait.ge [sflag:s8], $0x7D0  }
0x1cd: {  	[sflag:s8] =	ssyncset.done $0x0  }
0x1ce: {  	[sflag:s8] =	ssyncadd.s32 $0xFFFFF830  }
0x1cf: {  	_ =	swait.ge [sflag:s8], $0x7D0  }
0x1d0: {  	[sflag:s8] =	ssyncset.done $0x0  }
0x1d1: {  	[sflag:s8] =	ssyncadd.s32 $0xFFFFF830  }
0x1d2: {  	_ =	swait.ge [sflag:s8], $0x7D0  }
0x1d3: {  	[sflag:s8] =	ssyncset.done $0x0  }
0x1d4: {  	[sflag:s8] =	ssyncadd.s32 $0xFFFFF830  }
0x1d5: {  	_ =	swait.ge [sflag:s8], $0x7D0  }
0x1d6: {  	[sflag:s8] =	ssyncset.done $0x0  }
0x1d7: {  	[sflag:s8] =	ssyncadd.s32 $0xFFFFF830  }
0x1d8: {  	_ =	swait.ge [sflag:s8], $0x7D0  }
0x1d9: {  	[sflag:s8] =	ssyncset.done $0x0  }
0x1da: {  	[sflag:s8] =	ssyncadd.s32 $0xFFFFF830  }
0x1db: {  	_ =	swait.ge [sflag:s8], $0x7D0  }
0x1dc: {  	[sflag:s8] =	ssyncset.done $0x0  }
0x1dd: {  	[sflag:s8] =	ssyncadd.s32 $0xFFFFF830  }
0x1de: {  	_ =	swait.ge [sflag:s8], $0x7D0  }
0x1df: {  	[sflag:s8] =	ssyncset.done $0x0  }
0x1e0: {  	[sflag:s8] =	ssyncadd.s32 $0xFFFFF830  }
0x1e1: {  	_ =	swait.ge [sflag:s8], $0x7D0  }
0x1e2: {  	[sflag:s8] =	ssyncset.done $0x0  }
0x1e3: {  	[sflag:s8] =	ssyncadd.s32 $0xFFFFF830  }
0x1e4: {  	_ =	swait.ge [sflag:s8], $0x7D0  }
0x1e5: {  	[sflag:s8] =	ssyncset.done $0x0  }
0x1e6: {  	[sflag:s8] =	ssyncadd.s32 $0xFFFFF830  }
0x1e7: {  	_ =	swait.ge [sflag:s8], $0x7D0  }
0x1e8: {  	[sflag:s8] =	ssyncset.done $0x0  }
0x1e9: {  	[sflag:s8] =	ssyncadd.s32 $0xFFFFF830  }
0x1ea: {  	_ =	swait.ge [sflag:s8], $0x7D0  }
0x1eb: {  	[sflag:s8] =	ssyncset.done $0x0  }
0x1ec: {  	[sflag:s8] =	ssyncadd.s32 $0xFFFFF830  }
0x1ed: {  	_ =	swait.ge [sflag:s8], $0x7D0  }
0x1ee: {  	[sflag:s8] =	ssyncset.done $0x0  }
0x1ef: {  	[sflag:s8] =	ssyncadd.s32 $0xFFFFF830  }
0x1f0: {  	_ =	swait.ge [sflag:s8], $0x7D0  }
0x1f1: {  	[sflag:s8] =	ssyncset.done $0x0  }
0x1f2: {  	[sflag:s8] =	ssyncadd.s32 $0xFFFFF830  }
0x1f3: {  	_ =	swait.ge [sflag:s8], $0x7D0  }
0x1f4: {  	[sflag:s8] =	ssyncset.done $0x0  }
0x1f5: {  	[sflag:s8] =	ssyncadd.s32 $0xFFFFF830  }
0x1f6: {  	_ =	swait.ge [sflag:s8], $0x7D0  }
0x1f7: {  	[sflag:s8] =	ssyncset.done $0x0  }
0x1f8: {  	[sflag:s8] =	ssyncadd.s32 $0xFFFFF830  }
0x1f9: {  	_ =	swait.ge [sflag:s13], $0x7D0  }
0x1fa: {  	[sflag:s13] =	ssyncset.done $0x0  }
0x1fb: {  	[sflag:s13] =	ssyncadd.s32 $0xFFFFF830  }
0x1fc: {  	_ =	swait.ge [sflag:s13], $0x7D0  }
0x1fd: {  	[sflag:s13] =	ssyncset.done $0x0  }
0x1fe: {  	[sflag:s13] =	ssyncadd.s32 $0xFFFFF830  }
0x1ff: {  	_ =	swait.ge [sflag:s13], $0x7D0  }
0x200: {  	[sflag:s13] =	ssyncset.done $0x0  }
0x201: {  	[sflag:s13] =	ssyncadd.s32 $0xFFFFF830  }
0x202: {  	_ =	swait.ge [sflag:s13], $0x7D0  }
0x203: {  	[sflag:s13] =	ssyncset.done $0x0  }
0x204: {  	[sflag:s13] =	ssyncadd.s32 $0xFFFFF830  }
0x205: {  	_ =	swait.ge [sflag:s13], $0x7D0  }
0x206: {  	[sflag:s13] =	ssyncset.done $0x0  }
0x207: {  	[sflag:s13] =	ssyncadd.s32 $0xFFFFF830  }
0x208: {  	_ =	swait.ge [sflag:s13], $0x7D0  }
0x209: {  	[sflag:s13] =	ssyncset.done $0x0  }
0x20a: {  	[sflag:s13] =	ssyncadd.s32 $0xFFFFF830  }
0x20b: {  	_ =	swait.ge [sflag:s13], $0x7D0  }
0x20c: {  	[sflag:s13] =	ssyncset.done $0x0  }
0x20d: {  	[sflag:s13] =	ssyncadd.s32 $0xFFFFF830  }
0x20e: {  	_ =	swait.ge [sflag:s13], $0x7D0  }
0x20f: {  	[sflag:s13] =	ssyncset.done $0x0  }
0x210: {  	[sflag:s13] =	ssyncadd.s32 $0xFFFFF830  }
0x211: {  	_ =	swait.ge [sflag:s13], $0x7D0  }
0x212: {  	[sflag:s13] =	ssyncset.done $0x0  }
0x213: {  	[sflag:s13] =	ssyncadd.s32 $0xFFFFF830  }
0x214: {  	_ =	swait.ge [sflag:s13], $0x7D0  }
0x215: {  	[sflag:s13] =	ssyncset.done $0x0  }
0x216: {  	[sflag:s13] =	ssyncadd.s32 $0xFFFFF830  }
0x217: {  	_ =	swait.ge [sflag:s13], $0x7D0  }
0x218: {  	[sflag:s13] =	ssyncset.done $0x0  }
0x219: {  	[sflag:s13] =	ssyncadd.s32 $0xFFFFF830  }
0x21a: {  	_ =	swait.ge [sflag:s13], $0x7D0  }
0x21b: {  	[sflag:s13] =	ssyncset.done $0x0  }
0x21c: {  	[sflag:s13] =	ssyncadd.s32 $0xFFFFF830  }
0x21d: {  	_ =	swait.ge [sflag:s13], $0x7D0  }
0x21e: {  	[sflag:s13] =	ssyncset.done $0x0  }
0x21f: {  	[sflag:s13] =	ssyncadd.s32 $0xFFFFF830  }
0x220: {  	_ =	swait.ge [sflag:s13], $0x7D0  }
0x221: {  	[sflag:s13] =	ssyncset.done $0x0  }
0x222: {  	[sflag:s13] =	ssyncadd.s32 $0xFFFFF830  }
0x223: {  	_ =	swait.ge [sflag:s13], $0x7D0  }
0x224: {  	[sflag:s13] =	ssyncset.done $0x0  }
0x225: {  	[sflag:s13] =	ssyncadd.s32 $0xFFFFF830  }
0x226: {  	_ =	swait.ge [sflag:s13], $0x7D0  }
0x227: {  	[sflag:s13] =	ssyncset.done $0x0  }
0x228: {  	[sflag:s13] =	ssyncadd.s32 $0xFFFFF830  }
0x229: {  	_ =	swait.ge [sflag:s13], $0x7D0  }
0x22a: {  	[sflag:s13] =	ssyncset.done $0x0  }
0x22b: {  	[sflag:s13] =	ssyncadd.s32 $0xFFFFF830  }
0x22c: {  	_ =	swait.ge [sflag:s13], $0x7D0  }
0x22d: {  	[sflag:s13] =	ssyncset.done $0x0  }
0x22e: {  	[sflag:s13] =	ssyncadd.s32 $0xFFFFF830  }
0x22f: {  	_ =	swait.ge [sflag:s13], $0x7D0  }
0x230: {  	[sflag:s13] =	ssyncset.done $0x0  }
0x231: {  	[sflag:s13] =	ssyncadd.s32 $0xFFFFF830  }
0x232: {  	_ =	swait.ge [sflag:s13], $0x7D0  }
0x233: {  	[sflag:s13] =	ssyncset.done $0x0  }
0x234: {  	s28 =	simm.s32 $0xEC40;
	s10 =	simm.s32 $0x1E00;
	[sflag:s13] =	ssyncadd.s32 $0xFFFFF830  }
0x235: {  	[tilespmem:s28], [sflag:$0x1] =	stream.indirect.gather [hbm4b:s2+s20], $0x10, s10, s20, $0xb8;
	[tilespmem:$0x1B580] =	vst v63  }
0x236: {  	s28 =	simm.s32 $0x1E80  }
0x237: {  	[tilespmem:s11], [sflag:$0x1] =	stream.indirect.gather [hbm4b:s2+s20], $0x10, s28, s20, $0xb8;
	[tilespmem:$0x1B580] =	vst v63  }
0x238: {  	s28 =	simm.s32 $0x1F00  }
0x239: {  	[tilespmem:s14], [sflag:$0x1] =	stream.indirect.gather [hbm4b:s2+s20], $0x10, s28, s20, $0xb8;
	[tilespmem:$0x1B580] =	vst v63  }
0x23a: {  	s23 =	simm.s32 $0x103B0;
	s28 =	simm.s32 $0x1F80  }
0x23b: {  	[tilespmem:s23], [sflag:$0x1] =	stream.indirect.gather [hbm4b:s2+s20], $0x10, s28, s20, $0xb8;
	[tilespmem:$0x1B580] =	vst v63  }
0x23c: {  	s28 =	simm.s32 $0x2000  }
0x23d: {  	[tilespmem:s17], [sflag:$0x1] =	stream.indirect.gather [hbm4b:s2+s20], $0x10, s28, s20, $0xb8;
	[tilespmem:$0x1B580] =	vst v63  }
0x23e: {  	s23 =	simm.s32 $0x2080  }
0x23f: {  	[tilespmem:s1], [sflag:$0x1] =	stream.indirect.gather [hbm4b:s2+s20], $0x10, s23, s20, $0xb8;
	[tilespmem:$0x1B580] =	vst v63  }
0x240: {  	s28 =	simm.s32 $0x2100  }
0x241: {  	[tilespmem:s0], [sflag:$0x1] =	stream.indirect.gather [hbm4b:s2+s20], $0x10, s28, s20, $0xb8;
	[tilespmem:$0x1B580] =	vst v63  }
0x242: {  	s0 =	simm.s32 $0x2180  }
0x243: {  	[tilespmem:s5], [sflag:$0x1] =	stream.indirect.gather [hbm4b:s2+s20], $0x10, s0, s20, $0xb8;
	[tilespmem:$0x1B580] =	vst v63  }
0x244: {  	s1 =	simm.s32 $0x2200  }
0x245: {  	[tilespmem:s4], [sflag:$0x1] =	stream.indirect.gather [hbm4b:s2+s20], $0x10, s1, s20, $0xb8;
	[tilespmem:$0x1B580] =	vst v63  }
0x246: {  	s4 =	simm.s32 $0x2280  }
0x247: {  	[tilespmem:s7], [sflag:$0x1] =	stream.indirect.gather [hbm4b:s2+s20], $0x10, s4, s20, $0xb8;
	[tilespmem:$0x1B580] =	vst v63  }
0x248: {  	s5 =	simm.s32 $0x2300  }
0x249: {  	[tilespmem:s6], [sflag:$0x1] =	stream.indirect.gather [hbm4b:s2+s20], $0x10, s5, s20, $0xb8;
	[tilespmem:$0x1B580] =	vst v63  }
0x24a: {  	s7 =	simm.s32 $0x2380  }
0x24b: {  	[tilespmem:s15], [sflag:$0x1] =	stream.indirect.gather [hbm4b:s2+s20], $0x10, s7, s20, $0xb8;
	[tilespmem:$0x1B580] =	vst v63  }
0x24c: {  	s15 =	simm.s32 $0x2400  }
0x24d: {  	[tilespmem:s12], [sflag:$0x1] =	stream.indirect.gather [hbm4b:s2+s20], $0x10, s15, s20, $0xb8;
	[tilespmem:$0x1B580] =	vst v63  }
0x24e: {  	s24 =	simm.s32 $0x151D0;
	s23 =	simm.s32 $0x2480  }
0x24f: {  	[tilespmem:s24], [sflag:$0x1] =	stream.indirect.gather [hbm4b:s2+s20], $0x10, s23, s20, $0xb8;
	[tilespmem:$0x1B580] =	vst v63  }
0x250: {  	s0 =	simm.s32 $0x2500  }
0x251: {  	[tilespmem:s16], [sflag:$0x1] =	stream.indirect.gather [hbm4b:s2+s20], $0x10, s0, s20, $0xb8;
	[tilespmem:$0x1B580] =	vst v63  }
0x252: {  	s25 =	simm.s32 $0x16170;
	s4 =	simm.s32 $0x2580  }
0x253: {  	[tilespmem:s25], [sflag:$0x1] =	stream.indirect.gather [hbm4b:s2+s20], $0x10, s4, s20, $0xb8;
	[tilespmem:$0x1B580] =	vst v63  }
0x254: {  	s15 =	simm.s32 $0x2600  }
0x255: {  	[tilespmem:s19], [sflag:$0x1] =	stream.indirect.gather [hbm4b:s2+s20], $0x10, s15, s20, $0xb8;
	[tilespmem:$0x1B580] =	vst v63  }
0x256: {  	s26 =	simm.s32 $0x17110;
	s16 =	simm.s32 $0x2680  }
0x257: {  	[tilespmem:s26], [sflag:$0x1] =	stream.indirect.gather [hbm4b:s2+s20], $0x10, s16, s20, $0xb8;
	[tilespmem:$0x1B580] =	vst v63  }
0x258: {  	s19 =	simm.s32 $0x2700  }
0x259: {  	[tilespmem:s21], [sflag:$0x1] =	stream.indirect.gather [hbm4b:s2+s20], $0x10, s19, s20, $0xb8;
	[tilespmem:$0x1B580] =	vst v63  }
0x25a: {  	s21 =	simm.s32 $0x2780  }
0x25b: {  	[tilespmem:s22], [sflag:$0x1] =	stream.indirect.gather [hbm4b:s2+s20], $0x10, s21, s20, $0xb8;
	[tilespmem:$0x1B580] =	vst v63  }
0x25c: {  	s26 =	simm.s32 $0x5000;
	s22 =	simm.s32 $0x3C00  }
0x25d: {  	[spmem:s3] =	stream.indirect.scatter.add.f32 [tilespmem:s26], [sflag:$0x2], $0x10, s22, s20, $0xb8;
	[tilespmem:$0x1B580] =	vst v63  }
0x25e: {  	s4 =	simm.s32 $0x3C80;
	s21 =	simm.s32 $0x57D0  }
0x25f: {  	[spmem:s3] =	stream.indirect.scatter.add.f32 [tilespmem:s21], [sflag:$0x2], $0x10, s4, s20, $0xb8;
	[tilespmem:$0x1B580] =	vst v63  }
0x260: {  	s22 =	simm.s32 $0x3D00;
	s26 =	simm.s32 $0x5FA0  }
0x261: {  	[spmem:s3] =	stream.indirect.scatter.add.f32 [tilespmem:s26], [sflag:$0x2], $0x10, s22, s20, $0xb8;
	[tilespmem:$0x1B580] =	vst v63  }
0x262: {  	s0 =	simm.s32 $0x3D80;
	s4 =	simm.s32 $0x6770  }
0x263: {  	[spmem:s3] =	stream.indirect.scatter.add.f32 [tilespmem:s4], [sflag:$0x2], $0x10, s0, s20, $0xb8;
	[tilespmem:$0x1B580] =	vst v63  }
0x264: {  	s10 =	simm.s32 $0x3E00;
	s21 =	simm.s32 $0x6F40  }
0x265: {  	[spmem:s3] =	stream.indirect.scatter.add.f32 [tilespmem:s21], [sflag:$0x2], $0x10, s10, s20, $0xb8;
	[tilespmem:$0x1B580] =	vst v63  }
0x266: {  	s22 =	simm.s32 $0x3E80;
	s26 =	simm.s32 $0x7710  }
0x267: {  	[spmem:s3] =	stream.indirect.scatter.add.f32 [tilespmem:s26], [sflag:$0x2], $0x10, s22, s20, $0xb8;
	[tilespmem:$0x1B580] =	vst v63  }
0x268: {  	s10 =	simm.s32 $0x3F00;
	s21 =	simm.s32 $0x7EE0  }
0x269: {  	[spmem:s3] =	stream.indirect.scatter.add.f32 [tilespmem:s21], [sflag:$0x2], $0x10, s10, s20, $0xb8;
	[tilespmem:$0x1B580] =	vst v63  }
0x26a: {  	s22 =	simm.s32 $0x3F80;
	s26 =	simm.s32 $0x86B0  }
0x26b: {  	[spmem:s3] =	stream.indirect.scatter.add.f32 [tilespmem:s26], [sflag:$0x2], $0x10, s22, s20, $0xb8;
	[tilespmem:$0x1B580] =	vst v63  }
0x26c: {  	s0 =	simm.s32 $0x4000;
	s10 =	simm.s32 $0x8E80  }
0x26d: {  	[spmem:s3] =	stream.indirect.scatter.add.f32 [tilespmem:s10], [sflag:$0x2], $0x10, s0, s20, $0xb8;
	[tilespmem:$0x1B580] =	vst v63  }
0x26e: {  	s21 =	simm.s32 $0x4080  }
0x26f: {  	[spmem:s3] =	stream.indirect.scatter.add.f32 [tilespmem:s30], [sflag:$0x2], $0x10, s21, s20, $0xb8;
	[tilespmem:$0x1B580] =	vst v63  }
0x270: {  	s22 =	simm.s32 $0x4100;
	s26 =	simm.s32 $0x9E20  }
0x271: {  	[spmem:s3] =	stream.indirect.scatter.add.f32 [tilespmem:s26], [sflag:$0x2], $0x10, s22, s20, $0xb8;
	[tilespmem:$0x1B580] =	vst v63  }
0x272: {  	s4 =	simm.s32 $0x4180;
	s10 =	simm.s32 $0xA5F0  }
0x273: {  	[spmem:s3] =	stream.indirect.scatter.add.f32 [tilespmem:s10], [sflag:$0x2], $0x10, s4, s20, $0xb8;
	[tilespmem:$0x1B580] =	vst v63  }
0x274: {  	s21 =	simm.s32 $0x4200  }
0x275: {  	[spmem:s3] =	stream.indirect.scatter.add.f32 [tilespmem:s29], [sflag:$0x2], $0x10, s21, s20, $0xb8;
	[tilespmem:$0x1B580] =	vst v63  }
0x276: {  	s22 =	simm.s32 $0x4280;
	s26 =	simm.s32 $0xB590  }
0x277: {  	[spmem:s3] =	stream.indirect.scatter.add.f32 [tilespmem:s26], [sflag:$0x2], $0x10, s22, s20, $0xb8;
	[tilespmem:$0x1B580] =	vst v63  }
0x278: {  	s4 =	simm.s32 $0x4300  }
0x279: {  	[spmem:s3] =	stream.indirect.scatter.add.f32 [tilespmem:s31], [sflag:$0x2], $0x10, s4, s20, $0xb8;
	[tilespmem:$0x1B580] =	vst v63  }
0x27a: {  	s10 =	simm.s32 $0x4380;
	s21 =	simm.s32 $0xC530  }
0x27b: {  	[spmem:s3] =	stream.indirect.scatter.add.f32 [tilespmem:s21], [sflag:$0x2], $0x10, s10, s20, $0xb8;
	[tilespmem:$0x1B580] =	vst v63  }
0x27c: {  	s22 =	simm.s32 $0x4400;
	s26 =	simm.s32 $0xCD00  }
0x27d: {  	[spmem:s3] =	stream.indirect.scatter.add.f32 [tilespmem:s26], [sflag:$0x2], $0x10, s22, s20, $0xb8;
	[tilespmem:$0x1B580] =	vst v63  }
0x27e: {  	s10 =	simm.s32 $0x4480;
	s21 =	simm.s32 $0xD4D0  }
0x27f: {  	[spmem:s3] =	stream.indirect.scatter.add.f32 [tilespmem:s21], [sflag:$0x2], $0x10, s10, s20, $0xb8;
	[tilespmem:$0x1B580] =	vst v63  }
0x280: {  	s22 =	simm.s32 $0x4500;
	s26 =	simm.s32 $0xDCA0  }
0x281: {  	[spmem:s3] =	stream.indirect.scatter.add.f32 [tilespmem:s26], [sflag:$0x2], $0x10, s22, s20, $0xb8;
	[tilespmem:$0x1B580] =	vst v63  }
0x282: {  	s10 =	simm.s32 $0x4580;
	s21 =	simm.s32 $0xE470  }
0x283: {  	[spmem:s3] =	stream.indirect.scatter.add.f32 [tilespmem:s21], [sflag:$0x2], $0x10, s10, s20, $0xb8;
	[tilespmem:$0x1B580] =	vst v63  }
0x284: {  	_ =	swait.ge [sflag:s8], $0x7D0  }
0x285: {  	[sflag:s8] =	ssyncset.done $0x0  }
0x286: {  	[sflag:s8] =	ssyncadd.s32 $0xFFFFF830  }
0x287: {  	_ =	swait.ge [sflag:s8], $0x7D0  }
0x288: {  	[sflag:s8] =	ssyncset.done $0x0  }
0x289: {  	[sflag:s8] =	ssyncadd.s32 $0xFFFFF830  }
0x28a: {  	_ =	swait.ge [sflag:s8], $0x7D0  }
0x28b: {  	[sflag:s8] =	ssyncset.done $0x0  }
0x28c: {  	[sflag:s8] =	ssyncadd.s32 $0xFFFFF830  }
0x28d: {  	_ =	swait.ge [sflag:s8], $0x7D0  }
0x28e: {  	[sflag:s8] =	ssyncset.done $0x0  }
0x28f: {  	[sflag:s8] =	ssyncadd.s32 $0xFFFFF830  }
0x290: {  	_ =	swait.ge [sflag:s8], $0x7D0  }
0x291: {  	[sflag:s8] =	ssyncset.done $0x0  }
0x292: {  	[sflag:s8] =	ssyncadd.s32 $0xFFFFF830  }
0x293: {  	_ =	swait.ge [sflag:s8], $0x7D0  }
0x294: {  	[sflag:s8] =	ssyncset.done $0x0  }
0x295: {  	[sflag:s8] =	ssyncadd.s32 $0xFFFFF830  }
0x296: {  	_ =	swait.ge [sflag:s8], $0x7D0  }
0x297: {  	[sflag:s8] =	ssyncset.done $0x0  }
0x298: {  	[sflag:s8] =	ssyncadd.s32 $0xFFFFF830  }
0x299: {  	_ =	swait.ge [sflag:s8], $0x7D0  }
0x29a: {  	[sflag:s8] =	ssyncset.done $0x0  }
0x29b: {  	[sflag:s8] =	ssyncadd.s32 $0xFFFFF830  }
0x29c: {  	_ =	swait.ge [sflag:s8], $0x7D0  }
0x29d: {  	[sflag:s8] =	ssyncset.done $0x0  }
0x29e: {  	[sflag:s8] =	ssyncadd.s32 $0xFFFFF830  }
0x29f: {  	_ =	swait.ge [sflag:s8], $0x7D0  }
0x2a0: {  	[sflag:s8] =	ssyncset.done $0x0  }
0x2a1: {  	[sflag:s8] =	ssyncadd.s32 $0xFFFFF830  }
0x2a2: {  	_ =	swait.ge [sflag:s8], $0x7D0  }
0x2a3: {  	[sflag:s8] =	ssyncset.done $0x0  }
0x2a4: {  	[sflag:s8] =	ssyncadd.s32 $0xFFFFF830  }
0x2a5: {  	_ =	swait.ge [sflag:s8], $0x7D0  }
0x2a6: {  	[sflag:s8] =	ssyncset.done $0x0  }
0x2a7: {  	[sflag:s8] =	ssyncadd.s32 $0xFFFFF830  }
0x2a8: {  	_ =	swait.ge [sflag:s8], $0x7D0  }
0x2a9: {  	[sflag:s8] =	ssyncset.done $0x0  }
0x2aa: {  	[sflag:s8] =	ssyncadd.s32 $0xFFFFF830  }
0x2ab: {  	_ =	swait.ge [sflag:s8], $0x7D0  }
0x2ac: {  	[sflag:s8] =	ssyncset.done $0x0  }
0x2ad: {  	[sflag:s8] =	ssyncadd.s32 $0xFFFFF830  }
0x2ae: {  	_ =	swait.ge [sflag:s8], $0x7D0  }
0x2af: {  	[sflag:s8] =	ssyncset.done $0x0  }
0x2b0: {  	[sflag:s8] =	ssyncadd.s32 $0xFFFFF830  }
0x2b1: {  	_ =	swait.ge [sflag:s8], $0x7D0  }
0x2b2: {  	[sflag:s8] =	ssyncset.done $0x0  }
0x2b3: {  	[sflag:s8] =	ssyncadd.s32 $0xFFFFF830  }
0x2b4: {  	_ =	swait.ge [sflag:s8], $0x7D0  }
0x2b5: {  	[sflag:s8] =	ssyncset.done $0x0  }
0x2b6: {  	[sflag:s8] =	ssyncadd.s32 $0xFFFFF830  }
0x2b7: {  	_ =	swait.ge [sflag:s8], $0x7D0  }
0x2b8: {  	[sflag:s8] =	ssyncset.done $0x0  }
0x2b9: {  	[sflag:s8] =	ssyncadd.s32 $0xFFFFF830  }
0x2ba: {  	_ =	swait.ge [sflag:s8], $0x7D0  }
0x2bb: {  	[sflag:s8] =	ssyncset.done $0x0  }
0x2bc: {  	[sflag:s8] =	ssyncadd.s32 $0xFFFFF830  }
0x2bd: {  	_ =	swait.ge [sflag:s8], $0x7D0  }
0x2be: {  	[sflag:s8] =	ssyncset.done $0x0  }
0x2bf: {  	[sflag:s8] =	ssyncadd.s32 $0xFFFFF830  }
0x2c0: {  	_ =	swait.ge [sflag:s13], $0x7D0  }
0x2c1: {  	[sflag:s13] =	ssyncset.done $0x0  }
0x2c2: {  	[sflag:s13] =	ssyncadd.s32 $0xFFFFF830  }
0x2c3: {  	_ =	swait.ge [sflag:s13], $0x7D0  }
0x2c4: {  	[sflag:s13] =	ssyncset.done $0x0  }
0x2c5: {  	[sflag:s13] =	ssyncadd.s32 $0xFFFFF830  }
0x2c6: {  	_ =	swait.ge [sflag:s13], $0x7D0  }
0x2c7: {  	[sflag:s13] =	ssyncset.done $0x0  }
0x2c8: {  	[sflag:s13] =	ssyncadd.s32 $0xFFFFF830  }
0x2c9: {  	_ =	swait.ge [sflag:s13], $0x7D0  }
0x2ca: {  	[sflag:s13] =	ssyncset.done $0x0  }
0x2cb: {  	[sflag:s13] =	ssyncadd.s32 $0xFFFFF830  }
0x2cc: {  	_ =	swait.ge [sflag:s13], $0x7D0  }
0x2cd: {  	[sflag:s13] =	ssyncset.done $0x0  }
0x2ce: {  	[sflag:s13] =	ssyncadd.s32 $0xFFFFF830  }
0x2cf: {  	_ =	swait.ge [sflag:s13], $0x7D0  }
0x2d0: {  	[sflag:s13] =	ssyncset.done $0x0  }
0x2d1: {  	[sflag:s13] =	ssyncadd.s32 $0xFFFFF830  }
0x2d2: {  	_ =	swait.ge [sflag:s13], $0x7D0  }
0x2d3: {  	[sflag:s13] =	ssyncset.done $0x0  }
0x2d4: {  	[sflag:s13] =	ssyncadd.s32 $0xFFFFF830  }
0x2d5: {  	_ =	swait.ge [sflag:s13], $0x7D0  }
0x2d6: {  	[sflag:s13] =	ssyncset.done $0x0  }
0x2d7: {  	[sflag:s13] =	ssyncadd.s32 $0xFFFFF830  }
0x2d8: {  	_ =	swait.ge [sflag:s13], $0x7D0  }
0x2d9: {  	[sflag:s13] =	ssyncset.done $0x0  }
0x2da: {  	[sflag:s13] =	ssyncadd.s32 $0xFFFFF830  }
0x2db: {  	_ =	swait.ge [sflag:s13], $0x7D0  }
0x2dc: {  	[sflag:s13] =	ssyncset.done $0x0  }
0x2dd: {  	[sflag:s13] =	ssyncadd.s32 $0xFFFFF830  }
0x2de: {  	_ =	swait.ge [sflag:s13], $0x7D0  }
0x2df: {  	[sflag:s13] =	ssyncset.done $0x0  }
0x2e0: {  	[sflag:s13] =	ssyncadd.s32 $0xFFFFF830  }
0x2e1: {  	_ =	swait.ge [sflag:s13], $0x7D0  }
0x2e2: {  	[sflag:s13] =	ssyncset.done $0x0  }
0x2e3: {  	[sflag:s13] =	ssyncadd.s32 $0xFFFFF830  }
0x2e4: {  	_ =	swait.ge [sflag:s13], $0x7D0  }
0x2e5: {  	[sflag:s13] =	ssyncset.done $0x0  }
0x2e6: {  	[sflag:s13] =	ssyncadd.s32 $0xFFFFF830  }
0x2e7: {  	_ =	swait.ge [sflag:s13], $0x7D0  }
0x2e8: {  	[sflag:s13] =	ssyncset.done $0x0  }
0x2e9: {  	[sflag:s13] =	ssyncadd.s32 $0xFFFFF830  }
0x2ea: {  	_ =	swait.ge [sflag:s13], $0x7D0  }
0x2eb: {  	[sflag:s13] =	ssyncset.done $0x0  }
0x2ec: {  	[sflag:s13] =	ssyncadd.s32 $0xFFFFF830  }
0x2ed: {  	_ =	swait.ge [sflag:s13], $0x7D0  }
0x2ee: {  	[sflag:s13] =	ssyncset.done $0x0  }
0x2ef: {  	[sflag:s13] =	ssyncadd.s32 $0xFFFFF830  }
0x2f0: {  	_ =	swait.ge [sflag:s13], $0x7D0  }
0x2f1: {  	[sflag:s13] =	ssyncset.done $0x0  }
0x2f2: {  	[sflag:s13] =	ssyncadd.s32 $0xFFFFF830  }
0x2f3: {  	_ =	swait.ge [sflag:s13], $0x7D0  }
0x2f4: {  	[sflag:s13] =	ssyncset.done $0x0  }
0x2f5: {  	[sflag:s13] =	ssyncadd.s32 $0xFFFFF830  }
0x2f6: {  	_ =	swait.ge [sflag:s13], $0x7D0  }
0x2f7: {  	[sflag:s13] =	ssyncset.done $0x0  }
0x2f8: {  	[sflag:s13] =	ssyncadd.s32 $0xFFFFF830  }
0x2f9: {  	_ =	swait.ge [sflag:s13], $0x7D0  }
0x2fa: {  	[sflag:s13] =	ssyncset.done $0x0  }
0x2fb: {  	s22 =	simm.s32 $0x4600;
	s26 =	simm.s32 $0xEC40;
	[sflag:s13] =	ssyncadd.s32 $0xFFFFF830  }
0x2fc: {  	[spmem:s3] =	stream.indirect.scatter.add.f32 [tilespmem:s26], [sflag:$0x2], $0x10, s22, s20, $0xb8;
	[tilespmem:$0x1B580] =	vst v63  }
0x2fd: {  	s11 =	simm.s32 $0xF410;
	s10 =	simm.s32 $0x4680  }
0x2fe: {  	[spmem:s3] =	stream.indirect.scatter.add.f32 [tilespmem:s11], [sflag:$0x2], $0x10, s10, s20, $0xb8;
	[tilespmem:$0x1B580] =	vst v63  }
0x2ff: {  	s14 =	simm.s32 $0xFBE0;
	s21 =	simm.s32 $0x4700  }
0x300: {  	[spmem:s3] =	stream.indirect.scatter.add.f32 [tilespmem:s14], [sflag:$0x2], $0x10, s21, s20, $0xb8;
	[tilespmem:$0x1B580] =	vst v63  }
0x301: {  	s22 =	simm.s32 $0x4780;
	s26 =	simm.s32 $0x103B0  }
0x302: {  	[spmem:s3] =	stream.indirect.scatter.add.f32 [tilespmem:s26], [sflag:$0x2], $0x10, s22, s20, $0xb8;
	[tilespmem:$0x1B580] =	vst v63  }
0x303: {  	s17 =	simm.s32 $0x10B80;
	s4 =	simm.s32 $0x4800  }
0x304: {  	[spmem:s3] =	stream.indirect.scatter.add.f32 [tilespmem:s17], [sflag:$0x2], $0x10, s4, s20, $0xb8;
	[tilespmem:$0x1B580] =	vst v63  }
0x305: {  	s10 =	simm.s32 $0x4880;
	s11 =	simm.s32 $0x11350  }
0x306: {  	[spmem:s3] =	stream.indirect.scatter.add.f32 [tilespmem:s11], [sflag:$0x2], $0x10, s10, s20, $0xb8;
	[tilespmem:$0x1B580] =	vst v63  }
0x307: {  	s28 =	simm.s32 $0x11B20;
	s14 =	simm.s32 $0x4900  }
0x308: {  	[spmem:s3] =	stream.indirect.scatter.add.f32 [tilespmem:s28], [sflag:$0x2], $0x10, s14, s20, $0xb8;
	[tilespmem:$0x1B580] =	vst v63  }
0x309: {  	s21 =	simm.s32 $0x122F0;
	s17 =	simm.s32 $0x4980  }
0x30a: {  	[spmem:s3] =	stream.indirect.scatter.add.f32 [tilespmem:s21], [sflag:$0x2], $0x10, s17, s20, $0xb8;
	[tilespmem:$0x1B580] =	vst v63  }
0x30b: {  	s1 =	simm.s32 $0x12AC0;
	s22 =	simm.s32 $0x4A00  }
0x30c: {  	[spmem:s3] =	stream.indirect.scatter.add.f32 [tilespmem:s1], [sflag:$0x2], $0x10, s22, s20, $0xb8;
	[tilespmem:$0x1B580] =	vst v63  }
0x30d: {  	s26 =	simm.s32 $0x4A80;
	s28 =	simm.s32 $0x13290  }
0x30e: {  	[spmem:s3] =	stream.indirect.scatter.add.f32 [tilespmem:s28], [sflag:$0x2], $0x10, s26, s20, $0xb8;
	[tilespmem:$0x1B580] =	vst v63  }
0x30f: {  	s5 =	simm.s32 $0x13A60;
	s4 =	simm.s32 $0x4B00  }
0x310: {  	[spmem:s3] =	stream.indirect.scatter.add.f32 [tilespmem:s5], [sflag:$0x2], $0x10, s4, s20, $0xb8;
	[tilespmem:$0x1B580] =	vst v63  }
0x311: {  	s7 =	simm.s32 $0x14230;
	s5 =	simm.s32 $0x4B80  }
0x312: {  	[spmem:s3] =	stream.indirect.scatter.add.f32 [tilespmem:s7], [sflag:$0x2], $0x10, s5, s20, $0xb8;
	[tilespmem:$0x1B580] =	vst v63  }
0x313: {  	s6 =	simm.s32 $0x14A00;
	s7 =	simm.s32 $0x4C00  }
0x314: {  	[spmem:s3] =	stream.indirect.scatter.add.f32 [tilespmem:s6], [sflag:$0x2], $0x10, s7, s20, $0xb8;
	[tilespmem:$0x1B580] =	vst v63  }
0x315: {  	s23 =	simm.s32 $0x151D0;
	s10 =	simm.s32 $0x4C80  }
0x316: {  	[spmem:s3] =	stream.indirect.scatter.add.f32 [tilespmem:s23], [sflag:$0x2], $0x10, s10, s20, $0xb8;
	[tilespmem:$0x1B580] =	vst v63  }
0x317: {  	s12 =	simm.s32 $0x159A0;
	s11 =	simm.s32 $0x4D00  }
0x318: {  	[spmem:s3] =	stream.indirect.scatter.add.f32 [tilespmem:s12], [sflag:$0x2], $0x10, s11, s20, $0xb8;
	[tilespmem:$0x1B580] =	vst v63  }
0x319: {  	s24 =	simm.s32 $0x16170;
	s12 =	simm.s32 $0x4D80  }
0x31a: {  	[spmem:s3] =	stream.indirect.scatter.add.f32 [tilespmem:s24], [sflag:$0x2], $0x10, s12, s20, $0xb8;
	[tilespmem:$0x1B580] =	vst v63  }
0x31b: {  	s15 =	simm.s32 $0x16940;
	s14 =	simm.s32 $0x4E00  }
0x31c: {  	[spmem:s3] =	stream.indirect.scatter.add.f32 [tilespmem:s15], [sflag:$0x2], $0x10, s14, s20, $0xb8;
	[tilespmem:$0x1B580] =	vst v63  }
0x31d: {  	s25 =	simm.s32 $0x17110;
	s17 =	simm.s32 $0x4E80  }
0x31e: {  	[spmem:s3] =	stream.indirect.scatter.add.f32 [tilespmem:s25], [sflag:$0x2], $0x10, s17, s20, $0xb8;
	[tilespmem:$0x1B580] =	vst v63  }
0x31f: {  	s16 =	simm.s32 $0x178E0;
	s21 =	simm.s32 $0x4F00  }
0x320: {  	[spmem:s3] =	stream.indirect.scatter.add.f32 [tilespmem:s16], [sflag:$0x2], $0x10, s21, s20, $0xb8;
	[tilespmem:$0x1B580] =	vst v63  }
0x321: {  	s19 =	simm.s32 $0x180B0;
	s22 =	simm.s32 $0x4F80  }
0x322: {  	[spmem:s3] =	stream.indirect.scatter.add.f32 [tilespmem:s19], [sflag:$0x2], $0x10, s22, s20, $0xb8;
	[tilespmem:$0x1B580] =	vst v63  }
0x323: {  	_ =	swait.ge [sflag:s8], $0x7D0  }
0x324: {  	[sflag:s8] =	ssyncset.done $0x0  }
0x325: {  	[sflag:s8] =	ssyncadd.s32 $0xFFFFF830  }
0x326: {  	_ =	swait.ge [sflag:s8], $0x7D0  }
0x327: {  	[sflag:s8] =	ssyncset.done $0x0  }
0x328: {  	[sflag:s8] =	ssyncadd.s32 $0xFFFFF830  }
0x329: {  	_ =	swait.ge [sflag:s8], $0x7D0  }
0x32a: {  	[sflag:s8] =	ssyncset.done $0x0  }
0x32b: {  	[sflag:s8] =	ssyncadd.s32 $0xFFFFF830  }
0x32c: {  	_ =	swait.ge [sflag:s8], $0x7D0  }
0x32d: {  	[sflag:s8] =	ssyncset.done $0x0  }
0x32e: {  	[sflag:s8] =	ssyncadd.s32 $0xFFFFF830  }
0x32f: {  	_ =	swait.ge [sflag:s8], $0x7D0  }
0x330: {  	[sflag:s8] =	ssyncset.done $0x0  }
0x331: {  	[sflag:s8] =	ssyncadd.s32 $0xFFFFF830  }
0x332: {  	_ =	swait.ge [sflag:s8], $0x7D0  }
0x333: {  	[sflag:s8] =	ssyncset.done $0x0  }
0x334: {  	[sflag:s8] =	ssyncadd.s32 $0xFFFFF830  }
0x335: {  	_ =	swait.ge [sflag:s8], $0x7D0  }
0x336: {  	[sflag:s8] =	ssyncset.done $0x0  }
0x337: {  	[sflag:s8] =	ssyncadd.s32 $0xFFFFF830  }
0x338: {  	_ =	swait.ge [sflag:s8], $0x7D0  }
0x339: {  	[sflag:s8] =	ssyncset.done $0x0  }
0x33a: {  	[sflag:s8] =	ssyncadd.s32 $0xFFFFF830  }
0x33b: {  	_ =	swait.ge [sflag:s8], $0x7D0  }
0x33c: {  	[sflag:s8] =	ssyncset.done $0x0  }
0x33d: {  	[sflag:s8] =	ssyncadd.s32 $0xFFFFF830  }
0x33e: {  	_ =	swait.ge [sflag:s8], $0x7D0  }
0x33f: {  	[sflag:s8] =	ssyncset.done $0x0  }
0x340: {  	[sflag:s8] =	ssyncadd.s32 $0xFFFFF830  }
0x341: {  	_ =	swait.ge [sflag:s8], $0x7D0  }
0x342: {  	[sflag:s8] =	ssyncset.done $0x0  }
0x343: {  	[sflag:s8] =	ssyncadd.s32 $0xFFFFF830  }
0x344: {  	_ =	swait.ge [sflag:s8], $0x7D0  }
0x345: {  	[sflag:s8] =	ssyncset.done $0x0  }
0x346: {  	[sflag:s8] =	ssyncadd.s32 $0xFFFFF830  }
0x347: {  	_ =	swait.ge [sflag:s8], $0x7D0  }
0x348: {  	[sflag:s8] =	ssyncset.done $0x0  }
0x349: {  	[sflag:s8] =	ssyncadd.s32 $0xFFFFF830  }
0x34a: {  	_ =	swait.ge [sflag:s8], $0x7D0  }
0x34b: {  	[sflag:s8] =	ssyncset.done $0x0  }
0x34c: {  	[sflag:s8] =	ssyncadd.s32 $0xFFFFF830  }
0x34d: {  	_ =	swait.ge [sflag:s8], $0x7D0  }
0x34e: {  	[sflag:s8] =	ssyncset.done $0x0  }
0x34f: {  	[sflag:s8] =	ssyncadd.s32 $0xFFFFF830  }
0x350: {  	_ =	swait.ge [sflag:s8], $0x7D0  }
0x351: {  	[sflag:s8] =	ssyncset.done $0x0  }
0x352: {  	[sflag:s8] =	ssyncadd.s32 $0xFFFFF830  }
0x353: {  	_ =	swait.ge [sflag:s8], $0x7D0  }
0x354: {  	[sflag:s8] =	ssyncset.done $0x0  }
0x355: {  	[sflag:s8] =	ssyncadd.s32 $0xFFFFF830  }
0x356: {  	_ =	swait.ge [sflag:s8], $0x7D0  }
0x357: {  	[sflag:s8] =	ssyncset.done $0x0  }
0x358: {  	[sflag:s8] =	ssyncadd.s32 $0xFFFFF830  }
0x359: {  	_ =	swait.ge [sflag:s8], $0x7D0  }
0x35a: {  	[sflag:s8] =	ssyncset.done $0x0  }
0x35b: {  	[sflag:s8] =	ssyncadd.s32 $0xFFFFF830  }
0x35c: {  	_ =	swait.ge [sflag:s8], $0x7D0  }
0x35d: {  	[sflag:s8] =	ssyncset.done $0x0  }
0x35e: {  	[sflag:s8] =	ssyncadd.s32 $0xFFFFF830  }
0x35f: {  	s23 =	stileid.u32;
	[bflag:$0x0] =	sbarrier.arrive $0xFFFF  }
0x360: {  	s10 =	sshll.u32 s23, $0x6;
	s24 =	rddreg [dreg:$0x4]  }
0x361: {  	s10 =	sor.u32 $0x1C03, s10;
	s26 =	rddreg [dreg:$0xe];
	s25 =	sshrl.u32 s24, $0x3  }
0x362: {  	[hbm:s26], [sflag:s10] =	dma.local [spmem:s25], $0x500  }
0x363: {  	_ =	swait.ge [sflag:s18], $0x500  }
0x364: {  	s9 =	sadd.s32 $0x1, s9;
	s28 =	rddreg [dreg:$0xf]  }
0x365: {  	p0 =	sne.s32 s9, s28  }
.Ltmp1:
0x366: {  	_ = 	snop;
	(pc) =	sbr.rel @p0 .LBB2_1-.Ltmp1, $3  }
0x367: {  	_ =	sdelay $0x1  }
0x368: {  	[sflag:s18] =	ssyncset.done $0x0  }
0x369: {  	[sflag:s18] =	ssyncadd.s32 $0xFFFFFB00  }
0x36a: {  	_ =	sfence.sel $0x180000  }
0x36b: {  	[bflag:$0x0] =	sbarrier.arrive $0xFFFF  }
0x36c: {  	_ =	strace $0x9000004A  }
0x36d: {  	s0 =	stileid.u32;
	[bflag:$0x2] =	sbarrier.arrive $0xFFFF  }
0x36e: {  	p0 =	sne.s32 s0, $0x0;
	s0 =	rddreg [dreg:$0x3]  }
0x36f: {  	s0 =	sadd.s32 @!p0 $0x100000, s0  }
0x370: {  	[sflag:s0] =	ssyncadd.tile.s32 @!p0 $0x1;
	_ =	shalt  }
.Lfunc_end2:
_tile_overlayer_lowered:
.L_overlay_start_2:
0x371: {  	(tag) =	ssettag $0x2  }
0x372: {  	s0 =	rddreg [dreg:$0x0];
	s2 =	stileid.u32  }
0x373: {  	s1 =	rddreg [dreg:$0x1];
	p0 =	sne.s32 s2, $0x0  }
0x374: {  	s3 =	rddreg [dreg:$0x2];
	[bflag:$0x3] =	sbarrier.arrive $0xFFFF;
	s2 =	simm.s32 @!p0 $0x1C03  }
0x375: {  	[timem:s3], [sflag:s2] =	dma.local @!p0 [hbm:s0], s1  }
0x376: {  	s0 =	simm.s32 @!p0 $0x3  }
0x377: {  	_ =	swait.ge @!p0 [sflag:s0], s1  }
0x378: {  	s1 =	ssub.s32 @!p0 $0x0, s1;
	[sflag:s0] =	ssyncset.done @!p0 $0x0  }
0x379: {  	[sflag:s0] =	ssyncadd.s32 @!p0 s1  }
0x37a: {  	[bflag:$0x3] =	sbarrier.arrive $0xFFFF  }
0x37b: {  	_ =	shalt  }

// kernel: kernel.15.cloned.1.call-start
scs
__scs_entry_jumppad:
0x0: {  	(pc) =	sbr.rel $0x88, $3  }
0x1: {  	(tag) =	ssettag $0x0;
	lr =	simm.s32 $0x1  }
0x2: {  	[smem:$0x3F99] =	sst lr;
	_ =	strace $0xD0000000  }
0x3: {  	_ = 	snop  }
0x4: {  	_ = 	snop  }
0x5: {  	_ = 	snop  }
0x6: {  	_ = 	snop  }
0x7: {  	_ = 	snop  }
__scs_overlays_trampoline_lowered:
0x8: {  	[smem:$0x3FA8] =	sst s0  }
0x9: {  	[smem:$0x3FA9] =	sst s1  }
0xa: {  	[smem:$0x3FAA] =	sst s2  }
0xb: {  	[smem:$0x3FAB] =	sst s3  }
0xc: {  	[smem:$0x3FAC] =	sst s4  }
0xd: {  	[smem:$0x3FAD] =	sst s5  }
0xe: {  	[smem:$0x3FAE] =	sst s6  }
0xf: {  	[smem:$0x3FAF] =	sst s7  }
0x10: {  	[smem:$0x3FB0] =	sst s8  }
0x11: {  	[smem:$0x3FB1] =	sst s9;
	s0 =	simm.s32 @!p0 $0x0  }
0x12: {  	s1 =	sld [smem:$0x3F97];
	s0 =	simm.s32 @p0 $0x1  }
0x13: {  	[smem:$0x3FB2] =	sst s0;
	s0 =	simm.s32 @!p1 $0x0  }
0x14: {  	s2 =	sld [smem:$0x3F96];
	s0 =	simm.s32 @p1 $0x1  }
0x15: {  	[smem:$0x3FB3] =	sst s0;
	s0 =	simm.s32 @!p2 $0x0  }
0x16: {  	s3 =	sld [smem:$0x3FDB];
	s0 =	simm.s32 @p2 $0x1  }
0x17: {  	s4 =	simm.s32 $0x1BF5;
	[smem:$0x3FB5] =	sst s0  }
0x18: {  	s0 =	sld [smem:$0x3F98];
	_ =	swait.ge [sflag:s4], $0x0  }
0x19: {  	s7 =	sld [smem:$0x3F99]  }
0x1a: {  	s8 =	sadd.s32 $0xFFFFE003, lr  }
0x1b: {  	s9 =	sadd.s32 $0xFFFFFEF7, lr;
	s5 =	simm.s32 $0xFFFFFFFF;
	p2 =	slt.u32 s8, $0xFFFFF086  }
0x1c: {  	p1 =	slt.u32 s9, $0xF7A;
	s5 =	simm.s32 @!p2 $0x0  }
0x1d: {  	s5 =	simm.s32 @p1 $0x1;
	p0 =	seq.s32 s7, s2  }
0x1e: {  	s7 =	smul.u32 @!p0 $0xF7A, s2;
	p2 =	seq.s32 @!p0 s5, $0x0  }
0x1f: {  	s9 =	smul.u32 $0xF7A, s1;
	s8 =	simm.s32 @!p0 $0x1BF5;
	p2 =	por !p2, p0  }
0x20: {  	[sflag:s8] =	ssyncset.s32 @!p0 $0xFFFFF086;
	s6 =	sadd.s32 @!p0 s3, s7;
	s7 =	simm.s32 @!p0 $0x108  }
0x21: {  	s3 =	sadd.s32 s3, s9;
	s6 =	sadd.s32 @!p0 $0x88, s6;
	s7 =	simm.s32 @p2 $0x1082  }
0x22: {  	[simem:s7], [sflag:s8] =	dma.local @!p0 [hbm:s6], $0xF7A  }
0x23: {  	s9 =	sor.u32 $0xD0000000, s2;
	s6 =	simm.s32 $0x108;
	_ =	swait.ge @!p0 [sflag:s8], $0x0  }
0x24: {  	s3 =	sadd.s32 $0x88, s3;
	s6 =	simm.s32 @!p1 $0x1082;
	[sflag:s4] =	ssyncset.s32 $0xFFFFF086  }
0x25: {  	[simem:s6], [sflag:s4] =	dma.local [hbm:s3], $0xF7A  }
0x26: {  	[smem:$0x3F99] =	sst s1;
	(tag) =	ssettag s2;
	_ =	strace s9  }
0x27: {  	s1 =	sld [smem:$0x3FA9]  }
0x28: {  	s2 =	sld [smem:$0x3FAA]  }
0x29: {  	s4 =	sld [smem:$0x3FAC]  }
0x2a: {  	p0 =	seq.s32 s5, $0x0;
	s5 =	sld [smem:$0x3FAD]  }
0x2b: {  	s6 =	sld [smem:$0x3FAE]  }
0x2c: {  	s7 =	sld [smem:$0x3FAF]  }
0x2d: {  	s3 =	simm.s32 $0x108;
	s8 =	sld [smem:$0x3FB0]  }
0x2e: {  	s3 =	simm.s32 @!p0 $0x1082;
	s9 =	sld [smem:$0x3FB1]  }
0x2f: {  	lr =	sadd.s32 s0, s3;
	s0 =	sld [smem:$0x3FA8]  }
0x30: {  	s3 =	sld [smem:$0x3FAB]  }
0x31: {  	[smem:$0x3FB4] =	sst s10  }
0x32: {  	s10 =	sld [smem:$0x3FB2];
	_ =	sdelay $0x3  }
0x33: {  	p0 =	seq.s32 s10, $0x1;
	s10 =	sld [smem:$0x3FB4];
	_ =	sdelay $0x3  }
0x34: {  	[smem:$0x3FB4] =	sst s10  }
0x35: {  	s10 =	sld [smem:$0x3FB3];
	_ =	sdelay $0x3  }
0x36: {  	p1 =	seq.s32 s10, $0x1;
	s10 =	sld [smem:$0x3FB4];
	_ =	sdelay $0x3  }
0x37: {  	[smem:$0x3FB4] =	sst s10  }
0x38: {  	s10 =	sld [smem:$0x3FB5]  }
0x39: {  	_ = 	snop;
	(pc) =	sbr.ind lr, $3  }
0x3a: {  	_ = 	snop  }
0x3b: {  	_ = 	snop  }
0x3c: {  	p2 =	seq.s32 s10, $0x1;
	s10 =	sld [smem:$0x3FB4]  }
0x3d: {  	_ =	shalt  }
0x3e: {  	_ =	shalt  }
0x3f: {  	_ =	shalt  }
0x40: {  	_ =	shalt  }
0x41: {  	_ =	shalt  }
0x42: {  	_ =	shalt  }
0x43: {  	_ =	shalt  }
0x44: {  	_ =	shalt  }
0x45: {  	_ =	shalt  }
0x46: {  	_ =	shalt  }
0x47: {  	_ =	shalt  }
0x48: {  	_ =	shalt  }
0x49: {  	_ =	shalt  }
0x4a: {  	_ =	shalt  }
0x4b: {  	_ =	shalt  }
0x4c: {  	_ =	shalt  }
0x4d: {  	_ =	shalt  }
0x4e: {  	_ =	shalt  }
0x4f: {  	_ =	shalt  }
0x50: {  	_ =	shalt  }
0x51: {  	_ =	shalt  }
0x52: {  	_ =	shalt  }
0x53: {  	_ =	shalt  }
0x54: {  	_ =	shalt  }
0x55: {  	_ =	shalt  }
0x56: {  	_ =	shalt  }
0x57: {  	_ =	shalt  }
0x58: {  	_ =	shalt  }
0x59: {  	_ =	shalt  }
0x5a: {  	_ =	shalt  }
0x5b: {  	_ =	shalt  }
0x5c: {  	_ =	shalt  }
0x5d: {  	_ =	shalt  }
0x5e: {  	_ =	shalt  }
0x5f: {  	_ =	shalt  }
0x60: {  	_ =	shalt  }
0x61: {  	_ =	shalt  }
0x62: {  	_ =	shalt  }
0x63: {  	_ =	shalt  }
0x64: {  	_ =	shalt  }
0x65: {  	_ =	shalt  }
0x66: {  	_ =	shalt  }
0x67: {  	_ =	shalt  }
0x68: {  	_ =	shalt  }
0x69: {  	_ =	shalt  }
0x6a: {  	_ =	shalt  }
0x6b: {  	_ =	shalt  }
0x6c: {  	_ =	shalt  }
0x6d: {  	_ =	shalt  }
0x6e: {  	_ =	shalt  }
0x6f: {  	_ =	shalt  }
0x70: {  	_ =	shalt  }
0x71: {  	_ =	shalt  }
0x72: {  	_ =	shalt  }
0x73: {  	_ =	shalt  }
0x74: {  	_ =	shalt  }
0x75: {  	_ =	shalt  }
0x76: {  	_ =	shalt  }
0x77: {  	_ =	shalt  }
0x78: {  	_ =	shalt  }
0x79: {  	_ =	shalt  }
0x7a: {  	_ =	shalt  }
0x7b: {  	_ =	shalt  }
0x7c: {  	_ =	shalt  }
0x7d: {  	_ =	shalt  }
0x7e: {  	_ =	shalt  }
0x7f: {  	_ =	shalt  }
0x80: {  	_ =	shalt  }
0x81: {  	_ =	shalt  }
0x82: {  	_ =	shalt  }
0x83: {  	_ =	shalt  }
0x84: {  	_ =	shalt  }
0x85: {  	_ =	shalt  }
0x86: {  	_ =	shalt  }
0x87: {  	_ =	shalt  }
.Lfunc_end0:
.L_simem_size_0:
called_computation.2_lowered:
.L_overlay_start_0:
0x88: {  	s2 =	sld [smem:$0x3FD9]  }
0x89: {  	s3 =	sld [smem:$0x3FFE];
	_ =	sdelay $0x1  }
0x8a: {  	s1 =	srdreg.scid  }
0x8b: {  	s0 =	sand.u32 $0x1, s1  }
0x8c: {  	s16 =	sshll.u32 s0, $0xA;
	s2 =	sadd.s32 s3, s2  }
0x8d: {  	s2 =	sadd.s32 s2, s16  }
0x8e: {  	[smem:$0x3FC0] =	sst s2  }
0x8f: {  	_ = 	snop  }
0x90: {  	(tm) =	ssettm $0x1  }
0x91: {  	s17 =	sld [smem:$0x3FFB];
	_ =	sdelay $0x3  }
0x92: {  	_ =	strace s17  }
0x93: {  	s2 =	sld [smem:$0x3FFC];
	_ =	sdelay $0x3  }
0x94: {  	_ =	strace s2  }
0x95: {  	s2 =	sld [smem:$0x3FFD];
	_ =	sdelay $0x3  }
0x96: {  	_ =	strace s2  }
0x97: {  	_ =	strace $0x8FFFFFFF  }
0x98: {  	s18 =	sld [smem:$0x3FDB];
	_ =	sdelay $0x1  }
0x99: {  	s19 =	simm.s32 $_scs_section_size  }
0x9a: {  	s4 =	simm.s32 $_size__tile_overlayer_lowered;
	s5 =	simm.s32 $_tile_overlayer_lowered  }
0x9b: {  	s22 =	simm.s32 $0x1BFF;
	s21 =	sshll.u32 s5, $0x1;
	s2 =	sadd.s32 s19, s18  }
0x9c: {  	s6 =	simm.s32 $0x0;
	s20 =	sshll.u32 s4, $0x1;
	s4 =	sadd.s32 s21, s2  }
0x9d: {  	[timem:s6], [sflag:s22] =	dma.local [hbm:s4], s20  }
0x9e: {  	_ =	swait.ge [sflag:s22], s20  }
0x9f: {  	s3 =	ssub.s32 $0x0, s20;
	[sflag:s22] =	ssyncset.done $0x0  }
0xa0: {  	[sflag:s22] =	ssyncadd.s32 s3;
	_ =	sdelay $0x1  }
0xa1: {  	s23 =	simm.s32 $0x1B8B  }
0xa2: {  	_ =	swait.ge [sflag:s23], $0x1  }
0xa3: {  	[sflag:s23] =	ssyncset.done $0x0  }
0xa4: {  	s25 =	simm.s32 $0x1B8E;
	s24 =	sld [smem:$0x3FFE];
	[sflag:s23] =	ssyncadd.s32 $0xFFFFFFFF  }
0xa5: {  	s26 =	simm.s32 $execute0_lowered;
	[smem:$0x3FD2] =	sst s25  }
0xa6: {  	s4 =	sshll.u32 s26, $0x1;
	_ =	strace $0x8000004C;
	[dreg:$0x1] =	wrdreg $0xFFFFFFFF  }
0xa7: {  	s28 =	simm.s32 $_size_execute0_lowered;
	s2 =	sadd.s32 s2, s4;
	[dreg:$0x0] =	wrdreg $0x0  }
0xa8: {  	s4 =	sshll.u32 s28, $0x1;
	[dreg:$0x2] =	wrdreg s2  }
0xa9: {  	[dreg:$0x3] =	wrdreg s4  }
0xaa: {  	[dreg:$0x4] =	wrdreg $0xC0  }
0xab: {  	_ =	task [dreg:s6], $0x5FFFF  }
0xac: {  	[dreg:$0x1] =	wrdreg $0xFFFFFFFF  }
0xad: {  	[dreg:$0x0] =	wrdreg $0x60  }
0xae: {  	[dreg:$0x2] =	wrdreg s24  }
0xaf: {  	[dreg:$0x3] =	wrdreg $0x192800  }
0xb0: {  	[dreg:$0x4] =	wrdreg $0x9  }
0xb1: {  	_ =	task.clear_ibuf [dreg:s6], $0x5FFFF;
	_ =	strace $0x9000004C  }
0xb2: {  	s29 =	simm.s32 $0x9;
	_ =	strace $0x8000004E  }
0xb3: {  	_ =	swait.ge [sflag:s29], $0x1  }
0xb4: {  	[sflag:s29] =	ssyncadd.s32 $0xFFFFFFFF  }
0xb5: {  	_ =	strace $0x9000004E  }
0xb6: {  	_ =	sfence  }
0xb7: {  	s30 =	sld [smem:$0x0];
	_ =	sdelay $0x2  }
0xb8: {  	s31 =	sshll.u32 s1, $0xD;
	s1 =	sshrl.u32 s1, $0x2  }
0xb9: {  	s3 =	sand.u32 $0x4000, s31;
	s1 =	sadd.s32 s1, s30  }
0xba: {  	s0 =	sor.u32 s3, s0;
	s1 =	sshll.u32 s1, $0x11  }
0xbb: {  	s0 =	sor.u32 s1, s0  }
0xbc: {  	s0 =	sadd.s32 $0x8F2B, s0  }
0xbd: {  	[sflag:s0] =	ssyncadd.remote.s32 $0x1  }
0xbe: {  	_ =	sfence.sel $0xFFFF  }
0xbf: {  	[dreg:$0x0] =	wrdreg $0xFFFFFFFF;
	(pc) =	sbr.abs _section_cstart, $3  }
0xc0: {  	[dreg:$0x1] =	wrdreg $0xFFFFFFFF  }
0xc1: {  	_ =	task.clear_ibuf [dreg:s6], $0x2FFFF;
	_ =	strace $0x9FFFFFFF  }
0xc2: {  	(tm) =	ssettm $0x7FFFFFFF  }
0xc3: {  	_ =	shalt  }
tec
execute0_lowered:
.L_overlay_start_1:
0x0: {  	(tag) =	ssettag $0x1  }
0x1: {  	s0 =	srdreg.scid;
	s3 =	rddreg [dreg:$0x0]  }
0x2: {  	s4 =	stileid.u32;
	s2 =	rddreg [dreg:$0x1];
	s6 =	simm.s32 $0x0  }
0x3: {  	s28 =	simm.s32 $0x7EE0;
	s30 =	simm.s32 $0x8E80;
	s29 =	simm.s32 $0xBD60  }
0x4: {  	s31 =	simm.s32 $0xDCA0;
	s8 =	simm.s32 $0x12AC0;
	s9 =	simm.s32 $0x13A60  }
0x5: {  	s10 =	simm.s32 $0x14A00;
	s11 =	simm.s32 $0x159A0;
	s12 =	simm.s32 $0x16940  }
0x6: {  	s13 =	simm.s32 $0x178E0;
	s14 =	simm.s32 $0x2;
	s5 =	smul.u32 $0x5000, s4  }
0x7: {  	s15 =	simm.s32 $0x0;
	s0 =	sand.u32 $0x1, s0;
	s7 =	smul.u32 $0x14000, s4  }
0x8: {  	[smem:$0x7FF] =	sst s6;
	s1 =	sshll.u32 s0, $0x4;
	s16 =	smul.u32 $0x50000, s0  }
0x9: {  	_ =	strace $0x8000004D;
	s0 =	ssub.s32 $0x2, s0;
	s7 =	sshrl.u32 s7, $0x2  }
0xa: {  	s6 =	sadd.s32 s5, s16;
	s7 =	sadd.s32 s7, s2;
	s5 =	sadd.s32 s5, s2  }
0xb: {  	s1 =	sor.u32 s4, s1;
	[dreg:$0x3] =	wrdreg s5;
	s18 =	sadd.s32 $0xA00, s7  }
0xc: {  	s4 =	sadd.s32 $0x15C00, s3;
	s19 =	sadd.s32 $0x1400, s7;
	[dreg:$0x4] =	wrdreg s18  }
0xd: {  	s17 =	sshrl.u32 s0, $0x1;
	s20 =	sadd.s32 $0x1E00, s7;
	[dreg:$0x5] =	wrdreg s19  }
0xe: {  	s1 =	smul.u32 $0x500, s1;
	s21 =	sadd.s32 $0x2800, s7;
	[dreg:$0x6] =	wrdreg s20  }
0xf: {  	s0 =	ssub.s32 s0, s17;
	s22 =	sadd.s32 $0x3200, s7;
	[dreg:$0x7] =	wrdreg s21  }
0x10: {  	s17 =	simm.s32 $0x2800;
	s23 =	sadd.s32 $0x3C00, s7;
	[dreg:$0x8] =	wrdreg s22  }
0x11: {  	s6 =	sshrl.u32 s6, $0x3;
	s24 =	sadd.s32 $0x4600, s7;
	[dreg:$0x9] =	wrdreg s23  }
0x12: {  	s0 =	smax.u32 s0, $0x1;
	s7 =	simm.s32 $0x11B20;
	[dreg:$0xa] =	wrdreg s24  }
0x13: {  	s1 =	sadd.s32 s1, s3;
	s3 =	sadd.s32 s6, s3;
	[dreg:$0xe] =	wrdreg s0  }
0x14: {  	s18 =	simm.s32 $0x3;
	s20 =	simm.s32 $0x7D;
	s21 =	simm.s32 $0x5000  }
0x15: {  	s23 =	simm.s32 $0x5FA0;
	s24 =	simm.s32 $0xADC0;
	s25 =	sadd.s32 $0xBC00, s1  }
0x16: {  	s22 =	simm.s32 $0xCD00;
	s1 =	sadd.s32 $0x1C00, s1;
	[dreg:$0xb] =	wrdreg s25  }
0x17: {  	s0 =	simm.s32 $0xEC40;
	s26 =	sadd.s32 $0x1FA00, s3;
	[dreg:$0xc] =	wrdreg s1  }
0x18: {  	s19 =	simm.s32 $0xFBE0;
	s6 =	simm.s32 $0x10B80;
	[dreg:$0xd] =	wrdreg s26  }
0x19: {  	v0 =	vimm.f32 $0.0e+00;
	s25 =	simm.s32 $0x6F40;
	s1 =	simm.s32 $0x9E20;
	s26 =	simm.s32 $0x1  }
.LBB2_1:
0x1a: {  	s16 =	simm.s32 $0x80;
	s3 =	simm.s32 $0x0  }
.LBB2_2:
0x1b: {  	p0 =	sne.s32 s16, $0x2780;
	[tilespmem:s3+$0x18880] =	vst v0;
	s5 =	smov.u32 s16;
	s16 =	sadd.s32 $0x80, s16  }
.Ltmp0:
0x1c: {  	[tilespmem:s3+$0x18890] =	vst v0;
	(pc) =	sbr.rel @p0 .LBB2_2-.Ltmp0, $2  }
0x1d: {  	_ =	sdelay $0x2  }
0x1e: {  	s3 =	sshra.s32 s5, $0x2  }
0x1f: {  	[tilespmem:s3+$0x18880] =	vst v0  }
0x20: {  	[tilespmem:s3+$0x18890] =	vst v0;
	s5 =	rddreg [dreg:$0x3];
	s16 =	simm.s32 $0x18880  }
0x21: {  	[spmem:s5] =	stream.linear.scatter [tilespmem:s16], [sflag:$0x3], $0xA00, $0x38;
	[tilespmem:$0x1E280] =	vst v63  }
0x22: {  	_ =	swait.ge [sflag:s18], $0xA00  }
0x23: {  	[sflag:s18] =	ssyncset.done $0x0  }
0x24: {  	s3 =	rddreg [dreg:$0x4];
	[sflag:s18] =	ssyncadd.s32 $0xFFFFF600  }
0x25: {  	[spmem:s3] =	stream.linear.scatter [tilespmem:s16], [sflag:$0x3], $0xA00, $0x38;
	[tilespmem:$0x1E280] =	vst v63  }
0x26: {  	_ =	swait.ge [sflag:s18], $0xA00  }
0x27: {  	[sflag:s18] =	ssyncset.done $0x0  }
0x28: {  	s3 =	rddreg [dreg:$0x5];
	[sflag:s18] =	ssyncadd.s32 $0xFFFFF600  }
0x29: {  	[spmem:s3] =	stream.linear.scatter [tilespmem:s16], [sflag:$0x3], $0xA00, $0x38;
	[tilespmem:$0x1E280] =	vst v63  }
0x2a: {  	_ =	swait.ge [sflag:s18], $0xA00  }
0x2b: {  	[sflag:s18] =	ssyncset.done $0x0  }
0x2c: {  	s3 =	rddreg [dreg:$0x6];
	[sflag:s18] =	ssyncadd.s32 $0xFFFFF600  }
0x2d: {  	[spmem:s3] =	stream.linear.scatter [tilespmem:s16], [sflag:$0x3], $0xA00, $0x38;
	[tilespmem:$0x1E280] =	vst v63  }
0x2e: {  	_ =	swait.ge [sflag:s18], $0xA00  }
0x2f: {  	[sflag:s18] =	ssyncset.done $0x0  }
0x30: {  	s3 =	rddreg [dreg:$0x7];
	[sflag:s18] =	ssyncadd.s32 $0xFFFFF600  }
0x31: {  	[spmem:s3] =	stream.linear.scatter [tilespmem:s16], [sflag:$0x3], $0xA00, $0x38;
	[tilespmem:$0x1E280] =	vst v63  }
0x32: {  	_ =	swait.ge [sflag:s18], $0xA00  }
0x33: {  	[sflag:s18] =	ssyncset.done $0x0  }
0x34: {  	s3 =	rddreg [dreg:$0x8];
	[sflag:s18] =	ssyncadd.s32 $0xFFFFF600  }
0x35: {  	[spmem:s3] =	stream.linear.scatter [tilespmem:s16], [sflag:$0x3], $0xA00, $0x38;
	[tilespmem:$0x1E280] =	vst v63  }
0x36: {  	_ =	swait.ge [sflag:s18], $0xA00  }
0x37: {  	[sflag:s18] =	ssyncset.done $0x0  }
0x38: {  	[sflag:s18] =	ssyncadd.s32 $0xFFFFF600  }
0x39: {  	s3 =	rddreg [dreg:$0x9]  }
0x3a: {  	[spmem:s3] =	stream.linear.scatter [tilespmem:s16], [sflag:$0x3], $0xA00, $0x38;
	[tilespmem:$0x1E280] =	vst v63  }
0x3b: {  	_ =	swait.ge [sflag:s18], $0xA00  }
0x3c: {  	[sflag:s18] =	ssyncset.done $0x0  }
0x3d: {  	s3 =	rddreg [dreg:$0xa];
	[sflag:s18] =	ssyncadd.s32 $0xFFFFF600  }
0x3e: {  	[spmem:s3] =	stream.linear.scatter [tilespmem:s16], [sflag:$0x3], $0xA00, $0x38;
	[tilespmem:$0x1E280] =	vst v63  }
0x3f: {  	_ =	swait.ge [sflag:s18], $0xA00  }
0x40: {  	[sflag:s18] =	ssyncset.done $0x0  }
0x41: {  	s3 =	simm.s32 $0x0;
	s16 =	rddreg [dreg:$0xb];
	[sflag:s18] =	ssyncadd.s32 $0xFFFFF600  }
0x42: {  	[tilespmem:s3], [sflag:$0x3] =	stream.linear.gather [hbm4b:s16+s3], $0x2800, $0x38;
	[tilespmem:$0x1E280] =	vst v63  }
0x43: {  	_ =	swait.ge [sflag:s18], $0x2800  }
0x44: {  	[sflag:s18] =	ssyncset.done $0x0  }
0x45: {  	s16 =	rddreg [dreg:$0xc];
	[sflag:s18] =	ssyncadd.s32 $0xFFFFD800  }
0x46: {  	[tilespmem:s17], [sflag:$0x3] =	stream.linear.gather [hbm4b:s16+s3], $0x2800, $0x38;
	[tilespmem:$0x1E280] =	vst v63  }
0x47: {  	_ =	swait.ge [sflag:s18], $0x2800  }
0x48: {  	[sflag:s18] =	ssyncset.done $0x0  }
0x49: {  	[sflag:s18] =	ssyncadd.s32 $0xFFFFD800  }
0x4a: {  	[bflag:$0x0] =	sbarrier.arrive $0xFFFF  }
0x4b: {  	[tilespmem:s21], [sflag:$0x1] =	stream.indirect.gather [hbm4b:s4+s20], $0x20, s3, s20, $0xb8;
	[tilespmem:$0x1E280] =	vst v63  }
0x4c: {  	s16 =	simm.s32 $0x80  }
0x4d: {  	[tilespmem:s23], [sflag:$0x1] =	stream.indirect.gather [hbm4b:s4+s20], $0x20, s16, s20, $0xb8;
	[tilespmem:$0x1E280] =	vst v63  }
0x4e: {  	s16 =	simm.s32 $0x100  }
0x4f: {  	[tilespmem:s25], [sflag:$0x1] =	stream.indirect.gather [hbm4b:s4+s20], $0x20, s16, s20, $0xb8;
	[tilespmem:$0x1E280] =	vst v63  }
0x50: {  	s16 =	simm.s32 $0x180  }
0x51: {  	[tilespmem:s28], [sflag:$0x1] =	stream.indirect.gather [hbm4b:s4+s20], $0x20, s16, s20, $0xb8;
	[tilespmem:$0x1E280] =	vst v63  }
0x52: {  	s16 =	simm.s32 $0x200  }
0x53: {  	[tilespmem:s30], [sflag:$0x1] =	stream.indirect.gather [hbm4b:s4+s20], $0x20, s16, s20, $0xb8;
	[tilespmem:$0x1E280] =	vst v63  }
0x54: {  	s16 =	simm.s32 $0x280  }
0x55: {  	[tilespmem:s1], [sflag:$0x1] =	stream.indirect.gather [hbm4b:s4+s20], $0x20, s16, s20, $0xb8;
	[tilespmem:$0x1E280] =	vst v63  }
0x56: {  	s16 =	simm.s32 $0x300  }
0x57: {  	[tilespmem:s24], [sflag:$0x1] =	stream.indirect.gather [hbm4b:s4+s20], $0x20, s16, s20, $0xb8;
	[tilespmem:$0x1E280] =	vst v63  }
0x58: {  	s16 =	simm.s32 $0x380  }
0x59: {  	[tilespmem:s29], [sflag:$0x1] =	stream.indirect.gather [hbm4b:s4+s20], $0x20, s16, s20, $0xb8;
	[tilespmem:$0x1E280] =	vst v63  }
0x5a: {  	s16 =	simm.s32 $0x400  }
0x5b: {  	[tilespmem:s22], [sflag:$0x1] =	stream.indirect.gather [hbm4b:s4+s20], $0x20, s16, s20, $0xb8;
	[tilespmem:$0x1E280] =	vst v63  }
0x5c: {  	s16 =	simm.s32 $0x480  }
0x5d: {  	[tilespmem:s31], [sflag:$0x1] =	stream.indirect.gather [hbm4b:s4+s20], $0x20, s16, s20, $0xb8;
	[tilespmem:$0x1E280] =	vst v63  }
0x5e: {  	_ =	swait.ge [sflag:s26], $0xFA0  }
0x5f: {  	[sflag:s26] =	ssyncset.done $0x0  }
0x60: {  	[sflag:s26] =	ssyncadd.s32 $0xFFFFF060  }
0x61: {  	_ =	swait.ge [sflag:s26], $0xFA0  }
0x62: {  	[sflag:s26] =	ssyncset.done $0x0  }
0x63: {  	[sflag:s26] =	ssyncadd.s32 $0xFFFFF060  }
0x64: {  	_ =	swait.ge [sflag:s26], $0xFA0  }
0x65: {  	[sflag:s26] =	ssyncset.done $0x0  }
0x66: {  	[sflag:s26] =	ssyncadd.s32 $0xFFFFF060  }
0x67: {  	_ =	swait.ge [sflag:s26], $0xFA0  }
0x68: {  	[sflag:s26] =	ssyncset.done $0x0  }
0x69: {  	[sflag:s26] =	ssyncadd.s32 $0xFFFFF060  }
0x6a: {  	_ =	swait.ge [sflag:s26], $0xFA0  }
0x6b: {  	[sflag:s26] =	ssyncset.done $0x0  }
0x6c: {  	[sflag:s26] =	ssyncadd.s32 $0xFFFFF060  }
0x6d: {  	_ =	swait.ge [sflag:s26], $0xFA0  }
0x6e: {  	[sflag:s26] =	ssyncset.done $0x0  }
0x6f: {  	[sflag:s26] =	ssyncadd.s32 $0xFFFFF060  }
0x70: {  	_ =	swait.ge [sflag:s26], $0xFA0  }
0x71: {  	[sflag:s26] =	ssyncset.done $0x0  }
0x72: {  	[sflag:s26] =	ssyncadd.s32 $0xFFFFF060  }
0x73: {  	_ =	swait.ge [sflag:s26], $0xFA0  }
0x74: {  	[sflag:s26] =	ssyncset.done $0x0  }
0x75: {  	[sflag:s26] =	ssyncadd.s32 $0xFFFFF060  }
0x76: {  	_ =	swait.ge [sflag:s26], $0xFA0  }
0x77: {  	[sflag:s26] =	ssyncset.done $0x0  }
0x78: {  	[sflag:s26] =	ssyncadd.s32 $0xFFFFF060  }
0x79: {  	_ =	swait.ge [sflag:s26], $0xFA0  }
0x7a: {  	[sflag:s26] =	ssyncset.done $0x0  }
0x7b: {  	s16 =	simm.s32 $0x500;
	[sflag:s26] =	ssyncadd.s32 $0xFFFFF060  }
0x7c: {  	[tilespmem:s0], [sflag:$0x1] =	stream.indirect.gather [hbm4b:s4+s20], $0x20, s16, s20, $0xb8;
	[tilespmem:$0x1E280] =	vst v63  }
0x7d: {  	s16 =	simm.s32 $0x580  }
0x7e: {  	[tilespmem:s19], [sflag:$0x1] =	stream.indirect.gather [hbm4b:s4+s20], $0x20, s16, s20, $0xb8;
	[tilespmem:$0x1E280] =	vst v63  }
0x7f: {  	s16 =	simm.s32 $0x600  }
0x80: {  	[tilespmem:s6], [sflag:$0x1] =	stream.indirect.gather [hbm4b:s4+s20], $0x20, s16, s20, $0xb8;
	[tilespmem:$0x1E280] =	vst v63  }
0x81: {  	s16 =	simm.s32 $0x680  }
0x82: {  	[tilespmem:s7], [sflag:$0x1] =	stream.indirect.gather [hbm4b:s4+s20], $0x20, s16, s20, $0xb8;
	[tilespmem:$0x1E280] =	vst v63  }
0x83: {  	s16 =	simm.s32 $0x700  }
0x84: {  	[tilespmem:s8], [sflag:$0x1] =	stream.indirect.gather [hbm4b:s4+s20], $0x20, s16, s20, $0xb8;
	[tilespmem:$0x1E280] =	vst v63  }
0x85: {  	s16 =	simm.s32 $0x780  }
0x86: {  	[tilespmem:s9], [sflag:$0x1] =	stream.indirect.gather [hbm4b:s4+s20], $0x20, s16, s20, $0xb8;
	[tilespmem:$0x1E280] =	vst v63  }
0x87: {  	s16 =	simm.s32 $0x800  }
0x88: {  	[tilespmem:s10], [sflag:$0x1] =	stream.indirect.gather [hbm4b:s4+s20], $0x20, s16, s20, $0xb8;
	[tilespmem:$0x1E280] =	vst v63  }
0x89: {  	s16 =	simm.s32 $0x880  }
0x8a: {  	[tilespmem:s11], [sflag:$0x1] =	stream.indirect.gather [hbm4b:s4+s20], $0x20, s16, s20, $0xb8;
	[tilespmem:$0x1E280] =	vst v63  }
0x8b: {  	s16 =	simm.s32 $0x900  }
0x8c: {  	[tilespmem:s12], [sflag:$0x1] =	stream.indirect.gather [hbm4b:s4+s20], $0x20, s16, s20, $0xb8;
	[tilespmem:$0x1E280] =	vst v63  }
0x8d: {  	s16 =	simm.s32 $0x980  }
0x8e: {  	[tilespmem:s13], [sflag:$0x1] =	stream.indirect.gather [hbm4b:s4+s20], $0x20, s16, s20, $0xb8;
	[tilespmem:$0x1E280] =	vst v63  }
0x8f: {  	_ = 	snop  }
0x90: {  	[spmem:s2] =	stream.indirect.scatter.add.f32 [tilespmem:s21], [sflag:$0x2], $0x20, s17, s20, $0xb8;
	[tilespmem:$0x1E280] =	vst v63  }
0x91: {  	s16 =	simm.s32 $0x2880  }
0x92: {  	[spmem:s2] =	stream.indirect.scatter.add.f32 [tilespmem:s23], [sflag:$0x2], $0x20, s16, s20, $0xb8;
	[tilespmem:$0x1E280] =	vst v63  }
0x93: {  	s16 =	simm.s32 $0x2900  }
0x94: {  	[spmem:s2] =	stream.indirect.scatter.add.f32 [tilespmem:s25], [sflag:$0x2], $0x20, s16, s20, $0xb8;
	[tilespmem:$0x1E280] =	vst v63  }
0x95: {  	s16 =	simm.s32 $0x2980  }
0x96: {  	[spmem:s2] =	stream.indirect.scatter.add.f32 [tilespmem:s28], [sflag:$0x2], $0x20, s16, s20, $0xb8;
	[tilespmem:$0x1E280] =	vst v63  }
0x97: {  	s16 =	simm.s32 $0x2A00  }
0x98: {  	[spmem:s2] =	stream.indirect.scatter.add.f32 [tilespmem:s30], [sflag:$0x2], $0x20, s16, s20, $0xb8;
	[tilespmem:$0x1E280] =	vst v63  }
0x99: {  	s16 =	simm.s32 $0x2A80  }
0x9a: {  	[spmem:s2] =	stream.indirect.scatter.add.f32 [tilespmem:s1], [sflag:$0x2], $0x20, s16, s20, $0xb8;
	[tilespmem:$0x1E280] =	vst v63  }
0x9b: {  	s16 =	simm.s32 $0x2B00  }
0x9c: {  	[spmem:s2] =	stream.indirect.scatter.add.f32 [tilespmem:s24], [sflag:$0x2], $0x20, s16, s20, $0xb8;
	[tilespmem:$0x1E280] =	vst v63  }
0x9d: {  	s16 =	simm.s32 $0x2B80  }
0x9e: {  	[spmem:s2] =	stream.indirect.scatter.add.f32 [tilespmem:s29], [sflag:$0x2], $0x20, s16, s20, $0xb8;
	[tilespmem:$0x1E280] =	vst v63  }
0x9f: {  	s16 =	simm.s32 $0x2C00  }
0xa0: {  	[spmem:s2] =	stream.indirect.scatter.add.f32 [tilespmem:s22], [sflag:$0x2], $0x20, s16, s20, $0xb8;
	[tilespmem:$0x1E280] =	vst v63  }
0xa1: {  	s16 =	simm.s32 $0x2C80  }
0xa2: {  	[spmem:s2] =	stream.indirect.scatter.add.f32 [tilespmem:s31], [sflag:$0x2], $0x20, s16, s20, $0xb8;
	[tilespmem:$0x1E280] =	vst v63  }
0xa3: {  	_ =	swait.ge [sflag:s14], $0xFA0  }
0xa4: {  	[sflag:s14] =	ssyncset.done $0x0  }
0xa5: {  	[sflag:s14] =	ssyncadd.s32 $0xFFFFF060  }
0xa6: {  	_ =	swait.ge [sflag:s14], $0xFA0  }
0xa7: {  	[sflag:s14] =	ssyncset.done $0x0  }
0xa8: {  	[sflag:s14] =	ssyncadd.s32 $0xFFFFF060  }
0xa9: {  	_ =	swait.ge [sflag:s14], $0xFA0  }
0xaa: {  	[sflag:s14] =	ssyncset.done $0x0  }
0xab: {  	[sflag:s14] =	ssyncadd.s32 $0xFFFFF060  }
0xac: {  	_ =	swait.ge [sflag:s14], $0xFA0  }
0xad: {  	[sflag:s14] =	ssyncset.done $0x0  }
0xae: {  	[sflag:s14] =	ssyncadd.s32 $0xFFFFF060  }
0xaf: {  	_ =	swait.ge [sflag:s14], $0xFA0  }
0xb0: {  	[sflag:s14] =	ssyncset.done $0x0  }
0xb1: {  	[sflag:s14] =	ssyncadd.s32 $0xFFFFF060  }
0xb2: {  	_ =	swait.ge [sflag:s14], $0xFA0  }
0xb3: {  	[sflag:s14] =	ssyncset.done $0x0  }
0xb4: {  	[sflag:s14] =	ssyncadd.s32 $0xFFFFF060  }
0xb5: {  	_ =	swait.ge [sflag:s14], $0xFA0  }
0xb6: {  	[sflag:s14] =	ssyncset.done $0x0  }
0xb7: {  	[sflag:s14] =	ssyncadd.s32 $0xFFFFF060  }
0xb8: {  	_ =	swait.ge [sflag:s14], $0xFA0  }
0xb9: {  	[sflag:s14] =	ssyncset.done $0x0  }
0xba: {  	[sflag:s14] =	ssyncadd.s32 $0xFFFFF060  }
0xbb: {  	_ =	swait.ge [sflag:s14], $0xFA0  }
0xbc: {  	[sflag:s14] =	ssyncset.done $0x0  }
0xbd: {  	[sflag:s14] =	ssyncadd.s32 $0xFFFFF060  }
0xbe: {  	_ =	swait.ge [sflag:s14], $0xFA0  }
0xbf: {  	[sflag:s14] =	ssyncset.done $0x0  }
0xc0: {  	[sflag:s14] =	ssyncadd.s32 $0xFFFFF060  }
0xc1: {  	_ =	swait.ge [sflag:s26], $0xFA0  }
0xc2: {  	[sflag:s26] =	ssyncset.done $0x0  }
0xc3: {  	[sflag:s26] =	ssyncadd.s32 $0xFFFFF060  }
0xc4: {  	_ =	swait.ge [sflag:s26], $0xFA0  }
0xc5: {  	[sflag:s26] =	ssyncset.done $0x0  }
0xc6: {  	[sflag:s26] =	ssyncadd.s32 $0xFFFFF060  }
0xc7: {  	_ =	swait.ge [sflag:s26], $0xFA0  }
0xc8: {  	[sflag:s26] =	ssyncset.done $0x0  }
0xc9: {  	[sflag:s26] =	ssyncadd.s32 $0xFFFFF060  }
0xca: {  	_ =	swait.ge [sflag:s26], $0xFA0  }
0xcb: {  	[sflag:s26] =	ssyncset.done $0x0  }
0xcc: {  	[sflag:s26] =	ssyncadd.s32 $0xFFFFF060  }
0xcd: {  	_ =	swait.ge [sflag:s26], $0xFA0  }
0xce: {  	[sflag:s26] =	ssyncset.done $0x0  }
0xcf: {  	[sflag:s26] =	ssyncadd.s32 $0xFFFFF060  }
0xd0: {  	_ =	swait.ge [sflag:s26], $0xFA0  }
0xd1: {  	[sflag:s26] =	ssyncset.done $0x0  }
0xd2: {  	[sflag:s26] =	ssyncadd.s32 $0xFFFFF060  }
0xd3: {  	_ =	swait.ge [sflag:s26], $0xFA0  }
0xd4: {  	[sflag:s26] =	ssyncset.done $0x0  }
0xd5: {  	[sflag:s26] =	ssyncadd.s32 $0xFFFFF060  }
0xd6: {  	_ =	swait.ge [sflag:s26], $0xFA0  }
0xd7: {  	[sflag:s26] =	ssyncset.done $0x0  }
0xd8: {  	[sflag:s26] =	ssyncadd.s32 $0xFFFFF060  }
0xd9: {  	_ =	swait.ge [sflag:s26], $0xFA0  }
0xda: {  	[sflag:s26] =	ssyncset.done $0x0  }
0xdb: {  	[sflag:s26] =	ssyncadd.s32 $0xFFFFF060  }
0xdc: {  	_ =	swait.ge [sflag:s26], $0xFA0  }
0xdd: {  	[sflag:s26] =	ssyncset.done $0x0  }
0xde: {  	s16 =	simm.s32 $0xA00;
	[sflag:s26] =	ssyncadd.s32 $0xFFFFF060  }
0xdf: {  	[tilespmem:s21], [sflag:$0x1] =	stream.indirect.gather [hbm4b:s4+s20], $0x20, s16, s20, $0xb8;
	[tilespmem:$0x1E280] =	vst v63  }
0xe0: {  	s16 =	simm.s32 $0xA80  }
0xe1: {  	[tilespmem:s23], [sflag:$0x1] =	stream.indirect.gather [hbm4b:s4+s20], $0x20, s16, s20, $0xb8;
	[tilespmem:$0x1E280] =	vst v63  }
0xe2: {  	s16 =	simm.s32 $0xB00  }
0xe3: {  	[tilespmem:s25], [sflag:$0x1] =	stream.indirect.gather [hbm4b:s4+s20], $0x20, s16, s20, $0xb8;
	[tilespmem:$0x1E280] =	vst v63  }
0xe4: {  	s16 =	simm.s32 $0xB80  }
0xe5: {  	[tilespmem:s28], [sflag:$0x1] =	stream.indirect.gather [hbm4b:s4+s20], $0x20, s16, s20, $0xb8;
	[tilespmem:$0x1E280] =	vst v63  }
0xe6: {  	s16 =	simm.s32 $0xC00  }
0xe7: {  	[tilespmem:s30], [sflag:$0x1] =	stream.indirect.gather [hbm4b:s4+s20], $0x20, s16, s20, $0xb8;
	[tilespmem:$0x1E280] =	vst v63  }
0xe8: {  	s16 =	simm.s32 $0xC80  }
0xe9: {  	[tilespmem:s1], [sflag:$0x1] =	stream.indirect.gather [hbm4b:s4+s20], $0x20, s16, s20, $0xb8;
	[tilespmem:$0x1E280] =	vst v63  }
0xea: {  	s16 =	simm.s32 $0xD00  }
0xeb: {  	[tilespmem:s24], [sflag:$0x1] =	stream.indirect.gather [hbm4b:s4+s20], $0x20, s16, s20, $0xb8;
	[tilespmem:$0x1E280] =	vst v63  }
0xec: {  	s16 =	simm.s32 $0xD80  }
0xed: {  	[tilespmem:s29], [sflag:$0x1] =	stream.indirect.gather [hbm4b:s4+s20], $0x20, s16, s20, $0xb8;
	[tilespmem:$0x1E280] =	vst v63  }
0xee: {  	s16 =	simm.s32 $0xE00  }
0xef: {  	[tilespmem:s22], [sflag:$0x1] =	stream.indirect.gather [hbm4b:s4+s20], $0x20, s16, s20, $0xb8;
	[tilespmem:$0x1E280] =	vst v63  }
0xf0: {  	s16 =	simm.s32 $0xE80  }
0xf1: {  	[tilespmem:s31], [sflag:$0x1] =	stream.indirect.gather [hbm4b:s4+s20], $0x20, s16, s20, $0xb8;
	[tilespmem:$0x1E280] =	vst v63  }
0xf2: {  	s16 =	simm.s32 $0x2D00  }
0xf3: {  	[spmem:s2] =	stream.indirect.scatter.add.f32 [tilespmem:s0], [sflag:$0x2], $0x20, s16, s20, $0xb8;
	[tilespmem:$0x1E280] =	vst v63  }
0xf4: {  	s16 =	simm.s32 $0x2D80  }
0xf5: {  	[spmem:s2] =	stream.indirect.scatter.add.f32 [tilespmem:s19], [sflag:$0x2], $0x20, s16, s20, $0xb8;
	[tilespmem:$0x1E280] =	vst v63  }
0xf6: {  	s16 =	simm.s32 $0x2E00  }
0xf7: {  	[spmem:s2] =	stream.indirect.scatter.add.f32 [tilespmem:s6], [sflag:$0x2], $0x20, s16, s20, $0xb8;
	[tilespmem:$0x1E280] =	vst v63  }
0xf8: {  	s16 =	simm.s32 $0x2E80  }
0xf9: {  	[spmem:s2] =	stream.indirect.scatter.add.f32 [tilespmem:s7], [sflag:$0x2], $0x20, s16, s20, $0xb8;
	[tilespmem:$0x1E280] =	vst v63  }
0xfa: {  	s16 =	simm.s32 $0x2F00  }
0xfb: {  	[spmem:s2] =	stream.indirect.scatter.add.f32 [tilespmem:s8], [sflag:$0x2], $0x20, s16, s20, $0xb8;
	[tilespmem:$0x1E280] =	vst v63  }
0xfc: {  	s16 =	simm.s32 $0x2F80  }
0xfd: {  	[spmem:s2] =	stream.indirect.scatter.add.f32 [tilespmem:s9], [sflag:$0x2], $0x20, s16, s20, $0xb8;
	[tilespmem:$0x1E280] =	vst v63  }
0xfe: {  	s16 =	simm.s32 $0x3000  }
0xff: {  	[spmem:s2] =	stream.indirect.scatter.add.f32 [tilespmem:s10], [sflag:$0x2], $0x20, s16, s20, $0xb8;
	[tilespmem:$0x1E280] =	vst v63  }
0x100: {  	s16 =	simm.s32 $0x3080  }
0x101: {  	[spmem:s2] =	stream.indirect.scatter.add.f32 [tilespmem:s11], [sflag:$0x2], $0x20, s16, s20, $0xb8;
	[tilespmem:$0x1E280] =	vst v63  }
0x102: {  	s16 =	simm.s32 $0x3100  }
0x103: {  	[spmem:s2] =	stream.indirect.scatter.add.f32 [tilespmem:s12], [sflag:$0x2], $0x20, s16, s20, $0xb8;
	[tilespmem:$0x1E280] =	vst v63  }
0x104: {  	s16 =	simm.s32 $0x3180  }
0x105: {  	[spmem:s2] =	stream.indirect.scatter.add.f32 [tilespmem:s13], [sflag:$0x2], $0x20, s16, s20, $0xb8;
	[tilespmem:$0x1E280] =	vst v63  }
0x106: {  	_ =	swait.ge [sflag:s14], $0xFA0  }
0x107: {  	[sflag:s14] =	ssyncset.done $0x0  }
0x108: {  	[sflag:s14] =	ssyncadd.s32 $0xFFFFF060  }
0x109: {  	_ =	swait.ge [sflag:s14], $0xFA0  }
0x10a: {  	[sflag:s14] =	ssyncset.done $0x0  }
0x10b: {  	[sflag:s14] =	ssyncadd.s32 $0xFFFFF060  }
0x10c: {  	_ =	swait.ge [sflag:s14], $0xFA0  }
0x10d: {  	[sflag:s14] =	ssyncset.done $0x0  }
0x10e: {  	[sflag:s14] =	ssyncadd.s32 $0xFFFFF060  }
0x10f: {  	_ =	swait.ge [sflag:s14], $0xFA0  }
0x110: {  	[sflag:s14] =	ssyncset.done $0x0  }
0x111: {  	[sflag:s14] =	ssyncadd.s32 $0xFFFFF060  }
0x112: {  	_ =	swait.ge [sflag:s14], $0xFA0  }
0x113: {  	[sflag:s14] =	ssyncset.done $0x0  }
0x114: {  	[sflag:s14] =	ssyncadd.s32 $0xFFFFF060  }
0x115: {  	_ =	swait.ge [sflag:s14], $0xFA0  }
0x116: {  	[sflag:s14] =	ssyncset.done $0x0  }
0x117: {  	[sflag:s14] =	ssyncadd.s32 $0xFFFFF060  }
0x118: {  	_ =	swait.ge [sflag:s14], $0xFA0  }
0x119: {  	[sflag:s14] =	ssyncset.done $0x0  }
0x11a: {  	[sflag:s14] =	ssyncadd.s32 $0xFFFFF060  }
0x11b: {  	_ =	swait.ge [sflag:s14], $0xFA0  }
0x11c: {  	[sflag:s14] =	ssyncset.done $0x0  }
0x11d: {  	[sflag:s14] =	ssyncadd.s32 $0xFFFFF060  }
0x11e: {  	_ =	swait.ge [sflag:s14], $0xFA0  }
0x11f: {  	[sflag:s14] =	ssyncset.done $0x0  }
0x120: {  	[sflag:s14] =	ssyncadd.s32 $0xFFFFF060  }
0x121: {  	_ =	swait.ge [sflag:s14], $0xFA0  }
0x122: {  	[sflag:s14] =	ssyncset.done $0x0  }
0x123: {  	[sflag:s14] =	ssyncadd.s32 $0xFFFFF060  }
0x124: {  	_ =	swait.ge [sflag:s26], $0xFA0  }
0x125: {  	[sflag:s26] =	ssyncset.done $0x0  }
0x126: {  	[sflag:s26] =	ssyncadd.s32 $0xFFFFF060  }
0x127: {  	_ =	swait.ge [sflag:s26], $0xFA0  }
0x128: {  	[sflag:s26] =	ssyncset.done $0x0  }
0x129: {  	[sflag:s26] =	ssyncadd.s32 $0xFFFFF060  }
0x12a: {  	_ =	swait.ge [sflag:s26], $0xFA0  }
0x12b: {  	[sflag:s26] =	ssyncset.done $0x0  }
0x12c: {  	[sflag:s26] =	ssyncadd.s32 $0xFFFFF060  }
0x12d: {  	_ =	swait.ge [sflag:s26], $0xFA0  }
0x12e: {  	[sflag:s26] =	ssyncset.done $0x0  }
0x12f: {  	[sflag:s26] =	ssyncadd.s32 $0xFFFFF060  }
0x130: {  	_ =	swait.ge [sflag:s26], $0xFA0  }
0x131: {  	[sflag:s26] =	ssyncset.done $0x0  }
0x132: {  	[sflag:s26] =	ssyncadd.s32 $0xFFFFF060  }
0x133: {  	_ =	swait.ge [sflag:s26], $0xFA0  }
0x134: {  	[sflag:s26] =	ssyncset.done $0x0  }
0x135: {  	[sflag:s26] =	ssyncadd.s32 $0xFFFFF060  }
0x136: {  	_ =	swait.ge [sflag:s26], $0xFA0  }
0x137: {  	[sflag:s26] =	ssyncset.done $0x0  }
0x138: {  	[sflag:s26] =	ssyncadd.s32 $0xFFFFF060  }
0x139: {  	_ =	swait.ge [sflag:s26], $0xFA0  }
0x13a: {  	[sflag:s26] =	ssyncset.done $0x0  }
0x13b: {  	[sflag:s26] =	ssyncadd.s32 $0xFFFFF060  }
0x13c: {  	_ =	swait.ge [sflag:s26], $0xFA0  }
0x13d: {  	[sflag:s26] =	ssyncset.done $0x0  }
0x13e: {  	[sflag:s26] =	ssyncadd.s32 $0xFFFFF060  }
0x13f: {  	_ =	swait.ge [sflag:s26], $0xFA0  }
0x140: {  	[sflag:s26] =	ssyncset.done $0x0  }
0x141: {  	s16 =	simm.s32 $0xF00;
	[sflag:s26] =	ssyncadd.s32 $0xFFFFF060  }
0x142: {  	[tilespmem:s0], [sflag:$0x1] =	stream.indirect.gather [hbm4b:s4+s20], $0x20, s16, s20, $0xb8;
	[tilespmem:$0x1E280] =	vst v63  }
0x143: {  	s16 =	simm.s32 $0xF80  }
0x144: {  	[tilespmem:s19], [sflag:$0x1] =	stream.indirect.gather [hbm4b:s4+s20], $0x20, s16, s20, $0xb8;
	[tilespmem:$0x1E280] =	vst v63  }
0x145: {  	s16 =	simm.s32 $0x1000  }
0x146: {  	[tilespmem:s6], [sflag:$0x1] =	stream.indirect.gather [hbm4b:s4+s20], $0x20, s16, s20, $0xb8;
	[tilespmem:$0x1E280] =	vst v63  }
0x147: {  	s16 =	simm.s32 $0x1080  }
0x148: {  	[tilespmem:s7], [sflag:$0x1] =	stream.indirect.gather [hbm4b:s4+s20], $0x20, s16, s20, $0xb8;
	[tilespmem:$0x1E280] =	vst v63  }
0x149: {  	s16 =	simm.s32 $0x1100  }
0x14a: {  	[tilespmem:s8], [sflag:$0x1] =	stream.indirect.gather [hbm4b:s4+s20], $0x20, s16, s20, $0xb8;
	[tilespmem:$0x1E280] =	vst v63  }
0x14b: {  	s16 =	simm.s32 $0x1180  }
0x14c: {  	[tilespmem:s9], [sflag:$0x1] =	stream.indirect.gather [hbm4b:s4+s20], $0x20, s16, s20, $0xb8;
	[tilespmem:$0x1E280] =	vst v63  }
0x14d: {  	s16 =	simm.s32 $0x1200  }
0x14e: {  	[tilespmem:s10], [sflag:$0x1] =	stream.indirect.gather [hbm4b:s4+s20], $0x20, s16, s20, $0xb8;
	[tilespmem:$0x1E280] =	vst v63  }
0x14f: {  	s16 =	simm.s32 $0x1280  }
0x150: {  	[tilespmem:s11], [sflag:$0x1] =	stream.indirect.gather [hbm4b:s4+s20], $0x20, s16, s20, $0xb8;
	[tilespmem:$0x1E280] =	vst v63  }
0x151: {  	s16 =	simm.s32 $0x1300  }
0x152: {  	[tilespmem:s12], [sflag:$0x1] =	stream.indirect.gather [hbm4b:s4+s20], $0x20, s16, s20, $0xb8;
	[tilespmem:$0x1E280] =	vst v63  }
0x153: {  	s16 =	simm.s32 $0x1380  }
0x154: {  	[tilespmem:s13], [sflag:$0x1] =	stream.indirect.gather [hbm4b:s4+s20], $0x20, s16, s20, $0xb8;
	[tilespmem:$0x1E280] =	vst v63  }
0x155: {  	s16 =	simm.s32 $0x3200  }
0x156: {  	[spmem:s2] =	stream.indirect.scatter.add.f32 [tilespmem:s21], [sflag:$0x2], $0x20, s16, s20, $0xb8;
	[tilespmem:$0x1E280] =	vst v63  }
0x157: {  	s16 =	simm.s32 $0x3280  }
0x158: {  	[spmem:s2] =	stream.indirect.scatter.add.f32 [tilespmem:s23], [sflag:$0x2], $0x20, s16, s20, $0xb8;
	[tilespmem:$0x1E280] =	vst v63  }
0x159: {  	s16 =	simm.s32 $0x3300  }
0x15a: {  	[spmem:s2] =	stream.indirect.scatter.add.f32 [tilespmem:s25], [sflag:$0x2], $0x20, s16, s20, $0xb8;
	[tilespmem:$0x1E280] =	vst v63  }
0x15b: {  	s16 =	simm.s32 $0x3380  }
0x15c: {  	[spmem:s2] =	stream.indirect.scatter.add.f32 [tilespmem:s28], [sflag:$0x2], $0x20, s16, s20, $0xb8;
	[tilespmem:$0x1E280] =	vst v63  }
0x15d: {  	s16 =	simm.s32 $0x3400  }
0x15e: {  	[spmem:s2] =	stream.indirect.scatter.add.f32 [tilespmem:s30], [sflag:$0x2], $0x20, s16, s20, $0xb8;
	[tilespmem:$0x1E280] =	vst v63  }
0x15f: {  	s16 =	simm.s32 $0x3480  }
0x160: {  	[spmem:s2] =	stream.indirect.scatter.add.f32 [tilespmem:s1], [sflag:$0x2], $0x20, s16, s20, $0xb8;
	[tilespmem:$0x1E280] =	vst v63  }
0x161: {  	s16 =	simm.s32 $0x3500  }
0x162: {  	[spmem:s2] =	stream.indirect.scatter.add.f32 [tilespmem:s24], [sflag:$0x2], $0x20, s16, s20, $0xb8;
	[tilespmem:$0x1E280] =	vst v63  }
0x163: {  	s16 =	simm.s32 $0x3580  }
0x164: {  	[spmem:s2] =	stream.indirect.scatter.add.f32 [tilespmem:s29], [sflag:$0x2], $0x20, s16, s20, $0xb8;
	[tilespmem:$0x1E280] =	vst v63  }
0x165: {  	s16 =	simm.s32 $0x3600  }
0x166: {  	[spmem:s2] =	stream.indirect.scatter.add.f32 [tilespmem:s22], [sflag:$0x2], $0x20, s16, s20, $0xb8;
	[tilespmem:$0x1E280] =	vst v63  }
0x167: {  	s16 =	simm.s32 $0x3680  }
0x168: {  	[spmem:s2] =	stream.indirect.scatter.add.f32 [tilespmem:s31], [sflag:$0x2], $0x20, s16, s20, $0xb8;
	[tilespmem:$0x1E280] =	vst v63  }
0x169: {  	_ =	swait.ge [sflag:s14], $0xFA0  }
0x16a: {  	[sflag:s14] =	ssyncset.done $0x0  }
0x16b: {  	[sflag:s14] =	ssyncadd.s32 $0xFFFFF060  }
0x16c: {  	_ =	swait.ge [sflag:s14], $0xFA0  }
0x16d: {  	[sflag:s14] =	ssyncset.done $0x0  }
0x16e: {  	[sflag:s14] =	ssyncadd.s32 $0xFFFFF060  }
0x16f: {  	_ =	swait.ge [sflag:s14], $0xFA0  }
0x170: {  	[sflag:s14] =	ssyncset.done $0x0  }
0x171: {  	[sflag:s14] =	ssyncadd.s32 $0xFFFFF060  }
0x172: {  	_ =	swait.ge [sflag:s14], $0xFA0  }
0x173: {  	[sflag:s14] =	ssyncset.done $0x0  }
0x174: {  	[sflag:s14] =	ssyncadd.s32 $0xFFFFF060  }
0x175: {  	_ =	swait.ge [sflag:s14], $0xFA0  }
0x176: {  	[sflag:s14] =	ssyncset.done $0x0  }
0x177: {  	[sflag:s14] =	ssyncadd.s32 $0xFFFFF060  }
0x178: {  	_ =	swait.ge [sflag:s14], $0xFA0  }
0x179: {  	[sflag:s14] =	ssyncset.done $0x0  }
0x17a: {  	[sflag:s14] =	ssyncadd.s32 $0xFFFFF060  }
0x17b: {  	_ =	swait.ge [sflag:s14], $0xFA0  }
0x17c: {  	[sflag:s14] =	ssyncset.done $0x0  }
0x17d: {  	[sflag:s14] =	ssyncadd.s32 $0xFFFFF060  }
0x17e: {  	_ =	swait.ge [sflag:s14], $0xFA0  }
0x17f: {  	[sflag:s14] =	ssyncset.done $0x0  }
0x180: {  	[sflag:s14] =	ssyncadd.s32 $0xFFFFF060  }
0x181: {  	_ =	swait.ge [sflag:s14], $0xFA0  }
0x182: {  	[sflag:s14] =	ssyncset.done $0x0  }
0x183: {  	[sflag:s14] =	ssyncadd.s32 $0xFFFFF060  }
0x184: {  	_ =	swait.ge [sflag:s14], $0xFA0  }
0x185: {  	[sflag:s14] =	ssyncset.done $0x0  }
0x186: {  	[sflag:s14] =	ssyncadd.s32 $0xFFFFF060  }
0x187: {  	_ =	swait.ge [sflag:s26], $0xFA0  }
0x188: {  	[sflag:s26] =	ssyncset.done $0x0  }
0x189: {  	[sflag:s26] =	ssyncadd.s32 $0xFFFFF060  }
0x18a: {  	_ =	swait.ge [sflag:s26], $0xFA0  }
0x18b: {  	[sflag:s26] =	ssyncset.done $0x0  }
0x18c: {  	[sflag:s26] =	ssyncadd.s32 $0xFFFFF060  }
0x18d: {  	_ =	swait.ge [sflag:s26], $0xFA0  }
0x18e: {  	[sflag:s26] =	ssyncset.done $0x0  }
0x18f: {  	[sflag:s26] =	ssyncadd.s32 $0xFFFFF060  }
0x190: {  	_ =	swait.ge [sflag:s26], $0xFA0  }
0x191: {  	[sflag:s26] =	ssyncset.done $0x0  }
0x192: {  	[sflag:s26] =	ssyncadd.s32 $0xFFFFF060  }
0x193: {  	_ =	swait.ge [sflag:s26], $0xFA0  }
0x194: {  	[sflag:s26] =	ssyncset.done $0x0  }
0x195: {  	[sflag:s26] =	ssyncadd.s32 $0xFFFFF060  }
0x196: {  	_ =	swait.ge [sflag:s26], $0xFA0  }
0x197: {  	[sflag:s26] =	ssyncset.done $0x0  }
0x198: {  	[sflag:s26] =	ssyncadd.s32 $0xFFFFF060  }
0x199: {  	_ =	swait.ge [sflag:s26], $0xFA0  }
0x19a: {  	[sflag:s26] =	ssyncset.done $0x0  }
0x19b: {  	[sflag:s26] =	ssyncadd.s32 $0xFFFFF060  }
0x19c: {  	_ =	swait.ge [sflag:s26], $0xFA0  }
0x19d: {  	[sflag:s26] =	ssyncset.done $0x0  }
0x19e: {  	[sflag:s26] =	ssyncadd.s32 $0xFFFFF060  }
0x19f: {  	_ =	swait.ge [sflag:s26], $0xFA0  }
0x1a0: {  	[sflag:s26] =	ssyncset.done $0x0  }
0x1a1: {  	[sflag:s26] =	ssyncadd.s32 $0xFFFFF060  }
0x1a2: {  	_ =	swait.ge [sflag:s26], $0xFA0  }
0x1a3: {  	[sflag:s26] =	ssyncset.done $0x0  }
0x1a4: {  	s16 =	simm.s32 $0x1400;
	[sflag:s26] =	ssyncadd.s32 $0xFFFFF060  }
0x1a5: {  	[tilespmem:s21], [sflag:$0x1] =	stream.indirect.gather [hbm4b:s4+s20], $0x20, s16, s20, $0xb8;
	[tilespmem:$0x1E280] =	vst v63  }
0x1a6: {  	s16 =	simm.s32 $0x1480  }
0x1a7: {  	[tilespmem:s23], [sflag:$0x1] =	stream.indirect.gather [hbm4b:s4+s20], $0x20, s16, s20, $0xb8;
	[tilespmem:$0x1E280] =	vst v63  }
0x1a8: {  	s16 =	simm.s32 $0x1500  }
0x1a9: {  	[tilespmem:s25], [sflag:$0x1] =	stream.indirect.gather [hbm4b:s4+s20], $0x20, s16, s20, $0xb8;
	[tilespmem:$0x1E280] =	vst v63  }
0x1aa: {  	s16 =	simm.s32 $0x1580  }
0x1ab: {  	[tilespmem:s28], [sflag:$0x1] =	stream.indirect.gather [hbm4b:s4+s20], $0x20, s16, s20, $0xb8;
	[tilespmem:$0x1E280] =	vst v63  }
0x1ac: {  	s16 =	simm.s32 $0x1600  }
0x1ad: {  	[tilespmem:s30], [sflag:$0x1] =	stream.indirect.gather [hbm4b:s4+s20], $0x20, s16, s20, $0xb8;
	[tilespmem:$0x1E280] =	vst v63  }
0x1ae: {  	s16 =	simm.s32 $0x1680  }
0x1af: {  	[tilespmem:s1], [sflag:$0x1] =	stream.indirect.gather [hbm4b:s4+s20], $0x20, s16, s20, $0xb8;
	[tilespmem:$0x1E280] =	vst v63  }
0x1b0: {  	s16 =	simm.s32 $0x1700  }
0x1b1: {  	[tilespmem:s24], [sflag:$0x1] =	stream.indirect.gather [hbm4b:s4+s20], $0x20, s16, s20, $0xb8;
	[tilespmem:$0x1E280] =	vst v63  }
0x1b2: {  	s16 =	simm.s32 $0x1780  }
0x1b3: {  	[tilespmem:s29], [sflag:$0x1] =	stream.indirect.gather [hbm4b:s4+s20], $0x20, s16, s20, $0xb8;
	[tilespmem:$0x1E280] =	vst v63  }
0x1b4: {  	s16 =	simm.s32 $0x1800  }
0x1b5: {  	[tilespmem:s22], [sflag:$0x1] =	stream.indirect.gather [hbm4b:s4+s20], $0x20, s16, s20, $0xb8;
	[tilespmem:$0x1E280] =	vst v63  }
0x1b6: {  	s16 =	simm.s32 $0x1880  }
0x1b7: {  	[tilespmem:s31], [sflag:$0x1] =	stream.indirect.gather [hbm4b:s4+s20], $0x20, s16, s20, $0xb8;
	[tilespmem:$0x1E280] =	vst v63  }
0x1b8: {  	s16 =	simm.s32 $0x3700  }
0x1b9: {  	[spmem:s2] =	stream.indirect.scatter.add.f32 [tilespmem:s0], [sflag:$0x2], $0x20, s16, s20, $0xb8;
	[tilespmem:$0x1E280] =	vst v63  }
0x1ba: {  	s16 =	simm.s32 $0x3780  }
0x1bb: {  	[spmem:s2] =	stream.indirect.scatter.add.f32 [tilespmem:s19], [sflag:$0x2], $0x20, s16, s20, $0xb8;
	[tilespmem:$0x1E280] =	vst v63  }
0x1bc: {  	s16 =	simm.s32 $0x3800  }
0x1bd: {  	[spmem:s2] =	stream.indirect.scatter.add.f32 [tilespmem:s6], [sflag:$0x2], $0x20, s16, s20, $0xb8;
	[tilespmem:$0x1E280] =	vst v63  }
0x1be: {  	s16 =	simm.s32 $0x3880  }
0x1bf: {  	[spmem:s2] =	stream.indirect.scatter.add.f32 [tilespmem:s7], [sflag:$0x2], $0x20, s16, s20, $0xb8;
	[tilespmem:$0x1E280] =	vst v63  }
0x1c0: {  	s16 =	simm.s32 $0x3900  }
0x1c1: {  	[spmem:s2] =	stream.indirect.scatter.add.f32 [tilespmem:s8], [sflag:$0x2], $0x20, s16, s20, $0xb8;
	[tilespmem:$0x1E280] =	vst v63  }
0x1c2: {  	s16 =	simm.s32 $0x3980  }
0x1c3: {  	[spmem:s2] =	stream.indirect.scatter.add.f32 [tilespmem:s9], [sflag:$0x2], $0x20, s16, s20, $0xb8;
	[tilespmem:$0x1E280] =	vst v63  }
0x1c4: {  	s16 =	simm.s32 $0x3A00  }
0x1c5: {  	[spmem:s2] =	stream.indirect.scatter.add.f32 [tilespmem:s10], [sflag:$0x2], $0x20, s16, s20, $0xb8;
	[tilespmem:$0x1E280] =	vst v63  }
0x1c6: {  	s16 =	simm.s32 $0x3A80  }
0x1c7: {  	[spmem:s2] =	stream.indirect.scatter.add.f32 [tilespmem:s11], [sflag:$0x2], $0x20, s16, s20, $0xb8;
	[tilespmem:$0x1E280] =	vst v63  }
0x1c8: {  	s16 =	simm.s32 $0x3B00  }
0x1c9: {  	[spmem:s2] =	stream.indirect.scatter.add.f32 [tilespmem:s12], [sflag:$0x2], $0x20, s16, s20, $0xb8;
	[tilespmem:$0x1E280] =	vst v63  }
0x1ca: {  	s16 =	simm.s32 $0x3B80  }
0x1cb: {  	[spmem:s2] =	stream.indirect.scatter.add.f32 [tilespmem:s13], [sflag:$0x2], $0x20, s16, s20, $0xb8;
	[tilespmem:$0x1E280] =	vst v63  }
0x1cc: {  	_ =	swait.ge [sflag:s14], $0xFA0  }
0x1cd: {  	[sflag:s14] =	ssyncset.done $0x0  }
0x1ce: {  	[sflag:s14] =	ssyncadd.s32 $0xFFFFF060  }
0x1cf: {  	_ =	swait.ge [sflag:s14], $0xFA0  }
0x1d0: {  	[sflag:s14] =	ssyncset.done $0x0  }
0x1d1: {  	[sflag:s14] =	ssyncadd.s32 $0xFFFFF060  }
0x1d2: {  	_ =	swait.ge [sflag:s14], $0xFA0  }
0x1d3: {  	[sflag:s14] =	ssyncset.done $0x0  }
0x1d4: {  	[sflag:s14] =	ssyncadd.s32 $0xFFFFF060  }
0x1d5: {  	_ =	swait.ge [sflag:s14], $0xFA0  }
0x1d6: {  	[sflag:s14] =	ssyncset.done $0x0  }
0x1d7: {  	[sflag:s14] =	ssyncadd.s32 $0xFFFFF060  }
0x1d8: {  	_ =	swait.ge [sflag:s14], $0xFA0  }
0x1d9: {  	[sflag:s14] =	ssyncset.done $0x0  }
0x1da: {  	[sflag:s14] =	ssyncadd.s32 $0xFFFFF060  }
0x1db: {  	_ =	swait.ge [sflag:s14], $0xFA0  }
0x1dc: {  	[sflag:s14] =	ssyncset.done $0x0  }
0x1dd: {  	[sflag:s14] =	ssyncadd.s32 $0xFFFFF060  }
0x1de: {  	_ =	swait.ge [sflag:s14], $0xFA0  }
0x1df: {  	[sflag:s14] =	ssyncset.done $0x0  }
0x1e0: {  	[sflag:s14] =	ssyncadd.s32 $0xFFFFF060  }
0x1e1: {  	_ =	swait.ge [sflag:s14], $0xFA0  }
0x1e2: {  	[sflag:s14] =	ssyncset.done $0x0  }
0x1e3: {  	[sflag:s14] =	ssyncadd.s32 $0xFFFFF060  }
0x1e4: {  	_ =	swait.ge [sflag:s14], $0xFA0  }
0x1e5: {  	[sflag:s14] =	ssyncset.done $0x0  }
0x1e6: {  	[sflag:s14] =	ssyncadd.s32 $0xFFFFF060  }
0x1e7: {  	_ =	swait.ge [sflag:s14], $0xFA0  }
0x1e8: {  	[sflag:s14] =	ssyncset.done $0x0  }
0x1e9: {  	[sflag:s14] =	ssyncadd.s32 $0xFFFFF060  }
0x1ea: {  	_ =	swait.ge [sflag:s26], $0xFA0  }
0x1eb: {  	[sflag:s26] =	ssyncset.done $0x0  }
0x1ec: {  	[sflag:s26] =	ssyncadd.s32 $0xFFFFF060  }
0x1ed: {  	_ =	swait.ge [sflag:s26], $0xFA0  }
0x1ee: {  	[sflag:s26] =	ssyncset.done $0x0  }
0x1ef: {  	[sflag:s26] =	ssyncadd.s32 $0xFFFFF060  }
0x1f0: {  	_ =	swait.ge [sflag:s26], $0xFA0  }
0x1f1: {  	[sflag:s26] =	ssyncset.done $0x0  }
0x1f2: {  	[sflag:s26] =	ssyncadd.s32 $0xFFFFF060  }
0x1f3: {  	_ =	swait.ge [sflag:s26], $0xFA0  }
0x1f4: {  	[sflag:s26] =	ssyncset.done $0x0  }
0x1f5: {  	[sflag:s26] =	ssyncadd.s32 $0xFFFFF060  }
0x1f6: {  	_ =	swait.ge [sflag:s26], $0xFA0  }
0x1f7: {  	[sflag:s26] =	ssyncset.done $0x0  }
0x1f8: {  	[sflag:s26] =	ssyncadd.s32 $0xFFFFF060  }
0x1f9: {  	_ =	swait.ge [sflag:s26], $0xFA0  }
0x1fa: {  	[sflag:s26] =	ssyncset.done $0x0  }
0x1fb: {  	[sflag:s26] =	ssyncadd.s32 $0xFFFFF060  }
0x1fc: {  	_ =	swait.ge [sflag:s26], $0xFA0  }
0x1fd: {  	[sflag:s26] =	ssyncset.done $0x0  }
0x1fe: {  	[sflag:s26] =	ssyncadd.s32 $0xFFFFF060  }
0x1ff: {  	_ =	swait.ge [sflag:s26], $0xFA0  }
0x200: {  	[sflag:s26] =	ssyncset.done $0x0  }
0x201: {  	[sflag:s26] =	ssyncadd.s32 $0xFFFFF060  }
0x202: {  	_ =	swait.ge [sflag:s26], $0xFA0  }
0x203: {  	[sflag:s26] =	ssyncset.done $0x0  }
0x204: {  	[sflag:s26] =	ssyncadd.s32 $0xFFFFF060  }
0x205: {  	_ =	swait.ge [sflag:s26], $0xFA0  }
0x206: {  	[sflag:s26] =	ssyncset.done $0x0  }
0x207: {  	s16 =	simm.s32 $0x1900;
	[sflag:s26] =	ssyncadd.s32 $0xFFFFF060  }
0x208: {  	[tilespmem:s0], [sflag:$0x1] =	stream.indirect.gather [hbm4b:s4+s20], $0x20, s16, s20, $0xb8;
	[tilespmem:$0x1E280] =	vst v63  }
0x209: {  	s16 =	simm.s32 $0x1980  }
0x20a: {  	[tilespmem:s19], [sflag:$0x1] =	stream.indirect.gather [hbm4b:s4+s20], $0x20, s16, s20, $0xb8;
	[tilespmem:$0x1E280] =	vst v63  }
0x20b: {  	s16 =	simm.s32 $0x1A00  }
0x20c: {  	[tilespmem:s6], [sflag:$0x1] =	stream.indirect.gather [hbm4b:s4+s20], $0x20, s16, s20, $0xb8;
	[tilespmem:$0x1E280] =	vst v63  }
0x20d: {  	s16 =	simm.s32 $0x1A80  }
0x20e: {  	[tilespmem:s7], [sflag:$0x1] =	stream.indirect.gather [hbm4b:s4+s20], $0x20, s16, s20, $0xb8;
	[tilespmem:$0x1E280] =	vst v63  }
0x20f: {  	s16 =	simm.s32 $0x1B00  }
0x210: {  	[tilespmem:s8], [sflag:$0x1] =	stream.indirect.gather [hbm4b:s4+s20], $0x20, s16, s20, $0xb8;
	[tilespmem:$0x1E280] =	vst v63  }
0x211: {  	s16 =	simm.s32 $0x1B80  }
0x212: {  	[tilespmem:s9], [sflag:$0x1] =	stream.indirect.gather [hbm4b:s4+s20], $0x20, s16, s20, $0xb8;
	[tilespmem:$0x1E280] =	vst v63  }
0x213: {  	s16 =	simm.s32 $0x1C00  }
0x214: {  	[tilespmem:s10], [sflag:$0x1] =	stream.indirect.gather [hbm4b:s4+s20], $0x20, s16, s20, $0xb8;
	[tilespmem:$0x1E280] =	vst v63  }
0x215: {  	s16 =	simm.s32 $0x1C80  }
0x216: {  	[tilespmem:s11], [sflag:$0x1] =	stream.indirect.gather [hbm4b:s4+s20], $0x20, s16, s20, $0xb8;
	[tilespmem:$0x1E280] =	vst v63  }
0x217: {  	s16 =	simm.s32 $0x1D00  }
0x218: {  	[tilespmem:s12], [sflag:$0x1] =	stream.indirect.gather [hbm4b:s4+s20], $0x20, s16, s20, $0xb8;
	[tilespmem:$0x1E280] =	vst v63  }
0x219: {  	s16 =	simm.s32 $0x1D80  }
0x21a: {  	[tilespmem:s13], [sflag:$0x1] =	stream.indirect.gather [hbm4b:s4+s20], $0x20, s16, s20, $0xb8;
	[tilespmem:$0x1E280] =	vst v63  }
0x21b: {  	s16 =	simm.s32 $0x3C00  }
0x21c: {  	[spmem:s2] =	stream.indirect.scatter.add.f32 [tilespmem:s21], [sflag:$0x2], $0x20, s16, s20, $0xb8;
	[tilespmem:$0x1E280] =	vst v63  }
0x21d: {  	s16 =	simm.s32 $0x3C80  }
0x21e: {  	[spmem:s2] =	stream.indirect.scatter.add.f32 [tilespmem:s23], [sflag:$0x2], $0x20, s16, s20, $0xb8;
	[tilespmem:$0x1E280] =	vst v63  }
0x21f: {  	s16 =	simm.s32 $0x3D00  }
0x220: {  	[spmem:s2] =	stream.indirect.scatter.add.f32 [tilespmem:s25], [sflag:$0x2], $0x20, s16, s20, $0xb8;
	[tilespmem:$0x1E280] =	vst v63  }
0x221: {  	s16 =	simm.s32 $0x3D80  }
0x222: {  	[spmem:s2] =	stream.indirect.scatter.add.f32 [tilespmem:s28], [sflag:$0x2], $0x20, s16, s20, $0xb8;
	[tilespmem:$0x1E280] =	vst v63  }
0x223: {  	s16 =	simm.s32 $0x3E00  }
0x224: {  	[spmem:s2] =	stream.indirect.scatter.add.f32 [tilespmem:s30], [sflag:$0x2], $0x20, s16, s20, $0xb8;
	[tilespmem:$0x1E280] =	vst v63  }
0x225: {  	s16 =	simm.s32 $0x3E80  }
0x226: {  	[spmem:s2] =	stream.indirect.scatter.add.f32 [tilespmem:s1], [sflag:$0x2], $0x20, s16, s20, $0xb8;
	[tilespmem:$0x1E280] =	vst v63  }
0x227: {  	s16 =	simm.s32 $0x3F00  }
0x228: {  	[spmem:s2] =	stream.indirect.scatter.add.f32 [tilespmem:s24], [sflag:$0x2], $0x20, s16, s20, $0xb8;
	[tilespmem:$0x1E280] =	vst v63  }
0x229: {  	s16 =	simm.s32 $0x3F80  }
0x22a: {  	[spmem:s2] =	stream.indirect.scatter.add.f32 [tilespmem:s29], [sflag:$0x2], $0x20, s16, s20, $0xb8;
	[tilespmem:$0x1E280] =	vst v63  }
0x22b: {  	s16 =	simm.s32 $0x4000  }
0x22c: {  	[spmem:s2] =	stream.indirect.scatter.add.f32 [tilespmem:s22], [sflag:$0x2], $0x20, s16, s20, $0xb8;
	[tilespmem:$0x1E280] =	vst v63  }
0x22d: {  	s16 =	simm.s32 $0x4080  }
0x22e: {  	[spmem:s2] =	stream.indirect.scatter.add.f32 [tilespmem:s31], [sflag:$0x2], $0x20, s16, s20, $0xb8;
	[tilespmem:$0x1E280] =	vst v63  }
0x22f: {  	_ =	swait.ge [sflag:s14], $0xFA0  }
0x230: {  	[sflag:s14] =	ssyncset.done $0x0  }
0x231: {  	[sflag:s14] =	ssyncadd.s32 $0xFFFFF060  }
0x232: {  	_ =	swait.ge [sflag:s14], $0xFA0  }
0x233: {  	[sflag:s14] =	ssyncset.done $0x0  }
0x234: {  	[sflag:s14] =	ssyncadd.s32 $0xFFFFF060  }
0x235: {  	_ =	swait.ge [sflag:s14], $0xFA0  }
0x236: {  	[sflag:s14] =	ssyncset.done $0x0  }
0x237: {  	[sflag:s14] =	ssyncadd.s32 $0xFFFFF060  }
0x238: {  	_ =	swait.ge [sflag:s14], $0xFA0  }
0x239: {  	[sflag:s14] =	ssyncset.done $0x0  }
0x23a: {  	[sflag:s14] =	ssyncadd.s32 $0xFFFFF060  }
0x23b: {  	_ =	swait.ge [sflag:s14], $0xFA0  }
0x23c: {  	[sflag:s14] =	ssyncset.done $0x0  }
0x23d: {  	[sflag:s14] =	ssyncadd.s32 $0xFFFFF060  }
0x23e: {  	_ =	swait.ge [sflag:s14], $0xFA0  }
0x23f: {  	[sflag:s14] =	ssyncset.done $0x0  }
0x240: {  	[sflag:s14] =	ssyncadd.s32 $0xFFFFF060  }
0x241: {  	_ =	swait.ge [sflag:s14], $0xFA0  }
0x242: {  	[sflag:s14] =	ssyncset.done $0x0  }
0x243: {  	[sflag:s14] =	ssyncadd.s32 $0xFFFFF060  }
0x244: {  	_ =	swait.ge [sflag:s14], $0xFA0  }
0x245: {  	[sflag:s14] =	ssyncset.done $0x0  }
0x246: {  	[sflag:s14] =	ssyncadd.s32 $0xFFFFF060  }
0x247: {  	_ =	swait.ge [sflag:s14], $0xFA0  }
0x248: {  	[sflag:s14] =	ssyncset.done $0x0  }
0x249: {  	[sflag:s14] =	ssyncadd.s32 $0xFFFFF060  }
0x24a: {  	_ =	swait.ge [sflag:s14], $0xFA0  }
0x24b: {  	[sflag:s14] =	ssyncset.done $0x0  }
0x24c: {  	[sflag:s14] =	ssyncadd.s32 $0xFFFFF060  }
0x24d: {  	_ =	swait.ge [sflag:s26], $0xFA0  }
0x24e: {  	[sflag:s26] =	ssyncset.done $0x0  }
0x24f: {  	[sflag:s26] =	ssyncadd.s32 $0xFFFFF060  }
0x250: {  	_ =	swait.ge [sflag:s26], $0xFA0  }
0x251: {  	[sflag:s26] =	ssyncset.done $0x0  }
0x252: {  	[sflag:s26] =	ssyncadd.s32 $0xFFFFF060  }
0x253: {  	_ =	swait.ge [sflag:s26], $0xFA0  }
0x254: {  	[sflag:s26] =	ssyncset.done $0x0  }
0x255: {  	[sflag:s26] =	ssyncadd.s32 $0xFFFFF060  }
0x256: {  	_ =	swait.ge [sflag:s26], $0xFA0  }
0x257: {  	[sflag:s26] =	ssyncset.done $0x0  }
0x258: {  	[sflag:s26] =	ssyncadd.s32 $0xFFFFF060  }
0x259: {  	_ =	swait.ge [sflag:s26], $0xFA0  }
0x25a: {  	[sflag:s26] =	ssyncset.done $0x0  }
0x25b: {  	[sflag:s26] =	ssyncadd.s32 $0xFFFFF060  }
0x25c: {  	_ =	swait.ge [sflag:s26], $0xFA0  }
0x25d: {  	[sflag:s26] =	ssyncset.done $0x0  }
0x25e: {  	[sflag:s26] =	ssyncadd.s32 $0xFFFFF060  }
0x25f: {  	_ =	swait.ge [sflag:s26], $0xFA0  }
0x260: {  	[sflag:s26] =	ssyncset.done $0x0  }
0x261: {  	[sflag:s26] =	ssyncadd.s32 $0xFFFFF060  }
0x262: {  	_ =	swait.ge [sflag:s26], $0xFA0  }
0x263: {  	[sflag:s26] =	ssyncset.done $0x0  }
0x264: {  	[sflag:s26] =	ssyncadd.s32 $0xFFFFF060  }
0x265: {  	_ =	swait.ge [sflag:s26], $0xFA0  }
0x266: {  	[sflag:s26] =	ssyncset.done $0x0  }
0x267: {  	[sflag:s26] =	ssyncadd.s32 $0xFFFFF060  }
0x268: {  	_ =	swait.ge [sflag:s26], $0xFA0  }
0x269: {  	[sflag:s26] =	ssyncset.done $0x0  }
0x26a: {  	s16 =	simm.s32 $0x1E00;
	[sflag:s26] =	ssyncadd.s32 $0xFFFFF060  }
0x26b: {  	[tilespmem:s21], [sflag:$0x1] =	stream.indirect.gather [hbm4b:s4+s20], $0x20, s16, s20, $0xb8;
	[tilespmem:$0x1E280] =	vst v63  }
0x26c: {  	s16 =	simm.s32 $0x1E80  }
0x26d: {  	[tilespmem:s23], [sflag:$0x1] =	stream.indirect.gather [hbm4b:s4+s20], $0x20, s16, s20, $0xb8;
	[tilespmem:$0x1E280] =	vst v63  }
0x26e: {  	s16 =	simm.s32 $0x1F00  }
0x26f: {  	[tilespmem:s25], [sflag:$0x1] =	stream.indirect.gather [hbm4b:s4+s20], $0x20, s16, s20, $0xb8;
	[tilespmem:$0x1E280] =	vst v63  }
0x270: {  	s16 =	simm.s32 $0x1F80  }
0x271: {  	[tilespmem:s28], [sflag:$0x1] =	stream.indirect.gather [hbm4b:s4+s20], $0x20, s16, s20, $0xb8;
	[tilespmem:$0x1E280] =	vst v63  }
0x272: {  	s16 =	simm.s32 $0x2000  }
0x273: {  	[tilespmem:s30], [sflag:$0x1] =	stream.indirect.gather [hbm4b:s4+s20], $0x20, s16, s20, $0xb8;
	[tilespmem:$0x1E280] =	vst v63  }
0x274: {  	s16 =	simm.s32 $0x2080  }
0x275: {  	[tilespmem:s1], [sflag:$0x1] =	stream.indirect.gather [hbm4b:s4+s20], $0x20, s16, s20, $0xb8;
	[tilespmem:$0x1E280] =	vst v63  }
0x276: {  	s16 =	simm.s32 $0x2100  }
0x277: {  	[tilespmem:s24], [sflag:$0x1] =	stream.indirect.gather [hbm4b:s4+s20], $0x20, s16, s20, $0xb8;
	[tilespmem:$0x1E280] =	vst v63  }
0x278: {  	s16 =	simm.s32 $0x2180  }
0x279: {  	[tilespmem:s29], [sflag:$0x1] =	stream.indirect.gather [hbm4b:s4+s20], $0x20, s16, s20, $0xb8;
	[tilespmem:$0x1E280] =	vst v63  }
0x27a: {  	s16 =	simm.s32 $0x2200  }
0x27b: {  	[tilespmem:s22], [sflag:$0x1] =	stream.indirect.gather [hbm4b:s4+s20], $0x20, s16, s20, $0xb8;
	[tilespmem:$0x1E280] =	vst v63  }
0x27c: {  	s16 =	simm.s32 $0x2280  }
0x27d: {  	[tilespmem:s31], [sflag:$0x1] =	stream.indirect.gather [hbm4b:s4+s20], $0x20, s16, s20, $0xb8;
	[tilespmem:$0x1E280] =	vst v63  }
0x27e: {  	s16 =	simm.s32 $0x4100  }
0x27f: {  	[spmem:s2] =	stream.indirect.scatter.add.f32 [tilespmem:s0], [sflag:$0x2], $0x20, s16, s20, $0xb8;
	[tilespmem:$0x1E280] =	vst v63  }
0x280: {  	s16 =	simm.s32 $0x4180  }
0x281: {  	[spmem:s2] =	stream.indirect.scatter.add.f32 [tilespmem:s19], [sflag:$0x2], $0x20, s16, s20, $0xb8;
	[tilespmem:$0x1E280] =	vst v63  }
0x282: {  	s16 =	simm.s32 $0x4200  }
0x283: {  	[spmem:s2] =	stream.indirect.scatter.add.f32 [tilespmem:s6], [sflag:$0x2], $0x20, s16, s20, $0xb8;
	[tilespmem:$0x1E280] =	vst v63  }
0x284: {  	s16 =	simm.s32 $0x4280  }
0x285: {  	[spmem:s2] =	stream.indirect.scatter.add.f32 [tilespmem:s7], [sflag:$0x2], $0x20, s16, s20, $0xb8;
	[tilespmem:$0x1E280] =	vst v63  }
0x286: {  	s16 =	simm.s32 $0x4300  }
0x287: {  	[spmem:s2] =	stream.indirect.scatter.add.f32 [tilespmem:s8], [sflag:$0x2], $0x20, s16, s20, $0xb8;
	[tilespmem:$0x1E280] =	vst v63  }
0x288: {  	s16 =	simm.s32 $0x4380  }
0x289: {  	[spmem:s2] =	stream.indirect.scatter.add.f32 [tilespmem:s9], [sflag:$0x2], $0x20, s16, s20, $0xb8;
	[tilespmem:$0x1E280] =	vst v63  }
0x28a: {  	s16 =	simm.s32 $0x4400  }
0x28b: {  	[spmem:s2] =	stream.indirect.scatter.add.f32 [tilespmem:s10], [sflag:$0x2], $0x20, s16, s20, $0xb8;
	[tilespmem:$0x1E280] =	vst v63  }
0x28c: {  	s16 =	simm.s32 $0x4480  }
0x28d: {  	[spmem:s2] =	stream.indirect.scatter.add.f32 [tilespmem:s11], [sflag:$0x2], $0x20, s16, s20, $0xb8;
	[tilespmem:$0x1E280] =	vst v63  }
0x28e: {  	s16 =	simm.s32 $0x4500  }
0x28f: {  	[spmem:s2] =	stream.indirect.scatter.add.f32 [tilespmem:s12], [sflag:$0x2], $0x20, s16, s20, $0xb8;
	[tilespmem:$0x1E280] =	vst v63  }
0x290: {  	s16 =	simm.s32 $0x4580  }
0x291: {  	[spmem:s2] =	stream.indirect.scatter.add.f32 [tilespmem:s13], [sflag:$0x2], $0x20, s16, s20, $0xb8;
	[tilespmem:$0x1E280] =	vst v63  }
0x292: {  	_ =	swait.ge [sflag:s14], $0xFA0  }
0x293: {  	[sflag:s14] =	ssyncset.done $0x0  }
0x294: {  	[sflag:s14] =	ssyncadd.s32 $0xFFFFF060  }
0x295: {  	_ =	swait.ge [sflag:s14], $0xFA0  }
0x296: {  	[sflag:s14] =	ssyncset.done $0x0  }
0x297: {  	[sflag:s14] =	ssyncadd.s32 $0xFFFFF060  }
0x298: {  	_ =	swait.ge [sflag:s14], $0xFA0  }
0x299: {  	[sflag:s14] =	ssyncset.done $0x0  }
0x29a: {  	[sflag:s14] =	ssyncadd.s32 $0xFFFFF060  }
0x29b: {  	_ =	swait.ge [sflag:s14], $0xFA0  }
0x29c: {  	[sflag:s14] =	ssyncset.done $0x0  }
0x29d: {  	[sflag:s14] =	ssyncadd.s32 $0xFFFFF060  }
0x29e: {  	_ =	swait.ge [sflag:s14], $0xFA0  }
0x29f: {  	[sflag:s14] =	ssyncset.done $0x0  }
0x2a0: {  	[sflag:s14] =	ssyncadd.s32 $0xFFFFF060  }
0x2a1: {  	_ =	swait.ge [sflag:s14], $0xFA0  }
0x2a2: {  	[sflag:s14] =	ssyncset.done $0x0  }
0x2a3: {  	[sflag:s14] =	ssyncadd.s32 $0xFFFFF060  }
0x2a4: {  	_ =	swait.ge [sflag:s14], $0xFA0  }
0x2a5: {  	[sflag:s14] =	ssyncset.done $0x0  }
0x2a6: {  	[sflag:s14] =	ssyncadd.s32 $0xFFFFF060  }
0x2a7: {  	_ =	swait.ge [sflag:s14], $0xFA0  }
0x2a8: {  	[sflag:s14] =	ssyncset.done $0x0  }
0x2a9: {  	[sflag:s14] =	ssyncadd.s32 $0xFFFFF060  }
0x2aa: {  	_ =	swait.ge [sflag:s14], $0xFA0  }
0x2ab: {  	[sflag:s14] =	ssyncset.done $0x0  }
0x2ac: {  	[sflag:s14] =	ssyncadd.s32 $0xFFFFF060  }
0x2ad: {  	_ =	swait.ge [sflag:s14], $0xFA0  }
0x2ae: {  	[sflag:s14] =	ssyncset.done $0x0  }
0x2af: {  	[sflag:s14] =	ssyncadd.s32 $0xFFFFF060  }
0x2b0: {  	_ =	swait.ge [sflag:s26], $0xFA0  }
0x2b1: {  	[sflag:s26] =	ssyncset.done $0x0  }
0x2b2: {  	[sflag:s26] =	ssyncadd.s32 $0xFFFFF060  }
0x2b3: {  	_ =	swait.ge [sflag:s26], $0xFA0  }
0x2b4: {  	[sflag:s26] =	ssyncset.done $0x0  }
0x2b5: {  	[sflag:s26] =	ssyncadd.s32 $0xFFFFF060  }
0x2b6: {  	_ =	swait.ge [sflag:s26], $0xFA0  }
0x2b7: {  	[sflag:s26] =	ssyncset.done $0x0  }
0x2b8: {  	[sflag:s26] =	ssyncadd.s32 $0xFFFFF060  }
0x2b9: {  	_ =	swait.ge [sflag:s26], $0xFA0  }
0x2ba: {  	[sflag:s26] =	ssyncset.done $0x0  }
0x2bb: {  	[sflag:s26] =	ssyncadd.s32 $0xFFFFF060  }
0x2bc: {  	_ =	swait.ge [sflag:s26], $0xFA0  }
0x2bd: {  	[sflag:s26] =	ssyncset.done $0x0  }
0x2be: {  	[sflag:s26] =	ssyncadd.s32 $0xFFFFF060  }
0x2bf: {  	_ =	swait.ge [sflag:s26], $0xFA0  }
0x2c0: {  	[sflag:s26] =	ssyncset.done $0x0  }
0x2c1: {  	[sflag:s26] =	ssyncadd.s32 $0xFFFFF060  }
0x2c2: {  	_ =	swait.ge [sflag:s26], $0xFA0  }
0x2c3: {  	[sflag:s26] =	ssyncset.done $0x0  }
0x2c4: {  	[sflag:s26] =	ssyncadd.s32 $0xFFFFF060  }
0x2c5: {  	_ =	swait.ge [sflag:s26], $0xFA0  }
0x2c6: {  	[sflag:s26] =	ssyncset.done $0x0  }
0x2c7: {  	[sflag:s26] =	ssyncadd.s32 $0xFFFFF060  }
0x2c8: {  	_ =	swait.ge [sflag:s26], $0xFA0  }
0x2c9: {  	[sflag:s26] =	ssyncset.done $0x0  }
0x2ca: {  	[sflag:s26] =	ssyncadd.s32 $0xFFFFF060  }
0x2cb: {  	_ =	swait.ge [sflag:s26], $0xFA0  }
0x2cc: {  	[sflag:s26] =	ssyncset.done $0x0  }
0x2cd: {  	s16 =	simm.s32 $0x2300;
	[sflag:s26] =	ssyncadd.s32 $0xFFFFF060  }
0x2ce: {  	[tilespmem:s0], [sflag:$0x1] =	stream.indirect.gather [hbm4b:s4+s20], $0x20, s16, s20, $0xb8;
	[tilespmem:$0x1E280] =	vst v63  }
0x2cf: {  	s16 =	simm.s32 $0x2380  }
0x2d0: {  	[tilespmem:s19], [sflag:$0x1] =	stream.indirect.gather [hbm4b:s4+s20], $0x20, s16, s20, $0xb8;
	[tilespmem:$0x1E280] =	vst v63  }
0x2d1: {  	s16 =	simm.s32 $0x2400  }
0x2d2: {  	[tilespmem:s6], [sflag:$0x1] =	stream.indirect.gather [hbm4b:s4+s20], $0x20, s16, s20, $0xb8;
	[tilespmem:$0x1E280] =	vst v63  }
0x2d3: {  	s16 =	simm.s32 $0x2480  }
0x2d4: {  	[tilespmem:s7], [sflag:$0x1] =	stream.indirect.gather [hbm4b:s4+s20], $0x20, s16, s20, $0xb8;
	[tilespmem:$0x1E280] =	vst v63  }
0x2d5: {  	s16 =	simm.s32 $0x2500  }
0x2d6: {  	[tilespmem:s8], [sflag:$0x1] =	stream.indirect.gather [hbm4b:s4+s20], $0x20, s16, s20, $0xb8;
	[tilespmem:$0x1E280] =	vst v63  }
0x2d7: {  	s16 =	simm.s32 $0x2580  }
0x2d8: {  	[tilespmem:s9], [sflag:$0x1] =	stream.indirect.gather [hbm4b:s4+s20], $0x20, s16, s20, $0xb8;
	[tilespmem:$0x1E280] =	vst v63  }
0x2d9: {  	s16 =	simm.s32 $0x2600  }
0x2da: {  	[tilespmem:s10], [sflag:$0x1] =	stream.indirect.gather [hbm4b:s4+s20], $0x20, s16, s20, $0xb8;
	[tilespmem:$0x1E280] =	vst v63  }
0x2db: {  	s16 =	simm.s32 $0x2680  }
0x2dc: {  	[tilespmem:s11], [sflag:$0x1] =	stream.indirect.gather [hbm4b:s4+s20], $0x20, s16, s20, $0xb8;
	[tilespmem:$0x1E280] =	vst v63  }
0x2dd: {  	s16 =	simm.s32 $0x2700  }
0x2de: {  	[tilespmem:s12], [sflag:$0x1] =	stream.indirect.gather [hbm4b:s4+s20], $0x20, s16, s20, $0xb8;
	[tilespmem:$0x1E280] =	vst v63  }
0x2df: {  	s16 =	simm.s32 $0x2780  }
0x2e0: {  	[tilespmem:s13], [sflag:$0x1] =	stream.indirect.gather [hbm4b:s4+s20], $0x20, s16, s20, $0xb8;
	[tilespmem:$0x1E280] =	vst v63  }
0x2e1: {  	s16 =	simm.s32 $0x4600  }
0x2e2: {  	[spmem:s2] =	stream.indirect.scatter.add.f32 [tilespmem:s21], [sflag:$0x2], $0x20, s16, s20, $0xb8;
	[tilespmem:$0x1E280] =	vst v63  }
0x2e3: {  	s16 =	simm.s32 $0x4680  }
0x2e4: {  	[spmem:s2] =	stream.indirect.scatter.add.f32 [tilespmem:s23], [sflag:$0x2], $0x20, s16, s20, $0xb8;
	[tilespmem:$0x1E280] =	vst v63  }
0x2e5: {  	s16 =	simm.s32 $0x4700  }
0x2e6: {  	[spmem:s2] =	stream.indirect.scatter.add.f32 [tilespmem:s25], [sflag:$0x2], $0x20, s16, s20, $0xb8;
	[tilespmem:$0x1E280] =	vst v63  }
0x2e7: {  	s16 =	simm.s32 $0x4780  }
0x2e8: {  	[spmem:s2] =	stream.indirect.scatter.add.f32 [tilespmem:s28], [sflag:$0x2], $0x20, s16, s20, $0xb8;
	[tilespmem:$0x1E280] =	vst v63  }
0x2e9: {  	s16 =	simm.s32 $0x4800  }
0x2ea: {  	[spmem:s2] =	stream.indirect.scatter.add.f32 [tilespmem:s30], [sflag:$0x2], $0x20, s16, s20, $0xb8;
	[tilespmem:$0x1E280] =	vst v63  }
0x2eb: {  	s16 =	simm.s32 $0x4880  }
0x2ec: {  	[spmem:s2] =	stream.indirect.scatter.add.f32 [tilespmem:s1], [sflag:$0x2], $0x20, s16, s20, $0xb8;
	[tilespmem:$0x1E280] =	vst v63  }
0x2ed: {  	s16 =	simm.s32 $0x4900  }
0x2ee: {  	[spmem:s2] =	stream.indirect.scatter.add.f32 [tilespmem:s24], [sflag:$0x2], $0x20, s16, s20, $0xb8;
	[tilespmem:$0x1E280] =	vst v63  }
0x2ef: {  	s16 =	simm.s32 $0x4980  }
0x2f0: {  	[spmem:s2] =	stream.indirect.scatter.add.f32 [tilespmem:s29], [sflag:$0x2], $0x20, s16, s20, $0xb8;
	[tilespmem:$0x1E280] =	vst v63  }
0x2f1: {  	s16 =	simm.s32 $0x4A00  }
0x2f2: {  	[spmem:s2] =	stream.indirect.scatter.add.f32 [tilespmem:s22], [sflag:$0x2], $0x20, s16, s20, $0xb8;
	[tilespmem:$0x1E280] =	vst v63  }
0x2f3: {  	s16 =	simm.s32 $0x4A80  }
0x2f4: {  	[spmem:s2] =	stream.indirect.scatter.add.f32 [tilespmem:s31], [sflag:$0x2], $0x20, s16, s20, $0xb8;
	[tilespmem:$0x1E280] =	vst v63  }
0x2f5: {  	_ =	swait.ge [sflag:s14], $0xFA0  }
0x2f6: {  	[sflag:s14] =	ssyncset.done $0x0  }
0x2f7: {  	[sflag:s14] =	ssyncadd.s32 $0xFFFFF060  }
0x2f8: {  	_ =	swait.ge [sflag:s14], $0xFA0  }
0x2f9: {  	[sflag:s14] =	ssyncset.done $0x0  }
0x2fa: {  	[sflag:s14] =	ssyncadd.s32 $0xFFFFF060  }
0x2fb: {  	_ =	swait.ge [sflag:s14], $0xFA0  }
0x2fc: {  	[sflag:s14] =	ssyncset.done $0x0  }
0x2fd: {  	[sflag:s14] =	ssyncadd.s32 $0xFFFFF060  }
0x2fe: {  	_ =	swait.ge [sflag:s14], $0xFA0  }
0x2ff: {  	[sflag:s14] =	ssyncset.done $0x0  }
0x300: {  	[sflag:s14] =	ssyncadd.s32 $0xFFFFF060  }
0x301: {  	_ =	swait.ge [sflag:s14], $0xFA0  }
0x302: {  	[sflag:s14] =	ssyncset.done $0x0  }
0x303: {  	[sflag:s14] =	ssyncadd.s32 $0xFFFFF060  }
0x304: {  	_ =	swait.ge [sflag:s14], $0xFA0  }
0x305: {  	[sflag:s14] =	ssyncset.done $0x0  }
0x306: {  	[sflag:s14] =	ssyncadd.s32 $0xFFFFF060  }
0x307: {  	_ =	swait.ge [sflag:s14], $0xFA0  }
0x308: {  	[sflag:s14] =	ssyncset.done $0x0  }
0x309: {  	[sflag:s14] =	ssyncadd.s32 $0xFFFFF060  }
0x30a: {  	_ =	swait.ge [sflag:s14], $0xFA0  }
0x30b: {  	[sflag:s14] =	ssyncset.done $0x0  }
0x30c: {  	[sflag:s14] =	ssyncadd.s32 $0xFFFFF060  }
0x30d: {  	_ =	swait.ge [sflag:s14], $0xFA0  }
0x30e: {  	[sflag:s14] =	ssyncset.done $0x0  }
0x30f: {  	[sflag:s14] =	ssyncadd.s32 $0xFFFFF060  }
0x310: {  	_ =	swait.ge [sflag:s14], $0xFA0  }
0x311: {  	[sflag:s14] =	ssyncset.done $0x0  }
0x312: {  	[sflag:s14] =	ssyncadd.s32 $0xFFFFF060  }
0x313: {  	_ =	swait.ge [sflag:s26], $0xFA0  }
0x314: {  	[sflag:s26] =	ssyncset.done $0x0  }
0x315: {  	[sflag:s26] =	ssyncadd.s32 $0xFFFFF060  }
0x316: {  	_ =	swait.ge [sflag:s26], $0xFA0  }
0x317: {  	[sflag:s26] =	ssyncset.done $0x0  }
0x318: {  	[sflag:s26] =	ssyncadd.s32 $0xFFFFF060  }
0x319: {  	_ =	swait.ge [sflag:s26], $0xFA0  }
0x31a: {  	[sflag:s26] =	ssyncset.done $0x0  }
0x31b: {  	[sflag:s26] =	ssyncadd.s32 $0xFFFFF060  }
0x31c: {  	_ =	swait.ge [sflag:s26], $0xFA0  }
0x31d: {  	[sflag:s26] =	ssyncset.done $0x0  }
0x31e: {  	[sflag:s26] =	ssyncadd.s32 $0xFFFFF060  }
0x31f: {  	_ =	swait.ge [sflag:s26], $0xFA0  }
0x320: {  	[sflag:s26] =	ssyncset.done $0x0  }
0x321: {  	[sflag:s26] =	ssyncadd.s32 $0xFFFFF060  }
0x322: {  	_ =	swait.ge [sflag:s26], $0xFA0  }
0x323: {  	[sflag:s26] =	ssyncset.done $0x0  }
0x324: {  	[sflag:s26] =	ssyncadd.s32 $0xFFFFF060  }
0x325: {  	_ =	swait.ge [sflag:s26], $0xFA0  }
0x326: {  	[sflag:s26] =	ssyncset.done $0x0  }
0x327: {  	[sflag:s26] =	ssyncadd.s32 $0xFFFFF060  }
0x328: {  	_ =	swait.ge [sflag:s26], $0xFA0  }
0x329: {  	[sflag:s26] =	ssyncset.done $0x0  }
0x32a: {  	[sflag:s26] =	ssyncadd.s32 $0xFFFFF060  }
0x32b: {  	_ =	swait.ge [sflag:s26], $0xFA0  }
0x32c: {  	[sflag:s26] =	ssyncset.done $0x0  }
0x32d: {  	[sflag:s26] =	ssyncadd.s32 $0xFFFFF060  }
0x32e: {  	_ =	swait.ge [sflag:s26], $0xFA0  }
0x32f: {  	[sflag:s26] =	ssyncset.done $0x0  }
0x330: {  	s16 =	simm.s32 $0x4B00;
	[sflag:s26] =	ssyncadd.s32 $0xFFFFF060  }
0x331: {  	[spmem:s2] =	stream.indirect.scatter.add.f32 [tilespmem:s0], [sflag:$0x2], $0x20, s16, s20, $0xb8;
	[tilespmem:$0x1E280] =	vst v63  }
0x332: {  	s16 =	simm.s32 $0x4B80  }
0x333: {  	[spmem:s2] =	stream.indirect.scatter.add.f32 [tilespmem:s19], [sflag:$0x2], $0x20, s16, s20, $0xb8;
	[tilespmem:$0x1E280] =	vst v63  }
0x334: {  	s16 =	simm.s32 $0x4C00  }
0x335: {  	[spmem:s2] =	stream.indirect.scatter.add.f32 [tilespmem:s6], [sflag:$0x2], $0x20, s16, s20, $0xb8;
	[tilespmem:$0x1E280] =	vst v63  }
0x336: {  	s16 =	simm.s32 $0x4C80  }
0x337: {  	[spmem:s2] =	stream.indirect.scatter.add.f32 [tilespmem:s7], [sflag:$0x2], $0x20, s16, s20, $0xb8;
	[tilespmem:$0x1E280] =	vst v63  }
0x338: {  	s16 =	simm.s32 $0x4D00  }
0x339: {  	[spmem:s2] =	stream.indirect.scatter.add.f32 [tilespmem:s8], [sflag:$0x2], $0x20, s16, s20, $0xb8;
	[tilespmem:$0x1E280] =	vst v63  }
0x33a: {  	s16 =	simm.s32 $0x4D80  }
0x33b: {  	[spmem:s2] =	stream.indirect.scatter.add.f32 [tilespmem:s9], [sflag:$0x2], $0x20, s16, s20, $0xb8;
	[tilespmem:$0x1E280] =	vst v63  }
0x33c: {  	s16 =	simm.s32 $0x4E00  }
0x33d: {  	[spmem:s2] =	stream.indirect.scatter.add.f32 [tilespmem:s10], [sflag:$0x2], $0x20, s16, s20, $0xb8;
	[tilespmem:$0x1E280] =	vst v63  }
0x33e: {  	s16 =	simm.s32 $0x4E80  }
0x33f: {  	[spmem:s2] =	stream.indirect.scatter.add.f32 [tilespmem:s11], [sflag:$0x2], $0x20, s16, s20, $0xb8;
	[tilespmem:$0x1E280] =	vst v63  }
0x340: {  	s16 =	simm.s32 $0x4F00  }
0x341: {  	[spmem:s2] =	stream.indirect.scatter.add.f32 [tilespmem:s12], [sflag:$0x2], $0x20, s16, s20, $0xb8;
	[tilespmem:$0x1E280] =	vst v63  }
0x342: {  	s16 =	simm.s32 $0x4F80  }
0x343: {  	[spmem:s2] =	stream.indirect.scatter.add.f32 [tilespmem:s13], [sflag:$0x2], $0x20, s16, s20, $0xb8;
	[tilespmem:$0x1E280] =	vst v63  }
0x344: {  	_ =	swait.ge [sflag:s14], $0xFA0  }
0x345: {  	[sflag:s14] =	ssyncset.done $0x0  }
0x346: {  	[sflag:s14] =	ssyncadd.s32 $0xFFFFF060  }
0x347: {  	_ =	swait.ge [sflag:s14], $0xFA0  }
0x348: {  	[sflag:s14] =	ssyncset.done $0x0  }
0x349: {  	[sflag:s14] =	ssyncadd.s32 $0xFFFFF060  }
0x34a: {  	_ =	swait.ge [sflag:s14], $0xFA0  }
0x34b: {  	[sflag:s14] =	ssyncset.done $0x0  }
0x34c: {  	[sflag:s14] =	ssyncadd.s32 $0xFFFFF060  }
0x34d: {  	_ =	swait.ge [sflag:s14], $0xFA0  }
0x34e: {  	[sflag:s14] =	ssyncset.done $0x0  }
0x34f: {  	[sflag:s14] =	ssyncadd.s32 $0xFFFFF060  }
0x350: {  	_ =	swait.ge [sflag:s14], $0xFA0  }
0x351: {  	[sflag:s14] =	ssyncset.done $0x0  }
0x352: {  	[sflag:s14] =	ssyncadd.s32 $0xFFFFF060  }
0x353: {  	_ =	swait.ge [sflag:s14], $0xFA0  }
0x354: {  	[sflag:s14] =	ssyncset.done $0x0  }
0x355: {  	[sflag:s14] =	ssyncadd.s32 $0xFFFFF060  }
0x356: {  	_ =	swait.ge [sflag:s14], $0xFA0  }
0x357: {  	[sflag:s14] =	ssyncset.done $0x0  }
0x358: {  	[sflag:s14] =	ssyncadd.s32 $0xFFFFF060  }
0x359: {  	_ =	swait.ge [sflag:s14], $0xFA0  }
0x35a: {  	[sflag:s14] =	ssyncset.done $0x0  }
0x35b: {  	[sflag:s14] =	ssyncadd.s32 $0xFFFFF060  }
0x35c: {  	_ =	swait.ge [sflag:s14], $0xFA0  }
0x35d: {  	[sflag:s14] =	ssyncset.done $0x0  }
0x35e: {  	[sflag:s14] =	ssyncadd.s32 $0xFFFFF060  }
0x35f: {  	_ =	swait.ge [sflag:s14], $0xFA0  }
0x360: {  	[sflag:s14] =	ssyncset.done $0x0  }
0x361: {  	s16 =	stileid.u32;
	[sflag:s14] =	ssyncadd.s32 $0xFFFFF060  }
0x362: {  	s3 =	sshll.u32 s16, $0x6;
	[bflag:$0x0] =	sbarrier.arrive $0xFFFF  }
0x363: {  	s5 =	sshrl.u32 s5, $0x3;
	s3 =	sor.u32 $0x1C03, s3;
	s16 =	rddreg [dreg:$0xd]  }
0x364: {  	[hbm:s16], [sflag:s3] =	dma.local [spmem:s5], $0xA00  }
0x365: {  	_ =	swait.ge [sflag:s18], $0xA00  }
0x366: {  	s15 =	sadd.s32 $0x1, s15;
	s16 =	rddreg [dreg:$0xe]  }
0x367: {  	p0 =	sne.s32 s15, s16  }
.Ltmp1:
0x368: {  	_ = 	snop;
	(pc) =	sbr.rel @p0 .LBB2_1-.Ltmp1, $3  }
0x369: {  	_ =	sdelay $0x1  }
0x36a: {  	[sflag:s18] =	ssyncset.done $0x0  }
0x36b: {  	[sflag:s18] =	ssyncadd.s32 $0xFFFFF600  }
0x36c: {  	_ =	sfence.sel $0x180000  }
0x36d: {  	[bflag:$0x0] =	sbarrier.arrive $0xFFFF  }
0x36e: {  	_ =	strace $0x9000004D  }
0x36f: {  	s0 =	stileid.u32;
	[bflag:$0x2] =	sbarrier.arrive $0xFFFF  }
0x370: {  	p0 =	sne.s32 s0, $0x0;
	s0 =	rddreg [dreg:$0x2]  }
0x371: {  	s0 =	sadd.s32 @!p0 $0x100000, s0  }
0x372: {  	[sflag:s0] =	ssyncadd.tile.s32 @!p0 $0x1;
	_ =	shalt  }
.Lfunc_end2:
_tile_overlayer_lowered:
.L_overlay_start_2:
0x373: {  	(tag) =	ssettag $0x2  }
0x374: {  	s0 =	rddreg [dreg:$0x0];
	s2 =	stileid.u32  }
0x375: {  	s1 =	rddreg [dreg:$0x1];
	p0 =	sne.s32 s2, $0x0  }
0x376: {  	s3 =	rddreg [dreg:$0x2];
	[bflag:$0x3] =	sbarrier.arrive $0xFFFF;
	s2 =	simm.s32 @!p0 $0x1C03  }
0x377: {  	[timem:s3], [sflag:s2] =	dma.local @!p0 [hbm:s0], s1  }
0x378: {  	s0 =	simm.s32 @!p0 $0x3  }
0x379: {  	_ =	swait.ge @!p0 [sflag:s0], s1  }
0x37a: {  	s1 =	ssub.s32 @!p0 $0x0, s1;
	[sflag:s0] =	ssyncset.done @!p0 $0x0  }
0x37b: {  	[sflag:s0] =	ssyncadd.s32 @!p0 s1  }
0x37c: {  	[bflag:$0x3] =	sbarrier.arrive $0xFFFF  }
0x37d: {  	_ =	shalt  }

// kernel: kernel.9.cloned.1.call-start
scs
__scs_entry_jumppad:
0x0: {  	(pc) =	sbr.rel $0x88, $3  }
0x1: {  	(tag) =	ssettag $0x0;
	lr =	simm.s32 $0x1  }
0x2: {  	[smem:$0x3F99] =	sst lr;
	_ =	strace $0xD0000000  }
0x3: {  	_ = 	snop  }
0x4: {  	_ = 	snop  }
0x5: {  	_ = 	snop  }
0x6: {  	_ = 	snop  }
0x7: {  	_ = 	snop  }
__scs_overlays_trampoline_lowered:
0x8: {  	[smem:$0x3FA8] =	sst s0  }
0x9: {  	[smem:$0x3FA9] =	sst s1  }
0xa: {  	[smem:$0x3FAA] =	sst s2  }
0xb: {  	[smem:$0x3FAB] =	sst s3  }
0xc: {  	[smem:$0x3FAC] =	sst s4  }
0xd: {  	[smem:$0x3FAD] =	sst s5  }
0xe: {  	[smem:$0x3FAE] =	sst s6  }
0xf: {  	[smem:$0x3FAF] =	sst s7  }
0x10: {  	[smem:$0x3FB0] =	sst s8  }
0x11: {  	[smem:$0x3FB1] =	sst s9;
	s0 =	simm.s32 @!p0 $0x0  }
0x12: {  	s1 =	sld [smem:$0x3F97];
	s0 =	simm.s32 @p0 $0x1  }
0x13: {  	[smem:$0x3FB2] =	sst s0;
	s0 =	simm.s32 @!p1 $0x0  }
0x14: {  	s2 =	sld [smem:$0x3F96];
	s0 =	simm.s32 @p1 $0x1  }
0x15: {  	[smem:$0x3FB3] =	sst s0;
	s0 =	simm.s32 @!p2 $0x0  }
0x16: {  	s3 =	sld [smem:$0x3FDB];
	s0 =	simm.s32 @p2 $0x1  }
0x17: {  	s4 =	simm.s32 $0x1BF5;
	[smem:$0x3FB5] =	sst s0  }
0x18: {  	s0 =	sld [smem:$0x3F98];
	_ =	swait.ge [sflag:s4], $0x0  }
0x19: {  	s7 =	sld [smem:$0x3F99]  }
0x1a: {  	s8 =	sadd.s32 $0xFFFFE003, lr  }
0x1b: {  	s9 =	sadd.s32 $0xFFFFFEF7, lr;
	s5 =	simm.s32 $0xFFFFFFFF;
	p2 =	slt.u32 s8, $0xFFFFF086  }
0x1c: {  	p1 =	slt.u32 s9, $0xF7A;
	s5 =	simm.s32 @!p2 $0x0  }
0x1d: {  	s5 =	simm.s32 @p1 $0x1;
	p0 =	seq.s32 s7, s2  }
0x1e: {  	s7 =	smul.u32 @!p0 $0xF7A, s2;
	p2 =	seq.s32 @!p0 s5, $0x0  }
0x1f: {  	s9 =	smul.u32 $0xF7A, s1;
	s8 =	simm.s32 @!p0 $0x1BF5;
	p2 =	por !p2, p0  }
0x20: {  	[sflag:s8] =	ssyncset.s32 @!p0 $0xFFFFF086;
	s6 =	sadd.s32 @!p0 s3, s7;
	s7 =	simm.s32 @!p0 $0x108  }
0x21: {  	s3 =	sadd.s32 s3, s9;
	s6 =	sadd.s32 @!p0 $0x88, s6;
	s7 =	simm.s32 @p2 $0x1082  }
0x22: {  	[simem:s7], [sflag:s8] =	dma.local @!p0 [hbm:s6], $0xF7A  }
0x23: {  	s9 =	sor.u32 $0xD0000000, s2;
	s6 =	simm.s32 $0x108;
	_ =	swait.ge @!p0 [sflag:s8], $0x0  }
0x24: {  	s3 =	sadd.s32 $0x88, s3;
	s6 =	simm.s32 @!p1 $0x1082;
	[sflag:s4] =	ssyncset.s32 $0xFFFFF086  }
0x25: {  	[simem:s6], [sflag:s4] =	dma.local [hbm:s3], $0xF7A  }
0x26: {  	[smem:$0x3F99] =	sst s1;
	(tag) =	ssettag s2;
	_ =	strace s9  }
0x27: {  	s1 =	sld [smem:$0x3FA9]  }
0x28: {  	s2 =	sld [smem:$0x3FAA]  }
0x29: {  	s4 =	sld [smem:$0x3FAC]  }
0x2a: {  	p0 =	seq.s32 s5, $0x0;
	s5 =	sld [smem:$0x3FAD]  }
0x2b: {  	s6 =	sld [smem:$0x3FAE]  }
0x2c: {  	s7 =	sld [smem:$0x3FAF]  }
0x2d: {  	s3 =	simm.s32 $0x108;
	s8 =	sld [smem:$0x3FB0]  }
0x2e: {  	s3 =	simm.s32 @!p0 $0x1082;
	s9 =	sld [smem:$0x3FB1]  }
0x2f: {  	lr =	sadd.s32 s0, s3;
	s0 =	sld [smem:$0x3FA8]  }
0x30: {  	s3 =	sld [smem:$0x3FAB]  }
0x31: {  	[smem:$0x3FB4] =	sst s10  }
0x32: {  	s10 =	sld [smem:$0x3FB2];
	_ =	sdelay $0x3  }
0x33: {  	p0 =	seq.s32 s10, $0x1;
	s10 =	sld [smem:$0x3FB4];
	_ =	sdelay $0x3  }
0x34: {  	[smem:$0x3FB4] =	sst s10  }
0x35: {  	s10 =	sld [smem:$0x3FB3];
	_ =	sdelay $0x3  }
0x36: {  	p1 =	seq.s32 s10, $0x1;
	s10 =	sld [smem:$0x3FB4];
	_ =	sdelay $0x3  }
0x37: {  	[smem:$0x3FB4] =	sst s10  }
0x38: {  	s10 =	sld [smem:$0x3FB5]  }
0x39: {  	_ = 	snop;
	(pc) =	sbr.ind lr, $3  }
0x3a: {  	_ = 	snop  }
0x3b: {  	_ = 	snop  }
0x3c: {  	p2 =	seq.s32 s10, $0x1;
	s10 =	sld [smem:$0x3FB4]  }
0x3d: {  	_ =	shalt  }
0x3e: {  	_ =	shalt  }
0x3f: {  	_ =	shalt  }
0x40: {  	_ =	shalt  }
0x41: {  	_ =	shalt  }
0x42: {  	_ =	shalt  }
0x43: {  	_ =	shalt  }
0x44: {  	_ =	shalt  }
0x45: {  	_ =	shalt  }
0x46: {  	_ =	shalt  }
0x47: {  	_ =	shalt  }
0x48: {  	_ =	shalt  }
0x49: {  	_ =	shalt  }
0x4a: {  	_ =	shalt  }
0x4b: {  	_ =	shalt  }
0x4c: {  	_ =	shalt  }
0x4d: {  	_ =	shalt  }
0x4e: {  	_ =	shalt  }
0x4f: {  	_ =	shalt  }
0x50: {  	_ =	shalt  }
0x51: {  	_ =	shalt  }
0x52: {  	_ =	shalt  }
0x53: {  	_ =	shalt  }
0x54: {  	_ =	shalt  }
0x55: {  	_ =	shalt  }
0x56: {  	_ =	shalt  }
0x57: {  	_ =	shalt  }
0x58: {  	_ =	shalt  }
0x59: {  	_ =	shalt  }
0x5a: {  	_ =	shalt  }
0x5b: {  	_ =	shalt  }
0x5c: {  	_ =	shalt  }
0x5d: {  	_ =	shalt  }
0x5e: {  	_ =	shalt  }
0x5f: {  	_ =	shalt  }
0x60: {  	_ =	shalt  }
0x61: {  	_ =	shalt  }
0x62: {  	_ =	shalt  }
0x63: {  	_ =	shalt  }
0x64: {  	_ =	shalt  }
0x65: {  	_ =	shalt  }
0x66: {  	_ =	shalt  }
0x67: {  	_ =	shalt  }
0x68: {  	_ =	shalt  }
0x69: {  	_ =	shalt  }
0x6a: {  	_ =	shalt  }
0x6b: {  	_ =	shalt  }
0x6c: {  	_ =	shalt  }
0x6d: {  	_ =	shalt  }
0x6e: {  	_ =	shalt  }
0x6f: {  	_ =	shalt  }
0x70: {  	_ =	shalt  }
0x71: {  	_ =	shalt  }
0x72: {  	_ =	shalt  }
0x73: {  	_ =	shalt  }
0x74: {  	_ =	shalt  }
0x75: {  	_ =	shalt  }
0x76: {  	_ =	shalt  }
0x77: {  	_ =	shalt  }
0x78: {  	_ =	shalt  }
0x79: {  	_ =	shalt  }
0x7a: {  	_ =	shalt  }
0x7b: {  	_ =	shalt  }
0x7c: {  	_ =	shalt  }
0x7d: {  	_ =	shalt  }
0x7e: {  	_ =	shalt  }
0x7f: {  	_ =	shalt  }
0x80: {  	_ =	shalt  }
0x81: {  	_ =	shalt  }
0x82: {  	_ =	shalt  }
0x83: {  	_ =	shalt  }
0x84: {  	_ =	shalt  }
0x85: {  	_ =	shalt  }
0x86: {  	_ =	shalt  }
0x87: {  	_ =	shalt  }
.Lfunc_end0:
.L_simem_size_0:
called_computation_lowered:
.L_overlay_start_0:
0x88: {  	s2 =	sld [smem:$0x3FD9]  }
0x89: {  	s3 =	sld [smem:$0x3FFE];
	_ =	sdelay $0x1  }
0x8a: {  	s1 =	srdreg.scid  }
0x8b: {  	s0 =	sand.u32 $0x1, s1  }
0x8c: {  	s14 =	sshll.u32 s0, $0xA;
	s2 =	sadd.s32 s3, s2  }
0x8d: {  	s2 =	sadd.s32 s2, s14  }
0x8e: {  	[smem:$0x3FC0] =	sst s2  }
0x8f: {  	_ = 	snop  }
0x90: {  	s2 =	sld [smem:$0x3FD0];
	_ =	sdelay $0x2  }
0x91: {  	s15 =	simm.s32 $0xA;
	s4 =	simm.s32 $0x10  }
0x92: {  	[smem:s4], [sflag:s15] =	dma.local [hbm:s2], $0x1  }
0x93: {  	_ =	swait.eq [sflag:s15], $0x1  }
0x94: {  	[sflag:s15] =	ssyncset.done $0x0  }
0x95: {  	[sflag:s15] =	ssyncadd.s32 $0xFFFFFFFF  }
0x96: {  	s16 =	sld [smem:$0x11];
	(tm) =	ssettm $0x1  }
0x97: {  	s17 =	sld [smem:$0x3FFB];
	_ =	sdelay $0x3  }
0x98: {  	_ =	strace s17  }
0x99: {  	s3 =	sld [smem:$0x3FFC];
	_ =	sdelay $0x3  }
0x9a: {  	_ =	strace s3  }
0x9b: {  	s3 =	sld [smem:$0x3FFD];
	_ =	sdelay $0x3  }
0x9c: {  	_ =	strace s3  }
0x9d: {  	_ =	strace $0x8FFFFFFF  }
0x9e: {  	s18 =	sld [smem:$0x3FDB];
	_ =	sdelay $0x1  }
0x9f: {  	s19 =	simm.s32 $_scs_section_size  }
0xa0: {  	s5 =	simm.s32 $_size__tile_overlayer_lowered;
	s6 =	simm.s32 $_tile_overlayer_lowered  }
0xa1: {  	s22 =	simm.s32 $0x1BFF;
	s21 =	sshll.u32 s6, $0x1;
	s3 =	sadd.s32 s19, s18  }
0xa2: {  	s7 =	simm.s32 $0x0;
	s20 =	sshll.u32 s5, $0x1;
	s5 =	sadd.s32 s21, s3  }
0xa3: {  	[timem:s7], [sflag:s22] =	dma.local [hbm:s5], s20  }
0xa4: {  	_ =	swait.ge [sflag:s22], s20  }
0xa5: {  	s4 =	ssub.s32 $0x0, s20;
	[sflag:s22] =	ssyncset.done $0x0  }
0xa6: {  	[sflag:s22] =	ssyncadd.s32 s4;
	_ =	sdelay $0x1  }
0xa7: {  	s23 =	simm.s32 $0x1B8B  }
0xa8: {  	_ =	swait.ge [sflag:s23], $0x1  }
0xa9: {  	[sflag:s23] =	ssyncset.done $0x0  }
0xaa: {  	s25 =	simm.s32 $0x1B8E;
	s24 =	sld [smem:$0x3FFE];
	[sflag:s23] =	ssyncadd.s32 $0xFFFFFFFF  }
0xab: {  	s26 =	simm.s32 $execute0_lowered;
	[smem:$0x3FD2] =	sst s25  }
0xac: {  	s5 =	sshll.u32 s26, $0x1;
	_ =	strace $0x80000046;
	[dreg:$0x1] =	wrdreg $0xFFFFFFFF  }
0xad: {  	s28 =	simm.s32 $_size_execute0_lowered;
	s3 =	sadd.s32 s3, s5;
	[dreg:$0x0] =	wrdreg $0x0  }
0xae: {  	s5 =	sshll.u32 s28, $0x1;
	[dreg:$0x2] =	wrdreg s3  }
0xaf: {  	[dreg:$0x3] =	wrdreg s5  }
0xb0: {  	[dreg:$0x4] =	wrdreg $0xC0  }
0xb1: {  	_ =	task [dreg:s7], $0x5FFFF  }
0xb2: {  	[dreg:$0x1] =	wrdreg $0xFFFFFFFF  }
0xb3: {  	[dreg:$0x0] =	wrdreg $0x60  }
0xb4: {  	[dreg:$0x2] =	wrdreg s24  }
0xb5: {  	[dreg:$0x3] =	wrdreg s16  }
0xb6: {  	[dreg:$0x4] =	wrdreg $0x2B000  }
0xb7: {  	[dreg:$0x5] =	wrdreg $0x9  }
0xb8: {  	_ =	task.clear_ibuf [dreg:s7], $0x6FFFF;
	_ =	strace $0x90000046  }
0xb9: {  	s29 =	simm.s32 $0x9;
	_ =	strace $0x80000048  }
0xba: {  	_ =	swait.ge [sflag:s29], $0x1  }
0xbb: {  	[sflag:s29] =	ssyncadd.s32 $0xFFFFFFFF  }
0xbc: {  	_ =	strace $0x90000048  }
0xbd: {  	_ =	sfence  }
0xbe: {  	s30 =	sld [smem:$0x0];
	_ =	sdelay $0x2  }
0xbf: {  	s31 =	sshll.u32 s1, $0xD;
	s1 =	sshrl.u32 s1, $0x2  }
0xc0: {  	s3 =	sand.u32 $0x4000, s31;
	s1 =	sadd.s32 s1, s30  }
0xc1: {  	s0 =	sor.u32 s3, s0;
	s1 =	sshll.u32 s1, $0x11  }
0xc2: {  	s0 =	sor.u32 s1, s0  }
0xc3: {  	s0 =	sadd.s32 $0x8F2B, s0  }
0xc4: {  	[sflag:s0] =	ssyncadd.remote.s32 $0x1  }
0xc5: {  	_ =	sfence.sel $0xFFFF  }
0xc6: {  	[dreg:$0x0] =	wrdreg $0xFFFFFFFF;
	(pc) =	sbr.abs _section_cstart, $3  }
0xc7: {  	[dreg:$0x1] =	wrdreg $0xFFFFFFFF  }
0xc8: {  	_ =	task.clear_ibuf [dreg:s7], $0x2FFFF;
	_ =	strace $0x9FFFFFFF  }
0xc9: {  	(tm) =	ssettm $0x7FFFFFFF  }
tec
execute0_lowered:
.L_overlay_start_1:
0x0: {  	(tag) =	ssettag $0x1  }
0x1: {  	s5 =	rddreg [dreg:$0x0]  }
0x2: {  	s6 =	rddreg [dreg:$0x1]  }
0x3: {  	s0 =	srdreg.scid;
	s2 =	rddreg [dreg:$0x2]  }
0x4: {  	s3 =	simm.s32 $0x0;
	s10 =	simm.s32 $0x7D;
	s11 =	simm.s32 $0x2800  }
0x5: {  	s12 =	simm.s32 $0x1;
	s4 =	sand.u32 $0x1, s0;
	s0 =	stileid.u32  }
0x6: {  	s15 =	simm.s32 $0x0;
	[smem:$0x7FF] =	sst s3;
	s8 =	smul.u32 $0x280, s0  }
0x7: {  	s1 =	sshll.u32 s4, $0x4;
	s9 =	smul.u32 $0x2800, s4;
	s4 =	ssub.s32 $0x2, s4  }
0x8: {  	s13 =	sshll.u32 s0, $0x6;
	s1 =	sor.u32 s0, s1;
	s30 =	sshrl.u32 s4, $0x1  }
0x9: {  	s13 =	sor.u32 $0x1C02, s13;
	s7 =	smul.u32 $0x500, s1;
	s9 =	sadd.s32 s8, s9  }
0xa: {  	s1 =	rddreg [dreg:$0x3];
	_ =	strace $0x80000047;
	s31 =	sshrl.u32 s9, $0x3  }
0xb: {  	s9 =	simm.s32 $0x2;
	s5 =	sadd.s32 s7, s5;
	s7 =	ssub.s32 s4, s30  }
0xc: {  	s4 =	sadd.s32 s8, s2;
	s6 =	sadd.s32 s6, s31;
	s8 =	simm.s32 $0x2880  }
0xd: {  	v0 =	vimm.f32 $0.0e+00;
	v1 =	vimm.f32 $1.000000000e+00;
	s5 =	sadd.s32 $0x1C00, s5;
	s7 =	smax.u32 s7, $0x1;
	s14 =	sshrl.u32 s4, $0x3  }
.LBB2_1:
0xe: {  	[tilespmem:$0x2880] =	vst v0  }
0xf: {  	[tilespmem:$0x2890] =	vst v0  }
0x10: {  	[tilespmem:$0x28A0] =	vst v0  }
0x11: {  	[tilespmem:$0x28B0] =	vst v0  }
0x12: {  	[tilespmem:$0x28C0] =	vst v0  }
0x13: {  	[tilespmem:$0x28D0] =	vst v0  }
0x14: {  	[tilespmem:$0x28E0] =	vst v0  }
0x15: {  	[tilespmem:$0x28F0] =	vst v0  }
0x16: {  	[tilespmem:$0x2900] =	vst v0  }
0x17: {  	[tilespmem:$0x2910] =	vst v0  }
0x18: {  	[tilespmem:$0x2920] =	vst v0  }
0x19: {  	[tilespmem:$0x2930] =	vst v0  }
0x1a: {  	[tilespmem:$0x2940] =	vst v0  }
0x1b: {  	[tilespmem:$0x2950] =	vst v0  }
0x1c: {  	[tilespmem:$0x2960] =	vst v0  }
0x1d: {  	[tilespmem:$0x2970] =	vst v0  }
0x1e: {  	[tilespmem:$0x2980] =	vst v0  }
0x1f: {  	[tilespmem:$0x2990] =	vst v0  }
0x20: {  	[tilespmem:$0x29A0] =	vst v0  }
0x21: {  	[tilespmem:$0x29B0] =	vst v0  }
0x22: {  	[tilespmem:$0x29C0] =	vst v0  }
0x23: {  	[tilespmem:$0x29D0] =	vst v0  }
0x24: {  	[tilespmem:$0x29E0] =	vst v0  }
0x25: {  	[tilespmem:$0x29F0] =	vst v0  }
0x26: {  	[tilespmem:$0x2A00] =	vst v0  }
0x27: {  	[tilespmem:$0x2A10] =	vst v0  }
0x28: {  	[tilespmem:$0x2A20] =	vst v0  }
0x29: {  	[tilespmem:$0x2A30] =	vst v0  }
0x2a: {  	[tilespmem:$0x2A40] =	vst v0  }
0x2b: {  	[tilespmem:$0x2A50] =	vst v0  }
0x2c: {  	[tilespmem:$0x2A60] =	vst v0  }
0x2d: {  	[tilespmem:$0x2A70] =	vst v0  }
0x2e: {  	[tilespmem:$0x2A80] =	vst v0  }
0x2f: {  	[tilespmem:$0x2A90] =	vst v0  }
0x30: {  	[tilespmem:$0x2AA0] =	vst v0  }
0x31: {  	[tilespmem:$0x2AB0] =	vst v0  }
0x32: {  	[tilespmem:$0x2AC0] =	vst v0  }
0x33: {  	[tilespmem:$0x2AD0] =	vst v0  }
0x34: {  	[tilespmem:$0x2AE0] =	vst v0  }
0x35: {  	[tilespmem:$0x2AF0] =	vst v0  }
0x36: {  	[tilespmem:$0x2800] =	vst v1  }
0x37: {  	[tilespmem:$0x2810] =	vst v1  }
0x38: {  	[tilespmem:$0x2820] =	vst v1  }
0x39: {  	[tilespmem:$0x2830] =	vst v1  }
0x3a: {  	[tilespmem:$0x2840] =	vst v1  }
0x3b: {  	[tilespmem:$0x2850] =	vst v1  }
0x3c: {  	[tilespmem:$0x2860] =	vst v1  }
0x3d: {  	[tilespmem:$0x2870] =	vst v1  }
0x3e: {  	[spmem:s4] =	stream.linear.scatter [tilespmem:s8], [sflag:$0x2], $0x280, $0x38;
	[tilespmem:$0x2D80] =	vst v63  }
0x3f: {  	_ =	swait.ge [sflag:s9], $0x280  }
0x40: {  	[sflag:s9] =	ssyncset.done $0x0  }
0x41: {  	[sflag:s9] =	ssyncadd.s32 $0xFFFFFD80  }
0x42: {  	[tilespmem:s3], [sflag:$0x2] =	stream.linear.gather [hbm4b:s5+s3], $0x2800, $0x38;
	[tilespmem:$0x2D80] =	vst v63  }
0x43: {  	_ =	swait.ge [sflag:s9], $0x2800  }
0x44: {  	[sflag:s9] =	ssyncset.done $0x0  }
0x45: {  	[sflag:s9] =	ssyncadd.s32 $0xFFFFD800  }
0x46: {  	s16 =	simm.s32 $0x0;
	[bflag:$0x0] =	sbarrier.arrive $0xFFFF  }
.LBB2_2:
0x47: {  	p0 =	sne.s32 s16, $0x9E00  }
.Ltmp0:
0x48: {  	_ = 	snop;
	(pc) =	sbr.rel @p0 .LBB2_2-.Ltmp0, $3  }
0x49: {  	_ =	sdelay $0x1  }
0x4a: {  	s17 =	sshra.s32 s16, $0x2;
	s16 =	sadd.s32 $0x200, s16  }
0x4b: {  	[spmem:s2] =	stream.indirect.scatter.add.f32 [tilespmem:s11], [sflag:$0x1], $0x1, s17, s10, $0xb8;
	[tilespmem:$0x2D80] =	vst v63  }
0x4c: {  	_ =	swait.ge [sflag:s12], $0x7D  }
0x4d: {  	s16 =	simm.s32 $0x4F;
	[sflag:s12] =	ssyncset.done $0x0  }
.LBB2_4:
0x4e: {  	p0 =	sne.s32 s16, $0x1;
	s16 =	sadd.s32 $0xFFFFFFFF, s16;
	[sflag:s12] =	ssyncadd.s32 $0xFFFFFF83  }
.Ltmp1:
0x4f: {  	(pc) =	sbr.rel @p0 .LBB2_4-.Ltmp1, $3  }
0x50: {  	_ =	sdelay $0x1  }
0x51: {  	_ =	swait.ge [sflag:s12], $0x7D  }
0x52: {  	[sflag:s12] =	ssyncset.done $0x0  }
0x53: {  	s15 =	sadd.s32 $0x1, s15  }
0x54: {  	[sflag:s12] =	ssyncadd.s32 $0xFFFFFF83;
	p0 =	sne.s32 s15, s7  }
.Ltmp2:
0x55: {  	[bflag:$0x0] =	sbarrier.arrive $0xFFFF;
	(pc) =	sbr.rel @p0 .LBB2_1-.Ltmp2, $4  }
0x56: {  	[hbm:s6], [sflag:s13] =	dma.local [spmem:s14], $0x50  }
0x57: {  	_ =	swait.ge [sflag:s9], $0x50  }
0x58: {  	[sflag:s9] =	ssyncset.done $0x0  }
0x59: {  	[sflag:s9] =	ssyncadd.s32 $0xFFFFFFB0  }
0x5a: {  	_ =	sfence.sel $0x180000  }
0x5b: {  	[bflag:$0x0] =	sbarrier.arrive $0xFFFF  }
0x5c: {  	p0 =	sne.s32 s0, $0x0;
	_ =	strace $0x90000047  }
0x5d: {  	s0 =	sadd.s32 @!p0 $0x100000, s1;
	[bflag:$0x2] =	sbarrier.arrive $0xFFFF  }
0x5e: {  	[sflag:s0] =	ssyncadd.tile.s32 @!p0 $0x1;
	_ =	shalt  }
.Lfunc_end2:
_tile_overlayer_lowered:
.L_overlay_start_2:
0x5f: {  	(tag) =	ssettag $0x2  }
0x60: {  	s0 =	rddreg [dreg:$0x0];
	s2 =	stileid.u32  }
0x61: {  	s1 =	rddreg [dreg:$0x1];
	p0 =	sne.s32 s2, $0x0  }
0x62: {  	s3 =	rddreg [dreg:$0x2];
	[bflag:$0x3] =	sbarrier.arrive $0xFFFF;
	s2 =	simm.s32 @!p0 $0x1C02  }
0x63: {  	[timem:s3], [sflag:s2] =	dma.local @!p0 [hbm:s0], s1  }
0x64: {  	s0 =	simm.s32 @!p0 $0x2  }
0x65: {  	_ =	swait.ge @!p0 [sflag:s0], s1  }
0x66: {  	s1 =	ssub.s32 @!p0 $0x0, s1;
	[sflag:s0] =	ssyncset.done @!p0 $0x0  }
0x67: {  	[sflag:s0] =	ssyncadd.s32 @!p0 s1  }
0x68: {  	[bflag:$0x3] =	sbarrier.arrive $0xFFFF  }
0x69: {  	_ =	shalt  }

</sc_bundles>
